<compile_context>
chip_gen: v7x
topology: tpu7x:2x2x1
jax: 0.10.2.dev20260603
libtpu: 0.0.44.dev20260713+nightly
codegen_flags: <defaults>
</compile_context>

<pallas_src>
import functools
import jax
import jax.numpy as jnp
from jax import lax
from jax.experimental import pallas as pl
from jax.experimental.pallas import tpu as pltpu
from jax.experimental.pallas import tpu_sc as plsc

N = 10000
E = 320000
B = 16
L = 256
DF = 128
DO = 128
DD = 80

NP = 10240
HR = 80
NC = 2
NS = 16
CH = 128
NCHUNK = E // CH
FULL = NCHUNK // NS
REM = NCHUNK - FULL * NS

_mesh = plsc.VectorSubcoreMesh(core_axis_name="c", subcore_axis_name="s")


def _leaky(x):
    return jnp.where(x >= 0, x, 0.01 * x)


@functools.partial(
    pl.kernel,
    out_type=(
        jax.ShapeDtypeStruct((NP,), jnp.float32),
        jax.ShapeDtypeStruct((NP,), jnp.float32),
    ),
    mesh=_mesh,
    scratch_types=dict(
        shared=pltpu.VMEM_SHARED((NS, NP), jnp.float32),
        hist=pltpu.VMEM((NP,), jnp.float32),
        idxbuf=pltpu.VMEM((E // NS,), jnp.int32),
        colbuf=pltpu.VMEM((NS, NP // NS), jnp.float32),
        sumbuf=pltpu.VMEM((NP // NS,), jnp.float32),
    ),
    compiler_params=pltpu.CompilerParams(needs_layout_passes=False),
)
def _deg_kernel(dst1, dst2, zeros1d, cnt1, cnt2,
                shared, hist, idxbuf, colbuf, sumbuf):
    cid = lax.axis_index("c")
    sid = lax.axis_index("s")
    per_tile = E // NS
    seg = NP // NS

    pltpu.sync_copy(zeros1d, hist)

    def run(dst_hbm, out_hbm):
        pltpu.sync_copy(dst_hbm.at[pl.ds(sid * per_tile, per_tile)], idxbuf)
        ones = jnp.full((16,), 1.0, jnp.float32)

        def body(i, _):
            idx = idxbuf[pl.ds(i * 16, 16)]
            plsc.addupdate_scatter(hist, [idx], ones)
            return 0

        lax.fori_loop(0, per_tile // 16, body, 0)
        pltpu.sync_copy(hist, shared.at[sid])
        plsc.subcore_barrier()
        for t in range(NS):
            pltpu.sync_copy(shared.at[t, pl.ds(sid * seg, seg)],
                            colbuf.at[t])

        def red(j, _):
            s = jnp.zeros((16,), jnp.float32)
            for t in range(NS):
                s = s + colbuf[t, pl.ds(j * 16, 16)]
            sumbuf[pl.ds(j * 16, 16)] = s
            return 0

        lax.fori_loop(0, seg // 16, red, 0)
        pltpu.sync_copy(sumbuf, out_hbm.at[pl.ds(sid * seg, seg)])

    @pl.when(cid == 0)
    def _():
        run(dst1, cnt1)

    @pl.when(cid == 1)
    def _():
        run(dst2, cnt2)


@functools.partial(
    pl.kernel,
    out_type=(
        jax.ShapeDtypeStruct((NP, DF), jnp.float32),
        jax.ShapeDtypeStruct((NP, DF), jnp.float32),
    ),
    mesh=_mesh,
    scratch_types=dict(
        acc_sh=pltpu.VMEM_SHARED((NP, DF), jnp.float32),
        sdb0=pltpu.VMEM((2, CH), jnp.int32),
        sdb1=pltpu.VMEM((2, CH), jnp.int32),
        sdb2=pltpu.VMEM((2, CH), jnp.int32),
        sdb3=pltpu.VMEM((2, CH), jnp.int32),
        rowsA=pltpu.VMEM((CH, DF), jnp.float32),
        rowsB=pltpu.VMEM((CH, DF), jnp.float32),
        gsA=pltpu.SemaphoreType.DMA,
        gsB=pltpu.SemaphoreType.DMA,
        ssA=pltpu.SemaphoreType.DMA,
        ssB=pltpu.SemaphoreType.DMA,
        is0=pltpu.SemaphoreType.DMA,
        is1=pltpu.SemaphoreType.DMA,
        is2=pltpu.SemaphoreType.DMA,
        is3=pltpu.SemaphoreType.DMA,
    ),
    compiler_params=pltpu.CompilerParams(needs_layout_passes=False),
)
def _agg_kernel(g1, g2, sd1, sd2, zrows, acc1, acc2,
                acc_sh, sdb0, sdb1, sdb2, sdb3, rowsA, rowsB,
                gsA, gsB, ssA, ssB, is0, is1, is2, is3):
    cid = lax.axis_index("c")
    sid = lax.axis_index("s")
    zr = NP // NS
    pltpu.sync_copy(zrows, acc_sh.at[pl.ds(sid * zr, zr)])
    plsc.subcore_barrier()

    sd = (sdb0, sdb1, sdb2, sdb3)
    rows = (rowsA, rowsB)
    gsem = (gsA, gsB)
    ssem = (ssA, ssB)
    isem = (is0, is1, is2, is3)

    def run(g_hbm, sd_hbm, out_hbm):
        pltpu.sync_copy(sd_hbm.at[sid], sdb0)
        pltpu.async_copy(g_hbm.at[sdb0.at[0]], rowsA, gsA)
        pltpu.async_copy(sd_hbm.at[NS + sid], sdb1, is1)
        pltpu.async_copy(sd_hbm.at[2 * NS + sid], sdb2, is2)

        def body(j, _):
            for m in range(4):
                c = (4 * j + m) * NS + sid
                p, q = m % 2, (m + 1) % 2
                sk, sk1, sk3 = sd[m], sd[(m + 1) % 4], sd[(m + 3) % 4]

                @pl.when(c < NCHUNK)
                def _():
                    pltpu.make_async_copy(
                        g_hbm.at[sk.at[0]], rows[p], gsem[p]).wait()

                @pl.when(jnp.logical_and(c >= NS, c - NS < NCHUNK))
                def _():
                    pltpu.make_async_copy(
                        rows[q], acc_sh.at[sk3.at[1]], ssem[q]).wait()

                @pl.when(c + NS < NCHUNK)
                def _():
                    pltpu.make_async_copy(
                        sd_hbm.at[c + NS], sk1, isem[(m + 1) % 4]).wait()
                    pltpu.async_copy(g_hbm.at[sk1.at[0]], rows[q], gsem[q])

                @pl.when(c < NCHUNK)
                def _():
                    pltpu.async_copy(
                        rows[p], acc_sh.at[sk.at[1]], ssem[p], add=True)

                @pl.when(c + 3 * NS < NCHUNK)
                def _():
                    pltpu.async_copy(sd_hbm.at[c + 3 * NS], sk3,
                                     isem[(m + 3) % 4])

            return 0

        lax.fori_loop(0, (FULL + 2 + 3) // 4, body, 0)
        plsc.subcore_barrier()
        orows = NP // NS
        pltpu.sync_copy(
            acc_sh.at[pl.ds(sid * orows, orows)],
            out_hbm.at[pl.ds(sid * orows, orows)],
        )

    @pl.when(cid == 0)
    def _():
        run(g1, sd1, acc1)

    @pl.when(cid == 1)
    def _():
        run(g2, sd2, acc2)


def _hg_body(x1, w1, c1, x2, w2, c2, h1, g1, h2, g2):
    for x, w, c, h, g in ((x1, w1, c1, h1, g1), (x2, w2, c2, h2, g2)):
        hv = jnp.dot(x[...], w[...], preferred_element_type=jnp.float32)
        dis = lax.rsqrt(c[...] + 1.0)
        h[...] = hv
        g[...] = hv * dis


def _hg(x1, W1, cnt1, x2, W2, cnt2):
    nb = 10
    rb = N // nb
    spec_x = pl.BlockSpec((rb, DF), lambda i: (i, 0))
    spec_w = pl.BlockSpec((DF, DF), lambda i: (0, 0))
    spec_c = pl.BlockSpec((rb, 1), lambda i: (i, 0))
    return pl.pallas_call(
        _hg_body,
        grid=(nb,),
        in_specs=[spec_x, spec_w, spec_c, spec_x, spec_w, spec_c],
        out_specs=[spec_x, spec_x, spec_x, spec_x],
        out_shape=[jax.ShapeDtypeStruct((N, DF), jnp.float32)] * 4,
    )(x1, W1, cnt1, x2, W2, cnt2)


def _mas_body(d_ref, w_ref, b_ref, len_ref, o_ref):
    y = jnp.dot(d_ref[0, 0], w_ref[0], preferred_element_type=jnp.float32)
    y = _leaky(y + b_ref[0])
    pos = lax.broadcasted_iota(jnp.int32, (L, 1), 0)
    y = jnp.where(pos < len_ref[0, 0], y, -1e30)
    o_ref[0, 0] = jnp.max(y, axis=0, keepdims=True)


def _mas(data, wts, bias, lens):
    return pl.pallas_call(
        _mas_body,
        grid=(4, B),
        in_specs=[
            pl.BlockSpec((1, 1, L, DD), lambda b, g: (b, g, 0, 0)),
            pl.BlockSpec((1, DD, DO), lambda b, g: (b, 0, 0)),
            pl.BlockSpec((1, 1, DO), lambda b, g: (b, 0, 0)),
            pl.BlockSpec((1, 1, L, 1), lambda b, g: (b, g, 0, 0)),
        ],
        out_specs=pl.BlockSpec((1, 1, 1, DO), lambda b, g: (b, g, 0, 0)),
        out_shape=jax.ShapeDtypeStruct((4, B, 1, DO), jnp.float32),
    )(data, wts, bias, lens)


def _combine_body(acc1, h1, c1, bt1, bg1, wf1, bf1,
                  acc2, h2, c2, bt2, bg2, wf2, bf2,
                  mas, wfin, bfin, out):
    feats = []
    for acc, h, c, bt, bg, wf, bf in (
        (acc1, h1, c1, bt1, bg1, wf1, bf1),
        (acc2, h2, c2, bt2, bg2, wf2, bf2),
    ):
        deg = c[...] + 1.0
        dis = lax.rsqrt(deg)
        xn = _leaky(dis * acc[...] + h[...] / deg + bg[...])
        gid = lax.broadcasted_iota(jnp.int32, (B, N), 0)
        m = (gid == bt[...]).astype(jnp.float32)
        sums = jnp.dot(m, xn, preferred_element_type=jnp.float32)
        cnts = jnp.sum(m, axis=1, keepdims=True)
        mean = sums / jnp.maximum(cnts, 1.0)
        feats.append(_leaky(jnp.dot(mean, wf[...],
                                    preferred_element_type=jnp.float32)
                            + bf[...]))
    for i in range(4):
        feats.append(mas[i, :, 0, :])
    comb = jnp.concatenate(feats, axis=1)
    out[...] = jnp.dot(comb, wfin[...],
                       preferred_element_type=jnp.float32) + bfin[...]


def _combine(acc1, h1, cnt1, bt1, bg1, wf1, bf1,
             acc2, h2, cnt2, bt2, bg2, wf2, bf2,
             mas, wfin, bfin):
    args = (acc1, h1, cnt1, bt1, bg1, wf1, bf1,
            acc2, h2, cnt2, bt2, bg2, wf2, bf2,
            mas, wfin, bfin)
    return pl.pallas_call(
        _combine_body,
        out_shape=jax.ShapeDtypeStruct((B, 1), jnp.float32),
    )(*args)


def kernel(pro1_x, pro1_edge_index, pro1_batch, pro2_x, pro2_edge_index,
           pro2_batch, mas1_straight, mas1_flipped, mas2_straight,
           mas2_flipped, mas1_straight_lengths, mas1_flipped_lengths,
           mas2_straight_lengths, mas2_flipped_lengths,
           W_gcn1, b_gcn1, W_gcn2, b_gcn2, W_fc1, b_fc1, W_fc2, b_fc2,
           W_m1s, b_m1s, W_m1f, b_m1f, W_m2s, b_m2s, W_m2f, b_m2f,
           W_final, b_final):
    src1, dst1 = pro1_edge_index[0], pro1_edge_index[1]
    src2, dst2 = pro2_edge_index[0], pro2_edge_index[1]

    zeros1d = jnp.zeros((NP,), jnp.float32)
    cnt1_p, cnt2_p = _deg_kernel(dst1, dst2, zeros1d)
    cnt1 = cnt1_p[:N].reshape(N, 1)
    cnt2 = cnt2_p[:N].reshape(N, 1)

    h1, g1, h2, g2 = _hg(pro1_x, W_gcn1, cnt1, pro2_x, W_gcn2, cnt2)

    sd1 = jnp.stack([src1.reshape(NCHUNK, CH), dst1.reshape(NCHUNK, CH)], 1)
    sd2 = jnp.stack([src2.reshape(NCHUNK, CH), dst2.reshape(NCHUNK, CH)], 1)

    zrows = jnp.zeros((NP // NS, DF), jnp.float32)
    acc1, acc2 = _agg_kernel(g1, g2, sd1, sd2, zrows)
    acc1, acc2 = acc1[:N], acc2[:N]

    mas_data = jnp.stack([mas1_straight, mas1_flipped,
                          mas2_straight, mas2_flipped])
    mas_w = jnp.stack([W_m1s.T, W_m1f.T, W_m2s.T, W_m2f.T])
    mas_b = jnp.stack([b_m1s, b_m1f, b_m2s, b_m2f]).reshape(4, 1, DO)
    mas_len = jnp.stack([mas1_straight_lengths, mas1_flipped_lengths,
                         mas2_straight_lengths, mas2_flipped_lengths])
    mas_len = jnp.broadcast_to(mas_len[:, :, None, None], (4, B, L, 1))
    mas_out = _mas(mas_data, mas_w, mas_b, mas_len)

    return _combine(
        acc1, h1, cnt1, pro1_batch.reshape(1, N), b_gcn1.reshape(1, DF),
        W_fc1.T, b_fc1.reshape(1, DO),
        acc2, h2, cnt2, pro2_batch.reshape(1, N), b_gcn2.reshape(1, DF),
        W_fc2.T, b_fc2.reshape(1, DO),
        mas_out, W_final.T, b_final.reshape(1, 1))

# --- scband reference (transcript-rebuilt; emitter-appended) ---
"""Pipeline reference for scband-gcnn-desc-pool-25872882991626 (READ-ONLY COPY).

The authoritative reference and input builder live on the scoring server;
editing this copy changes nothing except your own understanding.
"""

import jax, jax.numpy as jnp
import numpy as np

N = 10000
E = 320000
B = 16
L = 256
DF = 128
DO = 128
DD = 80


def _leaky(x):
    return jax.nn.leaky_relu(x, negative_slope=0.01)


def _gcn(x, edge_index, W, b):
    # PyG GCNConv: add self-loops, symmetric normalization, linear transform, scatter-add
    n = x.shape[0]
    loop = jnp.arange(n, dtype=edge_index.dtype)
    src = jnp.concatenate([edge_index[0], loop])
    dst = jnp.concatenate([edge_index[1], loop])
    deg = jnp.zeros((n,), jnp.float32).at[dst].add(1.0)
    dis = jnp.where(deg > 0, 1.0 / jnp.sqrt(deg), 0.0)
    norm = dis[src] * dis[dst]
    h = x @ W
    msg = h[src] * norm[:, None]
    out = jnp.zeros((n, W.shape[1]), jnp.float32).at[dst].add(msg)
    return out + b


def _gep(x, batch, num_graphs):
    sums = jax.ops.segment_sum(x, batch, num_segments=num_graphs)
    cnt = jax.ops.segment_sum(jnp.ones((x.shape[0],), jnp.float32), batch, num_segments=num_graphs)
    return sums / jnp.maximum(cnt, 1.0)[:, None]


def _mas_branch(mas, lengths, W, b):
    # Conv1d with kernel_size=1 == pointwise linear; masked AdaptiveMaxPool1d(1)
    h = jnp.einsum('bld,od->blo', mas, W) + b
    h = _leaky(h)
    mask = jnp.arange(mas.shape[1])[None, :] < lengths[:, None]
    h = jnp.where(mask[:, :, None], h, -1e30)
    return jnp.max(h, axis=1)


def setup_inputs(seed: int = 0) -> dict:
    key = jax.random.key(seed)
    ks = jax.random.split(key, 32)
    inp = {}
    inp['pro1_x'] = jax.random.normal(ks[0], (N, DF), dtype=jnp.float32)
    inp['pro1_edge_index'] = jax.random.randint(ks[1], (2, E), 0, N, dtype=jnp.int32)
    inp['pro1_batch'] = jnp.sort(jax.random.randint(ks[2], (N,), 0, B, dtype=jnp.int32))
    inp['pro2_x'] = jax.random.normal(ks[3], (N, DF), dtype=jnp.float32)
    inp['pro2_edge_index'] = jax.random.randint(ks[4], (2, E), 0, N, dtype=jnp.int32)
    inp['pro2_batch'] = jnp.sort(jax.random.randint(ks[5], (N,), 0, B, dtype=jnp.int32))
    inp['mas1_straight'] = jax.random.normal(ks[6], (B, L, DD), dtype=jnp.float32)
    inp['mas1_flipped'] = jax.random.normal(ks[7], (B, L, DD), dtype=jnp.float32)
    inp['mas2_straight'] = jax.random.normal(ks[8], (B, L, DD), dtype=jnp.float32)
    inp['mas2_flipped'] = jax.random.normal(ks[9], (B, L, DD), dtype=jnp.float32)
    inp['mas1_straight_lengths'] = jax.random.randint(ks[10], (B,), 1, L + 1, dtype=jnp.int32)
    inp['mas1_flipped_lengths'] = jax.random.randint(ks[11], (B,), 1, L + 1, dtype=jnp.int32)
    inp['mas2_straight_lengths'] = jax.random.randint(ks[12], (B,), 1, L + 1, dtype=jnp.int32)
    inp['mas2_flipped_lengths'] = jax.random.randint(ks[13], (B,), 1, L + 1, dtype=jnp.int32)
    # parameters
    inp['W_gcn1'] = jax.random.normal(ks[14], (DF, DF), dtype=jnp.float32) * (1.0 / np.sqrt(DF))
    inp['b_gcn1'] = jnp.zeros((DF,), jnp.float32)
    inp['W_gcn2'] = jax.random.normal(ks[15], (DF, DF), dtype=jnp.float32) * (1.0 / np.sqrt(DF))
    inp['b_gcn2'] = jnp.zeros((DF,), jnp.float32)
    inp['W_fc1'] = jax.random.normal(ks[16], (DO, DF), dtype=jnp.float32) * (1.0 / np.sqrt(DF))
    inp['b_fc1'] = jnp.zeros((DO,), jnp.float32)
    inp['W_fc2'] = jax.random.normal(ks[17], (DO, DF), dtype=jnp.float32) * (1.0 / np.sqrt(DF))
    inp['b_fc2'] = jnp.zeros((DO,), jnp.float32)
    inp['W_m1s'] = jax.random.normal(ks[18], (DO, DD), dtype=jnp.float32) * (1.0 / np.sqrt(DD))
    inp['b_m1s'] = jnp.zeros((DO,), jnp.float32)
    inp['W_m1f'] = jax.random.normal(ks[19], (DO, DD), dtype=jnp.float32) * (1.0 / np.sqrt(DD))
    inp['b_m1f'] = jnp.zeros((DO,), jnp.float32)
    inp['W_m2s'] = jax.random.normal(ks[20], (DO, DD), dtype=jnp.float32) * (1.0 / np.sqrt(DD))
    inp['b_m2s'] = jnp.zeros((DO,), jnp.float32)
    inp['W_m2f'] = jax.random.normal(ks[21], (DO, DD), dtype=jnp.float32) * (1.0 / np.sqrt(DD))
    inp['b_m2f'] = jnp.zeros((DO,), jnp.float32)
    inp['W_final'] = jax.random.normal(ks[22], (1, 6 * DO), dtype=jnp.float32) * (1.0 / np.sqrt(6 * DO))
    inp['b_final'] = jnp.zeros((1,), jnp.float32)
    return inp


def reference(pro1_x, pro1_edge_index, pro1_batch, pro2_x, pro2_edge_index, pro2_batch,
              mas1_straight, mas1_flipped, mas2_straight, mas2_flipped,
              mas1_straight_lengths, mas1_flipped_lengths, mas2_straight_lengths, mas2_flipped_lengths,
              W_gcn1, b_gcn1, W_gcn2, b_gcn2, W_fc1, b_fc1, W_fc2, b_fc2,
              W_m1s, b_m1s, W_m1f, b_m1f, W_m2s, b_m2s, W_m2f, b_m2f,
              W_final, b_final):
    # dropout is identity in eval mode
    x = _leaky(_gcn(pro1_x, pro1_edge_index, W_gcn1, b_gcn1))
    x = _gep(x, pro1_batch, B)
    x = _leaky(x @ W_fc1.T + b_fc1)
    xt = _leaky(_gcn(pro2_x, pro2_edge_index, W_gcn2, b_gcn2))
    xt = _gep(xt, pro2_batch, B)
    xt = _leaky(xt @ W_fc2.T + b_fc2)
    m1s = _mas_branch(mas1_straight, mas1_straight_lengths, W_m1s, b_m1s)
    m1f = _mas_branch(mas1_flipped, mas1_flipped_lengths, W_m1f, b_m1f)
    m2s = _mas_branch(mas2_straight, mas2_straight_lengths, W_m2s, b_m2s)
    m2f = _mas_branch(mas2_flipped, mas2_flipped_lengths, W_m2f, b_m2f)
    combined = jnp.concatenate([x, xt, m1s, m1f, m2s, m2f], axis=1)
    return combined @ W_final.T + b_final

if __name__ == "__main__":
    import jax
    _d = setup_inputs()
    print(jax.jit(kernel)(*tuple(_d.values())))

</pallas_src>

<mosaic_0001>
#map = affine_map<(d0, d1) -> (0)>
module attributes {stable_mosaic.version = 14 : i64} {
  func.func @_deg_kernel(%arg0: i32, %arg1: i32, %arg2: memref<320000xi32, #tpu.memory_space<hbm>>, %arg3: memref<320000xi32, #tpu.memory_space<hbm>>, %arg4: memref<10240xf32, #tpu.memory_space<hbm>>, %arg5: memref<10240xf32, #tpu.memory_space<hbm>>, %arg6: memref<10240xf32, #tpu.memory_space<hbm>>, %arg7: memref<16x640xf32, #tpu.memory_space<vmem>>, %arg8: memref<10240xf32, #tpu.memory_space<vmem>>, %arg9: memref<20000xi32, #tpu.memory_space<vmem>>, %arg10: memref<16x10240xf32, #tpu.memory_space<vmem_shared>>, %arg11: memref<640xf32, #tpu.memory_space<vmem>>) attributes {dimension_semantics = [#tpu.dimension_semantics<core_parallel>, #tpu.dimension_semantics<subcore_parallel>], iteration_bounds = array<i64: 2, 16>, scalar_prefetch = 0 : i64, scratch_operands = 5 : i64, tpu.core_type = #tpu.core_type<sc_vector_subcore>, window_params = [{transform_indices = #map}, {transform_indices = #map}, {transform_indices = #map}, {transform_indices = #map}, {transform_indices = #map}]} {
    "tpu.region"() ({
      %run_scoped3A = tpu.sem_alloc : memref<!tpu.dma_semaphore, #tpu.memory_space<semaphore_mem>>
      tpu.enqueue_dma source(%arg4 : memref<10240xf32, #tpu.memory_space<hbm>>) target(%arg8 : memref<10240xf32, #tpu.memory_space<vmem>>) target_semaphore(%run_scoped3A : memref<!tpu.dma_semaphore, #tpu.memory_space<semaphore_mem>>)
      tpu.wait_dma2 semaphore(%run_scoped3A : memref<!tpu.dma_semaphore, #tpu.memory_space<semaphore_mem>>) src(%arg4 : memref<10240xf32, #tpu.memory_space<hbm>>) dst(%arg8 : memref<10240xf32, #tpu.memory_space<vmem>>)
      tpu.yield
    }) : () -> ()
    %eq3A = arith.constant 0 : i32
    %eq3A_0 = arith.cmpi eq, %arg0, %eq3A : i32
    %convert_element_type3A = arith.extui %eq3A_0 : i1 to i32
    %cond3A = arith.constant 0 : i32
    %cond3A_1 = arith.cmpi ne, %convert_element_type3A, %cond3A : i32
    scf.if %cond3A_1 {
      %mul3A = arith.constant 20000 : i32
      %mul3A_7 = arith.muli %arg1, %mul3A : i32
      "tpu.region"() ({
        %run_scoped3A_87 = tpu.sem_alloc : memref<!tpu.dma_semaphore, #tpu.memory_space<semaphore_mem>>
        %dma_start3A = tpu.memref_slice %arg2[%mul3A_7] : memref<320000xi32, #tpu.memory_space<hbm>> -> memref<20000xi32, #tpu.memory_space<hbm>>
        %dma_start3A_88 = tpu.memref_slice %arg2[%mul3A_7] : memref<320000xi32, #tpu.memory_space<hbm>> -> memref<20000xi32, #tpu.memory_space<hbm>>
        tpu.enqueue_dma source(%dma_start3A_88 : memref<20000xi32, #tpu.memory_space<hbm>>) target(%arg9 : memref<20000xi32, #tpu.memory_space<vmem>>) target_semaphore(%run_scoped3A_87 : memref<!tpu.dma_semaphore, #tpu.memory_space<semaphore_mem>>)
        %dma_wait3A = tpu.memref_slice %arg2[%mul3A_7] : memref<320000xi32, #tpu.memory_space<hbm>> -> memref<20000xi32, #tpu.memory_space<hbm>>
        %dma_wait3A_89 = tpu.memref_slice %arg2[%mul3A_7] : memref<320000xi32, #tpu.memory_space<hbm>> -> memref<20000xi32, #tpu.memory_space<hbm>>
        tpu.wait_dma2 semaphore(%run_scoped3A_87 : memref<!tpu.dma_semaphore, #tpu.memory_space<semaphore_mem>>) src(%dma_wait3A_89 : memref<20000xi32, #tpu.memory_space<hbm>>) dst(%arg9 : memref<20000xi32, #tpu.memory_space<vmem>>)
        tpu.yield
      }) : () -> ()
      %broadcast_in_dim3A = arith.constant 1.000000e+00 : f32
      %broadcast_in_dim3A_8 = vector.broadcast %broadcast_in_dim3A : f32 to vector<16xf32>
      %scan3A = arith.constant 0 : i32
      %scan3A_9 = arith.constant 0 : i32
      %scan3A_10 = arith.constant 1250 : i32
      %scan3A_11 = arith.addi %scan3A_9, %scan3A_10 : i32
      %scan3A_12 = arith.constant 1 : i32
      %scan3A_13 = scf.for %scan3A_87 = %scan3A_9 to %scan3A_11 step %scan3A_12 iter_args(%scan3A_88 = %scan3A) -> (i32)  : i32 {
        %mul3A_89 = arith.constant 16 : i32
        %mul3A_90 = arith.muli %scan3A_87, %mul3A_89 : i32
        %get3A = arith.index_cast %mul3A_90 : i32 to index
        %get3A_91 = tpu.vector_load %arg9[%get3A] {strides = array<i32>} : memref<20000xi32, #tpu.memory_space<vmem>>, vector<16xi32>,
        tpu.vector_store_idx %arg8[%get3A_91], %broadcast_in_dim3A_8 {add = true} : memref<10240xf32, #tpu.memory_space<vmem>>[vector<16xi32>], vector<16xf32>,
        %scan3A_92 = arith.constant 0 : i32
        scf.yield %scan3A_92 : i32
      }
      %scan3A_14 = arith.constant 1250 : i32
      "tpu.region"() ({
        %run_scoped3A_87 = tpu.sem_alloc : memref<!tpu.dma_semaphore, #tpu.memory_space<semaphore_mem>>
        %dma_start3A = arith.constant 0 : i32
        %dma_start3A_88 = tpu.memref_slice %arg10[%arg1, %dma_start3A] : memref<16x10240xf32, #tpu.memory_space<vmem_shared>> -> memref<1x10240xf32, #tpu.memory_space<vmem_shared>>
        %dma_start3A_89 = tpu.memref_squeeze %dma_start3A_88 : memref<1x10240xf32, #tpu.memory_space<vmem_shared>> -> memref<10240xf32, #tpu.memory_space<vmem_shared>>
        %dma_start3A_90 = arith.constant 0 : i32
        %dma_start3A_91 = tpu.memref_slice %arg10[%arg1, %dma_start3A_90] : memref<16x10240xf32, #tpu.memory_space<vmem_shared>> -> memref<1x10240xf32, #tpu.memory_space<vmem_shared>>
        %dma_start3A_92 = tpu.memref_squeeze %dma_start3A_91 : memref<1x10240xf32, #tpu.memory_space<vmem_shared>> -> memref<10240xf32, #tpu.memory_space<vmem_shared>>
        tpu.enqueue_dma source(%arg8 : memref<10240xf32, #tpu.memory_space<vmem>>) target(%dma_start3A_92 : memref<10240xf32, #tpu.memory_space<vmem_shared>>) target_semaphore(%run_scoped3A_87 : memref<!tpu.dma_semaphore, #tpu.memory_space<semaphore_mem>>)
        %dma_wait3A = arith.constant 0 : i32
        %dma_wait3A_93 = tpu.memref_slice %arg10[%arg1, %dma_wait3A] : memref<16x10240xf32, #tpu.memory_space<vmem_shared>> -> memref<1x10240xf32, #tpu.memory_space<vmem_shared>>
        %dma_wait3A_94 = tpu.memref_squeeze %dma_wait3A_93 : memref<1x10240xf32, #tpu.memory_space<vmem_shared>> -> memref<10240xf32, #tpu.memory_space<vmem_shared>>
        %dma_wait3A_95 = arith.constant 0 : i32
        %dma_wait3A_96 = tpu.memref_slice %arg10[%arg1, %dma_wait3A_95] : memref<16x10240xf32, #tpu.memory_space<vmem_shared>> -> memref<1x10240xf32, #tpu.memory_space<vmem_shared>>
        %dma_wait3A_97 = tpu.memref_squeeze %dma_wait3A_96 : memref<1x10240xf32, #tpu.memory_space<vmem_shared>> -> memref<10240xf32, #tpu.memory_space<vmem_shared>>
        tpu.wait_dma2 semaphore(%run_scoped3A_87 : memref<!tpu.dma_semaphore, #tpu.memory_space<semaphore_mem>>) src(%arg8 : memref<10240xf32, #tpu.memory_space<vmem>>) dst(%dma_wait3A_97 : memref<10240xf32, #tpu.memory_space<vmem_shared>>)
        tpu.yield
      }) : () -> ()
      %barrier3A = arith.constant 0 : index
      tpu.barrier barrier_id(%barrier3A)
      %mul3A_15 = arith.constant 640 : i32
      %mul3A_16 = arith.muli %arg1, %mul3A_15 : i32
      %run_scoped3A = arith.constant 0 : i32
      %run_scoped3A_17 = arith.constant 0 : i32
      "tpu.region"() ({
        %run_scoped3A_87 = tpu.sem_alloc : memref<!tpu.dma_semaphore, #tpu.memory_space<semaphore_mem>>
        %dma_start3A = arith.constant 0 : i32
        %dma_start3A_88 = tpu.memref_slice %arg7[%run_scoped3A_17, %dma_start3A] : memref<16x640xf32, #tpu.memory_space<vmem>> -> memref<1x640xf32, #tpu.memory_space<vmem>>
        %dma_start3A_89 = tpu.memref_squeeze %dma_start3A_88 : memref<1x640xf32, #tpu.memory_space<vmem>> -> memref<640xf32, #tpu.memory_space<vmem>>
        %dma_start3A_90 = tpu.memref_slice %arg10[%run_scoped3A, %mul3A_16] : memref<16x10240xf32, #tpu.memory_space<vmem_shared>> -> memref<1x640xf32, #tpu.memory_space<vmem_shared>>
        %dma_start3A_91 = tpu.memref_squeeze %dma_start3A_90 : memref<1x640xf32, #tpu.memory_space<vmem_shared>> -> memref<640xf32, #tpu.memory_space<vmem_shared>>
        %dma_start3A_92 = arith.constant 0 : i32
        %dma_start3A_93 = tpu.memref_slice %arg7[%run_scoped3A_17, %dma_start3A_92] : memref<16x640xf32, #tpu.memory_space<vmem>> -> memref<1x640xf32, #tpu.memory_space<vmem>>
        %dma_start3A_94 = tpu.memref_squeeze %dma_start3A_93 : memref<1x640xf32, #tpu.memory_space<vmem>> -> memref<640xf32, #tpu.memory_space<vmem>>
        %dma_start3A_95 = tpu.memref_slice %arg10[%run_scoped3A, %mul3A_16] : memref<16x10240xf32, #tpu.memory_space<vmem_shared>> -> memref<1x640xf32, #tpu.memory_space<vmem_shared>>
        %dma_start3A_96 = tpu.memref_squeeze %dma_start3A_95 : memref<1x640xf32, #tpu.memory_space<vmem_shared>> -> memref<640xf32, #tpu.memory_space<vmem_shared>>
        tpu.enqueue_dma source(%dma_start3A_96 : memref<640xf32, #tpu.memory_space<vmem_shared>>) target(%dma_start3A_94 : memref<640xf32, #tpu.memory_space<vmem>>) target_semaphore(%run_scoped3A_87 : memref<!tpu.dma_semaphore, #tpu.memory_space<semaphore_mem>>)
        %dma_wait3A = arith.constant 0 : i32
        %dma_wait3A_97 = tpu.memref_slice %arg7[%run_scoped3A_17, %dma_wait3A] : memref<16x640xf32, #tpu.memory_space<vmem>> -> memref<1x640xf32, #tpu.memory_space<vmem>>
        %dma_wait3A_98 = tpu.memref_squeeze %dma_wait3A_97 : memref<1x640xf32, #tpu.memory_space<vmem>> -> memref<640xf32, #tpu.memory_space<vmem>>
        %dma_wait3A_99 = tpu.memref_slice %arg10[%run_scoped3A, %mul3A_16] : memref<16x10240xf32, #tpu.memory_space<vmem_shared>> -> memref<1x640xf32, #tpu.memory_space<vmem_shared>>
        %dma_wait3A_100 = tpu.memref_squeeze %dma_wait3A_99 : memref<1x640xf32, #tpu.memory_space<vmem_shared>> -> memref<640xf32, #tpu.memory_space<vmem_shared>>
        %dma_wait3A_101 = arith.constant 0 : i32
        %dma_wait3A_102 = tpu.memref_slice %arg7[%run_scoped3A_17, %dma_wait3A_101] : memref<16x640xf32, #tpu.memory_space<vmem>> -> memref<1x640xf32, #tpu.memory_space<vmem>>
        %dma_wait3A_103 = tpu.memref_squeeze %dma_wait3A_102 : memref<1x640xf32, #tpu.memory_space<vmem>> -> memref<640xf32, #tpu.memory_space<vmem>>
        %dma_wait3A_104 = tpu.memref_slice %arg10[%run_scoped3A, %mul3A_16] : memref<16x10240xf32, #tpu.memory_space<vmem_shared>> -> memref<1x640xf32, #tpu.memory_space<vmem_shared>>
        %dma_wait3A_105 = tpu.memref_squeeze %dma_wait3A_104 : memref<1x640xf32, #tpu.memory_space<vmem_shared>> -> memref<640xf32, #tpu.memory_space<vmem_shared>>
        tpu.wait_dma2 semaphore(%run_scoped3A_87 : memref<!tpu.dma_semaphore, #tpu.memory_space<semaphore_mem>>) src(%dma_wait3A_105 : memref<640xf32, #tpu.memory_space<vmem_shared>>) dst(%dma_wait3A_103 : memref<640xf32, #tpu.memory_space<vmem>>)
        tpu.yield
      }) : () -> ()
      %mul3A_18 = arith.constant 640 : i32
      %mul3A_19 = arith.muli %arg1, %mul3A_18 : i32
      %run_scoped3A_20 = arith.constant 1 : i32
      %run_scoped3A_21 = arith.constant 1 : i32
      "tpu.region"() ({
        %run_scoped3A_87 = tpu.sem_alloc : memref<!tpu.dma_semaphore, #tpu.memory_space<semaphore_mem>>
        %dma_start3A = arith.constant 0 : i32
        %dma_start3A_88 = tpu.memref_slice %arg7[%run_scoped3A_21, %dma_start3A] : memref<16x640xf32, #tpu.memory_space<vmem>> -> memref<1x640xf32, #tpu.memory_space<vmem>>
        %dma_start3A_89 = tpu.memref_squeeze %dma_start3A_88 : memref<1x640xf32, #tpu.memory_space<vmem>> -> memref<640xf32, #tpu.memory_space<vmem>>
        %dma_start3A_90 = tpu.memref_slice %arg10[%run_scoped3A_20, %mul3A_19] : memref<16x10240xf32, #tpu.memory_space<vmem_shared>> -> memref<1x640xf32, #tpu.memory_space<vmem_shared>>
        %dma_start3A_91 = tpu.memref_squeeze %dma_start3A_90 : memref<1x640xf32, #tpu.memory_space<vmem_shared>> -> memref<640xf32, #tpu.memory_space<vmem_shared>>
        %dma_start3A_92 = arith.constant 0 : i32
        %dma_start3A_93 = tpu.memref_slice %arg7[%run_scoped3A_21, %dma_start3A_92] : memref<16x640xf32, #tpu.memory_space<vmem>> -> memref<1x640xf32, #tpu.memory_space<vmem>>
        %dma_start3A_94 = tpu.memref_squeeze %dma_start3A_93 : memref<1x640xf32, #tpu.memory_space<vmem>> -> memref<640xf32, #tpu.memory_space<vmem>>
        %dma_start3A_95 = tpu.memref_slice %arg10[%run_scoped3A_20, %mul3A_19] : memref<16x10240xf32, #tpu.memory_space<vmem_shared>> -> memref<1x640xf32, #tpu.memory_space<vmem_shared>>
        %dma_start3A_96 = tpu.memref_squeeze %dma_start3A_95 : memref<1x640xf32, #tpu.memory_space<vmem_shared>> -> memref<640xf32, #tpu.memory_space<vmem_shared>>
        tpu.enqueue_dma source(%dma_start3A_96 : memref<640xf32, #tpu.memory_space<vmem_shared>>) target(%dma_start3A_94 : memref<640xf32, #tpu.memory_space<vmem>>) target_semaphore(%run_scoped3A_87 : memref<!tpu.dma_semaphore, #tpu.memory_space<semaphore_mem>>)
        %dma_wait3A = arith.constant 0 : i32
        %dma_wait3A_97 = tpu.memref_slice %arg7[%run_scoped3A_21, %dma_wait3A] : memref<16x640xf32, #tpu.memory_space<vmem>> -> memref<1x640xf32, #tpu.memory_space<vmem>>
        %dma_wait3A_98 = tpu.memref_squeeze %dma_wait3A_97 : memref<1x640xf32, #tpu.memory_space<vmem>> -> memref<640xf32, #tpu.memory_space<vmem>>
        %dma_wait3A_99 = tpu.memref_slice %arg10[%run_scoped3A_20, %mul3A_19] : memref<16x10240xf32, #tpu.memory_space<vmem_shared>> -> memref<1x640xf32, #tpu.memory_space<vmem_shared>>
        %dma_wait3A_100 = tpu.memref_squeeze %dma_wait3A_99 : memref<1x640xf32, #tpu.memory_space<vmem_shared>> -> memref<640xf32, #tpu.memory_space<vmem_shared>>
        %dma_wait3A_101 = arith.constant 0 : i32
        %dma_wait3A_102 = tpu.memref_slice %arg7[%run_scoped3A_21, %dma_wait3A_101] : memref<16x640xf32, #tpu.memory_space<vmem>> -> memref<1x640xf32, #tpu.memory_space<vmem>>
        %dma_wait3A_103 = tpu.memref_squeeze %dma_wait3A_102 : memref<1x640xf32, #tpu.memory_space<vmem>> -> memref<640xf32, #tpu.memory_space<vmem>>
        %dma_wait3A_104 = tpu.memref_slice %arg10[%run_scoped3A_20, %mul3A_19] : memref<16x10240xf32, #tpu.memory_space<vmem_shared>> -> memref<1x640xf32, #tpu.memory_space<vmem_shared>>
        %dma_wait3A_105 = tpu.memref_squeeze %dma_wait3A_104 : memref<1x640xf32, #tpu.memory_space<vmem_shared>> -> memref<640xf32, #tpu.memory_space<vmem_shared>>
        tpu.wait_dma2 semaphore(%run_scoped3A_87 : memref<!tpu.dma_semaphore, #tpu.memory_space<semaphore_mem>>) src(%dma_wait3A_105 : memref<640xf32, #tpu.memory_space<vmem_shared>>) dst(%dma_wait3A_103 : memref<640xf32, #tpu.memory_space<vmem>>)
        tpu.yield
      }) : () -> ()
      %mul3A_22 = arith.constant 640 : i32
      %mul3A_23 = arith.muli %arg1, %mul3A_22 : i32
      %run_scoped3A_24 = arith.constant 2 : i32
      %run_scoped3A_25 = arith.constant 2 : i32
      "tpu.region"() ({
        %run_scoped3A_87 = tpu.sem_alloc : memref<!tpu.dma_semaphore, #tpu.memory_space<semaphore_mem>>
        %dma_start3A = arith.constant 0 : i32
        %dma_start3A_88 = tpu.memref_slice %arg7[%run_scoped3A_25, %dma_start3A] : memref<16x640xf32, #tpu.memory_space<vmem>> -> memref<1x640xf32, #tpu.memory_space<vmem>>
        %dma_start3A_89 = tpu.memref_squeeze %dma_start3A_88 : memref<1x640xf32, #tpu.memory_space<vmem>> -> memref<640xf32, #tpu.memory_space<vmem>>
        %dma_start3A_90 = tpu.memref_slice %arg10[%run_scoped3A_24, %mul3A_23] : memref<16x10240xf32, #tpu.memory_space<vmem_shared>> -> memref<1x640xf32, #tpu.memory_space<vmem_shared>>
        %dma_start3A_91 = tpu.memref_squeeze %dma_start3A_90 : memref<1x640xf32, #tpu.memory_space<vmem_shared>> -> memref<640xf32, #tpu.memory_space<vmem_shared>>
        %dma_start3A_92 = arith.constant 0 : i32
        %dma_start3A_93 = tpu.memref_slice %arg7[%run_scoped3A_25, %dma_start3A_92] : memref<16x640xf32, #tpu.memory_space<vmem>> -> memref<1x640xf32, #tpu.memory_space<vmem>>
        %dma_start3A_94 = tpu.memref_squeeze %dma_start3A_93 : memref<1x640xf32, #tpu.memory_space<vmem>> -> memref<640xf32, #tpu.memory_space<vmem>>
        %dma_start3A_95 = tpu.memref_slice %arg10[%run_scoped3A_24, %mul3A_23] : memref<16x10240xf32, #tpu.memory_space<vmem_shared>> -> memref<1x640xf32, #tpu.memory_space<vmem_shared>>
        %dma_start3A_96 = tpu.memref_squeeze %dma_start3A_95 : memref<1x640xf32, #tpu.memory_space<vmem_shared>> -> memref<640xf32, #tpu.memory_space<vmem_shared>>
        tpu.enqueue_dma source(%dma_start3A_96 : memref<640xf32, #tpu.memory_space<vmem_shared>>) target(%dma_start3A_94 : memref<640xf32, #tpu.memory_space<vmem>>) target_semaphore(%run_scoped3A_87 : memref<!tpu.dma_semaphore, #tpu.memory_space<semaphore_mem>>)
        %dma_wait3A = arith.constant 0 : i32
        %dma_wait3A_97 = tpu.memref_slice %arg7[%run_scoped3A_25, %dma_wait3A] : memref<16x640xf32, #tpu.memory_space<vmem>> -> memref<1x640xf32, #tpu.memory_space<vmem>>
        %dma_wait3A_98 = tpu.memref_squeeze %dma_wait3A_97 : memref<1x640xf32, #tpu.memory_space<vmem>> -> memref<640xf32, #tpu.memory_space<vmem>>
        %dma_wait3A_99 = tpu.memref_slice %arg10[%run_scoped3A_24, %mul3A_23] : memref<16x10240xf32, #tpu.memory_space<vmem_shared>> -> memref<1x640xf32, #tpu.memory_space<vmem_shared>>
        %dma_wait3A_100 = tpu.memref_squeeze %dma_wait3A_99 : memref<1x640xf32, #tpu.memory_space<vmem_shared>> -> memref<640xf32, #tpu.memory_space<vmem_shared>>
        %dma_wait3A_101 = arith.constant 0 : i32
        %dma_wait3A_102 = tpu.memref_slice %arg7[%run_scoped3A_25, %dma_wait3A_101] : memref<16x640xf32, #tpu.memory_space<vmem>> -> memref<1x640xf32, #tpu.memory_space<vmem>>
        %dma_wait3A_103 = tpu.memref_squeeze %dma_wait3A_102 : memref<1x640xf32, #tpu.memory_space<vmem>> -> memref<640xf32, #tpu.memory_space<vmem>>
        %dma_wait3A_104 = tpu.memref_slice %arg10[%run_scoped3A_24, %mul3A_23] : memref<16x10240xf32, #tpu.memory_space<vmem_shared>> -> memref<1x640xf32, #tpu.memory_space<vmem_shared>>
        %dma_wait3A_105 = tpu.memref_squeeze %dma_wait3A_104 : memref<1x640xf32, #tpu.memory_space<vmem_shared>> -> memref<640xf32, #tpu.memory_space<vmem_shared>>
        tpu.wait_dma2 semaphore(%run_scoped3A_87 : memref<!tpu.dma_semaphore, #tpu.memory_space<semaphore_mem>>) src(%dma_wait3A_105 : memref<640xf32, #tpu.memory_space<vmem_shared>>) dst(%dma_wait3A_103 : memref<640xf32, #tpu.memory_space<vmem>>)
        tpu.yield
      }) : () -> ()
      %mul3A_26 = arith.constant 640 : i32
      %mul3A_27 = arith.muli %arg1, %mul3A_26 : i32
      %run_scoped3A_28 = arith.constant 3 : i32
      %run_scoped3A_29 = arith.constant 3 : i32
      "tpu.region"() ({
        %run_scoped3A_87 = tpu.sem_alloc : memref<!tpu.dma_semaphore, #tpu.memory_space<semaphore_mem>>
        %dma_start3A = arith.constant 0 : i32
        %dma_start3A_88 = tpu.memref_slice %arg7[%run_scoped3A_29, %dma_start3A] : memref<16x640xf32, #tpu.memory_space<vmem>> -> memref<1x640xf32, #tpu.memory_space<vmem>>
        %dma_start3A_89 = tpu.memref_squeeze %dma_start3A_88 : memref<1x640xf32, #tpu.memory_space<vmem>> -> memref<640xf32, #tpu.memory_space<vmem>>
        %dma_start3A_90 = tpu.memref_slice %arg10[%run_scoped3A_28, %mul3A_27] : memref<16x10240xf32, #tpu.memory_space<vmem_shared>> -> memref<1x640xf32, #tpu.memory_space<vmem_shared>>
        %dma_start3A_91 = tpu.memref_squeeze %dma_start3A_90 : memref<1x640xf32, #tpu.memory_space<vmem_shared>> -> memref<640xf32, #tpu.memory_space<vmem_shared>>
        %dma_start3A_92 = arith.constant 0 : i32
        %dma_start3A_93 = tpu.memref_slice %arg7[%run_scoped3A_29, %dma_start3A_92] : memref<16x640xf32, #tpu.memory_space<vmem>> -> memref<1x640xf32, #tpu.memory_space<vmem>>
        %dma_start3A_94 = tpu.memref_squeeze %dma_start3A_93 : memref<1x640xf32, #tpu.memory_space<vmem>> -> memref<640xf32, #tpu.memory_space<vmem>>
        %dma_start3A_95 = tpu.memref_slice %arg10[%run_scoped3A_28, %mul3A_27] : memref<16x10240xf32, #tpu.memory_space<vmem_shared>> -> memref<1x640xf32, #tpu.memory_space<vmem_shared>>
        %dma_start3A_96 = tpu.memref_squeeze %dma_start3A_95 : memref<1x640xf32, #tpu.memory_space<vmem_shared>> -> memref<640xf32, #tpu.memory_space<vmem_shared>>
        tpu.enqueue_dma source(%dma_start3A_96 : memref<640xf32, #tpu.memory_space<vmem_shared>>) target(%dma_start3A_94 : memref<640xf32, #tpu.memory_space<vmem>>) target_semaphore(%run_scoped3A_87 : memref<!tpu.dma_semaphore, #tpu.memory_space<semaphore_mem>>)
        %dma_wait3A = arith.constant 0 : i32
        %dma_wait3A_97 = tpu.memref_slice %arg7[%run_scoped3A_29, %dma_wait3A] : memref<16x640xf32, #tpu.memory_space<vmem>> -> memref<1x640xf32, #tpu.memory_space<vmem>>
        %dma_wait3A_98 = tpu.memref_squeeze %dma_wait3A_97 : memref<1x640xf32, #tpu.memory_space<vmem>> -> memref<640xf32, #tpu.memory_space<vmem>>
        %dma_wait3A_99 = tpu.memref_slice %arg10[%run_scoped3A_28, %mul3A_27] : memref<16x10240xf32, #tpu.memory_space<vmem_shared>> -> memref<1x640xf32, #tpu.memory_space<vmem_shared>>
        %dma_wait3A_100 = tpu.memref_squeeze %dma_wait3A_99 : memref<1x640xf32, #tpu.memory_space<vmem_shared>> -> memref<640xf32, #tpu.memory_space<vmem_shared>>
        %dma_wait3A_101 = arith.constant 0 : i32
        %dma_wait3A_102 = tpu.memref_slice %arg7[%run_scoped3A_29, %dma_wait3A_101] : memref<16x640xf32, #tpu.memory_space<vmem>> -> memref<1x640xf32, #tpu.memory_space<vmem>>
        %dma_wait3A_103 = tpu.memref_squeeze %dma_wait3A_102 : memref<1x640xf32, #tpu.memory_space<vmem>> -> memref<640xf32, #tpu.memory_space<vmem>>
        %dma_wait3A_104 = tpu.memref_slice %arg10[%run_scoped3A_28, %mul3A_27] : memref<16x10240xf32, #tpu.memory_space<vmem_shared>> -> memref<1x640xf32, #tpu.memory_space<vmem_shared>>
        %dma_wait3A_105 = tpu.memref_squeeze %dma_wait3A_104 : memref<1x640xf32, #tpu.memory_space<vmem_shared>> -> memref<640xf32, #tpu.memory_space<vmem_shared>>
        tpu.wait_dma2 semaphore(%run_scoped3A_87 : memref<!tpu.dma_semaphore, #tpu.memory_space<semaphore_mem>>) src(%dma_wait3A_105 : memref<640xf32, #tpu.memory_space<vmem_shared>>) dst(%dma_wait3A_103 : memref<640xf32, #tpu.memory_space<vmem>>)
        tpu.yield
      }) : () -> ()
      %mul3A_30 = arith.constant 640 : i32
      %mul3A_31 = arith.muli %arg1, %mul3A_30 : i32
      %run_scoped3A_32 = arith.constant 4 : i32
      %run_scoped3A_33 = arith.constant 4 : i32
      "tpu.region"() ({
        %run_scoped3A_87 = tpu.sem_alloc : memref<!tpu.dma_semaphore, #tpu.memory_space<semaphore_mem>>
        %dma_start3A = arith.constant 0 : i32
        %dma_start3A_88 = tpu.memref_slice %arg7[%run_scoped3A_33, %dma_start3A] : memref<16x640xf32, #tpu.memory_space<vmem>> -> memref<1x640xf32, #tpu.memory_space<vmem>>
        %dma_start3A_89 = tpu.memref_squeeze %dma_start3A_88 : memref<1x640xf32, #tpu.memory_space<vmem>> -> memref<640xf32, #tpu.memory_space<vmem>>
        %dma_start3A_90 = tpu.memref_slice %arg10[%run_scoped3A_32, %mul3A_31] : memref<16x10240xf32, #tpu.memory_space<vmem_shared>> -> memref<1x640xf32, #tpu.memory_space<vmem_shared>>
        %dma_start3A_91 = tpu.memref_squeeze %dma_start3A_90 : memref<1x640xf32, #tpu.memory_space<vmem_shared>> -> memref<640xf32, #tpu.memory_space<vmem_shared>>
        %dma_start3A_92 = arith.constant 0 : i32
        %dma_start3A_93 = tpu.memref_slice %arg7[%run_scoped3A_33, %dma_start3A_92] : memref<16x640xf32, #tpu.memory_space<vmem>> -> memref<1x640xf32, #tpu.memory_space<vmem>>
        %dma_start3A_94 = tpu.memref_squeeze %dma_start3A_93 : memref<1x640xf32, #tpu.memory_space<vmem>> -> memref<640xf32, #tpu.memory_space<vmem>>
        %dma_start3A_95 = tpu.memref_slice %arg10[%run_scoped3A_32, %mul3A_31] : memref<16x10240xf32, #tpu.memory_space<vmem_shared>> -> memref<1x640xf32, #tpu.memory_space<vmem_shared>>
        %dma_start3A_96 = tpu.memref_squeeze %dma_start3A_95 : memref<1x640xf32, #tpu.memory_space<vmem_shared>> -> memref<640xf32, #tpu.memory_space<vmem_shared>>
        tpu.enqueue_dma source(%dma_start3A_96 : memref<640xf32, #tpu.memory_space<vmem_shared>>) target(%dma_start3A_94 : memref<640xf32, #tpu.memory_space<vmem>>) target_semaphore(%run_scoped3A_87 : memref<!tpu.dma_semaphore, #tpu.memory_space<semaphore_mem>>)
        %dma_wait3A = arith.constant 0 : i32
        %dma_wait3A_97 = tpu.memref_slice %arg7[%run_scoped3A_33, %dma_wait3A] : memref<16x640xf32, #tpu.memory_space<vmem>> -> memref<1x640xf32, #tpu.memory_space<vmem>>
        %dma_wait3A_98 = tpu.memref_squeeze %dma_wait3A_97 : memref<1x640xf32, #tpu.memory_space<vmem>> -> memref<640xf32, #tpu.memory_space<vmem>>
        %dma_wait3A_99 = tpu.memref_slice %arg10[%run_scoped3A_32, %mul3A_31] : memref<16x10240xf32, #tpu.memory_space<vmem_shared>> -> memref<1x640xf32, #tpu.memory_space<vmem_shared>>
        %dma_wait3A_100 = tpu.memref_squeeze %dma_wait3A_99 : memref<1x640xf32, #tpu.memory_space<vmem_shared>> -> memref<640xf32, #tpu.memory_space<vmem_shared>>
        %dma_wait3A_101 = arith.constant 0 : i32
        %dma_wait3A_102 = tpu.memref_slice %arg7[%run_scoped3A_33, %dma_wait3A_101] : memref<16x640xf32, #tpu.memory_space<vmem>> -> memref<1x640xf32, #tpu.memory_space<vmem>>
        %dma_wait3A_103 = tpu.memref_squeeze %dma_wait3A_102 : memref<1x640xf32, #tpu.memory_space<vmem>> -> memref<640xf32, #tpu.memory_space<vmem>>
        %dma_wait3A_104 = tpu.memref_slice %arg10[%run_scoped3A_32, %mul3A_31] : memref<16x10240xf32, #tpu.memory_space<vmem_shared>> -> memref<1x640xf32, #tpu.memory_space<vmem_shared>>
        %dma_wait3A_105 = tpu.memref_squeeze %dma_wait3A_104 : memref<1x640xf32, #tpu.memory_space<vmem_shared>> -> memref<640xf32, #tpu.memory_space<vmem_shared>>
        tpu.wait_dma2 semaphore(%run_scoped3A_87 : memref<!tpu.dma_semaphore, #tpu.memory_space<semaphore_mem>>) src(%dma_wait3A_105 : memref<640xf32, #tpu.memory_space<vmem_shared>>) dst(%dma_wait3A_103 : memref<640xf32, #tpu.memory_space<vmem>>)
        tpu.yield
      }) : () -> ()
      %mul3A_34 = arith.constant 640 : i32
      %mul3A_35 = arith.muli %arg1, %mul3A_34 : i32
      %run_scoped3A_36 = arith.constant 5 : i32
      %run_scoped3A_37 = arith.constant 5 : i32
      "tpu.region"() ({
        %run_scoped3A_87 = tpu.sem_alloc : memref<!tpu.dma_semaphore, #tpu.memory_space<semaphore_mem>>
        %dma_start3A = arith.constant 0 : i32
        %dma_start3A_88 = tpu.memref_slice %arg7[%run_scoped3A_37, %dma_start3A] : memref<16x640xf32, #tpu.memory_space<vmem>> -> memref<1x640xf32, #tpu.memory_space<vmem>>
        %dma_start3A_89 = tpu.memref_squeeze %dma_start3A_88 : memref<1x640xf32, #tpu.memory_space<vmem>> -> memref<640xf32, #tpu.memory_space<vmem>>
        %dma_start3A_90 = tpu.memref_slice %arg10[%run_scoped3A_36, %mul3A_35] : memref<16x10240xf32, #tpu.memory_space<vmem_shared>> -> memref<1x640xf32, #tpu.memory_space<vmem_shared>>
        %dma_start3A_91 = tpu.memref_squeeze %dma_start3A_90 : memref<1x640xf32, #tpu.memory_space<vmem_shared>> -> memref<640xf32, #tpu.memory_space<vmem_shared>>
        %dma_start3A_92 = arith.constant 0 : i32
        %dma_start3A_93 = tpu.memref_slice %arg7[%run_scoped3A_37, %dma_start3A_92] : memref<16x640xf32, #tpu.memory_space<vmem>> -> memref<1x640xf32, #tpu.memory_space<vmem>>
        %dma_start3A_94 = tpu.memref_squeeze %dma_start3A_93 : memref<1x640xf32, #tpu.memory_space<vmem>> -> memref<640xf32, #tpu.memory_space<vmem>>
        %dma_start3A_95 = tpu.memref_slice %arg10[%run_scoped3A_36, %mul3A_35] : memref<16x10240xf32, #tpu.memory_space<vmem_shared>> -> memref<1x640xf32, #tpu.memory_space<vmem_shared>>
        %dma_start3A_96 = tpu.memref_squeeze %dma_start3A_95 : memref<1x640xf32, #tpu.memory_space<vmem_shared>> -> memref<640xf32, #tpu.memory_space<vmem_shared>>
        tpu.enqueue_dma source(%dma_start3A_96 : memref<640xf32, #tpu.memory_space<vmem_shared>>) target(%dma_start3A_94 : memref<640xf32, #tpu.memory_space<vmem>>) target_semaphore(%run_scoped3A_87 : memref<!tpu.dma_semaphore, #tpu.memory_space<semaphore_mem>>)
        %dma_wait3A = arith.constant 0 : i32
        %dma_wait3A_97 = tpu.memref_slice %arg7[%run_scoped3A_37, %dma_wait3A] : memref<16x640xf32, #tpu.memory_space<vmem>> -> memref<1x640xf32, #tpu.memory_space<vmem>>
        %dma_wait3A_98 = tpu.memref_squeeze %dma_wait3A_97 : memref<1x640xf32, #tpu.memory_space<vmem>> -> memref<640xf32, #tpu.memory_space<vmem>>
        %dma_wait3A_99 = tpu.memref_slice %arg10[%run_scoped3A_36, %mul3A_35] : memref<16x10240xf32, #tpu.memory_space<vmem_shared>> -> memref<1x640xf32, #tpu.memory_space<vmem_shared>>
        %dma_wait3A_100 = tpu.memref_squeeze %dma_wait3A_99 : memref<1x640xf32, #tpu.memory_space<vmem_shared>> -> memref<640xf32, #tpu.memory_space<vmem_shared>>
        %dma_wait3A_101 = arith.constant 0 : i32
        %dma_wait3A_102 = tpu.memref_slice %arg7[%run_scoped3A_37, %dma_wait3A_101] : memref<16x640xf32, #tpu.memory_space<vmem>> -> memref<1x640xf32, #tpu.memory_space<vmem>>
        %dma_wait3A_103 = tpu.memref_squeeze %dma_wait3A_102 : memref<1x640xf32, #tpu.memory_space<vmem>> -> memref<640xf32, #tpu.memory_space<vmem>>
        %dma_wait3A_104 = tpu.memref_slice %arg10[%run_scoped3A_36, %mul3A_35] : memref<16x10240xf32, #tpu.memory_space<vmem_shared>> -> memref<1x640xf32, #tpu.memory_space<vmem_shared>>
        %dma_wait3A_105 = tpu.memref_squeeze %dma_wait3A_104 : memref<1x640xf32, #tpu.memory_space<vmem_shared>> -> memref<640xf32, #tpu.memory_space<vmem_shared>>
        tpu.wait_dma2 semaphore(%run_scoped3A_87 : memref<!tpu.dma_semaphore, #tpu.memory_space<semaphore_mem>>) src(%dma_wait3A_105 : memref<640xf32, #tpu.memory_space<vmem_shared>>) dst(%dma_wait3A_103 : memref<640xf32, #tpu.memory_space<vmem>>)
        tpu.yield
      }) : () -> ()
      %mul3A_38 = arith.constant 640 : i32
      %mul3A_39 = arith.muli %arg1, %mul3A_38 : i32
      %run_scoped3A_40 = arith.constant 6 : i32
      %run_scoped3A_41 = arith.constant 6 : i32
      "tpu.region"() ({
        %run_scoped3A_87 = tpu.sem_alloc : memref<!tpu.dma_semaphore, #tpu.memory_space<semaphore_mem>>
        %dma_start3A = arith.constant 0 : i32
        %dma_start3A_88 = tpu.memref_slice %arg7[%run_scoped3A_41, %dma_start3A] : memref<16x640xf32, #tpu.memory_space<vmem>> -> memref<1x640xf32, #tpu.memory_space<vmem>>
        %dma_start3A_89 = tpu.memref_squeeze %dma_start3A_88 : memref<1x640xf32, #tpu.memory_space<vmem>> -> memref<640xf32, #tpu.memory_space<vmem>>
        %dma_start3A_90 = tpu.memref_slice %arg10[%run_scoped3A_40, %mul3A_39] : memref<16x10240xf32, #tpu.memory_space<vmem_shared>> -> memref<1x640xf32, #tpu.memory_space<vmem_shared>>
        %dma_start3A_91 = tpu.memref_squeeze %dma_start3A_90 : memref<1x640xf32, #tpu.memory_space<vmem_shared>> -> memref<640xf32, #tpu.memory_space<vmem_shared>>
        %dma_start3A_92 = arith.constant 0 : i32
        %dma_start3A_93 = tpu.memref_slice %arg7[%run_scoped3A_41, %dma_start3A_92] : memref<16x640xf32, #tpu.memory_space<vmem>> -> memref<1x640xf32, #tpu.memory_space<vmem>>
        %dma_start3A_94 = tpu.memref_squeeze %dma_start3A_93 : memref<1x640xf32, #tpu.memory_space<vmem>> -> memref<640xf32, #tpu.memory_space<vmem>>
        %dma_start3A_95 = tpu.memref_slice %arg10[%run_scoped3A_40, %mul3A_39] : memref<16x10240xf32, #tpu.memory_space<vmem_shared>> -> memref<1x640xf32, #tpu.memory_space<vmem_shared>>
        %dma_start3A_96 = tpu.memref_squeeze %dma_start3A_95 : memref<1x640xf32, #tpu.memory_space<vmem_shared>> -> memref<640xf32, #tpu.memory_space<vmem_shared>>
        tpu.enqueue_dma source(%dma_start3A_96 : memref<640xf32, #tpu.memory_space<vmem_shared>>) target(%dma_start3A_94 : memref<640xf32, #tpu.memory_space<vmem>>) target_semaphore(%run_scoped3A_87 : memref<!tpu.dma_semaphore, #tpu.memory_space<semaphore_mem>>)
        %dma_wait3A = arith.constant 0 : i32
        %dma_wait3A_97 = tpu.memref_slice %arg7[%run_scoped3A_41, %dma_wait3A] : memref<16x640xf32, #tpu.memory_space<vmem>> -> memref<1x640xf32, #tpu.memory_space<vmem>>
        %dma_wait3A_98 = tpu.memref_squeeze %dma_wait3A_97 : memref<1x640xf32, #tpu.memory_space<vmem>> -> memref<640xf32, #tpu.memory_space<vmem>>
        %dma_wait3A_99 = tpu.memref_slice %arg10[%run_scoped3A_40, %mul3A_39] : memref<16x10240xf32, #tpu.memory_space<vmem_shared>> -> memref<1x640xf32, #tpu.memory_space<vmem_shared>>
        %dma_wait3A_100 = tpu.memref_squeeze %dma_wait3A_99 : memref<1x640xf32, #tpu.memory_space<vmem_shared>> -> memref<640xf32, #tpu.memory_space<vmem_shared>>
        %dma_wait3A_101 = arith.constant 0 : i32
        %dma_wait3A_102 = tpu.memref_slice %arg7[%run_scoped3A_41, %dma_wait3A_101] : memref<16x640xf32, #tpu.memory_space<vmem>> -> memref<1x640xf32, #tpu.memory_space<vmem>>
        %dma_wait3A_103 = tpu.memref_squeeze %dma_wait3A_102 : memref<1x640xf32, #tpu.memory_space<vmem>> -> memref<640xf32, #tpu.memory_space<vmem>>
        %dma_wait3A_104 = tpu.memref_slice %arg10[%run_scoped3A_40, %mul3A_39] : memref<16x10240xf32, #tpu.memory_space<vmem_shared>> -> memref<1x640xf32, #tpu.memory_space<vmem_shared>>
        %dma_wait3A_105 = tpu.memref_squeeze %dma_wait3A_104 : memref<1x640xf32, #tpu.memory_space<vmem_shared>> -> memref<640xf32, #tpu.memory_space<vmem_shared>>
        tpu.wait_dma2 semaphore(%run_scoped3A_87 : memref<!tpu.dma_semaphore, #tpu.memory_space<semaphore_mem>>) src(%dma_wait3A_105 : memref<640xf32, #tpu.memory_space<vmem_shared>>) dst(%dma_wait3A_103 : memref<640xf32, #tpu.memory_space<vmem>>)
        tpu.yield
      }) : () -> ()
      %mul3A_42 = arith.constant 640 : i32
      %mul3A_43 = arith.muli %arg1, %mul3A_42 : i32
      %run_scoped3A_44 = arith.constant 7 : i32
      %run_scoped3A_45 = arith.constant 7 : i32
      "tpu.region"() ({
        %run_scoped3A_87 = tpu.sem_alloc : memref<!tpu.dma_semaphore, #tpu.memory_space<semaphore_mem>>
        %dma_start3A = arith.constant 0 : i32
        %dma_start3A_88 = tpu.memref_slice %arg7[%run_scoped3A_45, %dma_start3A] : memref<16x640xf32, #tpu.memory_space<vmem>> -> memref<1x640xf32, #tpu.memory_space<vmem>>
        %dma_start3A_89 = tpu.memref_squeeze %dma_start3A_88 : memref<1x640xf32, #tpu.memory_space<vmem>> -> memref<640xf32, #tpu.memory_space<vmem>>
        %dma_start3A_90 = tpu.memref_slice %arg10[%run_scoped3A_44, %mul3A_43] : memref<16x10240xf32, #tpu.memory_space<vmem_shared>> -> memref<1x640xf32, #tpu.memory_space<vmem_shared>>
        %dma_start3A_91 = tpu.memref_squeeze %dma_start3A_90 : memref<1x640xf32, #tpu.memory_space<vmem_shared>> -> memref<640xf32, #tpu.memory_space<vmem_shared>>
        %dma_start3A_92 = arith.constant 0 : i32
        %dma_start3A_93 = tpu.memref_slice %arg7[%run_scoped3A_45, %dma_start3A_92] : memref<16x640xf32, #tpu.memory_space<vmem>> -> memref<1x640xf32, #tpu.memory_space<vmem>>
        %dma_start3A_94 = tpu.memref_squeeze %dma_start3A_93 : memref<1x640xf32, #tpu.memory_space<vmem>> -> memref<640xf32, #tpu.memory_space<vmem>>
        %dma_start3A_95 = tpu.memref_slice %arg10[%run_scoped3A_44, %mul3A_43] : memref<16x10240xf32, #tpu.memory_space<vmem_shared>> -> memref<1x640xf32, #tpu.memory_space<vmem_shared>>
        %dma_start3A_96 = tpu.memref_squeeze %dma_start3A_95 : memref<1x640xf32, #tpu.memory_space<vmem_shared>> -> memref<640xf32, #tpu.memory_space<vmem_shared>>
        tpu.enqueue_dma source(%dma_start3A_96 : memref<640xf32, #tpu.memory_space<vmem_shared>>) target(%dma_start3A_94 : memref<640xf32, #tpu.memory_space<vmem>>) target_semaphore(%run_scoped3A_87 : memref<!tpu.dma_semaphore, #tpu.memory_space<semaphore_mem>>)
        %dma_wait3A = arith.constant 0 : i32
        %dma_wait3A_97 = tpu.memref_slice %arg7[%run_scoped3A_45, %dma_wait3A] : memref<16x640xf32, #tpu.memory_space<vmem>> -> memref<1x640xf32, #tpu.memory_space<vmem>>
        %dma_wait3A_98 = tpu.memref_squeeze %dma_wait3A_97 : memref<1x640xf32, #tpu.memory_space<vmem>> -> memref<640xf32, #tpu.memory_space<vmem>>
        %dma_wait3A_99 = tpu.memref_slice %arg10[%run_scoped3A_44, %mul3A_43] : memref<16x10240xf32, #tpu.memory_space<vmem_shared>> -> memref<1x640xf32, #tpu.memory_space<vmem_shared>>
        %dma_wait3A_100 = tpu.memref_squeeze %dma_wait3A_99 : memref<1x640xf32, #tpu.memory_space<vmem_shared>> -> memref<640xf32, #tpu.memory_space<vmem_shared>>
        %dma_wait3A_101 = arith.constant 0 : i32
        %dma_wait3A_102 = tpu.memref_slice %arg7[%run_scoped3A_45, %dma_wait3A_101] : memref<16x640xf32, #tpu.memory_space<vmem>> -> memref<1x640xf32, #tpu.memory_space<vmem>>
        %dma_wait3A_103 = tpu.memref_squeeze %dma_wait3A_102 : memref<1x640xf32, #tpu.memory_space<vmem>> -> memref<640xf32, #tpu.memory_space<vmem>>
        %dma_wait3A_104 = tpu.memref_slice %arg10[%run_scoped3A_44, %mul3A_43] : memref<16x10240xf32, #tpu.memory_space<vmem_shared>> -> memref<1x640xf32, #tpu.memory_space<vmem_shared>>
        %dma_wait3A_105 = tpu.memref_squeeze %dma_wait3A_104 : memref<1x640xf32, #tpu.memory_space<vmem_shared>> -> memref<640xf32, #tpu.memory_space<vmem_shared>>
        tpu.wait_dma2 semaphore(%run_scoped3A_87 : memref<!tpu.dma_semaphore, #tpu.memory_space<semaphore_mem>>) src(%dma_wait3A_105 : memref<640xf32, #tpu.memory_space<vmem_shared>>) dst(%dma_wait3A_103 : memref<640xf32, #tpu.memory_space<vmem>>)
        tpu.yield
      }) : () -> ()
      %mul3A_46 = arith.constant 640 : i32
      %mul3A_47 = arith.muli %arg1, %mul3A_46 : i32
      %run_scoped3A_48 = arith.constant 8 : i32
      %run_scoped3A_49 = arith.constant 8 : i32
      "tpu.region"() ({
        %run_scoped3A_87 = tpu.sem_alloc : memref<!tpu.dma_semaphore, #tpu.memory_space<semaphore_mem>>
        %dma_start3A = arith.constant 0 : i32
        %dma_start3A_88 = tpu.memref_slice %arg7[%run_scoped3A_49, %dma_start3A] : memref<16x640xf32, #tpu.memory_space<vmem>> -> memref<1x640xf32, #tpu.memory_space<vmem>>
        %dma_start3A_89 = tpu.memref_squeeze %dma_start3A_88 : memref<1x640xf32, #tpu.memory_space<vmem>> -> memref<640xf32, #tpu.memory_space<vmem>>
        %dma_start3A_90 = tpu.memref_slice %arg10[%run_scoped3A_48, %mul3A_47] : memref<16x10240xf32, #tpu.memory_space<vmem_shared>> -> memref<1x640xf32, #tpu.memory_space<vmem_shared>>
        %dma_start3A_91 = tpu.memref_squeeze %dma_start3A_90 : memref<1x640xf32, #tpu.memory_space<vmem_shared>> -> memref<640xf32, #tpu.memory_space<vmem_shared>>
        %dma_start3A_92 = arith.constant 0 : i32
        %dma_start3A_93 = tpu.memref_slice %arg7[%run_scoped3A_49, %dma_start3A_92] : memref<16x640xf32, #tpu.memory_space<vmem>> -> memref<1x640xf32, #tpu.memory_space<vmem>>
        %dma_start3A_94 = tpu.memref_squeeze %dma_start3A_93 : memref<1x640xf32, #tpu.memory_space<vmem>> -> memref<640xf32, #tpu.memory_space<vmem>>
        %dma_start3A_95 = tpu.memref_slice %arg10[%run_scoped3A_48, %mul3A_47] : memref<16x10240xf32, #tpu.memory_space<vmem_shared>> -> memref<1x640xf32, #tpu.memory_space<vmem_shared>>
        %dma_start3A_96 = tpu.memref_squeeze %dma_start3A_95 : memref<1x640xf32, #tpu.memory_space<vmem_shared>> -> memref<640xf32, #tpu.memory_space<vmem_shared>>
        tpu.enqueue_dma source(%dma_start3A_96 : memref<640xf32, #tpu.memory_space<vmem_shared>>) target(%dma_start3A_94 : memref<640xf32, #tpu.memory_space<vmem>>) target_semaphore(%run_scoped3A_87 : memref<!tpu.dma_semaphore, #tpu.memory_space<semaphore_mem>>)
        %dma_wait3A = arith.constant 0 : i32
        %dma_wait3A_97 = tpu.memref_slice %arg7[%run_scoped3A_49, %dma_wait3A] : memref<16x640xf32, #tpu.memory_space<vmem>> -> memref<1x640xf32, #tpu.memory_space<vmem>>
        %dma_wait3A_98 = tpu.memref_squeeze %dma_wait3A_97 : memref<1x640xf32, #tpu.memory_space<vmem>> -> memref<640xf32, #tpu.memory_space<vmem>>
        %dma_wait3A_99 = tpu.memref_slice %arg10[%run_scoped3A_48, %mul3A_47] : memref<16x10240xf32, #tpu.memory_space<vmem_shared>> -> memref<1x640xf32, #tpu.memory_space<vmem_shared>>
        %dma_wait3A_100 = tpu.memref_squeeze %dma_wait3A_99 : memref<1x640xf32, #tpu.memory_space<vmem_shared>> -> memref<640xf32, #tpu.memory_space<vmem_shared>>
        %dma_wait3A_101 = arith.constant 0 : i32
        %dma_wait3A_102 = tpu.memref_slice %arg7[%run_scoped3A_49, %dma_wait3A_101] : memref<16x640xf32, #tpu.memory_space<vmem>> -> memref<1x640xf32, #tpu.memory_space<vmem>>
        %dma_wait3A_103 = tpu.memref_squeeze %dma_wait3A_102 : memref<1x640xf32, #tpu.memory_space<vmem>> -> memref<640xf32, #tpu.memory_space<vmem>>
        %dma_wait3A_104 = tpu.memref_slice %arg10[%run_scoped3A_48, %mul3A_47] : memref<16x10240xf32, #tpu.memory_space<vmem_shared>> -> memref<1x640xf32, #tpu.memory_space<vmem_shared>>
        %dma_wait3A_105 = tpu.memref_squeeze %dma_wait3A_104 : memref<1x640xf32, #tpu.memory_space<vmem_shared>> -> memref<640xf32, #tpu.memory_space<vmem_shared>>
        tpu.wait_dma2 semaphore(%run_scoped3A_87 : memref<!tpu.dma_semaphore, #tpu.memory_space<semaphore_mem>>) src(%dma_wait3A_105 : memref<640xf32, #tpu.memory_space<vmem_shared>>) dst(%dma_wait3A_103 : memref<640xf32, #tpu.memory_space<vmem>>)
        tpu.yield
      }) : () -> ()
      %mul3A_50 = arith.constant 640 : i32
      %mul3A_51 = arith.muli %arg1, %mul3A_50 : i32
      %run_scoped3A_52 = arith.constant 9 : i32
      %run_scoped3A_53 = arith.constant 9 : i32
      "tpu.region"() ({
        %run_scoped3A_87 = tpu.sem_alloc : memref<!tpu.dma_semaphore, #tpu.memory_space<semaphore_mem>>
        %dma_start3A = arith.constant 0 : i32
        %dma_start3A_88 = tpu.memref_slice %arg7[%run_scoped3A_53, %dma_start3A] : memref<16x640xf32, #tpu.memory_space<vmem>> -> memref<1x640xf32, #tpu.memory_space<vmem>>
        %dma_start3A_89 = tpu.memref_squeeze %dma_start3A_88 : memref<1x640xf32, #tpu.memory_space<vmem>> -> memref<640xf32, #tpu.memory_space<vmem>>
        %dma_start3A_90 = tpu.memref_slice %arg10[%run_scoped3A_52, %mul3A_51] : memref<16x10240xf32, #tpu.memory_space<vmem_shared>> -> memref<1x640xf32, #tpu.memory_space<vmem_shared>>
        %dma_start3A_91 = tpu.memref_squeeze %dma_start3A_90 : memref<1x640xf32, #tpu.memory_space<vmem_shared>> -> memref<640xf32, #tpu.memory_space<vmem_shared>>
        %dma_start3A_92 = arith.constant 0 : i32
        %dma_start3A_93 = tpu.memref_slice %arg7[%run_scoped3A_53, %dma_start3A_92] : memref<16x640xf32, #tpu.memory_space<vmem>> -> memref<1x640xf32, #tpu.memory_space<vmem>>
        %dma_start3A_94 = tpu.memref_squeeze %dma_start3A_93 : memref<1x640xf32, #tpu.memory_space<vmem>> -> memref<640xf32, #tpu.memory_space<vmem>>
        %dma_start3A_95 = tpu.memref_slice %arg10[%run_scoped3A_52, %mul3A_51] : memref<16x10240xf32, #tpu.memory_space<vmem_shared>> -> memref<1x640xf32, #tpu.memory_space<vmem_shared>>
        %dma_start3A_96 = tpu.memref_squeeze %dma_start3A_95 : memref<1x640xf32, #tpu.memory_space<vmem_shared>> -> memref<640xf32, #tpu.memory_space<vmem_shared>>
        tpu.enqueue_dma source(%dma_start3A_96 : memref<640xf32, #tpu.memory_space<vmem_shared>>) target(%dma_start3A_94 : memref<640xf32, #tpu.memory_space<vmem>>) target_semaphore(%run_scoped3A_87 : memref<!tpu.dma_semaphore, #tpu.memory_space<semaphore_mem>>)
        %dma_wait3A = arith.constant 0 : i32
        %dma_wait3A_97 = tpu.memref_slice %arg7[%run_scoped3A_53, %dma_wait3A] : memref<16x640xf32, #tpu.memory_space<vmem>> -> memref<1x640xf32, #tpu.memory_space<vmem>>
        %dma_wait3A_98 = tpu.memref_squeeze %dma_wait3A_97 : memref<1x640xf32, #tpu.memory_space<vmem>> -> memref<640xf32, #tpu.memory_space<vmem>>
        %dma_wait3A_99 = tpu.memref_slice %arg10[%run_scoped3A_52, %mul3A_51] : memref<16x10240xf32, #tpu.memory_space<vmem_shared>> -> memref<1x640xf32, #tpu.memory_space<vmem_shared>>
        %dma_wait3A_100 = tpu.memref_squeeze %dma_wait3A_99 : memref<1x640xf32, #tpu.memory_space<vmem_shared>> -> memref<640xf32, #tpu.memory_space<vmem_shared>>
        %dma_wait3A_101 = arith.constant 0 : i32
        %dma_wait3A_102 = tpu.memref_slice %arg7[%run_scoped3A_53, %dma_wait3A_101] : memref<16x640xf32, #tpu.memory_space<vmem>> -> memref<1x640xf32, #tpu.memory_space<vmem>>
        %dma_wait3A_103 = tpu.memref_squeeze %dma_wait3A_102 : memref<1x640xf32, #tpu.memory_space<vmem>> -> memref<640xf32, #tpu.memory_space<vmem>>
        %dma_wait3A_104 = tpu.memref_slice %arg10[%run_scoped3A_52, %mul3A_51] : memref<16x10240xf32, #tpu.memory_space<vmem_shared>> -> memref<1x640xf32, #tpu.memory_space<vmem_shared>>
        %dma_wait3A_105 = tpu.memref_squeeze %dma_wait3A_104 : memref<1x640xf32, #tpu.memory_space<vmem_shared>> -> memref<640xf32, #tpu.memory_space<vmem_shared>>
        tpu.wait_dma2 semaphore(%run_scoped3A_87 : memref<!tpu.dma_semaphore, #tpu.memory_space<semaphore_mem>>) src(%dma_wait3A_105 : memref<640xf32, #tpu.memory_space<vmem_shared>>) dst(%dma_wait3A_103 : memref<640xf32, #tpu.memory_space<vmem>>)
        tpu.yield
      }) : () -> ()
      %mul3A_54 = arith.constant 640 : i32
      %mul3A_55 = arith.muli %arg1, %mul3A_54 : i32
      %run_scoped3A_56 = arith.constant 10 : i32
      %run_scoped3A_57 = arith.constant 10 : i32
      "tpu.region"() ({
        %run_scoped3A_87 = tpu.sem_alloc : memref<!tpu.dma_semaphore, #tpu.memory_space<semaphore_mem>>
        %dma_start3A = arith.constant 0 : i32
        %dma_start3A_88 = tpu.memref_slice %arg7[%run_scoped3A_57, %dma_start3A] : memref<16x640xf32, #tpu.memory_space<vmem>> -> memref<1x640xf32, #tpu.memory_space<vmem>>
        %dma_start3A_89 = tpu.memref_squeeze %dma_start3A_88 : memref<1x640xf32, #tpu.memory_space<vmem>> -> memref<640xf32, #tpu.memory_space<vmem>>
        %dma_start3A_90 = tpu.memref_slice %arg10[%run_scoped3A_56, %mul3A_55] : memref<16x10240xf32, #tpu.memory_space<vmem_shared>> -> memref<1x640xf32, #tpu.memory_space<vmem_shared>>
        %dma_start3A_91 = tpu.memref_squeeze %dma_start3A_90 : memref<1x640xf32, #tpu.memory_space<vmem_shared>> -> memref<640xf32, #tpu.memory_space<vmem_shared>>
        %dma_start3A_92 = arith.constant 0 : i32
        %dma_start3A_93 = tpu.memref_slice %arg7[%run_scoped3A_57, %dma_start3A_92] : memref<16x640xf32, #tpu.memory_space<vmem>> -> memref<1x640xf32, #tpu.memory_space<vmem>>
        %dma_start3A_94 = tpu.memref_squeeze %dma_start3A_93 : memref<1x640xf32, #tpu.memory_space<vmem>> -> memref<640xf32, #tpu.memory_space<vmem>>
        %dma_start3A_95 = tpu.memref_slice %arg10[%run_scoped3A_56, %mul3A_55] : memref<16x10240xf32, #tpu.memory_space<vmem_shared>> -> memref<1x640xf32, #tpu.memory_space<vmem_shared>>
        %dma_start3A_96 = tpu.memref_squeeze %dma_start3A_95 : memref<1x640xf32, #tpu.memory_space<vmem_shared>> -> memref<640xf32, #tpu.memory_space<vmem_shared>>
        tpu.enqueue_dma source(%dma_start3A_96 : memref<640xf32, #tpu.memory_space<vmem_shared>>) target(%dma_start3A_94 : memref<640xf32, #tpu.memory_space<vmem>>) target_semaphore(%run_scoped3A_87 : memref<!tpu.dma_semaphore, #tpu.memory_space<semaphore_mem>>)
        %dma_wait3A = arith.constant 0 : i32
        %dma_wait3A_97 = tpu.memref_slice %arg7[%run_scoped3A_57, %dma_wait3A] : memref<16x640xf32, #tpu.memory_space<vmem>> -> memref<1x640xf32, #tpu.memory_space<vmem>>
        %dma_wait3A_98 = tpu.memref_squeeze %dma_wait3A_97 : memref<1x640xf32, #tpu.memory_space<vmem>> -> memref<640xf32, #tpu.memory_space<vmem>>
        %dma_wait3A_99 = tpu.memref_slice %arg10[%run_scoped3A_56, %mul3A_55] : memref<16x10240xf32, #tpu.memory_space<vmem_shared>> -> memref<1x640xf32, #tpu.memory_space<vmem_shared>>
        %dma_wait3A_100 = tpu.memref_squeeze %dma_wait3A_99 : memref<1x640xf32, #tpu.memory_space<vmem_shared>> -> memref<640xf32, #tpu.memory_space<vmem_shared>>
        %dma_wait3A_101 = arith.constant 0 : i32
        %dma_wait3A_102 = tpu.memref_slice %arg7[%run_scoped3A_57, %dma_wait3A_101] : memref<16x640xf32, #tpu.memory_space<vmem>> -> memref<1x640xf32, #tpu.memory_space<vmem>>
        %dma_wait3A_103 = tpu.memref_squeeze %dma_wait3A_102 : memref<1x640xf32, #tpu.memory_space<vmem>> -> memref<640xf32, #tpu.memory_space<vmem>>
        %dma_wait3A_104 = tpu.memref_slice %arg10[%run_scoped3A_56, %mul3A_55] : memref<16x10240xf32, #tpu.memory_space<vmem_shared>> -> memref<1x640xf32, #tpu.memory_space<vmem_shared>>
        %dma_wait3A_105 = tpu.memref_squeeze %dma_wait3A_104 : memref<1x640xf32, #tpu.memory_space<vmem_shared>> -> memref<640xf32, #tpu.memory_space<vmem_shared>>
        tpu.wait_dma2 semaphore(%run_scoped3A_87 : memref<!tpu.dma_semaphore, #tpu.memory_space<semaphore_mem>>) src(%dma_wait3A_105 : memref<640xf32, #tpu.memory_space<vmem_shared>>) dst(%dma_wait3A_103 : memref<640xf32, #tpu.memory_space<vmem>>)
        tpu.yield
      }) : () -> ()
      %mul3A_58 = arith.constant 640 : i32
      %mul3A_59 = arith.muli %arg1, %mul3A_58 : i32
      %run_scoped3A_60 = arith.constant 11 : i32
      %run_scoped3A_61 = arith.constant 11 : i32
      "tpu.region"() ({
        %run_scoped3A_87 = tpu.sem_alloc : memref<!tpu.dma_semaphore, #tpu.memory_space<semaphore_mem>>
        %dma_start3A = arith.constant 0 : i32
        %dma_start3A_88 = tpu.memref_slice %arg7[%run_scoped3A_61, %dma_start3A] : memref<16x640xf32, #tpu.memory_space<vmem>> -> memref<1x640xf32, #tpu.memory_space<vmem>>
        %dma_start3A_89 = tpu.memref_squeeze %dma_start3A_88 : memref<1x640xf32, #tpu.memory_space<vmem>> -> memref<640xf32, #tpu.memory_space<vmem>>
        %dma_start3A_90 = tpu.memref_slice %arg10[%run_scoped3A_60, %mul3A_59] : memref<16x10240xf32, #tpu.memory_space<vmem_shared>> -> memref<1x640xf32, #tpu.memory_space<vmem_shared>>
        %dma_start3A_91 = tpu.memref_squeeze %dma_start3A_90 : memref<1x640xf32, #tpu.memory_space<vmem_shared>> -> memref<640xf32, #tpu.memory_space<vmem_shared>>
        %dma_start3A_92 = arith.constant 0 : i32
        %dma_start3A_93 = tpu.memref_slice %arg7[%run_scoped3A_61, %dma_start3A_92] : memref<16x640xf32, #tpu.memory_space<vmem>> -> memref<1x640xf32, #tpu.memory_space<vmem>>
        %dma_start3A_94 = tpu.memref_squeeze %dma_start3A_93 : memref<1x640xf32, #tpu.memory_space<vmem>> -> memref<640xf32, #tpu.memory_space<vmem>>
        %dma_start3A_95 = tpu.memref_slice %arg10[%run_scoped3A_60, %mul3A_59] : memref<16x10240xf32, #tpu.memory_space<vmem_shared>> -> memref<1x640xf32, #tpu.memory_space<vmem_shared>>
        %dma_start3A_96 = tpu.memref_squeeze %dma_start3A_95 : memref<1x640xf32, #tpu.memory_space<vmem_shared>> -> memref<640xf32, #tpu.memory_space<vmem_shared>>
        tpu.enqueue_dma source(%dma_start3A_96 : memref<640xf32, #tpu.memory_space<vmem_shared>>) target(%dma_start3A_94 : memref<640xf32, #tpu.memory_space<vmem>>) target_semaphore(%run_scoped3A_87 : memref<!tpu.dma_semaphore, #tpu.memory_space<semaphore_mem>>)
        %dma_wait3A = arith.constant 0 : i32
        %dma_wait3A_97 = tpu.memref_slice %arg7[%run_scoped3A_61, %dma_wait3A] : memref<16x640xf32, #tpu.memory_space<vmem>> -> memref<1x640xf32, #tpu.memory_space<vmem>>
        %dma_wait3A_98 = tpu.memref_squeeze %dma_wait3A_97 : memref<1x640xf32, #tpu.memory_space<vmem>> -> memref<640xf32, #tpu.memory_space<vmem>>
        %dma_wait3A_99 = tpu.memref_slice %arg10[%run_scoped3A_60, %mul3A_59] : memref<16x10240xf32, #tpu.memory_space<vmem_shared>> -> memref<1x640xf32, #tpu.memory_space<vmem_shared>>
        %dma_wait3A_100 = tpu.memref_squeeze %dma_wait3A_99 : memref<1x640xf32, #tpu.memory_space<vmem_shared>> -> memref<640xf32, #tpu.memory_space<vmem_shared>>
        %dma_wait3A_101 = arith.constant 0 : i32
        %dma_wait3A_102 = tpu.memref_slice %arg7[%run_scoped3A_61, %dma_wait3A_101] : memref<16x640xf32, #tpu.memory_space<vmem>> -> memref<1x640xf32, #tpu.memory_space<vmem>>
        %dma_wait3A_103 = tpu.memref_squeeze %dma_wait3A_102 : memref<1x640xf32, #tpu.memory_space<vmem>> -> memref<640xf32, #tpu.memory_space<vmem>>
        %dma_wait3A_104 = tpu.memref_slice %arg10[%run_scoped3A_60, %mul3A_59] : memref<16x10240xf32, #tpu.memory_space<vmem_shared>> -> memref<1x640xf32, #tpu.memory_space<vmem_shared>>
        %dma_wait3A_105 = tpu.memref_squeeze %dma_wait3A_104 : memref<1x640xf32, #tpu.memory_space<vmem_shared>> -> memref<640xf32, #tpu.memory_space<vmem_shared>>
        tpu.wait_dma2 semaphore(%run_scoped3A_87 : memref<!tpu.dma_semaphore, #tpu.memory_space<semaphore_mem>>) src(%dma_wait3A_105 : memref<640xf32, #tpu.memory_space<vmem_shared>>) dst(%dma_wait3A_103 : memref<640xf32, #tpu.memory_space<vmem>>)
        tpu.yield
      }) : () -> ()
      %mul3A_62 = arith.constant 640 : i32
      %mul3A_63 = arith.muli %arg1, %mul3A_62 : i32
      %run_scoped3A_64 = arith.constant 12 : i32
      %run_scoped3A_65 = arith.constant 12 : i32
      "tpu.region"() ({
        %run_scoped3A_87 = tpu.sem_alloc : memref<!tpu.dma_semaphore, #tpu.memory_space<semaphore_mem>>
        %dma_start3A = arith.constant 0 : i32
        %dma_start3A_88 = tpu.memref_slice %arg7[%run_scoped3A_65, %dma_start3A] : memref<16x640xf32, #tpu.memory_space<vmem>> -> memref<1x640xf32, #tpu.memory_space<vmem>>
        %dma_start3A_89 = tpu.memref_squeeze %dma_start3A_88 : memref<1x640xf32, #tpu.memory_space<vmem>> -> memref<640xf32, #tpu.memory_space<vmem>>
        %dma_start3A_90 = tpu.memref_slice %arg10[%run_scoped3A_64, %mul3A_63] : memref<16x10240xf32, #tpu.memory_space<vmem_shared>> -> memref<1x640xf32, #tpu.memory_space<vmem_shared>>
        %dma_start3A_91 = tpu.memref_squeeze %dma_start3A_90 : memref<1x640xf32, #tpu.memory_space<vmem_shared>> -> memref<640xf32, #tpu.memory_space<vmem_shared>>
        %dma_start3A_92 = arith.constant 0 : i32
        %dma_start3A_93 = tpu.memref_slice %arg7[%run_scoped3A_65, %dma_start3A_92] : memref<16x640xf32, #tpu.memory_space<vmem>> -> memref<1x640xf32, #tpu.memory_space<vmem>>
        %dma_start3A_94 = tpu.memref_squeeze %dma_start3A_93 : memref<1x640xf32, #tpu.memory_space<vmem>> -> memref<640xf32, #tpu.memory_space<vmem>>
        %dma_start3A_95 = tpu.memref_slice %arg10[%run_scoped3A_64, %mul3A_63] : memref<16x10240xf32, #tpu.memory_space<vmem_shared>> -> memref<1x640xf32, #tpu.memory_space<vmem_shared>>
        %dma_start3A_96 = tpu.memref_squeeze %dma_start3A_95 : memref<1x640xf32, #tpu.memory_space<vmem_shared>> -> memref<640xf32, #tpu.memory_space<vmem_shared>>
        tpu.enqueue_dma source(%dma_start3A_96 : memref<640xf32, #tpu.memory_space<vmem_shared>>) target(%dma_start3A_94 : memref<640xf32, #tpu.memory_space<vmem>>) target_semaphore(%run_scoped3A_87 : memref<!tpu.dma_semaphore, #tpu.memory_space<semaphore_mem>>)
        %dma_wait3A = arith.constant 0 : i32
        %dma_wait3A_97 = tpu.memref_slice %arg7[%run_scoped3A_65, %dma_wait3A] : memref<16x640xf32, #tpu.memory_space<vmem>> -> memref<1x640xf32, #tpu.memory_space<vmem>>
        %dma_wait3A_98 = tpu.memref_squeeze %dma_wait3A_97 : memref<1x640xf32, #tpu.memory_space<vmem>> -> memref<640xf32, #tpu.memory_space<vmem>>
        %dma_wait3A_99 = tpu.memref_slice %arg10[%run_scoped3A_64, %mul3A_63] : memref<16x10240xf32, #tpu.memory_space<vmem_shared>> -> memref<1x640xf32, #tpu.memory_space<vmem_shared>>
        %dma_wait3A_100 = tpu.memref_squeeze %dma_wait3A_99 : memref<1x640xf32, #tpu.memory_space<vmem_shared>> -> memref<640xf32, #tpu.memory_space<vmem_shared>>
        %dma_wait3A_101 = arith.constant 0 : i32
        %dma_wait3A_102 = tpu.memref_slice %arg7[%run_scoped3A_65, %dma_wait3A_101] : memref<16x640xf32, #tpu.memory_space<vmem>> -> memref<1x640xf32, #tpu.memory_space<vmem>>
        %dma_wait3A_103 = tpu.memref_squeeze %dma_wait3A_102 : memref<1x640xf32, #tpu.memory_space<vmem>> -> memref<640xf32, #tpu.memory_space<vmem>>
        %dma_wait3A_104 = tpu.memref_slice %arg10[%run_scoped3A_64, %mul3A_63] : memref<16x10240xf32, #tpu.memory_space<vmem_shared>> -> memref<1x640xf32, #tpu.memory_space<vmem_shared>>
        %dma_wait3A_105 = tpu.memref_squeeze %dma_wait3A_104 : memref<1x640xf32, #tpu.memory_space<vmem_shared>> -> memref<640xf32, #tpu.memory_space<vmem_shared>>
        tpu.wait_dma2 semaphore(%run_scoped3A_87 : memref<!tpu.dma_semaphore, #tpu.memory_space<semaphore_mem>>) src(%dma_wait3A_105 : memref<640xf32, #tpu.memory_space<vmem_shared>>) dst(%dma_wait3A_103 : memref<640xf32, #tpu.memory_space<vmem>>)
        tpu.yield
      }) : () -> ()
      %mul3A_66 = arith.constant 640 : i32
      %mul3A_67 = arith.muli %arg1, %mul3A_66 : i32
      %run_scoped3A_68 = arith.constant 13 : i32
      %run_scoped3A_69 = arith.constant 13 : i32
      "tpu.region"() ({
        %run_scoped3A_87 = tpu.sem_alloc : memref<!tpu.dma_semaphore, #tpu.memory_space<semaphore_mem>>
        %dma_start3A = arith.constant 0 : i32
        %dma_start3A_88 = tpu.memref_slice %arg7[%run_scoped3A_69, %dma_start3A] : memref<16x640xf32, #tpu.memory_space<vmem>> -> memref<1x640xf32, #tpu.memory_space<vmem>>
        %dma_start3A_89 = tpu.memref_squeeze %dma_start3A_88 : memref<1x640xf32, #tpu.memory_space<vmem>> -> memref<640xf32, #tpu.memory_space<vmem>>
        %dma_start3A_90 = tpu.memref_slice %arg10[%run_scoped3A_68, %mul3A_67] : memref<16x10240xf32, #tpu.memory_space<vmem_shared>> -> memref<1x640xf32, #tpu.memory_space<vmem_shared>>
        %dma_start3A_91 = tpu.memref_squeeze %dma_start3A_90 : memref<1x640xf32, #tpu.memory_space<vmem_shared>> -> memref<640xf32, #tpu.memory_space<vmem_shared>>
        %dma_start3A_92 = arith.constant 0 : i32
        %dma_start3A_93 = tpu.memref_slice %arg7[%run_scoped3A_69, %dma_start3A_92] : memref<16x640xf32, #tpu.memory_space<vmem>> -> memref<1x640xf32, #tpu.memory_space<vmem>>
        %dma_start3A_94 = tpu.memref_squeeze %dma_start3A_93 : memref<1x640xf32, #tpu.memory_space<vmem>> -> memref<640xf32, #tpu.memory_space<vmem>>
        %dma_start3A_95 = tpu.memref_slice %arg10[%run_scoped3A_68, %mul3A_67] : memref<16x10240xf32, #tpu.memory_space<vmem_shared>> -> memref<1x640xf32, #tpu.memory_space<vmem_shared>>
        %dma_start3A_96 = tpu.memref_squeeze %dma_start3A_95 : memref<1x640xf32, #tpu.memory_space<vmem_shared>> -> memref<640xf32, #tpu.memory_space<vmem_shared>>
        tpu.enqueue_dma source(%dma_start3A_96 : memref<640xf32, #tpu.memory_space<vmem_shared>>) target(%dma_start3A_94 : memref<640xf32, #tpu.memory_space<vmem>>) target_semaphore(%run_scoped3A_87 : memref<!tpu.dma_semaphore, #tpu.memory_space<semaphore_mem>>)
        %dma_wait3A = arith.constant 0 : i32
        %dma_wait3A_97 = tpu.memref_slice %arg7[%run_scoped3A_69, %dma_wait3A] : memref<16x640xf32, #tpu.memory_space<vmem>> -> memref<1x640xf32, #tpu.memory_space<vmem>>
        %dma_wait3A_98 = tpu.memref_squeeze %dma_wait3A_97 : memref<1x640xf32, #tpu.memory_space<vmem>> -> memref<640xf32, #tpu.memory_space<vmem>>
        %dma_wait3A_99 = tpu.memref_slice %arg10[%run_scoped3A_68, %mul3A_67] : memref<16x10240xf32, #tpu.memory_space<vmem_shared>> -> memref<1x640xf32, #tpu.memory_space<vmem_shared>>
        %dma_wait3A_100 = tpu.memref_squeeze %dma_wait3A_99 : memref<1x640xf32, #tpu.memory_space<vmem_shared>> -> memref<640xf32, #tpu.memory_space<vmem_shared>>
        %dma_wait3A_101 = arith.constant 0 : i32
        %dma_wait3A_102 = tpu.memref_slice %arg7[%run_scoped3A_69, %dma_wait3A_101] : memref<16x640xf32, #tpu.memory_space<vmem>> -> memref<1x640xf32, #tpu.memory_space<vmem>>
        %dma_wait3A_103 = tpu.memref_squeeze %dma_wait3A_102 : memref<1x640xf32, #tpu.memory_space<vmem>> -> memref<640xf32, #tpu.memory_space<vmem>>
        %dma_wait3A_104 = tpu.memref_slice %arg10[%run_scoped3A_68, %mul3A_67] : memref<16x10240xf32, #tpu.memory_space<vmem_shared>> -> memref<1x640xf32, #tpu.memory_space<vmem_shared>>
        %dma_wait3A_105 = tpu.memref_squeeze %dma_wait3A_104 : memref<1x640xf32, #tpu.memory_space<vmem_shared>> -> memref<640xf32, #tpu.memory_space<vmem_shared>>
        tpu.wait_dma2 semaphore(%run_scoped3A_87 : memref<!tpu.dma_semaphore, #tpu.memory_space<semaphore_mem>>) src(%dma_wait3A_105 : memref<640xf32, #tpu.memory_space<vmem_shared>>) dst(%dma_wait3A_103 : memref<640xf32, #tpu.memory_space<vmem>>)
        tpu.yield
      }) : () -> ()
      %mul3A_70 = arith.constant 640 : i32
      %mul3A_71 = arith.muli %arg1, %mul3A_70 : i32
      %run_scoped3A_72 = arith.constant 14 : i32
      %run_scoped3A_73 = arith.constant 14 : i32
      "tpu.region"() ({
        %run_scoped3A_87 = tpu.sem_alloc : memref<!tpu.dma_semaphore, #tpu.memory_space<semaphore_mem>>
        %dma_start3A = arith.constant 0 : i32
        %dma_start3A_88 = tpu.memref_slice %arg7[%run_scoped3A_73, %dma_start3A] : memref<16x640xf32, #tpu.memory_space<vmem>> -> memref<1x640xf32, #tpu.memory_space<vmem>>
        %dma_start3A_89 = tpu.memref_squeeze %dma_start3A_88 : memref<1x640xf32, #tpu.memory_space<vmem>> -> memref<640xf32, #tpu.memory_space<vmem>>
        %dma_start3A_90 = tpu.memref_slice %arg10[%run_scoped3A_72, %mul3A_71] : memref<16x10240xf32, #tpu.memory_space<vmem_shared>> -> memref<1x640xf32, #tpu.memory_space<vmem_shared>>
        %dma_start3A_91 = tpu.memref_squeeze %dma_start3A_90 : memref<1x640xf32, #tpu.memory_space<vmem_shared>> -> memref<640xf32, #tpu.memory_space<vmem_shared>>
        %dma_start3A_92 = arith.constant 0 : i32
        %dma_start3A_93 = tpu.memref_slice %arg7[%run_scoped3A_73, %dma_start3A_92] : memref<16x640xf32, #tpu.memory_space<vmem>> -> memref<1x640xf32, #tpu.memory_space<vmem>>
        %dma_start3A_94 = tpu.memref_squeeze %dma_start3A_93 : memref<1x640xf32, #tpu.memory_space<vmem>> -> memref<640xf32, #tpu.memory_space<vmem>>
        %dma_start3A_95 = tpu.memref_slice %arg10[%run_scoped3A_72, %mul3A_71] : memref<16x10240xf32, #tpu.memory_space<vmem_shared>> -> memref<1x640xf32, #tpu.memory_space<vmem_shared>>
        %dma_start3A_96 = tpu.memref_squeeze %dma_start3A_95 : memref<1x640xf32, #tpu.memory_space<vmem_shared>> -> memref<640xf32, #tpu.memory_space<vmem_shared>>
        tpu.enqueue_dma source(%dma_start3A_96 : memref<640xf32, #tpu.memory_space<vmem_shared>>) target(%dma_start3A_94 : memref<640xf32, #tpu.memory_space<vmem>>) target_semaphore(%run_scoped3A_87 : memref<!tpu.dma_semaphore, #tpu.memory_space<semaphore_mem>>)
        %dma_wait3A = arith.constant 0 : i32
        %dma_wait3A_97 = tpu.memref_slice %arg7[%run_scoped3A_73, %dma_wait3A] : memref<16x640xf32, #tpu.memory_space<vmem>> -> memref<1x640xf32, #tpu.memory_space<vmem>>
        %dma_wait3A_98 = tpu.memref_squeeze %dma_wait3A_97 : memref<1x640xf32, #tpu.memory_space<vmem>> -> memref<640xf32, #tpu.memory_space<vmem>>
        %dma_wait3A_99 = tpu.memref_slice %arg10[%run_scoped3A_72, %mul3A_71] : memref<16x10240xf32, #tpu.memory_space<vmem_shared>> -> memref<1x640xf32, #tpu.memory_space<vmem_shared>>
        %dma_wait3A_100 = tpu.memref_squeeze %dma_wait3A_99 : memref<1x640xf32, #tpu.memory_space<vmem_shared>> -> memref<640xf32, #tpu.memory_space<vmem_shared>>
        %dma_wait3A_101 = arith.constant 0 : i32
        %dma_wait3A_102 = tpu.memref_slice %arg7[%run_scoped3A_73, %dma_wait3A_101] : memref<16x640xf32, #tpu.memory_space<vmem>> -> memref<1x640xf32, #tpu.memory_space<vmem>>
        %dma_wait3A_103 = tpu.memref_squeeze %dma_wait3A_102 : memref<1x640xf32, #tpu.memory_space<vmem>> -> memref<640xf32, #tpu.memory_space<vmem>>
        %dma_wait3A_104 = tpu.memref_slice %arg10[%run_scoped3A_72, %mul3A_71] : memref<16x10240xf32, #tpu.memory_space<vmem_shared>> -> memref<1x640xf32, #tpu.memory_space<vmem_shared>>
        %dma_wait3A_105 = tpu.memref_squeeze %dma_wait3A_104 : memref<1x640xf32, #tpu.memory_space<vmem_shared>> -> memref<640xf32, #tpu.memory_space<vmem_shared>>
        tpu.wait_dma2 semaphore(%run_scoped3A_87 : memref<!tpu.dma_semaphore, #tpu.memory_space<semaphore_mem>>) src(%dma_wait3A_105 : memref<640xf32, #tpu.memory_space<vmem_shared>>) dst(%dma_wait3A_103 : memref<640xf32, #tpu.memory_space<vmem>>)
        tpu.yield
      }) : () -> ()
      %mul3A_74 = arith.constant 640 : i32
      %mul3A_75 = arith.muli %arg1, %mul3A_74 : i32
      %run_scoped3A_76 = arith.constant 15 : i32
      %run_scoped3A_77 = arith.constant 15 : i32
      "tpu.region"() ({
        %run_scoped3A_87 = tpu.sem_alloc : memref<!tpu.dma_semaphore, #tpu.memory_space<semaphore_mem>>
        %dma_start3A = arith.constant 0 : i32
        %dma_start3A_88 = tpu.memref_slice %arg7[%run_scoped3A_77, %dma_start3A] : memref<16x640xf32, #tpu.memory_space<vmem>> -> memref<1x640xf32, #tpu.memory_space<vmem>>
        %dma_start3A_89 = tpu.memref_squeeze %dma_start3A_88 : memref<1x640xf32, #tpu.memory_space<vmem>> -> memref<640xf32, #tpu.memory_space<vmem>>
        %dma_start3A_90 = tpu.memref_slice %arg10[%run_scoped3A_76, %mul3A_75] : memref<16x10240xf32, #tpu.memory_space<vmem_shared>> -> memref<1x640xf32, #tpu.memory_space<vmem_shared>>
        %dma_start3A_91 = tpu.memref_squeeze %dma_start3A_90 : memref<1x640xf32, #tpu.memory_space<vmem_shared>> -> memref<640xf32, #tpu.memory_space<vmem_shared>>
        %dma_start3A_92 = arith.constant 0 : i32
        %dma_start3A_93 = tpu.memref_slice %arg7[%run_scoped3A_77, %dma_start3A_92] : memref<16x640xf32, #tpu.memory_space<vmem>> -> memref<1x640xf32, #tpu.memory_space<vmem>>
        %dma_start3A_94 = tpu.memref_squeeze %dma_start3A_93 : memref<1x640xf32, #tpu.memory_space<vmem>> -> memref<640xf32, #tpu.memory_space<vmem>>
        %dma_start3A_95 = tpu.memref_slice %arg10[%run_scoped3A_76, %mul3A_75] : memref<16x10240xf32, #tpu.memory_space<vmem_shared>> -> memref<1x640xf32, #tpu.memory_space<vmem_shared>>
        %dma_start3A_96 = tpu.memref_squeeze %dma_start3A_95 : memref<1x640xf32, #tpu.memory_space<vmem_shared>> -> memref<640xf32, #tpu.memory_space<vmem_shared>>
        tpu.enqueue_dma source(%dma_start3A_96 : memref<640xf32, #tpu.memory_space<vmem_shared>>) target(%dma_start3A_94 : memref<640xf32, #tpu.memory_space<vmem>>) target_semaphore(%run_scoped3A_87 : memref<!tpu.dma_semaphore, #tpu.memory_space<semaphore_mem>>)
        %dma_wait3A = arith.constant 0 : i32
        %dma_wait3A_97 = tpu.memref_slice %arg7[%run_scoped3A_77, %dma_wait3A] : memref<16x640xf32, #tpu.memory_space<vmem>> -> memref<1x640xf32, #tpu.memory_space<vmem>>
        %dma_wait3A_98 = tpu.memref_squeeze %dma_wait3A_97 : memref<1x640xf32, #tpu.memory_space<vmem>> -> memref<640xf32, #tpu.memory_space<vmem>>
        %dma_wait3A_99 = tpu.memref_slice %arg10[%run_scoped3A_76, %mul3A_75] : memref<16x10240xf32, #tpu.memory_space<vmem_shared>> -> memref<1x640xf32, #tpu.memory_space<vmem_shared>>
        %dma_wait3A_100 = tpu.memref_squeeze %dma_wait3A_99 : memref<1x640xf32, #tpu.memory_space<vmem_shared>> -> memref<640xf32, #tpu.memory_space<vmem_shared>>
        %dma_wait3A_101 = arith.constant 0 : i32
        %dma_wait3A_102 = tpu.memref_slice %arg7[%run_scoped3A_77, %dma_wait3A_101] : memref<16x640xf32, #tpu.memory_space<vmem>> -> memref<1x640xf32, #tpu.memory_space<vmem>>
        %dma_wait3A_103 = tpu.memref_squeeze %dma_wait3A_102 : memref<1x640xf32, #tpu.memory_space<vmem>> -> memref<640xf32, #tpu.memory_space<vmem>>
        %dma_wait3A_104 = tpu.memref_slice %arg10[%run_scoped3A_76, %mul3A_75] : memref<16x10240xf32, #tpu.memory_space<vmem_shared>> -> memref<1x640xf32, #tpu.memory_space<vmem_shared>>
        %dma_wait3A_105 = tpu.memref_squeeze %dma_wait3A_104 : memref<1x640xf32, #tpu.memory_space<vmem_shared>> -> memref<640xf32, #tpu.memory_space<vmem_shared>>
        tpu.wait_dma2 semaphore(%run_scoped3A_87 : memref<!tpu.dma_semaphore, #tpu.memory_space<semaphore_mem>>) src(%dma_wait3A_105 : memref<640xf32, #tpu.memory_space<vmem_shared>>) dst(%dma_wait3A_103 : memref<640xf32, #tpu.memory_space<vmem>>)
        tpu.yield
      }) : () -> ()
      %scan3A_78 = arith.constant 0 : i32
      %scan3A_79 = arith.constant 0 : i32
      %scan3A_80 = arith.constant 40 : i32
      %scan3A_81 = arith.addi %scan3A_79, %scan3A_80 : i32
      %scan3A_82 = arith.constant 1 : i32
      %scan3A_83 = scf.for %scan3A_87 = %scan3A_79 to %scan3A_81 step %scan3A_82 iter_args(%scan3A_88 = %scan3A_78) -> (i32)  : i32 {
        %broadcast_in_dim3A_89 = arith.constant 0.000000e+00 : f32
        %broadcast_in_dim3A_90 = vector.broadcast %broadcast_in_dim3A_89 : f32 to vector<16xf32>
        %mul3A_91 = arith.constant 16 : i32
        %mul3A_92 = arith.muli %scan3A_87, %mul3A_91 : i32
        %get3A = arith.constant 0 : i32
        %get3A_93 = arith.index_cast %get3A : i32 to index
        %get3A_94 = arith.index_cast %mul3A_92 : i32 to index
        %get3A_95 = tpu.vector_load %arg7[%get3A_93, %get3A_94] {strides = array<i32>} : memref<16x640xf32, #tpu.memory_space<vmem>>, vector<16xf32>,
        %add3A = arith.addf %broadcast_in_dim3A_90, %get3A_95 : vector<16xf32>
        %mul3A_96 = arith.constant 16 : i32
        %mul3A_97 = arith.muli %scan3A_87, %mul3A_96 : i32
        %get3A_98 = arith.constant 1 : i32
        %get3A_99 = arith.index_cast %get3A_98 : i32 to index
        %get3A_100 = arith.index_cast %mul3A_97 : i32 to index
        %get3A_101 = tpu.vector_load %arg7[%get3A_99, %get3A_100] {strides = array<i32>} : memref<16x640xf32, #tpu.memory_space<vmem>>, vector<16xf32>,
        %add3A_102 = arith.addf %add3A, %get3A_101 : vector<16xf32>
        %mul3A_103 = arith.constant 16 : i32
        %mul3A_104 = arith.muli %scan3A_87, %mul3A_103 : i32
        %get3A_105 = arith.constant 2 : i32
        %get3A_106 = arith.index_cast %get3A_105 : i32 to index
        %get3A_107 = arith.index_cast %mul3A_104 : i32 to index
        %get3A_108 = tpu.vector_load %arg7[%get3A_106, %get3A_107] {strides = array<i32>} : memref<16x640xf32, #tpu.memory_space<vmem>>, vector<16xf32>,
        %add3A_109 = arith.addf %add3A_102, %get3A_108 : vector<16xf32>
        %mul3A_110 = arith.constant 16 : i32
        %mul3A_111 = arith.muli %scan3A_87, %mul3A_110 : i32
        %get3A_112 = arith.constant 3 : i32
        %get3A_113 = arith.index_cast %get3A_112 : i32 to index
        %get3A_114 = arith.index_cast %mul3A_111 : i32 to index
        %get3A_115 = tpu.vector_load %arg7[%get3A_113, %get3A_114] {strides = array<i32>} : memref<16x640xf32, #tpu.memory_space<vmem>>, vector<16xf32>,
        %add3A_116 = arith.addf %add3A_109, %get3A_115 : vector<16xf32>
        %mul3A_117 = arith.constant 16 : i32
        %mul3A_118 = arith.muli %scan3A_87, %mul3A_117 : i32
        %get3A_119 = arith.constant 4 : i32
        %get3A_120 = arith.index_cast %get3A_119 : i32 to index
        %get3A_121 = arith.index_cast %mul3A_118 : i32 to index
        %get3A_122 = tpu.vector_load %arg7[%get3A_120, %get3A_121] {strides = array<i32>} : memref<16x640xf32, #tpu.memory_space<vmem>>, vector<16xf32>,
        %add3A_123 = arith.addf %add3A_116, %get3A_122 : vector<16xf32>
        %mul3A_124 = arith.constant 16 : i32
        %mul3A_125 = arith.muli %scan3A_87, %mul3A_124 : i32
        %get3A_126 = arith.constant 5 : i32
        %get3A_127 = arith.index_cast %get3A_126 : i32 to index
        %get3A_128 = arith.index_cast %mul3A_125 : i32 to index
        %get3A_129 = tpu.vector_load %arg7[%get3A_127, %get3A_128] {strides = array<i32>} : memref<16x640xf32, #tpu.memory_space<vmem>>, vector<16xf32>,
        %add3A_130 = arith.addf %add3A_123, %get3A_129 : vector<16xf32>
        %mul3A_131 = arith.constant 16 : i32
        %mul3A_132 = arith.muli %scan3A_87, %mul3A_131 : i32
        %get3A_133 = arith.constant 6 : i32
        %get3A_134 = arith.index_cast %get3A_133 : i32 to index
        %get3A_135 = arith.index_cast %mul3A_132 : i32 to index
        %get3A_136 = tpu.vector_load %arg7[%get3A_134, %get3A_135] {strides = array<i32>} : memref<16x640xf32, #tpu.memory_space<vmem>>, vector<16xf32>,
        %add3A_137 = arith.addf %add3A_130, %get3A_136 : vector<16xf32>
        %mul3A_138 = arith.constant 16 : i32
        %mul3A_139 = arith.muli %scan3A_87, %mul3A_138 : i32
        %get3A_140 = arith.constant 7 : i32
        %get3A_141 = arith.index_cast %get3A_140 : i32 to index
        %get3A_142 = arith.index_cast %mul3A_139 : i32 to index
        %get3A_143 = tpu.vector_load %arg7[%get3A_141, %get3A_142] {strides = array<i32>} : memref<16x640xf32, #tpu.memory_space<vmem>>, vector<16xf32>,
        %add3A_144 = arith.addf %add3A_137, %get3A_143 : vector<16xf32>
        %mul3A_145 = arith.constant 16 : i32
        %mul3A_146 = arith.muli %scan3A_87, %mul3A_145 : i32
        %get3A_147 = arith.constant 8 : i32
        %get3A_148 = arith.index_cast %get3A_147 : i32 to index
        %get3A_149 = arith.index_cast %mul3A_146 : i32 to index
        %get3A_150 = tpu.vector_load %arg7[%get3A_148, %get3A_149] {strides = array<i32>} : memref<16x640xf32, #tpu.memory_space<vmem>>, vector<16xf32>,
        %add3A_151 = arith.addf %add3A_144, %get3A_150 : vector<16xf32>
        %mul3A_152 = arith.constant 16 : i32
        %mul3A_153 = arith.muli %scan3A_87, %mul3A_152 : i32
        %get3A_154 = arith.constant 9 : i32
        %get3A_155 = arith.index_cast %get3A_154 : i32 to index
        %get3A_156 = arith.index_cast %mul3A_153 : i32 to index
        %get3A_157 = tpu.vector_load %arg7[%get3A_155, %get3A_156] {strides = array<i32>} : memref<16x640xf32, #tpu.memory_space<vmem>>, vector<16xf32>,
        %add3A_158 = arith.addf %add3A_151, %get3A_157 : vector<16xf32>
        %mul3A_159 = arith.constant 16 : i32
        %mul3A_160 = arith.muli %scan3A_87, %mul3A_159 : i32
        %get3A_161 = arith.constant 10 : i32
        %get3A_162 = arith.index_cast %get3A_161 : i32 to index
        %get3A_163 = arith.index_cast %mul3A_160 : i32 to index
        %get3A_164 = tpu.vector_load %arg7[%get3A_162, %get3A_163] {strides = array<i32>} : memref<16x640xf32, #tpu.memory_space<vmem>>, vector<16xf32>,
        %add3A_165 = arith.addf %add3A_158, %get3A_164 : vector<16xf32>
        %mul3A_166 = arith.constant 16 : i32
        %mul3A_167 = arith.muli %scan3A_87, %mul3A_166 : i32
        %get3A_168 = arith.constant 11 : i32
        %get3A_169 = arith.index_cast %get3A_168 : i32 to index
        %get3A_170 = arith.index_cast %mul3A_167 : i32 to index
        %get3A_171 = tpu.vector_load %arg7[%get3A_169, %get3A_170] {strides = array<i32>} : memref<16x640xf32, #tpu.memory_space<vmem>>, vector<16xf32>,
        %add3A_172 = arith.addf %add3A_165, %get3A_171 : vector<16xf32>
        %mul3A_173 = arith.constant 16 : i32
        %mul3A_174 = arith.muli %scan3A_87, %mul3A_173 : i32
        %get3A_175 = arith.constant 12 : i32
        %get3A_176 = arith.index_cast %get3A_175 : i32 to index
        %get3A_177 = arith.index_cast %mul3A_174 : i32 to index
        %get3A_178 = tpu.vector_load %arg7[%get3A_176, %get3A_177] {strides = array<i32>} : memref<16x640xf32, #tpu.memory_space<vmem>>, vector<16xf32>,
        %add3A_179 = arith.addf %add3A_172, %get3A_178 : vector<16xf32>
        %mul3A_180 = arith.constant 16 : i32
        %mul3A_181 = arith.muli %scan3A_87, %mul3A_180 : i32
        %get3A_182 = arith.constant 13 : i32
        %get3A_183 = arith.index_cast %get3A_182 : i32 to index
        %get3A_184 = arith.index_cast %mul3A_181 : i32 to index
        %get3A_185 = tpu.vector_load %arg7[%get3A_183, %get3A_184] {strides = array<i32>} : memref<16x640xf32, #tpu.memory_space<vmem>>, vector<16xf32>,
        %add3A_186 = arith.addf %add3A_179, %get3A_185 : vector<16xf32>
        %mul3A_187 = arith.constant 16 : i32
        %mul3A_188 = arith.muli %scan3A_87, %mul3A_187 : i32
        %get3A_189 = arith.constant 14 : i32
        %get3A_190 = arith.index_cast %get3A_189 : i32 to index
        %get3A_191 = arith.index_cast %mul3A_188 : i32 to index
        %get3A_192 = tpu.vector_load %arg7[%get3A_190, %get3A_191] {strides = array<i32>} : memref<16x640xf32, #tpu.memory_space<vmem>>, vector<16xf32>,
        %add3A_193 = arith.addf %add3A_186, %get3A_192 : vector<16xf32>
        %mul3A_194 = arith.constant 16 : i32
        %mul3A_195 = arith.muli %scan3A_87, %mul3A_194 : i32
        %get3A_196 = arith.constant 15 : i32
        %get3A_197 = arith.index_cast %get3A_196 : i32 to index
        %get3A_198 = arith.index_cast %mul3A_195 : i32 to index
        %get3A_199 = tpu.vector_load %arg7[%get3A_197, %get3A_198] {strides = array<i32>} : memref<16x640xf32, #tpu.memory_space<vmem>>, vector<16xf32>,
        %add3A_200 = arith.addf %add3A_193, %get3A_199 : vector<16xf32>
        %mul3A_201 = arith.constant 16 : i32
        %mul3A_202 = arith.muli %scan3A_87, %mul3A_201 : i32
        %swap3A = arith.index_cast %mul3A_202 : i32 to index
        %swap3A_203 = tpu.vector_load %arg11[%swap3A] {strides = array<i32>} : memref<640xf32, #tpu.memory_space<vmem>>, vector<16xf32>,
        tpu.vector_store %arg11[%swap3A], %add3A_200 {strides = array<i32>} : memref<640xf32, #tpu.memory_space<vmem>>, vector<16xf32>,
        %scan3A_204 = arith.constant 0 : i32
        scf.yield %scan3A_204 : i32
      }
      %scan3A_84 = arith.constant 40 : i32
      %mul3A_85 = arith.constant 640 : i32
      %mul3A_86 = arith.muli %arg1, %mul3A_85 : i32
      "tpu.region"() ({
        %run_scoped3A_87 = tpu.sem_alloc : memref<!tpu.dma_semaphore, #tpu.memory_space<semaphore_mem>>
        %dma_start3A = tpu.memref_slice %arg5[%mul3A_86] : memref<10240xf32, #tpu.memory_space<hbm>> -> memref<640xf32, #tpu.memory_space<hbm>>
        %dma_start3A_88 = tpu.memref_slice %arg5[%mul3A_86] : memref<10240xf32, #tpu.memory_space<hbm>> -> memref<640xf32, #tpu.memory_space<hbm>>
        tpu.enqueue_dma source(%arg11 : memref<640xf32, #tpu.memory_space<vmem>>) target(%dma_start3A_88 : memref<640xf32, #tpu.memory_space<hbm>>) target_semaphore(%run_scoped3A_87 : memref<!tpu.dma_semaphore, #tpu.memory_space<semaphore_mem>>)
        %dma_wait3A = tpu.memref_slice %arg5[%mul3A_86] : memref<10240xf32, #tpu.memory_space<hbm>> -> memref<640xf32, #tpu.memory_space<hbm>>
        %dma_wait3A_89 = tpu.memref_slice %arg5[%mul3A_86] : memref<10240xf32, #tpu.memory_space<hbm>> -> memref<640xf32, #tpu.memory_space<hbm>>
        tpu.wait_dma2 semaphore(%run_scoped3A_87 : memref<!tpu.dma_semaphore, #tpu.memory_space<semaphore_mem>>) src(%arg11 : memref<640xf32, #tpu.memory_space<vmem>>) dst(%dma_wait3A_89 : memref<640xf32, #tpu.memory_space<hbm>>)
        tpu.yield
      }) : () -> ()
    } else {
    }
    %eq3A_2 = arith.constant 1 : i32
    %eq3A_3 = arith.cmpi eq, %arg0, %eq3A_2 : i32
    %convert_element_type3A_4 = arith.extui %eq3A_3 : i1 to i32
    %cond3A_5 = arith.constant 0 : i32
    %cond3A_6 = arith.cmpi ne, %convert_element_type3A_4, %cond3A_5 : i32
    scf.if %cond3A_6 {
      %mul3A = arith.constant 20000 : i32
      %mul3A_7 = arith.muli %arg1, %mul3A : i32
      "tpu.region"() ({
        %run_scoped3A_87 = tpu.sem_alloc : memref<!tpu.dma_semaphore, #tpu.memory_space<semaphore_mem>>
        %dma_start3A = tpu.memref_slice %arg3[%mul3A_7] : memref<320000xi32, #tpu.memory_space<hbm>> -> memref<20000xi32, #tpu.memory_space<hbm>>
        %dma_start3A_88 = tpu.memref_slice %arg3[%mul3A_7] : memref<320000xi32, #tpu.memory_space<hbm>> -> memref<20000xi32, #tpu.memory_space<hbm>>
        tpu.enqueue_dma source(%dma_start3A_88 : memref<20000xi32, #tpu.memory_space<hbm>>) target(%arg9 : memref<20000xi32, #tpu.memory_space<vmem>>) target_semaphore(%run_scoped3A_87 : memref<!tpu.dma_semaphore, #tpu.memory_space<semaphore_mem>>)
        %dma_wait3A = tpu.memref_slice %arg3[%mul3A_7] : memref<320000xi32, #tpu.memory_space<hbm>> -> memref<20000xi32, #tpu.memory_space<hbm>>
        %dma_wait3A_89 = tpu.memref_slice %arg3[%mul3A_7] : memref<320000xi32, #tpu.memory_space<hbm>> -> memref<20000xi32, #tpu.memory_space<hbm>>
        tpu.wait_dma2 semaphore(%run_scoped3A_87 : memref<!tpu.dma_semaphore, #tpu.memory_space<semaphore_mem>>) src(%dma_wait3A_89 : memref<20000xi32, #tpu.memory_space<hbm>>) dst(%arg9 : memref<20000xi32, #tpu.memory_space<vmem>>)
        tpu.yield
      }) : () -> ()
      %broadcast_in_dim3A = arith.constant 1.000000e+00 : f32
      %broadcast_in_dim3A_8 = vector.broadcast %broadcast_in_dim3A : f32 to vector<16xf32>
      %scan3A = arith.constant 0 : i32
      %scan3A_9 = arith.constant 0 : i32
      %scan3A_10 = arith.constant 1250 : i32
      %scan3A_11 = arith.addi %scan3A_9, %scan3A_10 : i32
      %scan3A_12 = arith.constant 1 : i32
      %scan3A_13 = scf.for %scan3A_87 = %scan3A_9 to %scan3A_11 step %scan3A_12 iter_args(%scan3A_88 = %scan3A) -> (i32)  : i32 {
        %mul3A_89 = arith.constant 16 : i32
        %mul3A_90 = arith.muli %scan3A_87, %mul3A_89 : i32
        %get3A = arith.index_cast %mul3A_90 : i32 to index
        %get3A_91 = tpu.vector_load %arg9[%get3A] {strides = array<i32>} : memref<20000xi32, #tpu.memory_space<vmem>>, vector<16xi32>,
        tpu.vector_store_idx %arg8[%get3A_91], %broadcast_in_dim3A_8 {add = true} : memref<10240xf32, #tpu.memory_space<vmem>>[vector<16xi32>], vector<16xf32>,
        %scan3A_92 = arith.constant 0 : i32
        scf.yield %scan3A_92 : i32
      }
      %scan3A_14 = arith.constant 1250 : i32
      "tpu.region"() ({
        %run_scoped3A_87 = tpu.sem_alloc : memref<!tpu.dma_semaphore, #tpu.memory_space<semaphore_mem>>
        %dma_start3A = arith.constant 0 : i32
        %dma_start3A_88 = tpu.memref_slice %arg10[%arg1, %dma_start3A] : memref<16x10240xf32, #tpu.memory_space<vmem_shared>> -> memref<1x10240xf32, #tpu.memory_space<vmem_shared>>
        %dma_start3A_89 = tpu.memref_squeeze %dma_start3A_88 : memref<1x10240xf32, #tpu.memory_space<vmem_shared>> -> memref<10240xf32, #tpu.memory_space<vmem_shared>>
        %dma_start3A_90 = arith.constant 0 : i32
        %dma_start3A_91 = tpu.memref_slice %arg10[%arg1, %dma_start3A_90] : memref<16x10240xf32, #tpu.memory_space<vmem_shared>> -> memref<1x10240xf32, #tpu.memory_space<vmem_shared>>
        %dma_start3A_92 = tpu.memref_squeeze %dma_start3A_91 : memref<1x10240xf32, #tpu.memory_space<vmem_shared>> -> memref<10240xf32, #tpu.memory_space<vmem_shared>>
        tpu.enqueue_dma source(%arg8 : memref<10240xf32, #tpu.memory_space<vmem>>) target(%dma_start3A_92 : memref<10240xf32, #tpu.memory_space<vmem_shared>>) target_semaphore(%run_scoped3A_87 : memref<!tpu.dma_semaphore, #tpu.memory_space<semaphore_mem>>)
        %dma_wait3A = arith.constant 0 : i32
        %dma_wait3A_93 = tpu.memref_slice %arg10[%arg1, %dma_wait3A] : memref<16x10240xf32, #tpu.memory_space<vmem_shared>> -> memref<1x10240xf32, #tpu.memory_space<vmem_shared>>
        %dma_wait3A_94 = tpu.memref_squeeze %dma_wait3A_93 : memref<1x10240xf32, #tpu.memory_space<vmem_shared>> -> memref<10240xf32, #tpu.memory_space<vmem_shared>>
        %dma_wait3A_95 = arith.constant 0 : i32
        %dma_wait3A_96 = tpu.memref_slice %arg10[%arg1, %dma_wait3A_95] : memref<16x10240xf32, #tpu.memory_space<vmem_shared>> -> memref<1x10240xf32, #tpu.memory_space<vmem_shared>>
        %dma_wait3A_97 = tpu.memref_squeeze %dma_wait3A_96 : memref<1x10240xf32, #tpu.memory_space<vmem_shared>> -> memref<10240xf32, #tpu.memory_space<vmem_shared>>
        tpu.wait_dma2 semaphore(%run_scoped3A_87 : memref<!tpu.dma_semaphore, #tpu.memory_space<semaphore_mem>>) src(%arg8 : memref<10240xf32, #tpu.memory_space<vmem>>) dst(%dma_wait3A_97 : memref<10240xf32, #tpu.memory_space<vmem_shared>>)
        tpu.yield
      }) : () -> ()
      %barrier3A = arith.constant 0 : index
      tpu.barrier barrier_id(%barrier3A)
      %mul3A_15 = arith.constant 640 : i32
      %mul3A_16 = arith.muli %arg1, %mul3A_15 : i32
      %run_scoped3A = arith.constant 0 : i32
      %run_scoped3A_17 = arith.constant 0 : i32
      "tpu.region"() ({
        %run_scoped3A_87 = tpu.sem_alloc : memref<!tpu.dma_semaphore, #tpu.memory_space<semaphore_mem>>
        %dma_start3A = arith.constant 0 : i32
        %dma_start3A_88 = tpu.memref_slice %arg7[%run_scoped3A_17, %dma_start3A] : memref<16x640xf32, #tpu.memory_space<vmem>> -> memref<1x640xf32, #tpu.memory_space<vmem>>
        %dma_start3A_89 = tpu.memref_squeeze %dma_start3A_88 : memref<1x640xf32, #tpu.memory_space<vmem>> -> memref<640xf32, #tpu.memory_space<vmem>>
        %dma_start3A_90 = tpu.memref_slice %arg10[%run_scoped3A, %mul3A_16] : memref<16x10240xf32, #tpu.memory_space<vmem_shared>> -> memref<1x640xf32, #tpu.memory_space<vmem_shared>>
        %dma_start3A_91 = tpu.memref_squeeze %dma_start3A_90 : memref<1x640xf32, #tpu.memory_space<vmem_shared>> -> memref<640xf32, #tpu.memory_space<vmem_shared>>
        %dma_start3A_92 = arith.constant 0 : i32
        %dma_start3A_93 = tpu.memref_slice %arg7[%run_scoped3A_17, %dma_start3A_92] : memref<16x640xf32, #tpu.memory_space<vmem>> -> memref<1x640xf32, #tpu.memory_space<vmem>>
        %dma_start3A_94 = tpu.memref_squeeze %dma_start3A_93 : memref<1x640xf32, #tpu.memory_space<vmem>> -> memref<640xf32, #tpu.memory_space<vmem>>
        %dma_start3A_95 = tpu.memref_slice %arg10[%run_scoped3A, %mul3A_16] : memref<16x10240xf32, #tpu.memory_space<vmem_shared>> -> memref<1x640xf32, #tpu.memory_space<vmem_shared>>
        %dma_start3A_96 = tpu.memref_squeeze %dma_start3A_95 : memref<1x640xf32, #tpu.memory_space<vmem_shared>> -> memref<640xf32, #tpu.memory_space<vmem_shared>>
        tpu.enqueue_dma source(%dma_start3A_96 : memref<640xf32, #tpu.memory_space<vmem_shared>>) target(%dma_start3A_94 : memref<640xf32, #tpu.memory_space<vmem>>) target_semaphore(%run_scoped3A_87 : memref<!tpu.dma_semaphore, #tpu.memory_space<semaphore_mem>>)
        %dma_wait3A = arith.constant 0 : i32
        %dma_wait3A_97 = tpu.memref_slice %arg7[%run_scoped3A_17, %dma_wait3A] : memref<16x640xf32, #tpu.memory_space<vmem>> -> memref<1x640xf32, #tpu.memory_space<vmem>>
        %dma_wait3A_98 = tpu.memref_squeeze %dma_wait3A_97 : memref<1x640xf32, #tpu.memory_space<vmem>> -> memref<640xf32, #tpu.memory_space<vmem>>
        %dma_wait3A_99 = tpu.memref_slice %arg10[%run_scoped3A, %mul3A_16] : memref<16x10240xf32, #tpu.memory_space<vmem_shared>> -> memref<1x640xf32, #tpu.memory_space<vmem_shared>>
        %dma_wait3A_100 = tpu.memref_squeeze %dma_wait3A_99 : memref<1x640xf32, #tpu.memory_space<vmem_shared>> -> memref<640xf32, #tpu.memory_space<vmem_shared>>
        %dma_wait3A_101 = arith.constant 0 : i32
        %dma_wait3A_102 = tpu.memref_slice %arg7[%run_scoped3A_17, %dma_wait3A_101] : memref<16x640xf32, #tpu.memory_space<vmem>> -> memref<1x640xf32, #tpu.memory_space<vmem>>
        %dma_wait3A_103 = tpu.memref_squeeze %dma_wait3A_102 : memref<1x640xf32, #tpu.memory_space<vmem>> -> memref<640xf32, #tpu.memory_space<vmem>>
        %dma_wait3A_104 = tpu.memref_slice %arg10[%run_scoped3A, %mul3A_16] : memref<16x10240xf32, #tpu.memory_space<vmem_shared>> -> memref<1x640xf32, #tpu.memory_space<vmem_shared>>
        %dma_wait3A_105 = tpu.memref_squeeze %dma_wait3A_104 : memref<1x640xf32, #tpu.memory_space<vmem_shared>> -> memref<640xf32, #tpu.memory_space<vmem_shared>>
        tpu.wait_dma2 semaphore(%run_scoped3A_87 : memref<!tpu.dma_semaphore, #tpu.memory_space<semaphore_mem>>) src(%dma_wait3A_105 : memref<640xf32, #tpu.memory_space<vmem_shared>>) dst(%dma_wait3A_103 : memref<640xf32, #tpu.memory_space<vmem>>)
        tpu.yield
      }) : () -> ()
      %mul3A_18 = arith.constant 640 : i32
      %mul3A_19 = arith.muli %arg1, %mul3A_18 : i32
      %run_scoped3A_20 = arith.constant 1 : i32
      %run_scoped3A_21 = arith.constant 1 : i32
      "tpu.region"() ({
        %run_scoped3A_87 = tpu.sem_alloc : memref<!tpu.dma_semaphore, #tpu.memory_space<semaphore_mem>>
        %dma_start3A = arith.constant 0 : i32
        %dma_start3A_88 = tpu.memref_slice %arg7[%run_scoped3A_21, %dma_start3A] : memref<16x640xf32, #tpu.memory_space<vmem>> -> memref<1x640xf32, #tpu.memory_space<vmem>>
        %dma_start3A_89 = tpu.memref_squeeze %dma_start3A_88 : memref<1x640xf32, #tpu.memory_space<vmem>> -> memref<640xf32, #tpu.memory_space<vmem>>
        %dma_start3A_90 = tpu.memref_slice %arg10[%run_scoped3A_20, %mul3A_19] : memref<16x10240xf32, #tpu.memory_space<vmem_shared>> -> memref<1x640xf32, #tpu.memory_space<vmem_shared>>
        %dma_start3A_91 = tpu.memref_squeeze %dma_start3A_90 : memref<1x640xf32, #tpu.memory_space<vmem_shared>> -> memref<640xf32, #tpu.memory_space<vmem_shared>>
        %dma_start3A_92 = arith.constant 0 : i32
        %dma_start3A_93 = tpu.memref_slice %arg7[%run_scoped3A_21, %dma_start3A_92] : memref<16x640xf32, #tpu.memory_space<vmem>> -> memref<1x640xf32, #tpu.memory_space<vmem>>
        %dma_start3A_94 = tpu.memref_squeeze %dma_start3A_93 : memref<1x640xf32, #tpu.memory_space<vmem>> -> memref<640xf32, #tpu.memory_space<vmem>>
        %dma_start3A_95 = tpu.memref_slice %arg10[%run_scoped3A_20, %mul3A_19] : memref<16x10240xf32, #tpu.memory_space<vmem_shared>> -> memref<1x640xf32, #tpu.memory_space<vmem_shared>>
        %dma_start3A_96 = tpu.memref_squeeze %dma_start3A_95 : memref<1x640xf32, #tpu.memory_space<vmem_shared>> -> memref<640xf32, #tpu.memory_space<vmem_shared>>
        tpu.enqueue_dma source(%dma_start3A_96 : memref<640xf32, #tpu.memory_space<vmem_shared>>) target(%dma_start3A_94 : memref<640xf32, #tpu.memory_space<vmem>>) target_semaphore(%run_scoped3A_87 : memref<!tpu.dma_semaphore, #tpu.memory_space<semaphore_mem>>)
        %dma_wait3A = arith.constant 0 : i32
        %dma_wait3A_97 = tpu.memref_slice %arg7[%run_scoped3A_21, %dma_wait3A] : memref<16x640xf32, #tpu.memory_space<vmem>> -> memref<1x640xf32, #tpu.memory_space<vmem>>
        %dma_wait3A_98 = tpu.memref_squeeze %dma_wait3A_97 : memref<1x640xf32, #tpu.memory_space<vmem>> -> memref<640xf32, #tpu.memory_space<vmem>>
        %dma_wait3A_99 = tpu.memref_slice %arg10[%run_scoped3A_20, %mul3A_19] : memref<16x10240xf32, #tpu.memory_space<vmem_shared>> -> memref<1x640xf32, #tpu.memory_space<vmem_shared>>
        %dma_wait3A_100 = tpu.memref_squeeze %dma_wait3A_99 : memref<1x640xf32, #tpu.memory_space<vmem_shared>> -> memref<640xf32, #tpu.memory_space<vmem_shared>>
        %dma_wait3A_101 = arith.constant 0 : i32
        %dma_wait3A_102 = tpu.memref_slice %arg7[%run_scoped3A_21, %dma_wait3A_101] : memref<16x640xf32, #tpu.memory_space<vmem>> -> memref<1x640xf32, #tpu.memory_space<vmem>>
        %dma_wait3A_103 = tpu.memref_squeeze %dma_wait3A_102 : memref<1x640xf32, #tpu.memory_space<vmem>> -> memref<640xf32, #tpu.memory_space<vmem>>
        %dma_wait3A_104 = tpu.memref_slice %arg10[%run_scoped3A_20, %mul3A_19] : memref<16x10240xf32, #tpu.memory_space<vmem_shared>> -> memref<1x640xf32, #tpu.memory_space<vmem_shared>>
        %dma_wait3A_105 = tpu.memref_squeeze %dma_wait3A_104 : memref<1x640xf32, #tpu.memory_space<vmem_shared>> -> memref<640xf32, #tpu.memory_space<vmem_shared>>
        tpu.wait_dma2 semaphore(%run_scoped3A_87 : memref<!tpu.dma_semaphore, #tpu.memory_space<semaphore_mem>>) src(%dma_wait3A_105 : memref<640xf32, #tpu.memory_space<vmem_shared>>) dst(%dma_wait3A_103 : memref<640xf32, #tpu.memory_space<vmem>>)
        tpu.yield
      }) : () -> ()
      %mul3A_22 = arith.constant 640 : i32
      %mul3A_23 = arith.muli %arg1, %mul3A_22 : i32
      %run_scoped3A_24 = arith.constant 2 : i32
      %run_scoped3A_25 = arith.constant 2 : i32
      "tpu.region"() ({
        %run_scoped3A_87 = tpu.sem_alloc : memref<!tpu.dma_semaphore, #tpu.memory_space<semaphore_mem>>
        %dma_start3A = arith.constant 0 : i32
        %dma_start3A_88 = tpu.memref_slice %arg7[%run_scoped3A_25, %dma_start3A] : memref<16x640xf32, #tpu.memory_space<vmem>> -> memref<1x640xf32, #tpu.memory_space<vmem>>
        %dma_start3A_89 = tpu.memref_squeeze %dma_start3A_88 : memref<1x640xf32, #tpu.memory_space<vmem>> -> memref<640xf32, #tpu.memory_space<vmem>>
        %dma_start3A_90 = tpu.memref_slice %arg10[%run_scoped3A_24, %mul3A_23] : memref<16x10240xf32, #tpu.memory_space<vmem_shared>> -> memref<1x640xf32, #tpu.memory_space<vmem_shared>>
        %dma_start3A_91 = tpu.memref_squeeze %dma_start3A_90 : memref<1x640xf32, #tpu.memory_space<vmem_shared>> -> memref<640xf32, #tpu.memory_space<vmem_shared>>
        %dma_start3A_92 = arith.constant 0 : i32
        %dma_start3A_93 = tpu.memref_slice %arg7[%run_scoped3A_25, %dma_start3A_92] : memref<16x640xf32, #tpu.memory_space<vmem>> -> memref<1x640xf32, #tpu.memory_space<vmem>>
        %dma_start3A_94 = tpu.memref_squeeze %dma_start3A_93 : memref<1x640xf32, #tpu.memory_space<vmem>> -> memref<640xf32, #tpu.memory_space<vmem>>
        %dma_start3A_95 = tpu.memref_slice %arg10[%run_scoped3A_24, %mul3A_23] : memref<16x10240xf32, #tpu.memory_space<vmem_shared>> -> memref<1x640xf32, #tpu.memory_space<vmem_shared>>
        %dma_start3A_96 = tpu.memref_squeeze %dma_start3A_95 : memref<1x640xf32, #tpu.memory_space<vmem_shared>> -> memref<640xf32, #tpu.memory_space<vmem_shared>>
        tpu.enqueue_dma source(%dma_start3A_96 : memref<640xf32, #tpu.memory_space<vmem_shared>>) target(%dma_start3A_94 : memref<640xf32, #tpu.memory_space<vmem>>) target_semaphore(%run_scoped3A_87 : memref<!tpu.dma_semaphore, #tpu.memory_space<semaphore_mem>>)
        %dma_wait3A = arith.constant 0 : i32
        %dma_wait3A_97 = tpu.memref_slice %arg7[%run_scoped3A_25, %dma_wait3A] : memref<16x640xf32, #tpu.memory_space<vmem>> -> memref<1x640xf32, #tpu.memory_space<vmem>>
        %dma_wait3A_98 = tpu.memref_squeeze %dma_wait3A_97 : memref<1x640xf32, #tpu.memory_space<vmem>> -> memref<640xf32, #tpu.memory_space<vmem>>
        %dma_wait3A_99 = tpu.memref_slice %arg10[%run_scoped3A_24, %mul3A_23] : memref<16x10240xf32, #tpu.memory_space<vmem_shared>> -> memref<1x640xf32, #tpu.memory_space<vmem_shared>>
        %dma_wait3A_100 = tpu.memref_squeeze %dma_wait3A_99 : memref<1x640xf32, #tpu.memory_space<vmem_shared>> -> memref<640xf32, #tpu.memory_space<vmem_shared>>
        %dma_wait3A_101 = arith.constant 0 : i32
        %dma_wait3A_102 = tpu.memref_slice %arg7[%run_scoped3A_25, %dma_wait3A_101] : memref<16x640xf32, #tpu.memory_space<vmem>> -> memref<1x640xf32, #tpu.memory_space<vmem>>
        %dma_wait3A_103 = tpu.memref_squeeze %dma_wait3A_102 : memref<1x640xf32, #tpu.memory_space<vmem>> -> memref<640xf32, #tpu.memory_space<vmem>>
        %dma_wait3A_104 = tpu.memref_slice %arg10[%run_scoped3A_24, %mul3A_23] : memref<16x10240xf32, #tpu.memory_space<vmem_shared>> -> memref<1x640xf32, #tpu.memory_space<vmem_shared>>
        %dma_wait3A_105 = tpu.memref_squeeze %dma_wait3A_104 : memref<1x640xf32, #tpu.memory_space<vmem_shared>> -> memref<640xf32, #tpu.memory_space<vmem_shared>>
        tpu.wait_dma2 semaphore(%run_scoped3A_87 : memref<!tpu.dma_semaphore, #tpu.memory_space<semaphore_mem>>) src(%dma_wait3A_105 : memref<640xf32, #tpu.memory_space<vmem_shared>>) dst(%dma_wait3A_103 : memref<640xf32, #tpu.memory_space<vmem>>)
        tpu.yield
      }) : () -> ()
      %mul3A_26 = arith.constant 640 : i32
      %mul3A_27 = arith.muli %arg1, %mul3A_26 : i32
      %run_scoped3A_28 = arith.constant 3 : i32
      %run_scoped3A_29 = arith.constant 3 : i32
      "tpu.region"() ({
        %run_scoped3A_87 = tpu.sem_alloc : memref<!tpu.dma_semaphore, #tpu.memory_space<semaphore_mem>>
        %dma_start3A = arith.constant 0 : i32
        %dma_start3A_88 = tpu.memref_slice %arg7[%run_scoped3A_29, %dma_start3A] : memref<16x640xf32, #tpu.memory_space<vmem>> -> memref<1x640xf32, #tpu.memory_space<vmem>>
        %dma_start3A_89 = tpu.memref_squeeze %dma_start3A_88 : memref<1x640xf32, #tpu.memory_space<vmem>> -> memref<640xf32, #tpu.memory_space<vmem>>
        %dma_start3A_90 = tpu.memref_slice %arg10[%run_scoped3A_28, %mul3A_27] : memref<16x10240xf32, #tpu.memory_space<vmem_shared>> -> memref<1x640xf32, #tpu.memory_space<vmem_shared>>
        %dma_start3A_91 = tpu.memref_squeeze %dma_start3A_90 : memref<1x640xf32, #tpu.memory_space<vmem_shared>> -> memref<640xf32, #tpu.memory_space<vmem_shared>>
        %dma_start3A_92 = arith.constant 0 : i32
        %dma_start3A_93 = tpu.memref_slice %arg7[%run_scoped3A_29, %dma_start3A_92] : memref<16x640xf32, #tpu.memory_space<vmem>> -> memref<1x640xf32, #tpu.memory_space<vmem>>
        %dma_start3A_94 = tpu.memref_squeeze %dma_start3A_93 : memref<1x640xf32, #tpu.memory_space<vmem>> -> memref<640xf32, #tpu.memory_space<vmem>>
        %dma_start3A_95 = tpu.memref_slice %arg10[%run_scoped3A_28, %mul3A_27] : memref<16x10240xf32, #tpu.memory_space<vmem_shared>> -> memref<1x640xf32, #tpu.memory_space<vmem_shared>>
        %dma_start3A_96 = tpu.memref_squeeze %dma_start3A_95 : memref<1x640xf32, #tpu.memory_space<vmem_shared>> -> memref<640xf32, #tpu.memory_space<vmem_shared>>
        tpu.enqueue_dma source(%dma_start3A_96 : memref<640xf32, #tpu.memory_space<vmem_shared>>) target(%dma_start3A_94 : memref<640xf32, #tpu.memory_space<vmem>>) target_semaphore(%run_scoped3A_87 : memref<!tpu.dma_semaphore, #tpu.memory_space<semaphore_mem>>)
        %dma_wait3A = arith.constant 0 : i32
        %dma_wait3A_97 = tpu.memref_slice %arg7[%run_scoped3A_29, %dma_wait3A] : memref<16x640xf32, #tpu.memory_space<vmem>> -> memref<1x640xf32, #tpu.memory_space<vmem>>
        %dma_wait3A_98 = tpu.memref_squeeze %dma_wait3A_97 : memref<1x640xf32, #tpu.memory_space<vmem>> -> memref<640xf32, #tpu.memory_space<vmem>>
        %dma_wait3A_99 = tpu.memref_slice %arg10[%run_scoped3A_28, %mul3A_27] : memref<16x10240xf32, #tpu.memory_space<vmem_shared>> -> memref<1x640xf32, #tpu.memory_space<vmem_shared>>
        %dma_wait3A_100 = tpu.memref_squeeze %dma_wait3A_99 : memref<1x640xf32, #tpu.memory_space<vmem_shared>> -> memref<640xf32, #tpu.memory_space<vmem_shared>>
        %dma_wait3A_101 = arith.constant 0 : i32
        %dma_wait3A_102 = tpu.memref_slice %arg7[%run_scoped3A_29, %dma_wait3A_101] : memref<16x640xf32, #tpu.memory_space<vmem>> -> memref<1x640xf32, #tpu.memory_space<vmem>>
        %dma_wait3A_103 = tpu.memref_squeeze %dma_wait3A_102 : memref<1x640xf32, #tpu.memory_space<vmem>> -> memref<640xf32, #tpu.memory_space<vmem>>
        %dma_wait3A_104 = tpu.memref_slice %arg10[%run_scoped3A_28, %mul3A_27] : memref<16x10240xf32, #tpu.memory_space<vmem_shared>> -> memref<1x640xf32, #tpu.memory_space<vmem_shared>>
        %dma_wait3A_105 = tpu.memref_squeeze %dma_wait3A_104 : memref<1x640xf32, #tpu.memory_space<vmem_shared>> -> memref<640xf32, #tpu.memory_space<vmem_shared>>
        tpu.wait_dma2 semaphore(%run_scoped3A_87 : memref<!tpu.dma_semaphore, #tpu.memory_space<semaphore_mem>>) src(%dma_wait3A_105 : memref<640xf32, #tpu.memory_space<vmem_shared>>) dst(%dma_wait3A_103 : memref<640xf32, #tpu.memory_space<vmem>>)
        tpu.yield
      }) : () -> ()
      %mul3A_30 = arith.constant 640 : i32
      %mul3A_31 = arith.muli %arg1, %mul3A_30 : i32
      %run_scoped3A_32 = arith.constant 4 : i32
      %run_scoped3A_33 = arith.constant 4 : i32
      "tpu.region"() ({
        %run_scoped3A_87 = tpu.sem_alloc : memref<!tpu.dma_semaphore, #tpu.memory_space<semaphore_mem>>
        %dma_start3A = arith.constant 0 : i32
        %dma_start3A_88 = tpu.memref_slice %arg7[%run_scoped3A_33, %dma_start3A] : memref<16x640xf32, #tpu.memory_space<vmem>> -> memref<1x640xf32, #tpu.memory_space<vmem>>
        %dma_start3A_89 = tpu.memref_squeeze %dma_start3A_88 : memref<1x640xf32, #tpu.memory_space<vmem>> -> memref<640xf32, #tpu.memory_space<vmem>>
        %dma_start3A_90 = tpu.memref_slice %arg10[%run_scoped3A_32, %mul3A_31] : memref<16x10240xf32, #tpu.memory_space<vmem_shared>> -> memref<1x640xf32, #tpu.memory_space<vmem_shared>>
        %dma_start3A_91 = tpu.memref_squeeze %dma_start3A_90 : memref<1x640xf32, #tpu.memory_space<vmem_shared>> -> memref<640xf32, #tpu.memory_space<vmem_shared>>
        %dma_start3A_92 = arith.constant 0 : i32
        %dma_start3A_93 = tpu.memref_slice %arg7[%run_scoped3A_33, %dma_start3A_92] : memref<16x640xf32, #tpu.memory_space<vmem>> -> memref<1x640xf32, #tpu.memory_space<vmem>>
        %dma_start3A_94 = tpu.memref_squeeze %dma_start3A_93 : memref<1x640xf32, #tpu.memory_space<vmem>> -> memref<640xf32, #tpu.memory_space<vmem>>
        %dma_start3A_95 = tpu.memref_slice %arg10[%run_scoped3A_32, %mul3A_31] : memref<16x10240xf32, #tpu.memory_space<vmem_shared>> -> memref<1x640xf32, #tpu.memory_space<vmem_shared>>
        %dma_start3A_96 = tpu.memref_squeeze %dma_start3A_95 : memref<1x640xf32, #tpu.memory_space<vmem_shared>> -> memref<640xf32, #tpu.memory_space<vmem_shared>>
        tpu.enqueue_dma source(%dma_start3A_96 : memref<640xf32, #tpu.memory_space<vmem_shared>>) target(%dma_start3A_94 : memref<640xf32, #tpu.memory_space<vmem>>) target_semaphore(%run_scoped3A_87 : memref<!tpu.dma_semaphore, #tpu.memory_space<semaphore_mem>>)
        %dma_wait3A = arith.constant 0 : i32
        %dma_wait3A_97 = tpu.memref_slice %arg7[%run_scoped3A_33, %dma_wait3A] : memref<16x640xf32, #tpu.memory_space<vmem>> -> memref<1x640xf32, #tpu.memory_space<vmem>>
        %dma_wait3A_98 = tpu.memref_squeeze %dma_wait3A_97 : memref<1x640xf32, #tpu.memory_space<vmem>> -> memref<640xf32, #tpu.memory_space<vmem>>
        %dma_wait3A_99 = tpu.memref_slice %arg10[%run_scoped3A_32, %mul3A_31] : memref<16x10240xf32, #tpu.memory_space<vmem_shared>> -> memref<1x640xf32, #tpu.memory_space<vmem_shared>>
        %dma_wait3A_100 = tpu.memref_squeeze %dma_wait3A_99 : memref<1x640xf32, #tpu.memory_space<vmem_shared>> -> memref<640xf32, #tpu.memory_space<vmem_shared>>
        %dma_wait3A_101 = arith.constant 0 : i32
        %dma_wait3A_102 = tpu.memref_slice %arg7[%run_scoped3A_33, %dma_wait3A_101] : memref<16x640xf32, #tpu.memory_space<vmem>> -> memref<1x640xf32, #tpu.memory_space<vmem>>
        %dma_wait3A_103 = tpu.memref_squeeze %dma_wait3A_102 : memref<1x640xf32, #tpu.memory_space<vmem>> -> memref<640xf32, #tpu.memory_space<vmem>>
        %dma_wait3A_104 = tpu.memref_slice %arg10[%run_scoped3A_32, %mul3A_31] : memref<16x10240xf32, #tpu.memory_space<vmem_shared>> -> memref<1x640xf32, #tpu.memory_space<vmem_shared>>
        %dma_wait3A_105 = tpu.memref_squeeze %dma_wait3A_104 : memref<1x640xf32, #tpu.memory_space<vmem_shared>> -> memref<640xf32, #tpu.memory_space<vmem_shared>>
        tpu.wait_dma2 semaphore(%run_scoped3A_87 : memref<!tpu.dma_semaphore, #tpu.memory_space<semaphore_mem>>) src(%dma_wait3A_105 : memref<640xf32, #tpu.memory_space<vmem_shared>>) dst(%dma_wait3A_103 : memref<640xf32, #tpu.memory_space<vmem>>)
        tpu.yield
      }) : () -> ()
      %mul3A_34 = arith.constant 640 : i32
      %mul3A_35 = arith.muli %arg1, %mul3A_34 : i32
      %run_scoped3A_36 = arith.constant 5 : i32
      %run_scoped3A_37 = arith.constant 5 : i32
      "tpu.region"() ({
        %run_scoped3A_87 = tpu.sem_alloc : memref<!tpu.dma_semaphore, #tpu.memory_space<semaphore_mem>>
        %dma_start3A = arith.constant 0 : i32
        %dma_start3A_88 = tpu.memref_slice %arg7[%run_scoped3A_37, %dma_start3A] : memref<16x640xf32, #tpu.memory_space<vmem>> -> memref<1x640xf32, #tpu.memory_space<vmem>>
        %dma_start3A_89 = tpu.memref_squeeze %dma_start3A_88 : memref<1x640xf32, #tpu.memory_space<vmem>> -> memref<640xf32, #tpu.memory_space<vmem>>
        %dma_start3A_90 = tpu.memref_slice %arg10[%run_scoped3A_36, %mul3A_35] : memref<16x10240xf32, #tpu.memory_space<vmem_shared>> -> memref<1x640xf32, #tpu.memory_space<vmem_shared>>
        %dma_start3A_91 = tpu.memref_squeeze %dma_start3A_90 : memref<1x640xf32, #tpu.memory_space<vmem_shared>> -> memref<640xf32, #tpu.memory_space<vmem_shared>>
        %dma_start3A_92 = arith.constant 0 : i32
        %dma_start3A_93 = tpu.memref_slice %arg7[%run_scoped3A_37, %dma_start3A_92] : memref<16x640xf32, #tpu.memory_space<vmem>> -> memref<1x640xf32, #tpu.memory_space<vmem>>
        %dma_start3A_94 = tpu.memref_squeeze %dma_start3A_93 : memref<1x640xf32, #tpu.memory_space<vmem>> -> memref<640xf32, #tpu.memory_space<vmem>>
        %dma_start3A_95 = tpu.memref_slice %arg10[%run_scoped3A_36, %mul3A_35] : memref<16x10240xf32, #tpu.memory_space<vmem_shared>> -> memref<1x640xf32, #tpu.memory_space<vmem_shared>>
        %dma_start3A_96 = tpu.memref_squeeze %dma_start3A_95 : memref<1x640xf32, #tpu.memory_space<vmem_shared>> -> memref<640xf32, #tpu.memory_space<vmem_shared>>
        tpu.enqueue_dma source(%dma_start3A_96 : memref<640xf32, #tpu.memory_space<vmem_shared>>) target(%dma_start3A_94 : memref<640xf32, #tpu.memory_space<vmem>>) target_semaphore(%run_scoped3A_87 : memref<!tpu.dma_semaphore, #tpu.memory_space<semaphore_mem>>)
        %dma_wait3A = arith.constant 0 : i32
        %dma_wait3A_97 = tpu.memref_slice %arg7[%run_scoped3A_37, %dma_wait3A] : memref<16x640xf32, #tpu.memory_space<vmem>> -> memref<1x640xf32, #tpu.memory_space<vmem>>
        %dma_wait3A_98 = tpu.memref_squeeze %dma_wait3A_97 : memref<1x640xf32, #tpu.memory_space<vmem>> -> memref<640xf32, #tpu.memory_space<vmem>>
        %dma_wait3A_99 = tpu.memref_slice %arg10[%run_scoped3A_36, %mul3A_35] : memref<16x10240xf32, #tpu.memory_space<vmem_shared>> -> memref<1x640xf32, #tpu.memory_space<vmem_shared>>
        %dma_wait3A_100 = tpu.memref_squeeze %dma_wait3A_99 : memref<1x640xf32, #tpu.memory_space<vmem_shared>> -> memref<640xf32, #tpu.memory_space<vmem_shared>>
        %dma_wait3A_101 = arith.constant 0 : i32
        %dma_wait3A_102 = tpu.memref_slice %arg7[%run_scoped3A_37, %dma_wait3A_101] : memref<16x640xf32, #tpu.memory_space<vmem>> -> memref<1x640xf32, #tpu.memory_space<vmem>>
        %dma_wait3A_103 = tpu.memref_squeeze %dma_wait3A_102 : memref<1x640xf32, #tpu.memory_space<vmem>> -> memref<640xf32, #tpu.memory_space<vmem>>
        %dma_wait3A_104 = tpu.memref_slice %arg10[%run_scoped3A_36, %mul3A_35] : memref<16x10240xf32, #tpu.memory_space<vmem_shared>> -> memref<1x640xf32, #tpu.memory_space<vmem_shared>>
        %dma_wait3A_105 = tpu.memref_squeeze %dma_wait3A_104 : memref<1x640xf32, #tpu.memory_space<vmem_shared>> -> memref<640xf32, #tpu.memory_space<vmem_shared>>
        tpu.wait_dma2 semaphore(%run_scoped3A_87 : memref<!tpu.dma_semaphore, #tpu.memory_space<semaphore_mem>>) src(%dma_wait3A_105 : memref<640xf32, #tpu.memory_space<vmem_shared>>) dst(%dma_wait3A_103 : memref<640xf32, #tpu.memory_space<vmem>>)
        tpu.yield
      }) : () -> ()
      %mul3A_38 = arith.constant 640 : i32
      %mul3A_39 = arith.muli %arg1, %mul3A_38 : i32
      %run_scoped3A_40 = arith.constant 6 : i32
      %run_scoped3A_41 = arith.constant 6 : i32
      "tpu.region"() ({
        %run_scoped3A_87 = tpu.sem_alloc : memref<!tpu.dma_semaphore, #tpu.memory_space<semaphore_mem>>
        %dma_start3A = arith.constant 0 : i32
        %dma_start3A_88 = tpu.memref_slice %arg7[%run_scoped3A_41, %dma_start3A] : memref<16x640xf32, #tpu.memory_space<vmem>> -> memref<1x640xf32, #tpu.memory_space<vmem>>
        %dma_start3A_89 = tpu.memref_squeeze %dma_start3A_88 : memref<1x640xf32, #tpu.memory_space<vmem>> -> memref<640xf32, #tpu.memory_space<vmem>>
        %dma_start3A_90 = tpu.memref_slice %arg10[%run_scoped3A_40, %mul3A_39] : memref<16x10240xf32, #tpu.memory_space<vmem_shared>> -> memref<1x640xf32, #tpu.memory_space<vmem_shared>>
        %dma_start3A_91 = tpu.memref_squeeze %dma_start3A_90 : memref<1x640xf32, #tpu.memory_space<vmem_shared>> -> memref<640xf32, #tpu.memory_space<vmem_shared>>
        %dma_start3A_92 = arith.constant 0 : i32
        %dma_start3A_93 = tpu.memref_slice %arg7[%run_scoped3A_41, %dma_start3A_92] : memref<16x640xf32, #tpu.memory_space<vmem>> -> memref<1x640xf32, #tpu.memory_space<vmem>>
        %dma_start3A_94 = tpu.memref_squeeze %dma_start3A_93 : memref<1x640xf32, #tpu.memory_space<vmem>> -> memref<640xf32, #tpu.memory_space<vmem>>
        %dma_start3A_95 = tpu.memref_slice %arg10[%run_scoped3A_40, %mul3A_39] : memref<16x10240xf32, #tpu.memory_space<vmem_shared>> -> memref<1x640xf32, #tpu.memory_space<vmem_shared>>
        %dma_start3A_96 = tpu.memref_squeeze %dma_start3A_95 : memref<1x640xf32, #tpu.memory_space<vmem_shared>> -> memref<640xf32, #tpu.memory_space<vmem_shared>>
        tpu.enqueue_dma source(%dma_start3A_96 : memref<640xf32, #tpu.memory_space<vmem_shared>>) target(%dma_start3A_94 : memref<640xf32, #tpu.memory_space<vmem>>) target_semaphore(%run_scoped3A_87 : memref<!tpu.dma_semaphore, #tpu.memory_space<semaphore_mem>>)
        %dma_wait3A = arith.constant 0 : i32
        %dma_wait3A_97 = tpu.memref_slice %arg7[%run_scoped3A_41, %dma_wait3A] : memref<16x640xf32, #tpu.memory_space<vmem>> -> memref<1x640xf32, #tpu.memory_space<vmem>>
        %dma_wait3A_98 = tpu.memref_squeeze %dma_wait3A_97 : memref<1x640xf32, #tpu.memory_space<vmem>> -> memref<640xf32, #tpu.memory_space<vmem>>
        %dma_wait3A_99 = tpu.memref_slice %arg10[%run_scoped3A_40, %mul3A_39] : memref<16x10240xf32, #tpu.memory_space<vmem_shared>> -> memref<1x640xf32, #tpu.memory_space<vmem_shared>>
        %dma_wait3A_100 = tpu.memref_squeeze %dma_wait3A_99 : memref<1x640xf32, #tpu.memory_space<vmem_shared>> -> memref<640xf32, #tpu.memory_space<vmem_shared>>
        %dma_wait3A_101 = arith.constant 0 : i32
        %dma_wait3A_102 = tpu.memref_slice %arg7[%run_scoped3A_41, %dma_wait3A_101] : memref<16x640xf32, #tpu.memory_space<vmem>> -> memref<1x640xf32, #tpu.memory_space<vmem>>
        %dma_wait3A_103 = tpu.memref_squeeze %dma_wait3A_102 : memref<1x640xf32, #tpu.memory_space<vmem>> -> memref<640xf32, #tpu.memory_space<vmem>>
        %dma_wait3A_104 = tpu.memref_slice %arg10[%run_scoped3A_40, %mul3A_39] : memref<16x10240xf32, #tpu.memory_space<vmem_shared>> -> memref<1x640xf32, #tpu.memory_space<vmem_shared>>
        %dma_wait3A_105 = tpu.memref_squeeze %dma_wait3A_104 : memref<1x640xf32, #tpu.memory_space<vmem_shared>> -> memref<640xf32, #tpu.memory_space<vmem_shared>>
        tpu.wait_dma2 semaphore(%run_scoped3A_87 : memref<!tpu.dma_semaphore, #tpu.memory_space<semaphore_mem>>) src(%dma_wait3A_105 : memref<640xf32, #tpu.memory_space<vmem_shared>>) dst(%dma_wait3A_103 : memref<640xf32, #tpu.memory_space<vmem>>)
        tpu.yield
      }) : () -> ()
      %mul3A_42 = arith.constant 640 : i32
      %mul3A_43 = arith.muli %arg1, %mul3A_42 : i32
      %run_scoped3A_44 = arith.constant 7 : i32
      %run_scoped3A_45 = arith.constant 7 : i32
      "tpu.region"() ({
        %run_scoped3A_87 = tpu.sem_alloc : memref<!tpu.dma_semaphore, #tpu.memory_space<semaphore_mem>>
        %dma_start3A = arith.constant 0 : i32
        %dma_start3A_88 = tpu.memref_slice %arg7[%run_scoped3A_45, %dma_start3A] : memref<16x640xf32, #tpu.memory_space<vmem>> -> memref<1x640xf32, #tpu.memory_space<vmem>>
        %dma_start3A_89 = tpu.memref_squeeze %dma_start3A_88 : memref<1x640xf32, #tpu.memory_space<vmem>> -> memref<640xf32, #tpu.memory_space<vmem>>
        %dma_start3A_90 = tpu.memref_slice %arg10[%run_scoped3A_44, %mul3A_43] : memref<16x10240xf32, #tpu.memory_space<vmem_shared>> -> memref<1x640xf32, #tpu.memory_space<vmem_shared>>
        %dma_start3A_91 = tpu.memref_squeeze %dma_start3A_90 : memref<1x640xf32, #tpu.memory_space<vmem_shared>> -> memref<640xf32, #tpu.memory_space<vmem_shared>>
        %dma_start3A_92 = arith.constant 0 : i32
        %dma_start3A_93 = tpu.memref_slice %arg7[%run_scoped3A_45, %dma_start3A_92] : memref<16x640xf32, #tpu.memory_space<vmem>> -> memref<1x640xf32, #tpu.memory_space<vmem>>
        %dma_start3A_94 = tpu.memref_squeeze %dma_start3A_93 : memref<1x640xf32, #tpu.memory_space<vmem>> -> memref<640xf32, #tpu.memory_space<vmem>>
        %dma_start3A_95 = tpu.memref_slice %arg10[%run_scoped3A_44, %mul3A_43] : memref<16x10240xf32, #tpu.memory_space<vmem_shared>> -> memref<1x640xf32, #tpu.memory_space<vmem_shared>>
        %dma_start3A_96 = tpu.memref_squeeze %dma_start3A_95 : memref<1x640xf32, #tpu.memory_space<vmem_shared>> -> memref<640xf32, #tpu.memory_space<vmem_shared>>
        tpu.enqueue_dma source(%dma_start3A_96 : memref<640xf32, #tpu.memory_space<vmem_shared>>) target(%dma_start3A_94 : memref<640xf32, #tpu.memory_space<vmem>>) target_semaphore(%run_scoped3A_87 : memref<!tpu.dma_semaphore, #tpu.memory_space<semaphore_mem>>)
        %dma_wait3A = arith.constant 0 : i32
        %dma_wait3A_97 = tpu.memref_slice %arg7[%run_scoped3A_45, %dma_wait3A] : memref<16x640xf32, #tpu.memory_space<vmem>> -> memref<1x640xf32, #tpu.memory_space<vmem>>
        %dma_wait3A_98 = tpu.memref_squeeze %dma_wait3A_97 : memref<1x640xf32, #tpu.memory_space<vmem>> -> memref<640xf32, #tpu.memory_space<vmem>>
        %dma_wait3A_99 = tpu.memref_slice %arg10[%run_scoped3A_44, %mul3A_43] : memref<16x10240xf32, #tpu.memory_space<vmem_shared>> -> memref<1x640xf32, #tpu.memory_space<vmem_shared>>
        %dma_wait3A_100 = tpu.memref_squeeze %dma_wait3A_99 : memref<1x640xf32, #tpu.memory_space<vmem_shared>> -> memref<640xf32, #tpu.memory_space<vmem_shared>>
        %dma_wait3A_101 = arith.constant 0 : i32
        %dma_wait3A_102 = tpu.memref_slice %arg7[%run_scoped3A_45, %dma_wait3A_101] : memref<16x640xf32, #tpu.memory_space<vmem>> -> memref<1x640xf32, #tpu.memory_space<vmem>>
        %dma_wait3A_103 = tpu.memref_squeeze %dma_wait3A_102 : memref<1x640xf32, #tpu.memory_space<vmem>> -> memref<640xf32, #tpu.memory_space<vmem>>
        %dma_wait3A_104 = tpu.memref_slice %arg10[%run_scoped3A_44, %mul3A_43] : memref<16x10240xf32, #tpu.memory_space<vmem_shared>> -> memref<1x640xf32, #tpu.memory_space<vmem_shared>>
        %dma_wait3A_105 = tpu.memref_squeeze %dma_wait3A_104 : memref<1x640xf32, #tpu.memory_space<vmem_shared>> -> memref<640xf32, #tpu.memory_space<vmem_shared>>
        tpu.wait_dma2 semaphore(%run_scoped3A_87 : memref<!tpu.dma_semaphore, #tpu.memory_space<semaphore_mem>>) src(%dma_wait3A_105 : memref<640xf32, #tpu.memory_space<vmem_shared>>) dst(%dma_wait3A_103 : memref<640xf32, #tpu.memory_space<vmem>>)
        tpu.yield
      }) : () -> ()
      %mul3A_46 = arith.constant 640 : i32
      %mul3A_47 = arith.muli %arg1, %mul3A_46 : i32
      %run_scoped3A_48 = arith.constant 8 : i32
      %run_scoped3A_49 = arith.constant 8 : i32
      "tpu.region"() ({
        %run_scoped3A_87 = tpu.sem_alloc : memref<!tpu.dma_semaphore, #tpu.memory_space<semaphore_mem>>
        %dma_start3A = arith.constant 0 : i32
        %dma_start3A_88 = tpu.memref_slice %arg7[%run_scoped3A_49, %dma_start3A] : memref<16x640xf32, #tpu.memory_space<vmem>> -> memref<1x640xf32, #tpu.memory_space<vmem>>
        %dma_start3A_89 = tpu.memref_squeeze %dma_start3A_88 : memref<1x640xf32, #tpu.memory_space<vmem>> -> memref<640xf32, #tpu.memory_space<vmem>>
        %dma_start3A_90 = tpu.memref_slice %arg10[%run_scoped3A_48, %mul3A_47] : memref<16x10240xf32, #tpu.memory_space<vmem_shared>> -> memref<1x640xf32, #tpu.memory_space<vmem_shared>>
        %dma_start3A_91 = tpu.memref_squeeze %dma_start3A_90 : memref<1x640xf32, #tpu.memory_space<vmem_shared>> -> memref<640xf32, #tpu.memory_space<vmem_shared>>
        %dma_start3A_92 = arith.constant 0 : i32
        %dma_start3A_93 = tpu.memref_slice %arg7[%run_scoped3A_49, %dma_start3A_92] : memref<16x640xf32, #tpu.memory_space<vmem>> -> memref<1x640xf32, #tpu.memory_space<vmem>>
        %dma_start3A_94 = tpu.memref_squeeze %dma_start3A_93 : memref<1x640xf32, #tpu.memory_space<vmem>> -> memref<640xf32, #tpu.memory_space<vmem>>
        %dma_start3A_95 = tpu.memref_slice %arg10[%run_scoped3A_48, %mul3A_47] : memref<16x10240xf32, #tpu.memory_space<vmem_shared>> -> memref<1x640xf32, #tpu.memory_space<vmem_shared>>
        %dma_start3A_96 = tpu.memref_squeeze %dma_start3A_95 : memref<1x640xf32, #tpu.memory_space<vmem_shared>> -> memref<640xf32, #tpu.memory_space<vmem_shared>>
        tpu.enqueue_dma source(%dma_start3A_96 : memref<640xf32, #tpu.memory_space<vmem_shared>>) target(%dma_start3A_94 : memref<640xf32, #tpu.memory_space<vmem>>) target_semaphore(%run_scoped3A_87 : memref<!tpu.dma_semaphore, #tpu.memory_space<semaphore_mem>>)
        %dma_wait3A = arith.constant 0 : i32
        %dma_wait3A_97 = tpu.memref_slice %arg7[%run_scoped3A_49, %dma_wait3A] : memref<16x640xf32, #tpu.memory_space<vmem>> -> memref<1x640xf32, #tpu.memory_space<vmem>>
        %dma_wait3A_98 = tpu.memref_squeeze %dma_wait3A_97 : memref<1x640xf32, #tpu.memory_space<vmem>> -> memref<640xf32, #tpu.memory_space<vmem>>
        %dma_wait3A_99 = tpu.memref_slice %arg10[%run_scoped3A_48, %mul3A_47] : memref<16x10240xf32, #tpu.memory_space<vmem_shared>> -> memref<1x640xf32, #tpu.memory_space<vmem_shared>>
        %dma_wait3A_100 = tpu.memref_squeeze %dma_wait3A_99 : memref<1x640xf32, #tpu.memory_space<vmem_shared>> -> memref<640xf32, #tpu.memory_space<vmem_shared>>
        %dma_wait3A_101 = arith.constant 0 : i32
        %dma_wait3A_102 = tpu.memref_slice %arg7[%run_scoped3A_49, %dma_wait3A_101] : memref<16x640xf32, #tpu.memory_space<vmem>> -> memref<1x640xf32, #tpu.memory_space<vmem>>
        %dma_wait3A_103 = tpu.memref_squeeze %dma_wait3A_102 : memref<1x640xf32, #tpu.memory_space<vmem>> -> memref<640xf32, #tpu.memory_space<vmem>>
        %dma_wait3A_104 = tpu.memref_slice %arg10[%run_scoped3A_48, %mul3A_47] : memref<16x10240xf32, #tpu.memory_space<vmem_shared>> -> memref<1x640xf32, #tpu.memory_space<vmem_shared>>
        %dma_wait3A_105 = tpu.memref_squeeze %dma_wait3A_104 : memref<1x640xf32, #tpu.memory_space<vmem_shared>> -> memref<640xf32, #tpu.memory_space<vmem_shared>>
        tpu.wait_dma2 semaphore(%run_scoped3A_87 : memref<!tpu.dma_semaphore, #tpu.memory_space<semaphore_mem>>) src(%dma_wait3A_105 : memref<640xf32, #tpu.memory_space<vmem_shared>>) dst(%dma_wait3A_103 : memref<640xf32, #tpu.memory_space<vmem>>)
        tpu.yield
      }) : () -> ()
      %mul3A_50 = arith.constant 640 : i32
      %mul3A_51 = arith.muli %arg1, %mul3A_50 : i32
      %run_scoped3A_52 = arith.constant 9 : i32
      %run_scoped3A_53 = arith.constant 9 : i32
      "tpu.region"() ({
        %run_scoped3A_87 = tpu.sem_alloc : memref<!tpu.dma_semaphore, #tpu.memory_space<semaphore_mem>>
        %dma_start3A = arith.constant 0 : i32
        %dma_start3A_88 = tpu.memref_slice %arg7[%run_scoped3A_53, %dma_start3A] : memref<16x640xf32, #tpu.memory_space<vmem>> -> memref<1x640xf32, #tpu.memory_space<vmem>>
        %dma_start3A_89 = tpu.memref_squeeze %dma_start3A_88 : memref<1x640xf32, #tpu.memory_space<vmem>> -> memref<640xf32, #tpu.memory_space<vmem>>
        %dma_start3A_90 = tpu.memref_slice %arg10[%run_scoped3A_52, %mul3A_51] : memref<16x10240xf32, #tpu.memory_space<vmem_shared>> -> memref<1x640xf32, #tpu.memory_space<vmem_shared>>
        %dma_start3A_91 = tpu.memref_squeeze %dma_start3A_90 : memref<1x640xf32, #tpu.memory_space<vmem_shared>> -> memref<640xf32, #tpu.memory_space<vmem_shared>>
        %dma_start3A_92 = arith.constant 0 : i32
        %dma_start3A_93 = tpu.memref_slice %arg7[%run_scoped3A_53, %dma_start3A_92] : memref<16x640xf32, #tpu.memory_space<vmem>> -> memref<1x640xf32, #tpu.memory_space<vmem>>
        %dma_start3A_94 = tpu.memref_squeeze %dma_start3A_93 : memref<1x640xf32, #tpu.memory_space<vmem>> -> memref<640xf32, #tpu.memory_space<vmem>>
        %dma_start3A_95 = tpu.memref_slice %arg10[%run_scoped3A_52, %mul3A_51] : memref<16x10240xf32, #tpu.memory_space<vmem_shared>> -> memref<1x640xf32, #tpu.memory_space<vmem_shared>>
        %dma_start3A_96 = tpu.memref_squeeze %dma_start3A_95 : memref<1x640xf32, #tpu.memory_space<vmem_shared>> -> memref<640xf32, #tpu.memory_space<vmem_shared>>
        tpu.enqueue_dma source(%dma_start3A_96 : memref<640xf32, #tpu.memory_space<vmem_shared>>) target(%dma_start3A_94 : memref<640xf32, #tpu.memory_space<vmem>>) target_semaphore(%run_scoped3A_87 : memref<!tpu.dma_semaphore, #tpu.memory_space<semaphore_mem>>)
        %dma_wait3A = arith.constant 0 : i32
        %dma_wait3A_97 = tpu.memref_slice %arg7[%run_scoped3A_53, %dma_wait3A] : memref<16x640xf32, #tpu.memory_space<vmem>> -> memref<1x640xf32, #tpu.memory_space<vmem>>
        %dma_wait3A_98 = tpu.memref_squeeze %dma_wait3A_97 : memref<1x640xf32, #tpu.memory_space<vmem>> -> memref<640xf32, #tpu.memory_space<vmem>>
        %dma_wait3A_99 = tpu.memref_slice %arg10[%run_scoped3A_52, %mul3A_51] : memref<16x10240xf32, #tpu.memory_space<vmem_shared>> -> memref<1x640xf32, #tpu.memory_space<vmem_shared>>
        %dma_wait3A_100 = tpu.memref_squeeze %dma_wait3A_99 : memref<1x640xf32, #tpu.memory_space<vmem_shared>> -> memref<640xf32, #tpu.memory_space<vmem_shared>>
        %dma_wait3A_101 = arith.constant 0 : i32
        %dma_wait3A_102 = tpu.memref_slice %arg7[%run_scoped3A_53, %dma_wait3A_101] : memref<16x640xf32, #tpu.memory_space<vmem>> -> memref<1x640xf32, #tpu.memory_space<vmem>>
        %dma_wait3A_103 = tpu.memref_squeeze %dma_wait3A_102 : memref<1x640xf32, #tpu.memory_space<vmem>> -> memref<640xf32, #tpu.memory_space<vmem>>
        %dma_wait3A_104 = tpu.memref_slice %arg10[%run_scoped3A_52, %mul3A_51] : memref<16x10240xf32, #tpu.memory_space<vmem_shared>> -> memref<1x640xf32, #tpu.memory_space<vmem_shared>>
        %dma_wait3A_105 = tpu.memref_squeeze %dma_wait3A_104 : memref<1x640xf32, #tpu.memory_space<vmem_shared>> -> memref<640xf32, #tpu.memory_space<vmem_shared>>
        tpu.wait_dma2 semaphore(%run_scoped3A_87 : memref<!tpu.dma_semaphore, #tpu.memory_space<semaphore_mem>>) src(%dma_wait3A_105 : memref<640xf32, #tpu.memory_space<vmem_shared>>) dst(%dma_wait3A_103 : memref<640xf32, #tpu.memory_space<vmem>>)
        tpu.yield
      }) : () -> ()
      %mul3A_54 = arith.constant 640 : i32
      %mul3A_55 = arith.muli %arg1, %mul3A_54 : i32
      %run_scoped3A_56 = arith.constant 10 : i32
      %run_scoped3A_57 = arith.constant 10 : i32
      "tpu.region"() ({
        %run_scoped3A_87 = tpu.sem_alloc : memref<!tpu.dma_semaphore, #tpu.memory_space<semaphore_mem>>
        %dma_start3A = arith.constant 0 : i32
        %dma_start3A_88 = tpu.memref_slice %arg7[%run_scoped3A_57, %dma_start3A] : memref<16x640xf32, #tpu.memory_space<vmem>> -> memref<1x640xf32, #tpu.memory_space<vmem>>
        %dma_start3A_89 = tpu.memref_squeeze %dma_start3A_88 : memref<1x640xf32, #tpu.memory_space<vmem>> -> memref<640xf32, #tpu.memory_space<vmem>>
        %dma_start3A_90 = tpu.memref_slice %arg10[%run_scoped3A_56, %mul3A_55] : memref<16x10240xf32, #tpu.memory_space<vmem_shared>> -> memref<1x640xf32, #tpu.memory_space<vmem_shared>>
        %dma_start3A_91 = tpu.memref_squeeze %dma_start3A_90 : memref<1x640xf32, #tpu.memory_space<vmem_shared>> -> memref<640xf32, #tpu.memory_space<vmem_shared>>
        %dma_start3A_92 = arith.constant 0 : i32
        %dma_start3A_93 = tpu.memref_slice %arg7[%run_scoped3A_57, %dma_start3A_92] : memref<16x640xf32, #tpu.memory_space<vmem>> -> memref<1x640xf32, #tpu.memory_space<vmem>>
        %dma_start3A_94 = tpu.memref_squeeze %dma_start3A_93 : memref<1x640xf32, #tpu.memory_space<vmem>> -> memref<640xf32, #tpu.memory_space<vmem>>
        %dma_start3A_95 = tpu.memref_slice %arg10[%run_scoped3A_56, %mul3A_55] : memref<16x10240xf32, #tpu.memory_space<vmem_shared>> -> memref<1x640xf32, #tpu.memory_space<vmem_shared>>
        %dma_start3A_96 = tpu.memref_squeeze %dma_start3A_95 : memref<1x640xf32, #tpu.memory_space<vmem_shared>> -> memref<640xf32, #tpu.memory_space<vmem_shared>>
        tpu.enqueue_dma source(%dma_start3A_96 : memref<640xf32, #tpu.memory_space<vmem_shared>>) target(%dma_start3A_94 : memref<640xf32, #tpu.memory_space<vmem>>) target_semaphore(%run_scoped3A_87 : memref<!tpu.dma_semaphore, #tpu.memory_space<semaphore_mem>>)
        %dma_wait3A = arith.constant 0 : i32
        %dma_wait3A_97 = tpu.memref_slice %arg7[%run_scoped3A_57, %dma_wait3A] : memref<16x640xf32, #tpu.memory_space<vmem>> -> memref<1x640xf32, #tpu.memory_space<vmem>>
        %dma_wait3A_98 = tpu.memref_squeeze %dma_wait3A_97 : memref<1x640xf32, #tpu.memory_space<vmem>> -> memref<640xf32, #tpu.memory_space<vmem>>
        %dma_wait3A_99 = tpu.memref_slice %arg10[%run_scoped3A_56, %mul3A_55] : memref<16x10240xf32, #tpu.memory_space<vmem_shared>> -> memref<1x640xf32, #tpu.memory_space<vmem_shared>>
        %dma_wait3A_100 = tpu.memref_squeeze %dma_wait3A_99 : memref<1x640xf32, #tpu.memory_space<vmem_shared>> -> memref<640xf32, #tpu.memory_space<vmem_shared>>
        %dma_wait3A_101 = arith.constant 0 : i32
        %dma_wait3A_102 = tpu.memref_slice %arg7[%run_scoped3A_57, %dma_wait3A_101] : memref<16x640xf32, #tpu.memory_space<vmem>> -> memref<1x640xf32, #tpu.memory_space<vmem>>
        %dma_wait3A_103 = tpu.memref_squeeze %dma_wait3A_102 : memref<1x640xf32, #tpu.memory_space<vmem>> -> memref<640xf32, #tpu.memory_space<vmem>>
        %dma_wait3A_104 = tpu.memref_slice %arg10[%run_scoped3A_56, %mul3A_55] : memref<16x10240xf32, #tpu.memory_space<vmem_shared>> -> memref<1x640xf32, #tpu.memory_space<vmem_shared>>
        %dma_wait3A_105 = tpu.memref_squeeze %dma_wait3A_104 : memref<1x640xf32, #tpu.memory_space<vmem_shared>> -> memref<640xf32, #tpu.memory_space<vmem_shared>>
        tpu.wait_dma2 semaphore(%run_scoped3A_87 : memref<!tpu.dma_semaphore, #tpu.memory_space<semaphore_mem>>) src(%dma_wait3A_105 : memref<640xf32, #tpu.memory_space<vmem_shared>>) dst(%dma_wait3A_103 : memref<640xf32, #tpu.memory_space<vmem>>)
        tpu.yield
      }) : () -> ()
      %mul3A_58 = arith.constant 640 : i32
      %mul3A_59 = arith.muli %arg1, %mul3A_58 : i32
      %run_scoped3A_60 = arith.constant 11 : i32
      %run_scoped3A_61 = arith.constant 11 : i32
      "tpu.region"() ({
        %run_scoped3A_87 = tpu.sem_alloc : memref<!tpu.dma_semaphore, #tpu.memory_space<semaphore_mem>>
        %dma_start3A = arith.constant 0 : i32
        %dma_start3A_88 = tpu.memref_slice %arg7[%run_scoped3A_61, %dma_start3A] : memref<16x640xf32, #tpu.memory_space<vmem>> -> memref<1x640xf32, #tpu.memory_space<vmem>>
        %dma_start3A_89 = tpu.memref_squeeze %dma_start3A_88 : memref<1x640xf32, #tpu.memory_space<vmem>> -> memref<640xf32, #tpu.memory_space<vmem>>
        %dma_start3A_90 = tpu.memref_slice %arg10[%run_scoped3A_60, %mul3A_59] : memref<16x10240xf32, #tpu.memory_space<vmem_shared>> -> memref<1x640xf32, #tpu.memory_space<vmem_shared>>
        %dma_start3A_91 = tpu.memref_squeeze %dma_start3A_90 : memref<1x640xf32, #tpu.memory_space<vmem_shared>> -> memref<640xf32, #tpu.memory_space<vmem_shared>>
        %dma_start3A_92 = arith.constant 0 : i32
        %dma_start3A_93 = tpu.memref_slice %arg7[%run_scoped3A_61, %dma_start3A_92] : memref<16x640xf32, #tpu.memory_space<vmem>> -> memref<1x640xf32, #tpu.memory_space<vmem>>
        %dma_start3A_94 = tpu.memref_squeeze %dma_start3A_93 : memref<1x640xf32, #tpu.memory_space<vmem>> -> memref<640xf32, #tpu.memory_space<vmem>>
        %dma_start3A_95 = tpu.memref_slice %arg10[%run_scoped3A_60, %mul3A_59] : memref<16x10240xf32, #tpu.memory_space<vmem_shared>> -> memref<1x640xf32, #tpu.memory_space<vmem_shared>>
        %dma_start3A_96 = tpu.memref_squeeze %dma_start3A_95 : memref<1x640xf32, #tpu.memory_space<vmem_shared>> -> memref<640xf32, #tpu.memory_space<vmem_shared>>
        tpu.enqueue_dma source(%dma_start3A_96 : memref<640xf32, #tpu.memory_space<vmem_shared>>) target(%dma_start3A_94 : memref<640xf32, #tpu.memory_space<vmem>>) target_semaphore(%run_scoped3A_87 : memref<!tpu.dma_semaphore, #tpu.memory_space<semaphore_mem>>)
        %dma_wait3A = arith.constant 0 : i32
        %dma_wait3A_97 = tpu.memref_slice %arg7[%run_scoped3A_61, %dma_wait3A] : memref<16x640xf32, #tpu.memory_space<vmem>> -> memref<1x640xf32, #tpu.memory_space<vmem>>
        %dma_wait3A_98 = tpu.memref_squeeze %dma_wait3A_97 : memref<1x640xf32, #tpu.memory_space<vmem>> -> memref<640xf32, #tpu.memory_space<vmem>>
        %dma_wait3A_99 = tpu.memref_slice %arg10[%run_scoped3A_60, %mul3A_59] : memref<16x10240xf32, #tpu.memory_space<vmem_shared>> -> memref<1x640xf32, #tpu.memory_space<vmem_shared>>
        %dma_wait3A_100 = tpu.memref_squeeze %dma_wait3A_99 : memref<1x640xf32, #tpu.memory_space<vmem_shared>> -> memref<640xf32, #tpu.memory_space<vmem_shared>>
        %dma_wait3A_101 = arith.constant 0 : i32
        %dma_wait3A_102 = tpu.memref_slice %arg7[%run_scoped3A_61, %dma_wait3A_101] : memref<16x640xf32, #tpu.memory_space<vmem>> -> memref<1x640xf32, #tpu.memory_space<vmem>>
        %dma_wait3A_103 = tpu.memref_squeeze %dma_wait3A_102 : memref<1x640xf32, #tpu.memory_space<vmem>> -> memref<640xf32, #tpu.memory_space<vmem>>
        %dma_wait3A_104 = tpu.memref_slice %arg10[%run_scoped3A_60, %mul3A_59] : memref<16x10240xf32, #tpu.memory_space<vmem_shared>> -> memref<1x640xf32, #tpu.memory_space<vmem_shared>>
        %dma_wait3A_105 = tpu.memref_squeeze %dma_wait3A_104 : memref<1x640xf32, #tpu.memory_space<vmem_shared>> -> memref<640xf32, #tpu.memory_space<vmem_shared>>
        tpu.wait_dma2 semaphore(%run_scoped3A_87 : memref<!tpu.dma_semaphore, #tpu.memory_space<semaphore_mem>>) src(%dma_wait3A_105 : memref<640xf32, #tpu.memory_space<vmem_shared>>) dst(%dma_wait3A_103 : memref<640xf32, #tpu.memory_space<vmem>>)
        tpu.yield
      }) : () -> ()
      %mul3A_62 = arith.constant 640 : i32
      %mul3A_63 = arith.muli %arg1, %mul3A_62 : i32
      %run_scoped3A_64 = arith.constant 12 : i32
      %run_scoped3A_65 = arith.constant 12 : i32
      "tpu.region"() ({
        %run_scoped3A_87 = tpu.sem_alloc : memref<!tpu.dma_semaphore, #tpu.memory_space<semaphore_mem>>
        %dma_start3A = arith.constant 0 : i32
        %dma_start3A_88 = tpu.memref_slice %arg7[%run_scoped3A_65, %dma_start3A] : memref<16x640xf32, #tpu.memory_space<vmem>> -> memref<1x640xf32, #tpu.memory_space<vmem>>
        %dma_start3A_89 = tpu.memref_squeeze %dma_start3A_88 : memref<1x640xf32, #tpu.memory_space<vmem>> -> memref<640xf32, #tpu.memory_space<vmem>>
        %dma_start3A_90 = tpu.memref_slice %arg10[%run_scoped3A_64, %mul3A_63] : memref<16x10240xf32, #tpu.memory_space<vmem_shared>> -> memref<1x640xf32, #tpu.memory_space<vmem_shared>>
        %dma_start3A_91 = tpu.memref_squeeze %dma_start3A_90 : memref<1x640xf32, #tpu.memory_space<vmem_shared>> -> memref<640xf32, #tpu.memory_space<vmem_shared>>
        %dma_start3A_92 = arith.constant 0 : i32
        %dma_start3A_93 = tpu.memref_slice %arg7[%run_scoped3A_65, %dma_start3A_92] : memref<16x640xf32, #tpu.memory_space<vmem>> -> memref<1x640xf32, #tpu.memory_space<vmem>>
        %dma_start3A_94 = tpu.memref_squeeze %dma_start3A_93 : memref<1x640xf32, #tpu.memory_space<vmem>> -> memref<640xf32, #tpu.memory_space<vmem>>
        %dma_start3A_95 = tpu.memref_slice %arg10[%run_scoped3A_64, %mul3A_63] : memref<16x10240xf32, #tpu.memory_space<vmem_shared>> -> memref<1x640xf32, #tpu.memory_space<vmem_shared>>
        %dma_start3A_96 = tpu.memref_squeeze %dma_start3A_95 : memref<1x640xf32, #tpu.memory_space<vmem_shared>> -> memref<640xf32, #tpu.memory_space<vmem_shared>>
        tpu.enqueue_dma source(%dma_start3A_96 : memref<640xf32, #tpu.memory_space<vmem_shared>>) target(%dma_start3A_94 : memref<640xf32, #tpu.memory_space<vmem>>) target_semaphore(%run_scoped3A_87 : memref<!tpu.dma_semaphore, #tpu.memory_space<semaphore_mem>>)
        %dma_wait3A = arith.constant 0 : i32
        %dma_wait3A_97 = tpu.memref_slice %arg7[%run_scoped3A_65, %dma_wait3A] : memref<16x640xf32, #tpu.memory_space<vmem>> -> memref<1x640xf32, #tpu.memory_space<vmem>>
        %dma_wait3A_98 = tpu.memref_squeeze %dma_wait3A_97 : memref<1x640xf32, #tpu.memory_space<vmem>> -> memref<640xf32, #tpu.memory_space<vmem>>
        %dma_wait3A_99 = tpu.memref_slice %arg10[%run_scoped3A_64, %mul3A_63] : memref<16x10240xf32, #tpu.memory_space<vmem_shared>> -> memref<1x640xf32, #tpu.memory_space<vmem_shared>>
        %dma_wait3A_100 = tpu.memref_squeeze %dma_wait3A_99 : memref<1x640xf32, #tpu.memory_space<vmem_shared>> -> memref<640xf32, #tpu.memory_space<vmem_shared>>
        %dma_wait3A_101 = arith.constant 0 : i32
        %dma_wait3A_102 = tpu.memref_slice %arg7[%run_scoped3A_65, %dma_wait3A_101] : memref<16x640xf32, #tpu.memory_space<vmem>> -> memref<1x640xf32, #tpu.memory_space<vmem>>
        %dma_wait3A_103 = tpu.memref_squeeze %dma_wait3A_102 : memref<1x640xf32, #tpu.memory_space<vmem>> -> memref<640xf32, #tpu.memory_space<vmem>>
        %dma_wait3A_104 = tpu.memref_slice %arg10[%run_scoped3A_64, %mul3A_63] : memref<16x10240xf32, #tpu.memory_space<vmem_shared>> -> memref<1x640xf32, #tpu.memory_space<vmem_shared>>
        %dma_wait3A_105 = tpu.memref_squeeze %dma_wait3A_104 : memref<1x640xf32, #tpu.memory_space<vmem_shared>> -> memref<640xf32, #tpu.memory_space<vmem_shared>>
        tpu.wait_dma2 semaphore(%run_scoped3A_87 : memref<!tpu.dma_semaphore, #tpu.memory_space<semaphore_mem>>) src(%dma_wait3A_105 : memref<640xf32, #tpu.memory_space<vmem_shared>>) dst(%dma_wait3A_103 : memref<640xf32, #tpu.memory_space<vmem>>)
        tpu.yield
      }) : () -> ()
      %mul3A_66 = arith.constant 640 : i32
      %mul3A_67 = arith.muli %arg1, %mul3A_66 : i32
      %run_scoped3A_68 = arith.constant 13 : i32
      %run_scoped3A_69 = arith.constant 13 : i32
      "tpu.region"() ({
        %run_scoped3A_87 = tpu.sem_alloc : memref<!tpu.dma_semaphore, #tpu.memory_space<semaphore_mem>>
        %dma_start3A = arith.constant 0 : i32
        %dma_start3A_88 = tpu.memref_slice %arg7[%run_scoped3A_69, %dma_start3A] : memref<16x640xf32, #tpu.memory_space<vmem>> -> memref<1x640xf32, #tpu.memory_space<vmem>>
        %dma_start3A_89 = tpu.memref_squeeze %dma_start3A_88 : memref<1x640xf32, #tpu.memory_space<vmem>> -> memref<640xf32, #tpu.memory_space<vmem>>
        %dma_start3A_90 = tpu.memref_slice %arg10[%run_scoped3A_68, %mul3A_67] : memref<16x10240xf32, #tpu.memory_space<vmem_shared>> -> memref<1x640xf32, #tpu.memory_space<vmem_shared>>
        %dma_start3A_91 = tpu.memref_squeeze %dma_start3A_90 : memref<1x640xf32, #tpu.memory_space<vmem_shared>> -> memref<640xf32, #tpu.memory_space<vmem_shared>>
        %dma_start3A_92 = arith.constant 0 : i32
        %dma_start3A_93 = tpu.memref_slice %arg7[%run_scoped3A_69, %dma_start3A_92] : memref<16x640xf32, #tpu.memory_space<vmem>> -> memref<1x640xf32, #tpu.memory_space<vmem>>
        %dma_start3A_94 = tpu.memref_squeeze %dma_start3A_93 : memref<1x640xf32, #tpu.memory_space<vmem>> -> memref<640xf32, #tpu.memory_space<vmem>>
        %dma_start3A_95 = tpu.memref_slice %arg10[%run_scoped3A_68, %mul3A_67] : memref<16x10240xf32, #tpu.memory_space<vmem_shared>> -> memref<1x640xf32, #tpu.memory_space<vmem_shared>>
        %dma_start3A_96 = tpu.memref_squeeze %dma_start3A_95 : memref<1x640xf32, #tpu.memory_space<vmem_shared>> -> memref<640xf32, #tpu.memory_space<vmem_shared>>
        tpu.enqueue_dma source(%dma_start3A_96 : memref<640xf32, #tpu.memory_space<vmem_shared>>) target(%dma_start3A_94 : memref<640xf32, #tpu.memory_space<vmem>>) target_semaphore(%run_scoped3A_87 : memref<!tpu.dma_semaphore, #tpu.memory_space<semaphore_mem>>)
        %dma_wait3A = arith.constant 0 : i32
        %dma_wait3A_97 = tpu.memref_slice %arg7[%run_scoped3A_69, %dma_wait3A] : memref<16x640xf32, #tpu.memory_space<vmem>> -> memref<1x640xf32, #tpu.memory_space<vmem>>
        %dma_wait3A_98 = tpu.memref_squeeze %dma_wait3A_97 : memref<1x640xf32, #tpu.memory_space<vmem>> -> memref<640xf32, #tpu.memory_space<vmem>>
        %dma_wait3A_99 = tpu.memref_slice %arg10[%run_scoped3A_68, %mul3A_67] : memref<16x10240xf32, #tpu.memory_space<vmem_shared>> -> memref<1x640xf32, #tpu.memory_space<vmem_shared>>
        %dma_wait3A_100 = tpu.memref_squeeze %dma_wait3A_99 : memref<1x640xf32, #tpu.memory_space<vmem_shared>> -> memref<640xf32, #tpu.memory_space<vmem_shared>>
        %dma_wait3A_101 = arith.constant 0 : i32
        %dma_wait3A_102 = tpu.memref_slice %arg7[%run_scoped3A_69, %dma_wait3A_101] : memref<16x640xf32, #tpu.memory_space<vmem>> -> memref<1x640xf32, #tpu.memory_space<vmem>>
        %dma_wait3A_103 = tpu.memref_squeeze %dma_wait3A_102 : memref<1x640xf32, #tpu.memory_space<vmem>> -> memref<640xf32, #tpu.memory_space<vmem>>
        %dma_wait3A_104 = tpu.memref_slice %arg10[%run_scoped3A_68, %mul3A_67] : memref<16x10240xf32, #tpu.memory_space<vmem_shared>> -> memref<1x640xf32, #tpu.memory_space<vmem_shared>>
        %dma_wait3A_105 = tpu.memref_squeeze %dma_wait3A_104 : memref<1x640xf32, #tpu.memory_space<vmem_shared>> -> memref<640xf32, #tpu.memory_space<vmem_shared>>
        tpu.wait_dma2 semaphore(%run_scoped3A_87 : memref<!tpu.dma_semaphore, #tpu.memory_space<semaphore_mem>>) src(%dma_wait3A_105 : memref<640xf32, #tpu.memory_space<vmem_shared>>) dst(%dma_wait3A_103 : memref<640xf32, #tpu.memory_space<vmem>>)
        tpu.yield
      }) : () -> ()
      %mul3A_70 = arith.constant 640 : i32
      %mul3A_71 = arith.muli %arg1, %mul3A_70 : i32
      %run_scoped3A_72 = arith.constant 14 : i32
      %run_scoped3A_73 = arith.constant 14 : i32
      "tpu.region"() ({
        %run_scoped3A_87 = tpu.sem_alloc : memref<!tpu.dma_semaphore, #tpu.memory_space<semaphore_mem>>
        %dma_start3A = arith.constant 0 : i32
        %dma_start3A_88 = tpu.memref_slice %arg7[%run_scoped3A_73, %dma_start3A] : memref<16x640xf32, #tpu.memory_space<vmem>> -> memref<1x640xf32, #tpu.memory_space<vmem>>
        %dma_start3A_89 = tpu.memref_squeeze %dma_start3A_88 : memref<1x640xf32, #tpu.memory_space<vmem>> -> memref<640xf32, #tpu.memory_space<vmem>>
        %dma_start3A_90 = tpu.memref_slice %arg10[%run_scoped3A_72, %mul3A_71] : memref<16x10240xf32, #tpu.memory_space<vmem_shared>> -> memref<1x640xf32, #tpu.memory_space<vmem_shared>>
        %dma_start3A_91 = tpu.memref_squeeze %dma_start3A_90 : memref<1x640xf32, #tpu.memory_space<vmem_shared>> -> memref<640xf32, #tpu.memory_space<vmem_shared>>
        %dma_start3A_92 = arith.constant 0 : i32
        %dma_start3A_93 = tpu.memref_slice %arg7[%run_scoped3A_73, %dma_start3A_92] : memref<16x640xf32, #tpu.memory_space<vmem>> -> memref<1x640xf32, #tpu.memory_space<vmem>>
        %dma_start3A_94 = tpu.memref_squeeze %dma_start3A_93 : memref<1x640xf32, #tpu.memory_space<vmem>> -> memref<640xf32, #tpu.memory_space<vmem>>
        %dma_start3A_95 = tpu.memref_slice %arg10[%run_scoped3A_72, %mul3A_71] : memref<16x10240xf32, #tpu.memory_space<vmem_shared>> -> memref<1x640xf32, #tpu.memory_space<vmem_shared>>
        %dma_start3A_96 = tpu.memref_squeeze %dma_start3A_95 : memref<1x640xf32, #tpu.memory_space<vmem_shared>> -> memref<640xf32, #tpu.memory_space<vmem_shared>>
        tpu.enqueue_dma source(%dma_start3A_96 : memref<640xf32, #tpu.memory_space<vmem_shared>>) target(%dma_start3A_94 : memref<640xf32, #tpu.memory_space<vmem>>) target_semaphore(%run_scoped3A_87 : memref<!tpu.dma_semaphore, #tpu.memory_space<semaphore_mem>>)
        %dma_wait3A = arith.constant 0 : i32
        %dma_wait3A_97 = tpu.memref_slice %arg7[%run_scoped3A_73, %dma_wait3A] : memref<16x640xf32, #tpu.memory_space<vmem>> -> memref<1x640xf32, #tpu.memory_space<vmem>>
        %dma_wait3A_98 = tpu.memref_squeeze %dma_wait3A_97 : memref<1x640xf32, #tpu.memory_space<vmem>> -> memref<640xf32, #tpu.memory_space<vmem>>
        %dma_wait3A_99 = tpu.memref_slice %arg10[%run_scoped3A_72, %mul3A_71] : memref<16x10240xf32, #tpu.memory_space<vmem_shared>> -> memref<1x640xf32, #tpu.memory_space<vmem_shared>>
        %dma_wait3A_100 = tpu.memref_squeeze %dma_wait3A_99 : memref<1x640xf32, #tpu.memory_space<vmem_shared>> -> memref<640xf32, #tpu.memory_space<vmem_shared>>
        %dma_wait3A_101 = arith.constant 0 : i32
        %dma_wait3A_102 = tpu.memref_slice %arg7[%run_scoped3A_73, %dma_wait3A_101] : memref<16x640xf32, #tpu.memory_space<vmem>> -> memref<1x640xf32, #tpu.memory_space<vmem>>
        %dma_wait3A_103 = tpu.memref_squeeze %dma_wait3A_102 : memref<1x640xf32, #tpu.memory_space<vmem>> -> memref<640xf32, #tpu.memory_space<vmem>>
        %dma_wait3A_104 = tpu.memref_slice %arg10[%run_scoped3A_72, %mul3A_71] : memref<16x10240xf32, #tpu.memory_space<vmem_shared>> -> memref<1x640xf32, #tpu.memory_space<vmem_shared>>
        %dma_wait3A_105 = tpu.memref_squeeze %dma_wait3A_104 : memref<1x640xf32, #tpu.memory_space<vmem_shared>> -> memref<640xf32, #tpu.memory_space<vmem_shared>>
        tpu.wait_dma2 semaphore(%run_scoped3A_87 : memref<!tpu.dma_semaphore, #tpu.memory_space<semaphore_mem>>) src(%dma_wait3A_105 : memref<640xf32, #tpu.memory_space<vmem_shared>>) dst(%dma_wait3A_103 : memref<640xf32, #tpu.memory_space<vmem>>)
        tpu.yield
      }) : () -> ()
      %mul3A_74 = arith.constant 640 : i32
      %mul3A_75 = arith.muli %arg1, %mul3A_74 : i32
      %run_scoped3A_76 = arith.constant 15 : i32
      %run_scoped3A_77 = arith.constant 15 : i32
      "tpu.region"() ({
        %run_scoped3A_87 = tpu.sem_alloc : memref<!tpu.dma_semaphore, #tpu.memory_space<semaphore_mem>>
        %dma_start3A = arith.constant 0 : i32
        %dma_start3A_88 = tpu.memref_slice %arg7[%run_scoped3A_77, %dma_start3A] : memref<16x640xf32, #tpu.memory_space<vmem>> -> memref<1x640xf32, #tpu.memory_space<vmem>>
        %dma_start3A_89 = tpu.memref_squeeze %dma_start3A_88 : memref<1x640xf32, #tpu.memory_space<vmem>> -> memref<640xf32, #tpu.memory_space<vmem>>
        %dma_start3A_90 = tpu.memref_slice %arg10[%run_scoped3A_76, %mul3A_75] : memref<16x10240xf32, #tpu.memory_space<vmem_shared>> -> memref<1x640xf32, #tpu.memory_space<vmem_shared>>
        %dma_start3A_91 = tpu.memref_squeeze %dma_start3A_90 : memref<1x640xf32, #tpu.memory_space<vmem_shared>> -> memref<640xf32, #tpu.memory_space<vmem_shared>>
        %dma_start3A_92 = arith.constant 0 : i32
        %dma_start3A_93 = tpu.memref_slice %arg7[%run_scoped3A_77, %dma_start3A_92] : memref<16x640xf32, #tpu.memory_space<vmem>> -> memref<1x640xf32, #tpu.memory_space<vmem>>
        %dma_start3A_94 = tpu.memref_squeeze %dma_start3A_93 : memref<1x640xf32, #tpu.memory_space<vmem>> -> memref<640xf32, #tpu.memory_space<vmem>>
        %dma_start3A_95 = tpu.memref_slice %arg10[%run_scoped3A_76, %mul3A_75] : memref<16x10240xf32, #tpu.memory_space<vmem_shared>> -> memref<1x640xf32, #tpu.memory_space<vmem_shared>>
        %dma_start3A_96 = tpu.memref_squeeze %dma_start3A_95 : memref<1x640xf32, #tpu.memory_space<vmem_shared>> -> memref<640xf32, #tpu.memory_space<vmem_shared>>
        tpu.enqueue_dma source(%dma_start3A_96 : memref<640xf32, #tpu.memory_space<vmem_shared>>) target(%dma_start3A_94 : memref<640xf32, #tpu.memory_space<vmem>>) target_semaphore(%run_scoped3A_87 : memref<!tpu.dma_semaphore, #tpu.memory_space<semaphore_mem>>)
        %dma_wait3A = arith.constant 0 : i32
        %dma_wait3A_97 = tpu.memref_slice %arg7[%run_scoped3A_77, %dma_wait3A] : memref<16x640xf32, #tpu.memory_space<vmem>> -> memref<1x640xf32, #tpu.memory_space<vmem>>
        %dma_wait3A_98 = tpu.memref_squeeze %dma_wait3A_97 : memref<1x640xf32, #tpu.memory_space<vmem>> -> memref<640xf32, #tpu.memory_space<vmem>>
        %dma_wait3A_99 = tpu.memref_slice %arg10[%run_scoped3A_76, %mul3A_75] : memref<16x10240xf32, #tpu.memory_space<vmem_shared>> -> memref<1x640xf32, #tpu.memory_space<vmem_shared>>
        %dma_wait3A_100 = tpu.memref_squeeze %dma_wait3A_99 : memref<1x640xf32, #tpu.memory_space<vmem_shared>> -> memref<640xf32, #tpu.memory_space<vmem_shared>>
        %dma_wait3A_101 = arith.constant 0 : i32
        %dma_wait3A_102 = tpu.memref_slice %arg7[%run_scoped3A_77, %dma_wait3A_101] : memref<16x640xf32, #tpu.memory_space<vmem>> -> memref<1x640xf32, #tpu.memory_space<vmem>>
        %dma_wait3A_103 = tpu.memref_squeeze %dma_wait3A_102 : memref<1x640xf32, #tpu.memory_space<vmem>> -> memref<640xf32, #tpu.memory_space<vmem>>
        %dma_wait3A_104 = tpu.memref_slice %arg10[%run_scoped3A_76, %mul3A_75] : memref<16x10240xf32, #tpu.memory_space<vmem_shared>> -> memref<1x640xf32, #tpu.memory_space<vmem_shared>>
        %dma_wait3A_105 = tpu.memref_squeeze %dma_wait3A_104 : memref<1x640xf32, #tpu.memory_space<vmem_shared>> -> memref<640xf32, #tpu.memory_space<vmem_shared>>
        tpu.wait_dma2 semaphore(%run_scoped3A_87 : memref<!tpu.dma_semaphore, #tpu.memory_space<semaphore_mem>>) src(%dma_wait3A_105 : memref<640xf32, #tpu.memory_space<vmem_shared>>) dst(%dma_wait3A_103 : memref<640xf32, #tpu.memory_space<vmem>>)
        tpu.yield
      }) : () -> ()
      %scan3A_78 = arith.constant 0 : i32
      %scan3A_79 = arith.constant 0 : i32
      %scan3A_80 = arith.constant 40 : i32
      %scan3A_81 = arith.addi %scan3A_79, %scan3A_80 : i32
      %scan3A_82 = arith.constant 1 : i32
      %scan3A_83 = scf.for %scan3A_87 = %scan3A_79 to %scan3A_81 step %scan3A_82 iter_args(%scan3A_88 = %scan3A_78) -> (i32)  : i32 {
        %broadcast_in_dim3A_89 = arith.constant 0.000000e+00 : f32
        %broadcast_in_dim3A_90 = vector.broadcast %broadcast_in_dim3A_89 : f32 to vector<16xf32>
        %mul3A_91 = arith.constant 16 : i32
        %mul3A_92 = arith.muli %scan3A_87, %mul3A_91 : i32
        %get3A = arith.constant 0 : i32
        %get3A_93 = arith.index_cast %get3A : i32 to index
        %get3A_94 = arith.index_cast %mul3A_92 : i32 to index
        %get3A_95 = tpu.vector_load %arg7[%get3A_93, %get3A_94] {strides = array<i32>} : memref<16x640xf32, #tpu.memory_space<vmem>>, vector<16xf32>,
        %add3A = arith.addf %broadcast_in_dim3A_90, %get3A_95 : vector<16xf32>
        %mul3A_96 = arith.constant 16 : i32
        %mul3A_97 = arith.muli %scan3A_87, %mul3A_96 : i32
        %get3A_98 = arith.constant 1 : i32
        %get3A_99 = arith.index_cast %get3A_98 : i32 to index
        %get3A_100 = arith.index_cast %mul3A_97 : i32 to index
        %get3A_101 = tpu.vector_load %arg7[%get3A_99, %get3A_100] {strides = array<i32>} : memref<16x640xf32, #tpu.memory_space<vmem>>, vector<16xf32>,
        %add3A_102 = arith.addf %add3A, %get3A_101 : vector<16xf32>
        %mul3A_103 = arith.constant 16 : i32
        %mul3A_104 = arith.muli %scan3A_87, %mul3A_103 : i32
        %get3A_105 = arith.constant 2 : i32
        %get3A_106 = arith.index_cast %get3A_105 : i32 to index
        %get3A_107 = arith.index_cast %mul3A_104 : i32 to index
        %get3A_108 = tpu.vector_load %arg7[%get3A_106, %get3A_107] {strides = array<i32>} : memref<16x640xf32, #tpu.memory_space<vmem>>, vector<16xf32>,
        %add3A_109 = arith.addf %add3A_102, %get3A_108 : vector<16xf32>
        %mul3A_110 = arith.constant 16 : i32
        %mul3A_111 = arith.muli %scan3A_87, %mul3A_110 : i32
        %get3A_112 = arith.constant 3 : i32
        %get3A_113 = arith.index_cast %get3A_112 : i32 to index
        %get3A_114 = arith.index_cast %mul3A_111 : i32 to index
        %get3A_115 = tpu.vector_load %arg7[%get3A_113, %get3A_114] {strides = array<i32>} : memref<16x640xf32, #tpu.memory_space<vmem>>, vector<16xf32>,
        %add3A_116 = arith.addf %add3A_109, %get3A_115 : vector<16xf32>
        %mul3A_117 = arith.constant 16 : i32
        %mul3A_118 = arith.muli %scan3A_87, %mul3A_117 : i32
        %get3A_119 = arith.constant 4 : i32
        %get3A_120 = arith.index_cast %get3A_119 : i32 to index
        %get3A_121 = arith.index_cast %mul3A_118 : i32 to index
        %get3A_122 = tpu.vector_load %arg7[%get3A_120, %get3A_121] {strides = array<i32>} : memref<16x640xf32, #tpu.memory_space<vmem>>, vector<16xf32>,
        %add3A_123 = arith.addf %add3A_116, %get3A_122 : vector<16xf32>
        %mul3A_124 = arith.constant 16 : i32
        %mul3A_125 = arith.muli %scan3A_87, %mul3A_124 : i32
        %get3A_126 = arith.constant 5 : i32
        %get3A_127 = arith.index_cast %get3A_126 : i32 to index
        %get3A_128 = arith.index_cast %mul3A_125 : i32 to index
        %get3A_129 = tpu.vector_load %arg7[%get3A_127, %get3A_128] {strides = array<i32>} : memref<16x640xf32, #tpu.memory_space<vmem>>, vector<16xf32>,
        %add3A_130 = arith.addf %add3A_123, %get3A_129 : vector<16xf32>
        %mul3A_131 = arith.constant 16 : i32
        %mul3A_132 = arith.muli %scan3A_87, %mul3A_131 : i32
        %get3A_133 = arith.constant 6 : i32
        %get3A_134 = arith.index_cast %get3A_133 : i32 to index
        %get3A_135 = arith.index_cast %mul3A_132 : i32 to index
        %get3A_136 = tpu.vector_load %arg7[%get3A_134, %get3A_135] {strides = array<i32>} : memref<16x640xf32, #tpu.memory_space<vmem>>, vector<16xf32>,
        %add3A_137 = arith.addf %add3A_130, %get3A_136 : vector<16xf32>
        %mul3A_138 = arith.constant 16 : i32
        %mul3A_139 = arith.muli %scan3A_87, %mul3A_138 : i32
        %get3A_140 = arith.constant 7 : i32
        %get3A_141 = arith.index_cast %get3A_140 : i32 to index
        %get3A_142 = arith.index_cast %mul3A_139 : i32 to index
        %get3A_143 = tpu.vector_load %arg7[%get3A_141, %get3A_142] {strides = array<i32>} : memref<16x640xf32, #tpu.memory_space<vmem>>, vector<16xf32>,
        %add3A_144 = arith.addf %add3A_137, %get3A_143 : vector<16xf32>
        %mul3A_145 = arith.constant 16 : i32
        %mul3A_146 = arith.muli %scan3A_87, %mul3A_145 : i32
        %get3A_147 = arith.constant 8 : i32
        %get3A_148 = arith.index_cast %get3A_147 : i32 to index
        %get3A_149 = arith.index_cast %mul3A_146 : i32 to index
        %get3A_150 = tpu.vector_load %arg7[%get3A_148, %get3A_149] {strides = array<i32>} : memref<16x640xf32, #tpu.memory_space<vmem>>, vector<16xf32>,
        %add3A_151 = arith.addf %add3A_144, %get3A_150 : vector<16xf32>
        %mul3A_152 = arith.constant 16 : i32
        %mul3A_153 = arith.muli %scan3A_87, %mul3A_152 : i32
        %get3A_154 = arith.constant 9 : i32
        %get3A_155 = arith.index_cast %get3A_154 : i32 to index
        %get3A_156 = arith.index_cast %mul3A_153 : i32 to index
        %get3A_157 = tpu.vector_load %arg7[%get3A_155, %get3A_156] {strides = array<i32>} : memref<16x640xf32, #tpu.memory_space<vmem>>, vector<16xf32>,
        %add3A_158 = arith.addf %add3A_151, %get3A_157 : vector<16xf32>
        %mul3A_159 = arith.constant 16 : i32
        %mul3A_160 = arith.muli %scan3A_87, %mul3A_159 : i32
        %get3A_161 = arith.constant 10 : i32
        %get3A_162 = arith.index_cast %get3A_161 : i32 to index
        %get3A_163 = arith.index_cast %mul3A_160 : i32 to index
        %get3A_164 = tpu.vector_load %arg7[%get3A_162, %get3A_163] {strides = array<i32>} : memref<16x640xf32, #tpu.memory_space<vmem>>, vector<16xf32>,
        %add3A_165 = arith.addf %add3A_158, %get3A_164 : vector<16xf32>
        %mul3A_166 = arith.constant 16 : i32
        %mul3A_167 = arith.muli %scan3A_87, %mul3A_166 : i32
        %get3A_168 = arith.constant 11 : i32
        %get3A_169 = arith.index_cast %get3A_168 : i32 to index
        %get3A_170 = arith.index_cast %mul3A_167 : i32 to index
        %get3A_171 = tpu.vector_load %arg7[%get3A_169, %get3A_170] {strides = array<i32>} : memref<16x640xf32, #tpu.memory_space<vmem>>, vector<16xf32>,
        %add3A_172 = arith.addf %add3A_165, %get3A_171 : vector<16xf32>
        %mul3A_173 = arith.constant 16 : i32
        %mul3A_174 = arith.muli %scan3A_87, %mul3A_173 : i32
        %get3A_175 = arith.constant 12 : i32
        %get3A_176 = arith.index_cast %get3A_175 : i32 to index
        %get3A_177 = arith.index_cast %mul3A_174 : i32 to index
        %get3A_178 = tpu.vector_load %arg7[%get3A_176, %get3A_177] {strides = array<i32>} : memref<16x640xf32, #tpu.memory_space<vmem>>, vector<16xf32>,
        %add3A_179 = arith.addf %add3A_172, %get3A_178 : vector<16xf32>
        %mul3A_180 = arith.constant 16 : i32
        %mul3A_181 = arith.muli %scan3A_87, %mul3A_180 : i32
        %get3A_182 = arith.constant 13 : i32
        %get3A_183 = arith.index_cast %get3A_182 : i32 to index
        %get3A_184 = arith.index_cast %mul3A_181 : i32 to index
        %get3A_185 = tpu.vector_load %arg7[%get3A_183, %get3A_184] {strides = array<i32>} : memref<16x640xf32, #tpu.memory_space<vmem>>, vector<16xf32>,
        %add3A_186 = arith.addf %add3A_179, %get3A_185 : vector<16xf32>
        %mul3A_187 = arith.constant 16 : i32
        %mul3A_188 = arith.muli %scan3A_87, %mul3A_187 : i32
        %get3A_189 = arith.constant 14 : i32
        %get3A_190 = arith.index_cast %get3A_189 : i32 to index
        %get3A_191 = arith.index_cast %mul3A_188 : i32 to index
        %get3A_192 = tpu.vector_load %arg7[%get3A_190, %get3A_191] {strides = array<i32>} : memref<16x640xf32, #tpu.memory_space<vmem>>, vector<16xf32>,
        %add3A_193 = arith.addf %add3A_186, %get3A_192 : vector<16xf32>
        %mul3A_194 = arith.constant 16 : i32
        %mul3A_195 = arith.muli %scan3A_87, %mul3A_194 : i32
        %get3A_196 = arith.constant 15 : i32
        %get3A_197 = arith.index_cast %get3A_196 : i32 to index
        %get3A_198 = arith.index_cast %mul3A_195 : i32 to index
        %get3A_199 = tpu.vector_load %arg7[%get3A_197, %get3A_198] {strides = array<i32>} : memref<16x640xf32, #tpu.memory_space<vmem>>, vector<16xf32>,
        %add3A_200 = arith.addf %add3A_193, %get3A_199 : vector<16xf32>
        %mul3A_201 = arith.constant 16 : i32
        %mul3A_202 = arith.muli %scan3A_87, %mul3A_201 : i32
        %swap3A = arith.index_cast %mul3A_202 : i32 to index
        %swap3A_203 = tpu.vector_load %arg11[%swap3A] {strides = array<i32>} : memref<640xf32, #tpu.memory_space<vmem>>, vector<16xf32>,
        tpu.vector_store %arg11[%swap3A], %add3A_200 {strides = array<i32>} : memref<640xf32, #tpu.memory_space<vmem>>, vector<16xf32>,
        %scan3A_204 = arith.constant 0 : i32
        scf.yield %scan3A_204 : i32
      }
      %scan3A_84 = arith.constant 40 : i32
      %mul3A_85 = arith.constant 640 : i32
      %mul3A_86 = arith.muli %arg1, %mul3A_85 : i32
      "tpu.region"() ({
        %run_scoped3A_87 = tpu.sem_alloc : memref<!tpu.dma_semaphore, #tpu.memory_space<semaphore_mem>>
        %dma_start3A = tpu.memref_slice %arg6[%mul3A_86] : memref<10240xf32, #tpu.memory_space<hbm>> -> memref<640xf32, #tpu.memory_space<hbm>>
        %dma_start3A_88 = tpu.memref_slice %arg6[%mul3A_86] : memref<10240xf32, #tpu.memory_space<hbm>> -> memref<640xf32, #tpu.memory_space<hbm>>
        tpu.enqueue_dma source(%arg11 : memref<640xf32, #tpu.memory_space<vmem>>) target(%dma_start3A_88 : memref<640xf32, #tpu.memory_space<hbm>>) target_semaphore(%run_scoped3A_87 : memref<!tpu.dma_semaphore, #tpu.memory_space<semaphore_mem>>)
        %dma_wait3A = tpu.memref_slice %arg6[%mul3A_86] : memref<10240xf32, #tpu.memory_space<hbm>> -> memref<640xf32, #tpu.memory_space<hbm>>
        %dma_wait3A_89 = tpu.memref_slice %arg6[%mul3A_86] : memref<10240xf32, #tpu.memory_space<hbm>> -> memref<640xf32, #tpu.memory_space<hbm>>
        tpu.wait_dma2 semaphore(%run_scoped3A_87 : memref<!tpu.dma_semaphore, #tpu.memory_space<semaphore_mem>>) src(%arg11 : memref<640xf32, #tpu.memory_space<vmem>>) dst(%dma_wait3A_89 : memref<640xf32, #tpu.memory_space<hbm>>)
        tpu.yield
      }) : () -> ()
    } else {
    }
    return
  }
}

#map = affine_map<(d0, d1) -> (0, 0)>
#map1 = affine_map<(d0, d1) -> (0, 0, 0)>
module attributes {stable_mosaic.version = 14 : i64} {
  func.func @_agg_kernel(%arg0: i32, %arg1: i32, %arg2: memref<10000x128xf32, #tpu.memory_space<hbm>>, %arg3: memref<10000x128xf32, #tpu.memory_space<hbm>>, %arg4: memref<2500x2x128xi32, #tpu.memory_space<hbm>>, %arg5: memref<2500x2x128xi32, #tpu.memory_space<hbm>>, %arg6: memref<640x128xf32, #tpu.memory_space<hbm>>, %arg7: memref<10240x128xf32, #tpu.memory_space<hbm>>, %arg8: memref<10240x128xf32, #tpu.memory_space<hbm>>, %arg9: memref<10240x128xf32, #tpu.memory_space<vmem_shared>>, %arg10: memref<!tpu.dma_semaphore, #tpu.memory_space<semaphore_mem>>, %arg11: memref<!tpu.dma_semaphore, #tpu.memory_space<semaphore_mem>>, %arg12: memref<!tpu.dma_semaphore, #tpu.memory_space<semaphore_mem>>, %arg13: memref<!tpu.dma_semaphore, #tpu.memory_space<semaphore_mem>>, %arg14: memref<!tpu.dma_semaphore, #tpu.memory_space<semaphore_mem>>, %arg15: memref<!tpu.dma_semaphore, #tpu.memory_space<semaphore_mem>>, %arg16: memref<128x128xf32, #tpu.memory_space<vmem>>, %arg17: memref<128x128xf32, #tpu.memory_space<vmem>>, %arg18: memref<2x128xi32, #tpu.memory_space<vmem>>, %arg19: memref<2x128xi32, #tpu.memory_space<vmem>>, %arg20: memref<2x128xi32, #tpu.memory_space<vmem>>, %arg21: memref<2x128xi32, #tpu.memory_space<vmem>>, %arg22: memref<!tpu.dma_semaphore, #tpu.memory_space<semaphore_mem>>, %arg23: memref<!tpu.dma_semaphore, #tpu.memory_space<semaphore_mem>>) attributes {dimension_semantics = [#tpu.dimension_semantics<core_parallel>, #tpu.dimension_semantics<subcore_parallel>], iteration_bounds = array<i64: 2, 16>, scalar_prefetch = 0 : i64, scratch_operands = 15 : i64, tpu.core_type = #tpu.core_type<sc_vector_subcore>, window_params = [{transform_indices = #map}, {transform_indices = #map}, {transform_indices = #map1}, {transform_indices = #map1}, {transform_indices = #map}, {transform_indices = #map}, {transform_indices = #map}]} {
    %mul3A = arith.constant 640 : i32
    %mul3A_0 = arith.muli %arg1, %mul3A : i32
    "tpu.region"() ({
      %run_scoped3A = tpu.sem_alloc : memref<!tpu.dma_semaphore, #tpu.memory_space<semaphore_mem>>
      %dma_start3A = arith.constant 0 : i32
      %dma_start3A_8 = tpu.memref_slice %arg9[%mul3A_0, %dma_start3A] : memref<10240x128xf32, #tpu.memory_space<vmem_shared>> -> memref<640x128xf32, #tpu.memory_space<vmem_shared>>
      tpu.enqueue_dma source(%arg6 : memref<640x128xf32, #tpu.memory_space<hbm>>) target(%dma_start3A_8 : memref<640x128xf32, #tpu.memory_space<vmem_shared>>) target_semaphore(%run_scoped3A : memref<!tpu.dma_semaphore, #tpu.memory_space<semaphore_mem>>)
      %dma_wait3A = arith.constant 0 : i32
      %dma_wait3A_9 = tpu.memref_slice %arg9[%mul3A_0, %dma_wait3A] : memref<10240x128xf32, #tpu.memory_space<vmem_shared>> -> memref<640x128xf32, #tpu.memory_space<vmem_shared>>
      tpu.wait_dma2 semaphore(%run_scoped3A : memref<!tpu.dma_semaphore, #tpu.memory_space<semaphore_mem>>) src(%arg6 : memref<640x128xf32, #tpu.memory_space<hbm>>) dst(%dma_wait3A_9 : memref<640x128xf32, #tpu.memory_space<vmem_shared>>)
      tpu.yield
    }) : () -> ()
    %barrier3A = arith.constant 0 : index
    tpu.barrier barrier_id(%barrier3A)
    %eq3A = arith.constant 0 : i32
    %eq3A_1 = arith.cmpi eq, %arg0, %eq3A : i32
    %convert_element_type3A = arith.extui %eq3A_1 : i1 to i32
    %cond3A = arith.constant 0 : i32
    %cond3A_2 = arith.cmpi ne, %convert_element_type3A, %cond3A : i32
    scf.if %cond3A_2 {
      "tpu.region"() ({
        %run_scoped3A = tpu.sem_alloc : memref<!tpu.dma_semaphore, #tpu.memory_space<semaphore_mem>>
        %dma_start3A_44 = arith.constant 0 : i32
        %dma_start3A_45 = arith.constant 0 : i32
        %dma_start3A_46 = tpu.memref_slice %arg4[%arg1, %dma_start3A_44, %dma_start3A_45] : memref<2500x2x128xi32, #tpu.memory_space<hbm>> -> memref<1x2x128xi32, #tpu.memory_space<hbm>>
        %dma_start3A_47 = tpu.memref_squeeze %dma_start3A_46 : memref<1x2x128xi32, #tpu.memory_space<hbm>> -> memref<2x128xi32, #tpu.memory_space<hbm>>
        %dma_start3A_48 = arith.constant 0 : i32
        %dma_start3A_49 = arith.constant 0 : i32
        %dma_start3A_50 = tpu.memref_slice %arg4[%arg1, %dma_start3A_48, %dma_start3A_49] : memref<2500x2x128xi32, #tpu.memory_space<hbm>> -> memref<1x2x128xi32, #tpu.memory_space<hbm>>
        %dma_start3A_51 = tpu.memref_squeeze %dma_start3A_50 : memref<1x2x128xi32, #tpu.memory_space<hbm>> -> memref<2x128xi32, #tpu.memory_space<hbm>>
        tpu.enqueue_dma source(%dma_start3A_51 : memref<2x128xi32, #tpu.memory_space<hbm>>) target(%arg18 : memref<2x128xi32, #tpu.memory_space<vmem>>) target_semaphore(%run_scoped3A : memref<!tpu.dma_semaphore, #tpu.memory_space<semaphore_mem>>)
        %dma_wait3A = arith.constant 0 : i32
        %dma_wait3A_52 = arith.constant 0 : i32
        %dma_wait3A_53 = tpu.memref_slice %arg4[%arg1, %dma_wait3A, %dma_wait3A_52] : memref<2500x2x128xi32, #tpu.memory_space<hbm>> -> memref<1x2x128xi32, #tpu.memory_space<hbm>>
        %dma_wait3A_54 = tpu.memref_squeeze %dma_wait3A_53 : memref<1x2x128xi32, #tpu.memory_space<hbm>> -> memref<2x128xi32, #tpu.memory_space<hbm>>
        %dma_wait3A_55 = arith.constant 0 : i32
        %dma_wait3A_56 = arith.constant 0 : i32
        %dma_wait3A_57 = tpu.memref_slice %arg4[%arg1, %dma_wait3A_55, %dma_wait3A_56] : memref<2500x2x128xi32, #tpu.memory_space<hbm>> -> memref<1x2x128xi32, #tpu.memory_space<hbm>>
        %dma_wait3A_58 = tpu.memref_squeeze %dma_wait3A_57 : memref<1x2x128xi32, #tpu.memory_space<hbm>> -> memref<2x128xi32, #tpu.memory_space<hbm>>
        tpu.wait_dma2 semaphore(%run_scoped3A : memref<!tpu.dma_semaphore, #tpu.memory_space<semaphore_mem>>) src(%dma_wait3A_58 : memref<2x128xi32, #tpu.memory_space<hbm>>) dst(%arg18 : memref<2x128xi32, #tpu.memory_space<vmem>>)
        tpu.yield
      }) : () -> ()
      %dma_start3A = arith.constant 0 : i32
      %dma_start3A_8 = arith.constant 0 : i32
      %dma_start3A_9 = tpu.memref_slice %arg18[%dma_start3A, %dma_start3A_8] : memref<2x128xi32, #tpu.memory_space<vmem>> -> memref<1x128xi32, #tpu.memory_space<vmem>>
      %dma_start3A_10 = tpu.memref_squeeze %dma_start3A_9 : memref<1x128xi32, #tpu.memory_space<vmem>> -> memref<128xi32, #tpu.memory_space<vmem>>
      %dma_start3A_11 = arith.constant 0 : i32
      %dma_start3A_12 = arith.constant 0 : i32
      %dma_start3A_13 = tpu.memref_slice %arg2[%dma_start3A_11, %dma_start3A_12] : memref<10000x128xf32, #tpu.memory_space<hbm>> -> memref<10000x128xf32, #tpu.memory_space<hbm>>
      tpu.enqueue_indirect_dma source(%dma_start3A_13 : memref<10000x128xf32, #tpu.memory_space<hbm>>) target(%arg16 : memref<128x128xf32, #tpu.memory_space<vmem>>) offsets(%dma_start3A_10 : memref<128xi32, #tpu.memory_space<vmem>>) semaphore(%arg10 : memref<!tpu.dma_semaphore, #tpu.memory_space<semaphore_mem>>)
      %add3A = arith.constant 16 : i32
      %add3A_14 = arith.addi %add3A, %arg1 : i32
      %dma_start3A_15 = arith.constant 0 : i32
      %dma_start3A_16 = arith.constant 0 : i32
      %dma_start3A_17 = tpu.memref_slice %arg4[%add3A_14, %dma_start3A_15, %dma_start3A_16] : memref<2500x2x128xi32, #tpu.memory_space<hbm>> -> memref<1x2x128xi32, #tpu.memory_space<hbm>>
      %dma_start3A_18 = tpu.memref_squeeze %dma_start3A_17 : memref<1x2x128xi32, #tpu.memory_space<hbm>> -> memref<2x128xi32, #tpu.memory_space<hbm>>
      %dma_start3A_19 = arith.constant 0 : i32
      %dma_start3A_20 = arith.constant 0 : i32
      %dma_start3A_21 = tpu.memref_slice %arg4[%add3A_14, %dma_start3A_19, %dma_start3A_20] : memref<2500x2x128xi32, #tpu.memory_space<hbm>> -> memref<1x2x128xi32, #tpu.memory_space<hbm>>
      %dma_start3A_22 = tpu.memref_squeeze %dma_start3A_21 : memref<1x2x128xi32, #tpu.memory_space<hbm>> -> memref<2x128xi32, #tpu.memory_space<hbm>>
      tpu.enqueue_dma source(%dma_start3A_22 : memref<2x128xi32, #tpu.memory_space<hbm>>) target(%arg19 : memref<2x128xi32, #tpu.memory_space<vmem>>) target_semaphore(%arg13 : memref<!tpu.dma_semaphore, #tpu.memory_space<semaphore_mem>>)
      %add3A_23 = arith.constant 32 : i32
      %add3A_24 = arith.addi %add3A_23, %arg1 : i32
      %dma_start3A_25 = arith.constant 0 : i32
      %dma_start3A_26 = arith.constant 0 : i32
      %dma_start3A_27 = tpu.memref_slice %arg4[%add3A_24, %dma_start3A_25, %dma_start3A_26] : memref<2500x2x128xi32, #tpu.memory_space<hbm>> -> memref<1x2x128xi32, #tpu.memory_space<hbm>>
      %dma_start3A_28 = tpu.memref_squeeze %dma_start3A_27 : memref<1x2x128xi32, #tpu.memory_space<hbm>> -> memref<2x128xi32, #tpu.memory_space<hbm>>
      %dma_start3A_29 = arith.constant 0 : i32
      %dma_start3A_30 = arith.constant 0 : i32
      %dma_start3A_31 = tpu.memref_slice %arg4[%add3A_24, %dma_start3A_29, %dma_start3A_30] : memref<2500x2x128xi32, #tpu.memory_space<hbm>> -> memref<1x2x128xi32, #tpu.memory_space<hbm>>
      %dma_start3A_32 = tpu.memref_squeeze %dma_start3A_31 : memref<1x2x128xi32, #tpu.memory_space<hbm>> -> memref<2x128xi32, #tpu.memory_space<hbm>>
      tpu.enqueue_dma source(%dma_start3A_32 : memref<2x128xi32, #tpu.memory_space<hbm>>) target(%arg20 : memref<2x128xi32, #tpu.memory_space<vmem>>) target_semaphore(%arg14 : memref<!tpu.dma_semaphore, #tpu.memory_space<semaphore_mem>>)
      %scan3A = arith.constant 0 : i32
      %scan3A_33 = arith.constant 0 : i32
      %scan3A_34 = arith.constant 40 : i32
      %scan3A_35 = arith.addi %scan3A_33, %scan3A_34 : i32
      %scan3A_36 = arith.constant 1 : i32
      %scan3A_37 = scf.for %scan3A_44 = %scan3A_33 to %scan3A_35 step %scan3A_36 iter_args(%scan3A_45 = %scan3A) -> (i32)  : i32 {
        %mul3A_46 = arith.constant 4 : i32
        %mul3A_47 = arith.muli %mul3A_46, %scan3A_44 : i32
        %add3A_48 = arith.constant 0 : i32
        %add3A_49 = arith.addi %mul3A_47, %add3A_48 : i32
        %mul3A_50 = arith.constant 16 : i32
        %mul3A_51 = arith.muli %add3A_49, %mul3A_50 : i32
        %add3A_52 = arith.addi %mul3A_51, %arg1 : i32
        %lt3A = arith.constant 2500 : i32
        %lt3A_53 = arith.cmpi slt, %add3A_52, %lt3A : i32
        %convert_element_type3A_54 = arith.extui %lt3A_53 : i1 to i32
        %cond3A_55 = arith.constant 0 : i32
        %cond3A_56 = arith.cmpi ne, %convert_element_type3A_54, %cond3A_55 : i32
        scf.if %cond3A_56 {
          %dma_wait3A = arith.constant 0 : i32
          %dma_wait3A_207 = arith.constant 0 : i32
          %dma_wait3A_208 = tpu.memref_slice %arg18[%dma_wait3A, %dma_wait3A_207] : memref<2x128xi32, #tpu.memory_space<vmem>> -> memref<1x128xi32, #tpu.memory_space<vmem>>
          %dma_wait3A_209 = tpu.memref_squeeze %dma_wait3A_208 : memref<1x128xi32, #tpu.memory_space<vmem>> -> memref<128xi32, #tpu.memory_space<vmem>>
          %dma_wait3A_210 = arith.constant 0 : i32
          %dma_wait3A_211 = arith.constant 0 : i32
          %dma_wait3A_212 = tpu.memref_slice %arg2[%dma_wait3A_210, %dma_wait3A_211] : memref<10000x128xf32, #tpu.memory_space<hbm>> -> memref<10000x128xf32, #tpu.memory_space<hbm>>
          tpu.wait_indirect_dma semaphore(%arg10 : memref<!tpu.dma_semaphore, #tpu.memory_space<semaphore_mem>>) src(%dma_wait3A_212 : memref<10000x128xf32, #tpu.memory_space<hbm>>) dst(%arg16 : memref<128x128xf32, #tpu.memory_space<vmem>>)
        } else {
        }
        %ge3A = arith.constant 16 : i32
        %ge3A_57 = arith.cmpi sge, %add3A_52, %ge3A : i32
        %sub3A = arith.constant 16 : i32
        %sub3A_58 = arith.subi %add3A_52, %sub3A : i32
        %lt3A_59 = arith.constant 2500 : i32
        %lt3A_60 = arith.cmpi slt, %sub3A_58, %lt3A_59 : i32
        %and3A = arith.andi %ge3A_57, %lt3A_60 : i1
        %convert_element_type3A_61 = arith.extui %and3A : i1 to i32
        %cond3A_62 = arith.constant 0 : i32
        %cond3A_63 = arith.cmpi ne, %convert_element_type3A_61, %cond3A_62 : i32
        scf.if %cond3A_63 {
          %dma_wait3A = arith.constant 1 : i32
          %dma_wait3A_207 = arith.constant 0 : i32
          %dma_wait3A_208 = tpu.memref_slice %arg21[%dma_wait3A, %dma_wait3A_207] : memref<2x128xi32, #tpu.memory_space<vmem>> -> memref<1x128xi32, #tpu.memory_space<vmem>>
          %dma_wait3A_209 = tpu.memref_squeeze %dma_wait3A_208 : memref<1x128xi32, #tpu.memory_space<vmem>> -> memref<128xi32, #tpu.memory_space<vmem>>
          %dma_wait3A_210 = arith.constant 0 : i32
          %dma_wait3A_211 = arith.constant 0 : i32
          %dma_wait3A_212 = tpu.memref_slice %arg9[%dma_wait3A_210, %dma_wait3A_211] : memref<10240x128xf32, #tpu.memory_space<vmem_shared>> -> memref<10240x128xf32, #tpu.memory_space<vmem_shared>>
          tpu.wait_indirect_dma semaphore(%arg23 : memref<!tpu.dma_semaphore, #tpu.memory_space<semaphore_mem>>) src(%arg17 : memref<128x128xf32, #tpu.memory_space<vmem>>) dst(%dma_wait3A_212 : memref<10240x128xf32, #tpu.memory_space<vmem_shared>>)
        } else {
        }
        %add3A_64 = arith.constant 16 : i32
        %add3A_65 = arith.addi %add3A_52, %add3A_64 : i32
        %lt3A_66 = arith.constant 2500 : i32
        %lt3A_67 = arith.cmpi slt, %add3A_65, %lt3A_66 : i32
        %convert_element_type3A_68 = arith.extui %lt3A_67 : i1 to i32
        %cond3A_69 = arith.constant 0 : i32
        %cond3A_70 = arith.cmpi ne, %convert_element_type3A_68, %cond3A_69 : i32
        scf.if %cond3A_70 {
          %add3A_207 = arith.constant 16 : i32
          %add3A_208 = arith.addi %add3A_52, %add3A_207 : i32
          %dma_wait3A = arith.constant 0 : i32
          %dma_wait3A_209 = arith.constant 0 : i32
          %dma_wait3A_210 = tpu.memref_slice %arg4[%add3A_208, %dma_wait3A, %dma_wait3A_209] : memref<2500x2x128xi32, #tpu.memory_space<hbm>> -> memref<1x2x128xi32, #tpu.memory_space<hbm>>
          %dma_wait3A_211 = tpu.memref_squeeze %dma_wait3A_210 : memref<1x2x128xi32, #tpu.memory_space<hbm>> -> memref<2x128xi32, #tpu.memory_space<hbm>>
          %dma_wait3A_212 = arith.constant 0 : i32
          %dma_wait3A_213 = arith.constant 0 : i32
          %dma_wait3A_214 = tpu.memref_slice %arg4[%add3A_208, %dma_wait3A_212, %dma_wait3A_213] : memref<2500x2x128xi32, #tpu.memory_space<hbm>> -> memref<1x2x128xi32, #tpu.memory_space<hbm>>
          %dma_wait3A_215 = tpu.memref_squeeze %dma_wait3A_214 : memref<1x2x128xi32, #tpu.memory_space<hbm>> -> memref<2x128xi32, #tpu.memory_space<hbm>>
          tpu.wait_dma2 semaphore(%arg13 : memref<!tpu.dma_semaphore, #tpu.memory_space<semaphore_mem>>) src(%dma_wait3A_215 : memref<2x128xi32, #tpu.memory_space<hbm>>) dst(%arg19 : memref<2x128xi32, #tpu.memory_space<vmem>>)
          %dma_start3A_216 = arith.constant 0 : i32
          %dma_start3A_217 = arith.constant 0 : i32
          %dma_start3A_218 = tpu.memref_slice %arg19[%dma_start3A_216, %dma_start3A_217] : memref<2x128xi32, #tpu.memory_space<vmem>> -> memref<1x128xi32, #tpu.memory_space<vmem>>
          %dma_start3A_219 = tpu.memref_squeeze %dma_start3A_218 : memref<1x128xi32, #tpu.memory_space<vmem>> -> memref<128xi32, #tpu.memory_space<vmem>>
          %dma_start3A_220 = arith.constant 0 : i32
          %dma_start3A_221 = arith.constant 0 : i32
          %dma_start3A_222 = tpu.memref_slice %arg2[%dma_start3A_220, %dma_start3A_221] : memref<10000x128xf32, #tpu.memory_space<hbm>> -> memref<10000x128xf32, #tpu.memory_space<hbm>>
          tpu.enqueue_indirect_dma source(%dma_start3A_222 : memref<10000x128xf32, #tpu.memory_space<hbm>>) target(%arg17 : memref<128x128xf32, #tpu.memory_space<vmem>>) offsets(%dma_start3A_219 : memref<128xi32, #tpu.memory_space<vmem>>) semaphore(%arg11 : memref<!tpu.dma_semaphore, #tpu.memory_space<semaphore_mem>>)
        } else {
        }
        %lt3A_71 = arith.constant 2500 : i32
        %lt3A_72 = arith.cmpi slt, %add3A_52, %lt3A_71 : i32
        %convert_element_type3A_73 = arith.extui %lt3A_72 : i1 to i32
        %cond3A_74 = arith.constant 0 : i32
        %cond3A_75 = arith.cmpi ne, %convert_element_type3A_73, %cond3A_74 : i32
        scf.if %cond3A_75 {
          %dma_start3A_207 = arith.constant 1 : i32
          %dma_start3A_208 = arith.constant 0 : i32
          %dma_start3A_209 = tpu.memref_slice %arg18[%dma_start3A_207, %dma_start3A_208] : memref<2x128xi32, #tpu.memory_space<vmem>> -> memref<1x128xi32, #tpu.memory_space<vmem>>
          %dma_start3A_210 = tpu.memref_squeeze %dma_start3A_209 : memref<1x128xi32, #tpu.memory_space<vmem>> -> memref<128xi32, #tpu.memory_space<vmem>>
          %dma_start3A_211 = arith.constant 0 : i32
          %dma_start3A_212 = arith.constant 0 : i32
          %dma_start3A_213 = tpu.memref_slice %arg9[%dma_start3A_211, %dma_start3A_212] : memref<10240x128xf32, #tpu.memory_space<vmem_shared>> -> memref<10240x128xf32, #tpu.memory_space<vmem_shared>>
          tpu.enqueue_indirect_dma source(%arg16 : memref<128x128xf32, #tpu.memory_space<vmem>>) target(%dma_start3A_213 : memref<10240x128xf32, #tpu.memory_space<vmem_shared>>) offsets(%dma_start3A_210 : memref<128xi32, #tpu.memory_space<vmem>>) semaphore(%arg22 : memref<!tpu.dma_semaphore, #tpu.memory_space<semaphore_mem>>) {add = true}
        } else {
        }
        %add3A_76 = arith.constant 48 : i32
        %add3A_77 = arith.addi %add3A_52, %add3A_76 : i32
        %lt3A_78 = arith.constant 2500 : i32
        %lt3A_79 = arith.cmpi slt, %add3A_77, %lt3A_78 : i32
        %convert_element_type3A_80 = arith.extui %lt3A_79 : i1 to i32
        %cond3A_81 = arith.constant 0 : i32
        %cond3A_82 = arith.cmpi ne, %convert_element_type3A_80, %cond3A_81 : i32
        scf.if %cond3A_82 {
          %add3A_207 = arith.constant 48 : i32
          %add3A_208 = arith.addi %add3A_52, %add3A_207 : i32
          %dma_start3A_209 = arith.constant 0 : i32
          %dma_start3A_210 = arith.constant 0 : i32
          %dma_start3A_211 = tpu.memref_slice %arg4[%add3A_208, %dma_start3A_209, %dma_start3A_210] : memref<2500x2x128xi32, #tpu.memory_space<hbm>> -> memref<1x2x128xi32, #tpu.memory_space<hbm>>
          %dma_start3A_212 = tpu.memref_squeeze %dma_start3A_211 : memref<1x2x128xi32, #tpu.memory_space<hbm>> -> memref<2x128xi32, #tpu.memory_space<hbm>>
          %dma_start3A_213 = arith.constant 0 : i32
          %dma_start3A_214 = arith.constant 0 : i32
          %dma_start3A_215 = tpu.memref_slice %arg4[%add3A_208, %dma_start3A_213, %dma_start3A_214] : memref<2500x2x128xi32, #tpu.memory_space<hbm>> -> memref<1x2x128xi32, #tpu.memory_space<hbm>>
          %dma_start3A_216 = tpu.memref_squeeze %dma_start3A_215 : memref<1x2x128xi32, #tpu.memory_space<hbm>> -> memref<2x128xi32, #tpu.memory_space<hbm>>
          tpu.enqueue_dma source(%dma_start3A_216 : memref<2x128xi32, #tpu.memory_space<hbm>>) target(%arg21 : memref<2x128xi32, #tpu.memory_space<vmem>>) target_semaphore(%arg15 : memref<!tpu.dma_semaphore, #tpu.memory_space<semaphore_mem>>)
        } else {
        }
        %mul3A_83 = arith.constant 4 : i32
        %mul3A_84 = arith.muli %mul3A_83, %scan3A_44 : i32
        %add3A_85 = arith.constant 1 : i32
        %add3A_86 = arith.addi %mul3A_84, %add3A_85 : i32
        %mul3A_87 = arith.constant 16 : i32
        %mul3A_88 = arith.muli %add3A_86, %mul3A_87 : i32
        %add3A_89 = arith.addi %mul3A_88, %arg1 : i32
        %lt3A_90 = arith.constant 2500 : i32
        %lt3A_91 = arith.cmpi slt, %add3A_89, %lt3A_90 : i32
        %convert_element_type3A_92 = arith.extui %lt3A_91 : i1 to i32
        %cond3A_93 = arith.constant 0 : i32
        %cond3A_94 = arith.cmpi ne, %convert_element_type3A_92, %cond3A_93 : i32
        scf.if %cond3A_94 {
          %dma_wait3A = arith.constant 0 : i32
          %dma_wait3A_207 = arith.constant 0 : i32
          %dma_wait3A_208 = tpu.memref_slice %arg19[%dma_wait3A, %dma_wait3A_207] : memref<2x128xi32, #tpu.memory_space<vmem>> -> memref<1x128xi32, #tpu.memory_space<vmem>>
          %dma_wait3A_209 = tpu.memref_squeeze %dma_wait3A_208 : memref<1x128xi32, #tpu.memory_space<vmem>> -> memref<128xi32, #tpu.memory_space<vmem>>
          %dma_wait3A_210 = arith.constant 0 : i32
          %dma_wait3A_211 = arith.constant 0 : i32
          %dma_wait3A_212 = tpu.memref_slice %arg2[%dma_wait3A_210, %dma_wait3A_211] : memref<10000x128xf32, #tpu.memory_space<hbm>> -> memref<10000x128xf32, #tpu.memory_space<hbm>>
          tpu.wait_indirect_dma semaphore(%arg11 : memref<!tpu.dma_semaphore, #tpu.memory_space<semaphore_mem>>) src(%dma_wait3A_212 : memref<10000x128xf32, #tpu.memory_space<hbm>>) dst(%arg17 : memref<128x128xf32, #tpu.memory_space<vmem>>)
        } else {
        }
        %ge3A_95 = arith.constant 16 : i32
        %ge3A_96 = arith.cmpi sge, %add3A_89, %ge3A_95 : i32
        %sub3A_97 = arith.constant 16 : i32
        %sub3A_98 = arith.subi %add3A_89, %sub3A_97 : i32
        %lt3A_99 = arith.constant 2500 : i32
        %lt3A_100 = arith.cmpi slt, %sub3A_98, %lt3A_99 : i32
        %and3A_101 = arith.andi %ge3A_96, %lt3A_100 : i1
        %convert_element_type3A_102 = arith.extui %and3A_101 : i1 to i32
        %cond3A_103 = arith.constant 0 : i32
        %cond3A_104 = arith.cmpi ne, %convert_element_type3A_102, %cond3A_103 : i32
        scf.if %cond3A_104 {
          %dma_wait3A = arith.constant 1 : i32
          %dma_wait3A_207 = arith.constant 0 : i32
          %dma_wait3A_208 = tpu.memref_slice %arg18[%dma_wait3A, %dma_wait3A_207] : memref<2x128xi32, #tpu.memory_space<vmem>> -> memref<1x128xi32, #tpu.memory_space<vmem>>
          %dma_wait3A_209 = tpu.memref_squeeze %dma_wait3A_208 : memref<1x128xi32, #tpu.memory_space<vmem>> -> memref<128xi32, #tpu.memory_space<vmem>>
          %dma_wait3A_210 = arith.constant 0 : i32
          %dma_wait3A_211 = arith.constant 0 : i32
          %dma_wait3A_212 = tpu.memref_slice %arg9[%dma_wait3A_210, %dma_wait3A_211] : memref<10240x128xf32, #tpu.memory_space<vmem_shared>> -> memref<10240x128xf32, #tpu.memory_space<vmem_shared>>
          tpu.wait_indirect_dma semaphore(%arg22 : memref<!tpu.dma_semaphore, #tpu.memory_space<semaphore_mem>>) src(%arg16 : memref<128x128xf32, #tpu.memory_space<vmem>>) dst(%dma_wait3A_212 : memref<10240x128xf32, #tpu.memory_space<vmem_shared>>)
        } else {
        }
        %add3A_105 = arith.constant 16 : i32
        %add3A_106 = arith.addi %add3A_89, %add3A_105 : i32
        %lt3A_107 = arith.constant 2500 : i32
        %lt3A_108 = arith.cmpi slt, %add3A_106, %lt3A_107 : i32
        %convert_element_type3A_109 = arith.extui %lt3A_108 : i1 to i32
        %cond3A_110 = arith.constant 0 : i32
        %cond3A_111 = arith.cmpi ne, %convert_element_type3A_109, %cond3A_110 : i32
        scf.if %cond3A_111 {
          %add3A_207 = arith.constant 16 : i32
          %add3A_208 = arith.addi %add3A_89, %add3A_207 : i32
          %dma_wait3A = arith.constant 0 : i32
          %dma_wait3A_209 = arith.constant 0 : i32
          %dma_wait3A_210 = tpu.memref_slice %arg4[%add3A_208, %dma_wait3A, %dma_wait3A_209] : memref<2500x2x128xi32, #tpu.memory_space<hbm>> -> memref<1x2x128xi32, #tpu.memory_space<hbm>>
          %dma_wait3A_211 = tpu.memref_squeeze %dma_wait3A_210 : memref<1x2x128xi32, #tpu.memory_space<hbm>> -> memref<2x128xi32, #tpu.memory_space<hbm>>
          %dma_wait3A_212 = arith.constant 0 : i32
          %dma_wait3A_213 = arith.constant 0 : i32
          %dma_wait3A_214 = tpu.memref_slice %arg4[%add3A_208, %dma_wait3A_212, %dma_wait3A_213] : memref<2500x2x128xi32, #tpu.memory_space<hbm>> -> memref<1x2x128xi32, #tpu.memory_space<hbm>>
          %dma_wait3A_215 = tpu.memref_squeeze %dma_wait3A_214 : memref<1x2x128xi32, #tpu.memory_space<hbm>> -> memref<2x128xi32, #tpu.memory_space<hbm>>
          tpu.wait_dma2 semaphore(%arg14 : memref<!tpu.dma_semaphore, #tpu.memory_space<semaphore_mem>>) src(%dma_wait3A_215 : memref<2x128xi32, #tpu.memory_space<hbm>>) dst(%arg20 : memref<2x128xi32, #tpu.memory_space<vmem>>)
          %dma_start3A_216 = arith.constant 0 : i32
          %dma_start3A_217 = arith.constant 0 : i32
          %dma_start3A_218 = tpu.memref_slice %arg20[%dma_start3A_216, %dma_start3A_217] : memref<2x128xi32, #tpu.memory_space<vmem>> -> memref<1x128xi32, #tpu.memory_space<vmem>>
          %dma_start3A_219 = tpu.memref_squeeze %dma_start3A_218 : memref<1x128xi32, #tpu.memory_space<vmem>> -> memref<128xi32, #tpu.memory_space<vmem>>
          %dma_start3A_220 = arith.constant 0 : i32
          %dma_start3A_221 = arith.constant 0 : i32
          %dma_start3A_222 = tpu.memref_slice %arg2[%dma_start3A_220, %dma_start3A_221] : memref<10000x128xf32, #tpu.memory_space<hbm>> -> memref<10000x128xf32, #tpu.memory_space<hbm>>
          tpu.enqueue_indirect_dma source(%dma_start3A_222 : memref<10000x128xf32, #tpu.memory_space<hbm>>) target(%arg16 : memref<128x128xf32, #tpu.memory_space<vmem>>) offsets(%dma_start3A_219 : memref<128xi32, #tpu.memory_space<vmem>>) semaphore(%arg10 : memref<!tpu.dma_semaphore, #tpu.memory_space<semaphore_mem>>)
        } else {
        }
        %lt3A_112 = arith.constant 2500 : i32
        %lt3A_113 = arith.cmpi slt, %add3A_89, %lt3A_112 : i32
        %convert_element_type3A_114 = arith.extui %lt3A_113 : i1 to i32
        %cond3A_115 = arith.constant 0 : i32
        %cond3A_116 = arith.cmpi ne, %convert_element_type3A_114, %cond3A_115 : i32
        scf.if %cond3A_116 {
          %dma_start3A_207 = arith.constant 1 : i32
          %dma_start3A_208 = arith.constant 0 : i32
          %dma_start3A_209 = tpu.memref_slice %arg19[%dma_start3A_207, %dma_start3A_208] : memref<2x128xi32, #tpu.memory_space<vmem>> -> memref<1x128xi32, #tpu.memory_space<vmem>>
          %dma_start3A_210 = tpu.memref_squeeze %dma_start3A_209 : memref<1x128xi32, #tpu.memory_space<vmem>> -> memref<128xi32, #tpu.memory_space<vmem>>
          %dma_start3A_211 = arith.constant 0 : i32
          %dma_start3A_212 = arith.constant 0 : i32
          %dma_start3A_213 = tpu.memref_slice %arg9[%dma_start3A_211, %dma_start3A_212] : memref<10240x128xf32, #tpu.memory_space<vmem_shared>> -> memref<10240x128xf32, #tpu.memory_space<vmem_shared>>
          tpu.enqueue_indirect_dma source(%arg17 : memref<128x128xf32, #tpu.memory_space<vmem>>) target(%dma_start3A_213 : memref<10240x128xf32, #tpu.memory_space<vmem_shared>>) offsets(%dma_start3A_210 : memref<128xi32, #tpu.memory_space<vmem>>) semaphore(%arg23 : memref<!tpu.dma_semaphore, #tpu.memory_space<semaphore_mem>>) {add = true}
        } else {
        }
        %add3A_117 = arith.constant 48 : i32
        %add3A_118 = arith.addi %add3A_89, %add3A_117 : i32
        %lt3A_119 = arith.constant 2500 : i32
        %lt3A_120 = arith.cmpi slt, %add3A_118, %lt3A_119 : i32
        %convert_element_type3A_121 = arith.extui %lt3A_120 : i1 to i32
        %cond3A_122 = arith.constant 0 : i32
        %cond3A_123 = arith.cmpi ne, %convert_element_type3A_121, %cond3A_122 : i32
        scf.if %cond3A_123 {
          %add3A_207 = arith.constant 48 : i32
          %add3A_208 = arith.addi %add3A_89, %add3A_207 : i32
          %dma_start3A_209 = arith.constant 0 : i32
          %dma_start3A_210 = arith.constant 0 : i32
          %dma_start3A_211 = tpu.memref_slice %arg4[%add3A_208, %dma_start3A_209, %dma_start3A_210] : memref<2500x2x128xi32, #tpu.memory_space<hbm>> -> memref<1x2x128xi32, #tpu.memory_space<hbm>>
          %dma_start3A_212 = tpu.memref_squeeze %dma_start3A_211 : memref<1x2x128xi32, #tpu.memory_space<hbm>> -> memref<2x128xi32, #tpu.memory_space<hbm>>
          %dma_start3A_213 = arith.constant 0 : i32
          %dma_start3A_214 = arith.constant 0 : i32
          %dma_start3A_215 = tpu.memref_slice %arg4[%add3A_208, %dma_start3A_213, %dma_start3A_214] : memref<2500x2x128xi32, #tpu.memory_space<hbm>> -> memref<1x2x128xi32, #tpu.memory_space<hbm>>
          %dma_start3A_216 = tpu.memref_squeeze %dma_start3A_215 : memref<1x2x128xi32, #tpu.memory_space<hbm>> -> memref<2x128xi32, #tpu.memory_space<hbm>>
          tpu.enqueue_dma source(%dma_start3A_216 : memref<2x128xi32, #tpu.memory_space<hbm>>) target(%arg18 : memref<2x128xi32, #tpu.memory_space<vmem>>) target_semaphore(%arg12 : memref<!tpu.dma_semaphore, #tpu.memory_space<semaphore_mem>>)
        } else {
        }
        %mul3A_124 = arith.constant 4 : i32
        %mul3A_125 = arith.muli %mul3A_124, %scan3A_44 : i32
        %add3A_126 = arith.constant 2 : i32
        %add3A_127 = arith.addi %mul3A_125, %add3A_126 : i32
        %mul3A_128 = arith.constant 16 : i32
        %mul3A_129 = arith.muli %add3A_127, %mul3A_128 : i32
        %add3A_130 = arith.addi %mul3A_129, %arg1 : i32
        %lt3A_131 = arith.constant 2500 : i32
        %lt3A_132 = arith.cmpi slt, %add3A_130, %lt3A_131 : i32
        %convert_element_type3A_133 = arith.extui %lt3A_132 : i1 to i32
        %cond3A_134 = arith.constant 0 : i32
        %cond3A_135 = arith.cmpi ne, %convert_element_type3A_133, %cond3A_134 : i32
        scf.if %cond3A_135 {
          %dma_wait3A = arith.constant 0 : i32
          %dma_wait3A_207 = arith.constant 0 : i32
          %dma_wait3A_208 = tpu.memref_slice %arg20[%dma_wait3A, %dma_wait3A_207] : memref<2x128xi32, #tpu.memory_space<vmem>> -> memref<1x128xi32, #tpu.memory_space<vmem>>
          %dma_wait3A_209 = tpu.memref_squeeze %dma_wait3A_208 : memref<1x128xi32, #tpu.memory_space<vmem>> -> memref<128xi32, #tpu.memory_space<vmem>>
          %dma_wait3A_210 = arith.constant 0 : i32
          %dma_wait3A_211 = arith.constant 0 : i32
          %dma_wait3A_212 = tpu.memref_slice %arg2[%dma_wait3A_210, %dma_wait3A_211] : memref<10000x128xf32, #tpu.memory_space<hbm>> -> memref<10000x128xf32, #tpu.memory_space<hbm>>
          tpu.wait_indirect_dma semaphore(%arg10 : memref<!tpu.dma_semaphore, #tpu.memory_space<semaphore_mem>>) src(%dma_wait3A_212 : memref<10000x128xf32, #tpu.memory_space<hbm>>) dst(%arg16 : memref<128x128xf32, #tpu.memory_space<vmem>>)
        } else {
        }
        %ge3A_136 = arith.constant 16 : i32
        %ge3A_137 = arith.cmpi sge, %add3A_130, %ge3A_136 : i32
        %sub3A_138 = arith.constant 16 : i32
        %sub3A_139 = arith.subi %add3A_130, %sub3A_138 : i32
        %lt3A_140 = arith.constant 2500 : i32
        %lt3A_141 = arith.cmpi slt, %sub3A_139, %lt3A_140 : i32
        %and3A_142 = arith.andi %ge3A_137, %lt3A_141 : i1
        %convert_element_type3A_143 = arith.extui %and3A_142 : i1 to i32
        %cond3A_144 = arith.constant 0 : i32
        %cond3A_145 = arith.cmpi ne, %convert_element_type3A_143, %cond3A_144 : i32
        scf.if %cond3A_145 {
          %dma_wait3A = arith.constant 1 : i32
          %dma_wait3A_207 = arith.constant 0 : i32
          %dma_wait3A_208 = tpu.memref_slice %arg19[%dma_wait3A, %dma_wait3A_207] : memref<2x128xi32, #tpu.memory_space<vmem>> -> memref<1x128xi32, #tpu.memory_space<vmem>>
          %dma_wait3A_209 = tpu.memref_squeeze %dma_wait3A_208 : memref<1x128xi32, #tpu.memory_space<vmem>> -> memref<128xi32, #tpu.memory_space<vmem>>
          %dma_wait3A_210 = arith.constant 0 : i32
          %dma_wait3A_211 = arith.constant 0 : i32
          %dma_wait3A_212 = tpu.memref_slice %arg9[%dma_wait3A_210, %dma_wait3A_211] : memref<10240x128xf32, #tpu.memory_space<vmem_shared>> -> memref<10240x128xf32, #tpu.memory_space<vmem_shared>>
          tpu.wait_indirect_dma semaphore(%arg23 : memref<!tpu.dma_semaphore, #tpu.memory_space<semaphore_mem>>) src(%arg17 : memref<128x128xf32, #tpu.memory_space<vmem>>) dst(%dma_wait3A_212 : memref<10240x128xf32, #tpu.memory_space<vmem_shared>>)
        } else {
        }
        %add3A_146 = arith.constant 16 : i32
        %add3A_147 = arith.addi %add3A_130, %add3A_146 : i32
        %lt3A_148 = arith.constant 2500 : i32
        %lt3A_149 = arith.cmpi slt, %add3A_147, %lt3A_148 : i32
        %convert_element_type3A_150 = arith.extui %lt3A_149 : i1 to i32
        %cond3A_151 = arith.constant 0 : i32
        %cond3A_152 = arith.cmpi ne, %convert_element_type3A_150, %cond3A_151 : i32
        scf.if %cond3A_152 {
          %add3A_207 = arith.constant 16 : i32
          %add3A_208 = arith.addi %add3A_130, %add3A_207 : i32
          %dma_wait3A = arith.constant 0 : i32
          %dma_wait3A_209 = arith.constant 0 : i32
          %dma_wait3A_210 = tpu.memref_slice %arg4[%add3A_208, %dma_wait3A, %dma_wait3A_209] : memref<2500x2x128xi32, #tpu.memory_space<hbm>> -> memref<1x2x128xi32, #tpu.memory_space<hbm>>
          %dma_wait3A_211 = tpu.memref_squeeze %dma_wait3A_210 : memref<1x2x128xi32, #tpu.memory_space<hbm>> -> memref<2x128xi32, #tpu.memory_space<hbm>>
          %dma_wait3A_212 = arith.constant 0 : i32
          %dma_wait3A_213 = arith.constant 0 : i32
          %dma_wait3A_214 = tpu.memref_slice %arg4[%add3A_208, %dma_wait3A_212, %dma_wait3A_213] : memref<2500x2x128xi32, #tpu.memory_space<hbm>> -> memref<1x2x128xi32, #tpu.memory_space<hbm>>
          %dma_wait3A_215 = tpu.memref_squeeze %dma_wait3A_214 : memref<1x2x128xi32, #tpu.memory_space<hbm>> -> memref<2x128xi32, #tpu.memory_space<hbm>>
          tpu.wait_dma2 semaphore(%arg15 : memref<!tpu.dma_semaphore, #tpu.memory_space<semaphore_mem>>) src(%dma_wait3A_215 : memref<2x128xi32, #tpu.memory_space<hbm>>) dst(%arg21 : memref<2x128xi32, #tpu.memory_space<vmem>>)
          %dma_start3A_216 = arith.constant 0 : i32
          %dma_start3A_217 = arith.constant 0 : i32
          %dma_start3A_218 = tpu.memref_slice %arg21[%dma_start3A_216, %dma_start3A_217] : memref<2x128xi32, #tpu.memory_space<vmem>> -> memref<1x128xi32, #tpu.memory_space<vmem>>
          %dma_start3A_219 = tpu.memref_squeeze %dma_start3A_218 : memref<1x128xi32, #tpu.memory_space<vmem>> -> memref<128xi32, #tpu.memory_space<vmem>>
          %dma_start3A_220 = arith.constant 0 : i32
          %dma_start3A_221 = arith.constant 0 : i32
          %dma_start3A_222 = tpu.memref_slice %arg2[%dma_start3A_220, %dma_start3A_221] : memref<10000x128xf32, #tpu.memory_space<hbm>> -> memref<10000x128xf32, #tpu.memory_space<hbm>>
          tpu.enqueue_indirect_dma source(%dma_start3A_222 : memref<10000x128xf32, #tpu.memory_space<hbm>>) target(%arg17 : memref<128x128xf32, #tpu.memory_space<vmem>>) offsets(%dma_start3A_219 : memref<128xi32, #tpu.memory_space<vmem>>) semaphore(%arg11 : memref<!tpu.dma_semaphore, #tpu.memory_space<semaphore_mem>>)
        } else {
        }
        %lt3A_153 = arith.constant 2500 : i32
        %lt3A_154 = arith.cmpi slt, %add3A_130, %lt3A_153 : i32
        %convert_element_type3A_155 = arith.extui %lt3A_154 : i1 to i32
        %cond3A_156 = arith.constant 0 : i32
        %cond3A_157 = arith.cmpi ne, %convert_element_type3A_155, %cond3A_156 : i32
        scf.if %cond3A_157 {
          %dma_start3A_207 = arith.constant 1 : i32
          %dma_start3A_208 = arith.constant 0 : i32
          %dma_start3A_209 = tpu.memref_slice %arg20[%dma_start3A_207, %dma_start3A_208] : memref<2x128xi32, #tpu.memory_space<vmem>> -> memref<1x128xi32, #tpu.memory_space<vmem>>
          %dma_start3A_210 = tpu.memref_squeeze %dma_start3A_209 : memref<1x128xi32, #tpu.memory_space<vmem>> -> memref<128xi32, #tpu.memory_space<vmem>>
          %dma_start3A_211 = arith.constant 0 : i32
          %dma_start3A_212 = arith.constant 0 : i32
          %dma_start3A_213 = tpu.memref_slice %arg9[%dma_start3A_211, %dma_start3A_212] : memref<10240x128xf32, #tpu.memory_space<vmem_shared>> -> memref<10240x128xf32, #tpu.memory_space<vmem_shared>>
          tpu.enqueue_indirect_dma source(%arg16 : memref<128x128xf32, #tpu.memory_space<vmem>>) target(%dma_start3A_213 : memref<10240x128xf32, #tpu.memory_space<vmem_shared>>) offsets(%dma_start3A_210 : memref<128xi32, #tpu.memory_space<vmem>>) semaphore(%arg22 : memref<!tpu.dma_semaphore, #tpu.memory_space<semaphore_mem>>) {add = true}
        } else {
        }
        %add3A_158 = arith.constant 48 : i32
        %add3A_159 = arith.addi %add3A_130, %add3A_158 : i32
        %lt3A_160 = arith.constant 2500 : i32
        %lt3A_161 = arith.cmpi slt, %add3A_159, %lt3A_160 : i32
        %convert_element_type3A_162 = arith.extui %lt3A_161 : i1 to i32
        %cond3A_163 = arith.constant 0 : i32
        %cond3A_164 = arith.cmpi ne, %convert_element_type3A_162, %cond3A_163 : i32
        scf.if %cond3A_164 {
          %add3A_207 = arith.constant 48 : i32
          %add3A_208 = arith.addi %add3A_130, %add3A_207 : i32
          %dma_start3A_209 = arith.constant 0 : i32
          %dma_start3A_210 = arith.constant 0 : i32
          %dma_start3A_211 = tpu.memref_slice %arg4[%add3A_208, %dma_start3A_209, %dma_start3A_210] : memref<2500x2x128xi32, #tpu.memory_space<hbm>> -> memref<1x2x128xi32, #tpu.memory_space<hbm>>
          %dma_start3A_212 = tpu.memref_squeeze %dma_start3A_211 : memref<1x2x128xi32, #tpu.memory_space<hbm>> -> memref<2x128xi32, #tpu.memory_space<hbm>>
          %dma_start3A_213 = arith.constant 0 : i32
          %dma_start3A_214 = arith.constant 0 : i32
          %dma_start3A_215 = tpu.memref_slice %arg4[%add3A_208, %dma_start3A_213, %dma_start3A_214] : memref<2500x2x128xi32, #tpu.memory_space<hbm>> -> memref<1x2x128xi32, #tpu.memory_space<hbm>>
          %dma_start3A_216 = tpu.memref_squeeze %dma_start3A_215 : memref<1x2x128xi32, #tpu.memory_space<hbm>> -> memref<2x128xi32, #tpu.memory_space<hbm>>
          tpu.enqueue_dma source(%dma_start3A_216 : memref<2x128xi32, #tpu.memory_space<hbm>>) target(%arg19 : memref<2x128xi32, #tpu.memory_space<vmem>>) target_semaphore(%arg13 : memref<!tpu.dma_semaphore, #tpu.memory_space<semaphore_mem>>)
        } else {
        }
        %mul3A_165 = arith.constant 4 : i32
        %mul3A_166 = arith.muli %mul3A_165, %scan3A_44 : i32
        %add3A_167 = arith.constant 3 : i32
        %add3A_168 = arith.addi %mul3A_166, %add3A_167 : i32
        %mul3A_169 = arith.constant 16 : i32
        %mul3A_170 = arith.muli %add3A_168, %mul3A_169 : i32
        %add3A_171 = arith.addi %mul3A_170, %arg1 : i32
        %lt3A_172 = arith.constant 2500 : i32
        %lt3A_173 = arith.cmpi slt, %add3A_171, %lt3A_172 : i32
        %convert_element_type3A_174 = arith.extui %lt3A_173 : i1 to i32
        %cond3A_175 = arith.constant 0 : i32
        %cond3A_176 = arith.cmpi ne, %convert_element_type3A_174, %cond3A_175 : i32
        scf.if %cond3A_176 {
          %dma_wait3A = arith.constant 0 : i32
          %dma_wait3A_207 = arith.constant 0 : i32
          %dma_wait3A_208 = tpu.memref_slice %arg21[%dma_wait3A, %dma_wait3A_207] : memref<2x128xi32, #tpu.memory_space<vmem>> -> memref<1x128xi32, #tpu.memory_space<vmem>>
          %dma_wait3A_209 = tpu.memref_squeeze %dma_wait3A_208 : memref<1x128xi32, #tpu.memory_space<vmem>> -> memref<128xi32, #tpu.memory_space<vmem>>
          %dma_wait3A_210 = arith.constant 0 : i32
          %dma_wait3A_211 = arith.constant 0 : i32
          %dma_wait3A_212 = tpu.memref_slice %arg2[%dma_wait3A_210, %dma_wait3A_211] : memref<10000x128xf32, #tpu.memory_space<hbm>> -> memref<10000x128xf32, #tpu.memory_space<hbm>>
          tpu.wait_indirect_dma semaphore(%arg11 : memref<!tpu.dma_semaphore, #tpu.memory_space<semaphore_mem>>) src(%dma_wait3A_212 : memref<10000x128xf32, #tpu.memory_space<hbm>>) dst(%arg17 : memref<128x128xf32, #tpu.memory_space<vmem>>)
        } else {
        }
        %ge3A_177 = arith.constant 16 : i32
        %ge3A_178 = arith.cmpi sge, %add3A_171, %ge3A_177 : i32
        %sub3A_179 = arith.constant 16 : i32
        %sub3A_180 = arith.subi %add3A_171, %sub3A_179 : i32
        %lt3A_181 = arith.constant 2500 : i32
        %lt3A_182 = arith.cmpi slt, %sub3A_180, %lt3A_181 : i32
        %and3A_183 = arith.andi %ge3A_178, %lt3A_182 : i1
        %convert_element_type3A_184 = arith.extui %and3A_183 : i1 to i32
        %cond3A_185 = arith.constant 0 : i32
        %cond3A_186 = arith.cmpi ne, %convert_element_type3A_184, %cond3A_185 : i32
        scf.if %cond3A_186 {
          %dma_wait3A = arith.constant 1 : i32
          %dma_wait3A_207 = arith.constant 0 : i32
          %dma_wait3A_208 = tpu.memref_slice %arg20[%dma_wait3A, %dma_wait3A_207] : memref<2x128xi32, #tpu.memory_space<vmem>> -> memref<1x128xi32, #tpu.memory_space<vmem>>
          %dma_wait3A_209 = tpu.memref_squeeze %dma_wait3A_208 : memref<1x128xi32, #tpu.memory_space<vmem>> -> memref<128xi32, #tpu.memory_space<vmem>>
          %dma_wait3A_210 = arith.constant 0 : i32
          %dma_wait3A_211 = arith.constant 0 : i32
          %dma_wait3A_212 = tpu.memref_slice %arg9[%dma_wait3A_210, %dma_wait3A_211] : memref<10240x128xf32, #tpu.memory_space<vmem_shared>> -> memref<10240x128xf32, #tpu.memory_space<vmem_shared>>
          tpu.wait_indirect_dma semaphore(%arg22 : memref<!tpu.dma_semaphore, #tpu.memory_space<semaphore_mem>>) src(%arg16 : memref<128x128xf32, #tpu.memory_space<vmem>>) dst(%dma_wait3A_212 : memref<10240x128xf32, #tpu.memory_space<vmem_shared>>)
        } else {
        }
        %add3A_187 = arith.constant 16 : i32
        %add3A_188 = arith.addi %add3A_171, %add3A_187 : i32
        %lt3A_189 = arith.constant 2500 : i32
        %lt3A_190 = arith.cmpi slt, %add3A_188, %lt3A_189 : i32
        %convert_element_type3A_191 = arith.extui %lt3A_190 : i1 to i32
        %cond3A_192 = arith.constant 0 : i32
        %cond3A_193 = arith.cmpi ne, %convert_element_type3A_191, %cond3A_192 : i32
        scf.if %cond3A_193 {
          %add3A_207 = arith.constant 16 : i32
          %add3A_208 = arith.addi %add3A_171, %add3A_207 : i32
          %dma_wait3A = arith.constant 0 : i32
          %dma_wait3A_209 = arith.constant 0 : i32
          %dma_wait3A_210 = tpu.memref_slice %arg4[%add3A_208, %dma_wait3A, %dma_wait3A_209] : memref<2500x2x128xi32, #tpu.memory_space<hbm>> -> memref<1x2x128xi32, #tpu.memory_space<hbm>>
          %dma_wait3A_211 = tpu.memref_squeeze %dma_wait3A_210 : memref<1x2x128xi32, #tpu.memory_space<hbm>> -> memref<2x128xi32, #tpu.memory_space<hbm>>
          %dma_wait3A_212 = arith.constant 0 : i32
          %dma_wait3A_213 = arith.constant 0 : i32
          %dma_wait3A_214 = tpu.memref_slice %arg4[%add3A_208, %dma_wait3A_212, %dma_wait3A_213] : memref<2500x2x128xi32, #tpu.memory_space<hbm>> -> memref<1x2x128xi32, #tpu.memory_space<hbm>>
          %dma_wait3A_215 = tpu.memref_squeeze %dma_wait3A_214 : memref<1x2x128xi32, #tpu.memory_space<hbm>> -> memref<2x128xi32, #tpu.memory_space<hbm>>
          tpu.wait_dma2 semaphore(%arg12 : memref<!tpu.dma_semaphore, #tpu.memory_space<semaphore_mem>>) src(%dma_wait3A_215 : memref<2x128xi32, #tpu.memory_space<hbm>>) dst(%arg18 : memref<2x128xi32, #tpu.memory_space<vmem>>)
          %dma_start3A_216 = arith.constant 0 : i32
          %dma_start3A_217 = arith.constant 0 : i32
          %dma_start3A_218 = tpu.memref_slice %arg18[%dma_start3A_216, %dma_start3A_217] : memref<2x128xi32, #tpu.memory_space<vmem>> -> memref<1x128xi32, #tpu.memory_space<vmem>>
          %dma_start3A_219 = tpu.memref_squeeze %dma_start3A_218 : memref<1x128xi32, #tpu.memory_space<vmem>> -> memref<128xi32, #tpu.memory_space<vmem>>
          %dma_start3A_220 = arith.constant 0 : i32
          %dma_start3A_221 = arith.constant 0 : i32
          %dma_start3A_222 = tpu.memref_slice %arg2[%dma_start3A_220, %dma_start3A_221] : memref<10000x128xf32, #tpu.memory_space<hbm>> -> memref<10000x128xf32, #tpu.memory_space<hbm>>
          tpu.enqueue_indirect_dma source(%dma_start3A_222 : memref<10000x128xf32, #tpu.memory_space<hbm>>) target(%arg16 : memref<128x128xf32, #tpu.memory_space<vmem>>) offsets(%dma_start3A_219 : memref<128xi32, #tpu.memory_space<vmem>>) semaphore(%arg10 : memref<!tpu.dma_semaphore, #tpu.memory_space<semaphore_mem>>)
        } else {
        }
        %lt3A_194 = arith.constant 2500 : i32
        %lt3A_195 = arith.cmpi slt, %add3A_171, %lt3A_194 : i32
        %convert_element_type3A_196 = arith.extui %lt3A_195 : i1 to i32
        %cond3A_197 = arith.constant 0 : i32
        %cond3A_198 = arith.cmpi ne, %convert_element_type3A_196, %cond3A_197 : i32
        scf.if %cond3A_198 {
          %dma_start3A_207 = arith.constant 1 : i32
          %dma_start3A_208 = arith.constant 0 : i32
          %dma_start3A_209 = tpu.memref_slice %arg21[%dma_start3A_207, %dma_start3A_208] : memref<2x128xi32, #tpu.memory_space<vmem>> -> memref<1x128xi32, #tpu.memory_space<vmem>>
          %dma_start3A_210 = tpu.memref_squeeze %dma_start3A_209 : memref<1x128xi32, #tpu.memory_space<vmem>> -> memref<128xi32, #tpu.memory_space<vmem>>
          %dma_start3A_211 = arith.constant 0 : i32
          %dma_start3A_212 = arith.constant 0 : i32
          %dma_start3A_213 = tpu.memref_slice %arg9[%dma_start3A_211, %dma_start3A_212] : memref<10240x128xf32, #tpu.memory_space<vmem_shared>> -> memref<10240x128xf32, #tpu.memory_space<vmem_shared>>
          tpu.enqueue_indirect_dma source(%arg17 : memref<128x128xf32, #tpu.memory_space<vmem>>) target(%dma_start3A_213 : memref<10240x128xf32, #tpu.memory_space<vmem_shared>>) offsets(%dma_start3A_210 : memref<128xi32, #tpu.memory_space<vmem>>) semaphore(%arg23 : memref<!tpu.dma_semaphore, #tpu.memory_space<semaphore_mem>>) {add = true}
        } else {
        }
        %add3A_199 = arith.constant 48 : i32
        %add3A_200 = arith.addi %add3A_171, %add3A_199 : i32
        %lt3A_201 = arith.constant 2500 : i32
        %lt3A_202 = arith.cmpi slt, %add3A_200, %lt3A_201 : i32
        %convert_element_type3A_203 = arith.extui %lt3A_202 : i1 to i32
        %cond3A_204 = arith.constant 0 : i32
        %cond3A_205 = arith.cmpi ne, %convert_element_type3A_203, %cond3A_204 : i32
        scf.if %cond3A_205 {
          %add3A_207 = arith.constant 48 : i32
          %add3A_208 = arith.addi %add3A_171, %add3A_207 : i32
          %dma_start3A_209 = arith.constant 0 : i32
          %dma_start3A_210 = arith.constant 0 : i32
          %dma_start3A_211 = tpu.memref_slice %arg4[%add3A_208, %dma_start3A_209, %dma_start3A_210] : memref<2500x2x128xi32, #tpu.memory_space<hbm>> -> memref<1x2x128xi32, #tpu.memory_space<hbm>>
          %dma_start3A_212 = tpu.memref_squeeze %dma_start3A_211 : memref<1x2x128xi32, #tpu.memory_space<hbm>> -> memref<2x128xi32, #tpu.memory_space<hbm>>
          %dma_start3A_213 = arith.constant 0 : i32
          %dma_start3A_214 = arith.constant 0 : i32
          %dma_start3A_215 = tpu.memref_slice %arg4[%add3A_208, %dma_start3A_213, %dma_start3A_214] : memref<2500x2x128xi32, #tpu.memory_space<hbm>> -> memref<1x2x128xi32, #tpu.memory_space<hbm>>
          %dma_start3A_216 = tpu.memref_squeeze %dma_start3A_215 : memref<1x2x128xi32, #tpu.memory_space<hbm>> -> memref<2x128xi32, #tpu.memory_space<hbm>>
          tpu.enqueue_dma source(%dma_start3A_216 : memref<2x128xi32, #tpu.memory_space<hbm>>) target(%arg20 : memref<2x128xi32, #tpu.memory_space<vmem>>) target_semaphore(%arg14 : memref<!tpu.dma_semaphore, #tpu.memory_space<semaphore_mem>>)
        } else {
        }
        %scan3A_206 = arith.constant 0 : i32
        scf.yield %scan3A_206 : i32
      }
      %scan3A_38 = arith.constant 40 : i32
      %barrier3A_39 = arith.constant 0 : index
      tpu.barrier barrier_id(%barrier3A_39)
      %mul3A_40 = arith.constant 640 : i32
      %mul3A_41 = arith.muli %arg1, %mul3A_40 : i32
      %mul3A_42 = arith.constant 640 : i32
      %mul3A_43 = arith.muli %arg1, %mul3A_42 : i32
      "tpu.region"() ({
        %run_scoped3A = tpu.sem_alloc : memref<!tpu.dma_semaphore, #tpu.memory_space<semaphore_mem>>
        %dma_start3A_44 = arith.constant 0 : i32
        %dma_start3A_45 = tpu.memref_slice %arg7[%mul3A_43, %dma_start3A_44] : memref<10240x128xf32, #tpu.memory_space<hbm>> -> memref<640x128xf32, #tpu.memory_space<hbm>>
        %dma_start3A_46 = arith.constant 0 : i32
        %dma_start3A_47 = tpu.memref_slice %arg9[%mul3A_41, %dma_start3A_46] : memref<10240x128xf32, #tpu.memory_space<vmem_shared>> -> memref<640x128xf32, #tpu.memory_space<vmem_shared>>
        tpu.enqueue_dma source(%dma_start3A_47 : memref<640x128xf32, #tpu.memory_space<vmem_shared>>) target(%dma_start3A_45 : memref<640x128xf32, #tpu.memory_space<hbm>>) target_semaphore(%run_scoped3A : memref<!tpu.dma_semaphore, #tpu.memory_space<semaphore_mem>>)
        %dma_wait3A = arith.constant 0 : i32
        %dma_wait3A_48 = tpu.memref_slice %arg7[%mul3A_43, %dma_wait3A] : memref<10240x128xf32, #tpu.memory_space<hbm>> -> memref<640x128xf32, #tpu.memory_space<hbm>>
        %dma_wait3A_49 = arith.constant 0 : i32
        %dma_wait3A_50 = tpu.memref_slice %arg9[%mul3A_41, %dma_wait3A_49] : memref<10240x128xf32, #tpu.memory_space<vmem_shared>> -> memref<640x128xf32, #tpu.memory_space<vmem_shared>>
        tpu.wait_dma2 semaphore(%run_scoped3A : memref<!tpu.dma_semaphore, #tpu.memory_space<semaphore_mem>>) src(%dma_wait3A_50 : memref<640x128xf32, #tpu.memory_space<vmem_shared>>) dst(%dma_wait3A_48 : memref<640x128xf32, #tpu.memory_space<hbm>>)
        tpu.yield
      }) : () -> ()
    } else {
    }
    %eq3A_3 = arith.constant 1 : i32
    %eq3A_4 = arith.cmpi eq, %arg0, %eq3A_3 : i32
    %convert_element_type3A_5 = arith.extui %eq3A_4 : i1 to i32
    %cond3A_6 = arith.constant 0 : i32
    %cond3A_7 = arith.cmpi ne, %convert_element_type3A_5, %cond3A_6 : i32
    scf.if %cond3A_7 {
      "tpu.region"() ({
        %run_scoped3A = tpu.sem_alloc : memref<!tpu.dma_semaphore, #tpu.memory_space<semaphore_mem>>
        %dma_start3A_44 = arith.constant 0 : i32
        %dma_start3A_45 = arith.constant 0 : i32
        %dma_start3A_46 = tpu.memref_slice %arg5[%arg1, %dma_start3A_44, %dma_start3A_45] : memref<2500x2x128xi32, #tpu.memory_space<hbm>> -> memref<1x2x128xi32, #tpu.memory_space<hbm>>
        %dma_start3A_47 = tpu.memref_squeeze %dma_start3A_46 : memref<1x2x128xi32, #tpu.memory_space<hbm>> -> memref<2x128xi32, #tpu.memory_space<hbm>>
        %dma_start3A_48 = arith.constant 0 : i32
        %dma_start3A_49 = arith.constant 0 : i32
        %dma_start3A_50 = tpu.memref_slice %arg5[%arg1, %dma_start3A_48, %dma_start3A_49] : memref<2500x2x128xi32, #tpu.memory_space<hbm>> -> memref<1x2x128xi32, #tpu.memory_space<hbm>>
        %dma_start3A_51 = tpu.memref_squeeze %dma_start3A_50 : memref<1x2x128xi32, #tpu.memory_space<hbm>> -> memref<2x128xi32, #tpu.memory_space<hbm>>
        tpu.enqueue_dma source(%dma_start3A_51 : memref<2x128xi32, #tpu.memory_space<hbm>>) target(%arg18 : memref<2x128xi32, #tpu.memory_space<vmem>>) target_semaphore(%run_scoped3A : memref<!tpu.dma_semaphore, #tpu.memory_space<semaphore_mem>>)
        %dma_wait3A = arith.constant 0 : i32
        %dma_wait3A_52 = arith.constant 0 : i32
        %dma_wait3A_53 = tpu.memref_slice %arg5[%arg1, %dma_wait3A, %dma_wait3A_52] : memref<2500x2x128xi32, #tpu.memory_space<hbm>> -> memref<1x2x128xi32, #tpu.memory_space<hbm>>
        %dma_wait3A_54 = tpu.memref_squeeze %dma_wait3A_53 : memref<1x2x128xi32, #tpu.memory_space<hbm>> -> memref<2x128xi32, #tpu.memory_space<hbm>>
        %dma_wait3A_55 = arith.constant 0 : i32
        %dma_wait3A_56 = arith.constant 0 : i32
        %dma_wait3A_57 = tpu.memref_slice %arg5[%arg1, %dma_wait3A_55, %dma_wait3A_56] : memref<2500x2x128xi32, #tpu.memory_space<hbm>> -> memref<1x2x128xi32, #tpu.memory_space<hbm>>
        %dma_wait3A_58 = tpu.memref_squeeze %dma_wait3A_57 : memref<1x2x128xi32, #tpu.memory_space<hbm>> -> memref<2x128xi32, #tpu.memory_space<hbm>>
        tpu.wait_dma2 semaphore(%run_scoped3A : memref<!tpu.dma_semaphore, #tpu.memory_space<semaphore_mem>>) src(%dma_wait3A_58 : memref<2x128xi32, #tpu.memory_space<hbm>>) dst(%arg18 : memref<2x128xi32, #tpu.memory_space<vmem>>)
        tpu.yield
      }) : () -> ()
      %dma_start3A = arith.constant 0 : i32
      %dma_start3A_8 = arith.constant 0 : i32
      %dma_start3A_9 = tpu.memref_slice %arg18[%dma_start3A, %dma_start3A_8] : memref<2x128xi32, #tpu.memory_space<vmem>> -> memref<1x128xi32, #tpu.memory_space<vmem>>
      %dma_start3A_10 = tpu.memref_squeeze %dma_start3A_9 : memref<1x128xi32, #tpu.memory_space<vmem>> -> memref<128xi32, #tpu.memory_space<vmem>>
      %dma_start3A_11 = arith.constant 0 : i32
      %dma_start3A_12 = arith.constant 0 : i32
      %dma_start3A_13 = tpu.memref_slice %arg3[%dma_start3A_11, %dma_start3A_12] : memref<10000x128xf32, #tpu.memory_space<hbm>> -> memref<10000x128xf32, #tpu.memory_space<hbm>>
      tpu.enqueue_indirect_dma source(%dma_start3A_13 : memref<10000x128xf32, #tpu.memory_space<hbm>>) target(%arg16 : memref<128x128xf32, #tpu.memory_space<vmem>>) offsets(%dma_start3A_10 : memref<128xi32, #tpu.memory_space<vmem>>) semaphore(%arg10 : memref<!tpu.dma_semaphore, #tpu.memory_space<semaphore_mem>>)
      %add3A = arith.constant 16 : i32
      %add3A_14 = arith.addi %add3A, %arg1 : i32
      %dma_start3A_15 = arith.constant 0 : i32
      %dma_start3A_16 = arith.constant 0 : i32
      %dma_start3A_17 = tpu.memref_slice %arg5[%add3A_14, %dma_start3A_15, %dma_start3A_16] : memref<2500x2x128xi32, #tpu.memory_space<hbm>> -> memref<1x2x128xi32, #tpu.memory_space<hbm>>
      %dma_start3A_18 = tpu.memref_squeeze %dma_start3A_17 : memref<1x2x128xi32, #tpu.memory_space<hbm>> -> memref<2x128xi32, #tpu.memory_space<hbm>>
      %dma_start3A_19 = arith.constant 0 : i32
      %dma_start3A_20 = arith.constant 0 : i32
      %dma_start3A_21 = tpu.memref_slice %arg5[%add3A_14, %dma_start3A_19, %dma_start3A_20] : memref<2500x2x128xi32, #tpu.memory_space<hbm>> -> memref<1x2x128xi32, #tpu.memory_space<hbm>>
      %dma_start3A_22 = tpu.memref_squeeze %dma_start3A_21 : memref<1x2x128xi32, #tpu.memory_space<hbm>> -> memref<2x128xi32, #tpu.memory_space<hbm>>
      tpu.enqueue_dma source(%dma_start3A_22 : memref<2x128xi32, #tpu.memory_space<hbm>>) target(%arg19 : memref<2x128xi32, #tpu.memory_space<vmem>>) target_semaphore(%arg13 : memref<!tpu.dma_semaphore, #tpu.memory_space<semaphore_mem>>)
      %add3A_23 = arith.constant 32 : i32
      %add3A_24 = arith.addi %add3A_23, %arg1 : i32
      %dma_start3A_25 = arith.constant 0 : i32
      %dma_start3A_26 = arith.constant 0 : i32
      %dma_start3A_27 = tpu.memref_slice %arg5[%add3A_24, %dma_start3A_25, %dma_start3A_26] : memref<2500x2x128xi32, #tpu.memory_space<hbm>> -> memref<1x2x128xi32, #tpu.memory_space<hbm>>
      %dma_start3A_28 = tpu.memref_squeeze %dma_start3A_27 : memref<1x2x128xi32, #tpu.memory_space<hbm>> -> memref<2x128xi32, #tpu.memory_space<hbm>>
      %dma_start3A_29 = arith.constant 0 : i32
      %dma_start3A_30 = arith.constant 0 : i32
      %dma_start3A_31 = tpu.memref_slice %arg5[%add3A_24, %dma_start3A_29, %dma_start3A_30] : memref<2500x2x128xi32, #tpu.memory_space<hbm>> -> memref<1x2x128xi32, #tpu.memory_space<hbm>>
      %dma_start3A_32 = tpu.memref_squeeze %dma_start3A_31 : memref<1x2x128xi32, #tpu.memory_space<hbm>> -> memref<2x128xi32, #tpu.memory_space<hbm>>
      tpu.enqueue_dma source(%dma_start3A_32 : memref<2x128xi32, #tpu.memory_space<hbm>>) target(%arg20 : memref<2x128xi32, #tpu.memory_space<vmem>>) target_semaphore(%arg14 : memref<!tpu.dma_semaphore, #tpu.memory_space<semaphore_mem>>)
      %scan3A = arith.constant 0 : i32
      %scan3A_33 = arith.constant 0 : i32
      %scan3A_34 = arith.constant 40 : i32
      %scan3A_35 = arith.addi %scan3A_33, %scan3A_34 : i32
      %scan3A_36 = arith.constant 1 : i32
      %scan3A_37 = scf.for %scan3A_44 = %scan3A_33 to %scan3A_35 step %scan3A_36 iter_args(%scan3A_45 = %scan3A) -> (i32)  : i32 {
        %mul3A_46 = arith.constant 4 : i32
        %mul3A_47 = arith.muli %mul3A_46, %scan3A_44 : i32
        %add3A_48 = arith.constant 0 : i32
        %add3A_49 = arith.addi %mul3A_47, %add3A_48 : i32
        %mul3A_50 = arith.constant 16 : i32
        %mul3A_51 = arith.muli %add3A_49, %mul3A_50 : i32
        %add3A_52 = arith.addi %mul3A_51, %arg1 : i32
        %lt3A = arith.constant 2500 : i32
        %lt3A_53 = arith.cmpi slt, %add3A_52, %lt3A : i32
        %convert_element_type3A_54 = arith.extui %lt3A_53 : i1 to i32
        %cond3A_55 = arith.constant 0 : i32
        %cond3A_56 = arith.cmpi ne, %convert_element_type3A_54, %cond3A_55 : i32
        scf.if %cond3A_56 {
          %dma_wait3A = arith.constant 0 : i32
          %dma_wait3A_207 = arith.constant 0 : i32
          %dma_wait3A_208 = tpu.memref_slice %arg18[%dma_wait3A, %dma_wait3A_207] : memref<2x128xi32, #tpu.memory_space<vmem>> -> memref<1x128xi32, #tpu.memory_space<vmem>>
          %dma_wait3A_209 = tpu.memref_squeeze %dma_wait3A_208 : memref<1x128xi32, #tpu.memory_space<vmem>> -> memref<128xi32, #tpu.memory_space<vmem>>
          %dma_wait3A_210 = arith.constant 0 : i32
          %dma_wait3A_211 = arith.constant 0 : i32
          %dma_wait3A_212 = tpu.memref_slice %arg3[%dma_wait3A_210, %dma_wait3A_211] : memref<10000x128xf32, #tpu.memory_space<hbm>> -> memref<10000x128xf32, #tpu.memory_space<hbm>>
          tpu.wait_indirect_dma semaphore(%arg10 : memref<!tpu.dma_semaphore, #tpu.memory_space<semaphore_mem>>) src(%dma_wait3A_212 : memref<10000x128xf32, #tpu.memory_space<hbm>>) dst(%arg16 : memref<128x128xf32, #tpu.memory_space<vmem>>)
        } else {
        }
        %ge3A = arith.constant 16 : i32
        %ge3A_57 = arith.cmpi sge, %add3A_52, %ge3A : i32
        %sub3A = arith.constant 16 : i32
        %sub3A_58 = arith.subi %add3A_52, %sub3A : i32
        %lt3A_59 = arith.constant 2500 : i32
        %lt3A_60 = arith.cmpi slt, %sub3A_58, %lt3A_59 : i32
        %and3A = arith.andi %ge3A_57, %lt3A_60 : i1
        %convert_element_type3A_61 = arith.extui %and3A : i1 to i32
        %cond3A_62 = arith.constant 0 : i32
        %cond3A_63 = arith.cmpi ne, %convert_element_type3A_61, %cond3A_62 : i32
        scf.if %cond3A_63 {
          %dma_wait3A = arith.constant 1 : i32
          %dma_wait3A_207 = arith.constant 0 : i32
          %dma_wait3A_208 = tpu.memref_slice %arg21[%dma_wait3A, %dma_wait3A_207] : memref<2x128xi32, #tpu.memory_space<vmem>> -> memref<1x128xi32, #tpu.memory_space<vmem>>
          %dma_wait3A_209 = tpu.memref_squeeze %dma_wait3A_208 : memref<1x128xi32, #tpu.memory_space<vmem>> -> memref<128xi32, #tpu.memory_space<vmem>>
          %dma_wait3A_210 = arith.constant 0 : i32
          %dma_wait3A_211 = arith.constant 0 : i32
          %dma_wait3A_212 = tpu.memref_slice %arg9[%dma_wait3A_210, %dma_wait3A_211] : memref<10240x128xf32, #tpu.memory_space<vmem_shared>> -> memref<10240x128xf32, #tpu.memory_space<vmem_shared>>
          tpu.wait_indirect_dma semaphore(%arg23 : memref<!tpu.dma_semaphore, #tpu.memory_space<semaphore_mem>>) src(%arg17 : memref<128x128xf32, #tpu.memory_space<vmem>>) dst(%dma_wait3A_212 : memref<10240x128xf32, #tpu.memory_space<vmem_shared>>)
        } else {
        }
        %add3A_64 = arith.constant 16 : i32
        %add3A_65 = arith.addi %add3A_52, %add3A_64 : i32
        %lt3A_66 = arith.constant 2500 : i32
        %lt3A_67 = arith.cmpi slt, %add3A_65, %lt3A_66 : i32
        %convert_element_type3A_68 = arith.extui %lt3A_67 : i1 to i32
        %cond3A_69 = arith.constant 0 : i32
        %cond3A_70 = arith.cmpi ne, %convert_element_type3A_68, %cond3A_69 : i32
        scf.if %cond3A_70 {
          %add3A_207 = arith.constant 16 : i32
          %add3A_208 = arith.addi %add3A_52, %add3A_207 : i32
          %dma_wait3A = arith.constant 0 : i32
          %dma_wait3A_209 = arith.constant 0 : i32
          %dma_wait3A_210 = tpu.memref_slice %arg5[%add3A_208, %dma_wait3A, %dma_wait3A_209] : memref<2500x2x128xi32, #tpu.memory_space<hbm>> -> memref<1x2x128xi32, #tpu.memory_space<hbm>>
          %dma_wait3A_211 = tpu.memref_squeeze %dma_wait3A_210 : memref<1x2x128xi32, #tpu.memory_space<hbm>> -> memref<2x128xi32, #tpu.memory_space<hbm>>
          %dma_wait3A_212 = arith.constant 0 : i32
          %dma_wait3A_213 = arith.constant 0 : i32
          %dma_wait3A_214 = tpu.memref_slice %arg5[%add3A_208, %dma_wait3A_212, %dma_wait3A_213] : memref<2500x2x128xi32, #tpu.memory_space<hbm>> -> memref<1x2x128xi32, #tpu.memory_space<hbm>>
          %dma_wait3A_215 = tpu.memref_squeeze %dma_wait3A_214 : memref<1x2x128xi32, #tpu.memory_space<hbm>> -> memref<2x128xi32, #tpu.memory_space<hbm>>
          tpu.wait_dma2 semaphore(%arg13 : memref<!tpu.dma_semaphore, #tpu.memory_space<semaphore_mem>>) src(%dma_wait3A_215 : memref<2x128xi32, #tpu.memory_space<hbm>>) dst(%arg19 : memref<2x128xi32, #tpu.memory_space<vmem>>)
          %dma_start3A_216 = arith.constant 0 : i32
          %dma_start3A_217 = arith.constant 0 : i32
          %dma_start3A_218 = tpu.memref_slice %arg19[%dma_start3A_216, %dma_start3A_217] : memref<2x128xi32, #tpu.memory_space<vmem>> -> memref<1x128xi32, #tpu.memory_space<vmem>>
          %dma_start3A_219 = tpu.memref_squeeze %dma_start3A_218 : memref<1x128xi32, #tpu.memory_space<vmem>> -> memref<128xi32, #tpu.memory_space<vmem>>
          %dma_start3A_220 = arith.constant 0 : i32
          %dma_start3A_221 = arith.constant 0 : i32
          %dma_start3A_222 = tpu.memref_slice %arg3[%dma_start3A_220, %dma_start3A_221] : memref<10000x128xf32, #tpu.memory_space<hbm>> -> memref<10000x128xf32, #tpu.memory_space<hbm>>
          tpu.enqueue_indirect_dma source(%dma_start3A_222 : memref<10000x128xf32, #tpu.memory_space<hbm>>) target(%arg17 : memref<128x128xf32, #tpu.memory_space<vmem>>) offsets(%dma_start3A_219 : memref<128xi32, #tpu.memory_space<vmem>>) semaphore(%arg11 : memref<!tpu.dma_semaphore, #tpu.memory_space<semaphore_mem>>)
        } else {
        }
        %lt3A_71 = arith.constant 2500 : i32
        %lt3A_72 = arith.cmpi slt, %add3A_52, %lt3A_71 : i32
        %convert_element_type3A_73 = arith.extui %lt3A_72 : i1 to i32
        %cond3A_74 = arith.constant 0 : i32
        %cond3A_75 = arith.cmpi ne, %convert_element_type3A_73, %cond3A_74 : i32
        scf.if %cond3A_75 {
          %dma_start3A_207 = arith.constant 1 : i32
          %dma_start3A_208 = arith.constant 0 : i32
          %dma_start3A_209 = tpu.memref_slice %arg18[%dma_start3A_207, %dma_start3A_208] : memref<2x128xi32, #tpu.memory_space<vmem>> -> memref<1x128xi32, #tpu.memory_space<vmem>>
          %dma_start3A_210 = tpu.memref_squeeze %dma_start3A_209 : memref<1x128xi32, #tpu.memory_space<vmem>> -> memref<128xi32, #tpu.memory_space<vmem>>
          %dma_start3A_211 = arith.constant 0 : i32
          %dma_start3A_212 = arith.constant 0 : i32
          %dma_start3A_213 = tpu.memref_slice %arg9[%dma_start3A_211, %dma_start3A_212] : memref<10240x128xf32, #tpu.memory_space<vmem_shared>> -> memref<10240x128xf32, #tpu.memory_space<vmem_shared>>
          tpu.enqueue_indirect_dma source(%arg16 : memref<128x128xf32, #tpu.memory_space<vmem>>) target(%dma_start3A_213 : memref<10240x128xf32, #tpu.memory_space<vmem_shared>>) offsets(%dma_start3A_210 : memref<128xi32, #tpu.memory_space<vmem>>) semaphore(%arg22 : memref<!tpu.dma_semaphore, #tpu.memory_space<semaphore_mem>>) {add = true}
        } else {
        }
        %add3A_76 = arith.constant 48 : i32
        %add3A_77 = arith.addi %add3A_52, %add3A_76 : i32
        %lt3A_78 = arith.constant 2500 : i32
        %lt3A_79 = arith.cmpi slt, %add3A_77, %lt3A_78 : i32
        %convert_element_type3A_80 = arith.extui %lt3A_79 : i1 to i32
        %cond3A_81 = arith.constant 0 : i32
        %cond3A_82 = arith.cmpi ne, %convert_element_type3A_80, %cond3A_81 : i32
        scf.if %cond3A_82 {
          %add3A_207 = arith.constant 48 : i32
          %add3A_208 = arith.addi %add3A_52, %add3A_207 : i32
          %dma_start3A_209 = arith.constant 0 : i32
          %dma_start3A_210 = arith.constant 0 : i32
          %dma_start3A_211 = tpu.memref_slice %arg5[%add3A_208, %dma_start3A_209, %dma_start3A_210] : memref<2500x2x128xi32, #tpu.memory_space<hbm>> -> memref<1x2x128xi32, #tpu.memory_space<hbm>>
          %dma_start3A_212 = tpu.memref_squeeze %dma_start3A_211 : memref<1x2x128xi32, #tpu.memory_space<hbm>> -> memref<2x128xi32, #tpu.memory_space<hbm>>
          %dma_start3A_213 = arith.constant 0 : i32
          %dma_start3A_214 = arith.constant 0 : i32
          %dma_start3A_215 = tpu.memref_slice %arg5[%add3A_208, %dma_start3A_213, %dma_start3A_214] : memref<2500x2x128xi32, #tpu.memory_space<hbm>> -> memref<1x2x128xi32, #tpu.memory_space<hbm>>
          %dma_start3A_216 = tpu.memref_squeeze %dma_start3A_215 : memref<1x2x128xi32, #tpu.memory_space<hbm>> -> memref<2x128xi32, #tpu.memory_space<hbm>>
          tpu.enqueue_dma source(%dma_start3A_216 : memref<2x128xi32, #tpu.memory_space<hbm>>) target(%arg21 : memref<2x128xi32, #tpu.memory_space<vmem>>) target_semaphore(%arg15 : memref<!tpu.dma_semaphore, #tpu.memory_space<semaphore_mem>>)
        } else {
        }
        %mul3A_83 = arith.constant 4 : i32
        %mul3A_84 = arith.muli %mul3A_83, %scan3A_44 : i32
        %add3A_85 = arith.constant 1 : i32
        %add3A_86 = arith.addi %mul3A_84, %add3A_85 : i32
        %mul3A_87 = arith.constant 16 : i32
        %mul3A_88 = arith.muli %add3A_86, %mul3A_87 : i32
        %add3A_89 = arith.addi %mul3A_88, %arg1 : i32
        %lt3A_90 = arith.constant 2500 : i32
        %lt3A_91 = arith.cmpi slt, %add3A_89, %lt3A_90 : i32
        %convert_element_type3A_92 = arith.extui %lt3A_91 : i1 to i32
        %cond3A_93 = arith.constant 0 : i32
        %cond3A_94 = arith.cmpi ne, %convert_element_type3A_92, %cond3A_93 : i32
        scf.if %cond3A_94 {
          %dma_wait3A = arith.constant 0 : i32
          %dma_wait3A_207 = arith.constant 0 : i32
          %dma_wait3A_208 = tpu.memref_slice %arg19[%dma_wait3A, %dma_wait3A_207] : memref<2x128xi32, #tpu.memory_space<vmem>> -> memref<1x128xi32, #tpu.memory_space<vmem>>
          %dma_wait3A_209 = tpu.memref_squeeze %dma_wait3A_208 : memref<1x128xi32, #tpu.memory_space<vmem>> -> memref<128xi32, #tpu.memory_space<vmem>>
          %dma_wait3A_210 = arith.constant 0 : i32
          %dma_wait3A_211 = arith.constant 0 : i32
          %dma_wait3A_212 = tpu.memref_slice %arg3[%dma_wait3A_210, %dma_wait3A_211] : memref<10000x128xf32, #tpu.memory_space<hbm>> -> memref<10000x128xf32, #tpu.memory_space<hbm>>
          tpu.wait_indirect_dma semaphore(%arg11 : memref<!tpu.dma_semaphore, #tpu.memory_space<semaphore_mem>>) src(%dma_wait3A_212 : memref<10000x128xf32, #tpu.memory_space<hbm>>) dst(%arg17 : memref<128x128xf32, #tpu.memory_space<vmem>>)
        } else {
        }
        %ge3A_95 = arith.constant 16 : i32
        %ge3A_96 = arith.cmpi sge, %add3A_89, %ge3A_95 : i32
        %sub3A_97 = arith.constant 16 : i32
        %sub3A_98 = arith.subi %add3A_89, %sub3A_97 : i32
        %lt3A_99 = arith.constant 2500 : i32
        %lt3A_100 = arith.cmpi slt, %sub3A_98, %lt3A_99 : i32
        %and3A_101 = arith.andi %ge3A_96, %lt3A_100 : i1
        %convert_element_type3A_102 = arith.extui %and3A_101 : i1 to i32
        %cond3A_103 = arith.constant 0 : i32
        %cond3A_104 = arith.cmpi ne, %convert_element_type3A_102, %cond3A_103 : i32
        scf.if %cond3A_104 {
          %dma_wait3A = arith.constant 1 : i32
          %dma_wait3A_207 = arith.constant 0 : i32
          %dma_wait3A_208 = tpu.memref_slice %arg18[%dma_wait3A, %dma_wait3A_207] : memref<2x128xi32, #tpu.memory_space<vmem>> -> memref<1x128xi32, #tpu.memory_space<vmem>>
          %dma_wait3A_209 = tpu.memref_squeeze %dma_wait3A_208 : memref<1x128xi32, #tpu.memory_space<vmem>> -> memref<128xi32, #tpu.memory_space<vmem>>
          %dma_wait3A_210 = arith.constant 0 : i32
          %dma_wait3A_211 = arith.constant 0 : i32
          %dma_wait3A_212 = tpu.memref_slice %arg9[%dma_wait3A_210, %dma_wait3A_211] : memref<10240x128xf32, #tpu.memory_space<vmem_shared>> -> memref<10240x128xf32, #tpu.memory_space<vmem_shared>>
          tpu.wait_indirect_dma semaphore(%arg22 : memref<!tpu.dma_semaphore, #tpu.memory_space<semaphore_mem>>) src(%arg16 : memref<128x128xf32, #tpu.memory_space<vmem>>) dst(%dma_wait3A_212 : memref<10240x128xf32, #tpu.memory_space<vmem_shared>>)
        } else {
        }
        %add3A_105 = arith.constant 16 : i32
        %add3A_106 = arith.addi %add3A_89, %add3A_105 : i32
        %lt3A_107 = arith.constant 2500 : i32
        %lt3A_108 = arith.cmpi slt, %add3A_106, %lt3A_107 : i32
        %convert_element_type3A_109 = arith.extui %lt3A_108 : i1 to i32
        %cond3A_110 = arith.constant 0 : i32
        %cond3A_111 = arith.cmpi ne, %convert_element_type3A_109, %cond3A_110 : i32
        scf.if %cond3A_111 {
          %add3A_207 = arith.constant 16 : i32
          %add3A_208 = arith.addi %add3A_89, %add3A_207 : i32
          %dma_wait3A = arith.constant 0 : i32
          %dma_wait3A_209 = arith.constant 0 : i32
          %dma_wait3A_210 = tpu.memref_slice %arg5[%add3A_208, %dma_wait3A, %dma_wait3A_209] : memref<2500x2x128xi32, #tpu.memory_space<hbm>> -> memref<1x2x128xi32, #tpu.memory_space<hbm>>
          %dma_wait3A_211 = tpu.memref_squeeze %dma_wait3A_210 : memref<1x2x128xi32, #tpu.memory_space<hbm>> -> memref<2x128xi32, #tpu.memory_space<hbm>>
          %dma_wait3A_212 = arith.constant 0 : i32
          %dma_wait3A_213 = arith.constant 0 : i32
          %dma_wait3A_214 = tpu.memref_slice %arg5[%add3A_208, %dma_wait3A_212, %dma_wait3A_213] : memref<2500x2x128xi32, #tpu.memory_space<hbm>> -> memref<1x2x128xi32, #tpu.memory_space<hbm>>
          %dma_wait3A_215 = tpu.memref_squeeze %dma_wait3A_214 : memref<1x2x128xi32, #tpu.memory_space<hbm>> -> memref<2x128xi32, #tpu.memory_space<hbm>>
          tpu.wait_dma2 semaphore(%arg14 : memref<!tpu.dma_semaphore, #tpu.memory_space<semaphore_mem>>) src(%dma_wait3A_215 : memref<2x128xi32, #tpu.memory_space<hbm>>) dst(%arg20 : memref<2x128xi32, #tpu.memory_space<vmem>>)
          %dma_start3A_216 = arith.constant 0 : i32
          %dma_start3A_217 = arith.constant 0 : i32
          %dma_start3A_218 = tpu.memref_slice %arg20[%dma_start3A_216, %dma_start3A_217] : memref<2x128xi32, #tpu.memory_space<vmem>> -> memref<1x128xi32, #tpu.memory_space<vmem>>
          %dma_start3A_219 = tpu.memref_squeeze %dma_start3A_218 : memref<1x128xi32, #tpu.memory_space<vmem>> -> memref<128xi32, #tpu.memory_space<vmem>>
          %dma_start3A_220 = arith.constant 0 : i32
          %dma_start3A_221 = arith.constant 0 : i32
          %dma_start3A_222 = tpu.memref_slice %arg3[%dma_start3A_220, %dma_start3A_221] : memref<10000x128xf32, #tpu.memory_space<hbm>> -> memref<10000x128xf32, #tpu.memory_space<hbm>>
          tpu.enqueue_indirect_dma source(%dma_start3A_222 : memref<10000x128xf32, #tpu.memory_space<hbm>>) target(%arg16 : memref<128x128xf32, #tpu.memory_space<vmem>>) offsets(%dma_start3A_219 : memref<128xi32, #tpu.memory_space<vmem>>) semaphore(%arg10 : memref<!tpu.dma_semaphore, #tpu.memory_space<semaphore_mem>>)
        } else {
        }
        %lt3A_112 = arith.constant 2500 : i32
        %lt3A_113 = arith.cmpi slt, %add3A_89, %lt3A_112 : i32
        %convert_element_type3A_114 = arith.extui %lt3A_113 : i1 to i32
        %cond3A_115 = arith.constant 0 : i32
        %cond3A_116 = arith.cmpi ne, %convert_element_type3A_114, %cond3A_115 : i32
        scf.if %cond3A_116 {
          %dma_start3A_207 = arith.constant 1 : i32
          %dma_start3A_208 = arith.constant 0 : i32
          %dma_start3A_209 = tpu.memref_slice %arg19[%dma_start3A_207, %dma_start3A_208] : memref<2x128xi32, #tpu.memory_space<vmem>> -> memref<1x128xi32, #tpu.memory_space<vmem>>
          %dma_start3A_210 = tpu.memref_squeeze %dma_start3A_209 : memref<1x128xi32, #tpu.memory_space<vmem>> -> memref<128xi32, #tpu.memory_space<vmem>>
          %dma_start3A_211 = arith.constant 0 : i32
          %dma_start3A_212 = arith.constant 0 : i32
          %dma_start3A_213 = tpu.memref_slice %arg9[%dma_start3A_211, %dma_start3A_212] : memref<10240x128xf32, #tpu.memory_space<vmem_shared>> -> memref<10240x128xf32, #tpu.memory_space<vmem_shared>>
          tpu.enqueue_indirect_dma source(%arg17 : memref<128x128xf32, #tpu.memory_space<vmem>>) target(%dma_start3A_213 : memref<10240x128xf32, #tpu.memory_space<vmem_shared>>) offsets(%dma_start3A_210 : memref<128xi32, #tpu.memory_space<vmem>>) semaphore(%arg23 : memref<!tpu.dma_semaphore, #tpu.memory_space<semaphore_mem>>) {add = true}
        } else {
        }
        %add3A_117 = arith.constant 48 : i32
        %add3A_118 = arith.addi %add3A_89, %add3A_117 : i32
        %lt3A_119 = arith.constant 2500 : i32
        %lt3A_120 = arith.cmpi slt, %add3A_118, %lt3A_119 : i32
        %convert_element_type3A_121 = arith.extui %lt3A_120 : i1 to i32
        %cond3A_122 = arith.constant 0 : i32
        %cond3A_123 = arith.cmpi ne, %convert_element_type3A_121, %cond3A_122 : i32
        scf.if %cond3A_123 {
          %add3A_207 = arith.constant 48 : i32
          %add3A_208 = arith.addi %add3A_89, %add3A_207 : i32
          %dma_start3A_209 = arith.constant 0 : i32
          %dma_start3A_210 = arith.constant 0 : i32
          %dma_start3A_211 = tpu.memref_slice %arg5[%add3A_208, %dma_start3A_209, %dma_start3A_210] : memref<2500x2x128xi32, #tpu.memory_space<hbm>> -> memref<1x2x128xi32, #tpu.memory_space<hbm>>
          %dma_start3A_212 = tpu.memref_squeeze %dma_start3A_211 : memref<1x2x128xi32, #tpu.memory_space<hbm>> -> memref<2x128xi32, #tpu.memory_space<hbm>>
          %dma_start3A_213 = arith.constant 0 : i32
          %dma_start3A_214 = arith.constant 0 : i32
          %dma_start3A_215 = tpu.memref_slice %arg5[%add3A_208, %dma_start3A_213, %dma_start3A_214] : memref<2500x2x128xi32, #tpu.memory_space<hbm>> -> memref<1x2x128xi32, #tpu.memory_space<hbm>>
          %dma_start3A_216 = tpu.memref_squeeze %dma_start3A_215 : memref<1x2x128xi32, #tpu.memory_space<hbm>> -> memref<2x128xi32, #tpu.memory_space<hbm>>
          tpu.enqueue_dma source(%dma_start3A_216 : memref<2x128xi32, #tpu.memory_space<hbm>>) target(%arg18 : memref<2x128xi32, #tpu.memory_space<vmem>>) target_semaphore(%arg12 : memref<!tpu.dma_semaphore, #tpu.memory_space<semaphore_mem>>)
        } else {
        }
        %mul3A_124 = arith.constant 4 : i32
        %mul3A_125 = arith.muli %mul3A_124, %scan3A_44 : i32
        %add3A_126 = arith.constant 2 : i32
        %add3A_127 = arith.addi %mul3A_125, %add3A_126 : i32
        %mul3A_128 = arith.constant 16 : i32
        %mul3A_129 = arith.muli %add3A_127, %mul3A_128 : i32
        %add3A_130 = arith.addi %mul3A_129, %arg1 : i32
        %lt3A_131 = arith.constant 2500 : i32
        %lt3A_132 = arith.cmpi slt, %add3A_130, %lt3A_131 : i32
        %convert_element_type3A_133 = arith.extui %lt3A_132 : i1 to i32
        %cond3A_134 = arith.constant 0 : i32
        %cond3A_135 = arith.cmpi ne, %convert_element_type3A_133, %cond3A_134 : i32
        scf.if %cond3A_135 {
          %dma_wait3A = arith.constant 0 : i32
          %dma_wait3A_207 = arith.constant 0 : i32
          %dma_wait3A_208 = tpu.memref_slice %arg20[%dma_wait3A, %dma_wait3A_207] : memref<2x128xi32, #tpu.memory_space<vmem>> -> memref<1x128xi32, #tpu.memory_space<vmem>>
          %dma_wait3A_209 = tpu.memref_squeeze %dma_wait3A_208 : memref<1x128xi32, #tpu.memory_space<vmem>> -> memref<128xi32, #tpu.memory_space<vmem>>
          %dma_wait3A_210 = arith.constant 0 : i32
          %dma_wait3A_211 = arith.constant 0 : i32
          %dma_wait3A_212 = tpu.memref_slice %arg3[%dma_wait3A_210, %dma_wait3A_211] : memref<10000x128xf32, #tpu.memory_space<hbm>> -> memref<10000x128xf32, #tpu.memory_space<hbm>>
          tpu.wait_indirect_dma semaphore(%arg10 : memref<!tpu.dma_semaphore, #tpu.memory_space<semaphore_mem>>) src(%dma_wait3A_212 : memref<10000x128xf32, #tpu.memory_space<hbm>>) dst(%arg16 : memref<128x128xf32, #tpu.memory_space<vmem>>)
        } else {
        }
        %ge3A_136 = arith.constant 16 : i32
        %ge3A_137 = arith.cmpi sge, %add3A_130, %ge3A_136 : i32
        %sub3A_138 = arith.constant 16 : i32
        %sub3A_139 = arith.subi %add3A_130, %sub3A_138 : i32
        %lt3A_140 = arith.constant 2500 : i32
        %lt3A_141 = arith.cmpi slt, %sub3A_139, %lt3A_140 : i32
        %and3A_142 = arith.andi %ge3A_137, %lt3A_141 : i1
        %convert_element_type3A_143 = arith.extui %and3A_142 : i1 to i32
        %cond3A_144 = arith.constant 0 : i32
        %cond3A_145 = arith.cmpi ne, %convert_element_type3A_143, %cond3A_144 : i32
        scf.if %cond3A_145 {
          %dma_wait3A = arith.constant 1 : i32
          %dma_wait3A_207 = arith.constant 0 : i32
          %dma_wait3A_208 = tpu.memref_slice %arg19[%dma_wait3A, %dma_wait3A_207] : memref<2x128xi32, #tpu.memory_space<vmem>> -> memref<1x128xi32, #tpu.memory_space<vmem>>
          %dma_wait3A_209 = tpu.memref_squeeze %dma_wait3A_208 : memref<1x128xi32, #tpu.memory_space<vmem>> -> memref<128xi32, #tpu.memory_space<vmem>>
          %dma_wait3A_210 = arith.constant 0 : i32
          %dma_wait3A_211 = arith.constant 0 : i32
          %dma_wait3A_212 = tpu.memref_slice %arg9[%dma_wait3A_210, %dma_wait3A_211] : memref<10240x128xf32, #tpu.memory_space<vmem_shared>> -> memref<10240x128xf32, #tpu.memory_space<vmem_shared>>
          tpu.wait_indirect_dma semaphore(%arg23 : memref<!tpu.dma_semaphore, #tpu.memory_space<semaphore_mem>>) src(%arg17 : memref<128x128xf32, #tpu.memory_space<vmem>>) dst(%dma_wait3A_212 : memref<10240x128xf32, #tpu.memory_space<vmem_shared>>)
        } else {
        }
        %add3A_146 = arith.constant 16 : i32
        %add3A_147 = arith.addi %add3A_130, %add3A_146 : i32
        %lt3A_148 = arith.constant 2500 : i32
        %lt3A_149 = arith.cmpi slt, %add3A_147, %lt3A_148 : i32
        %convert_element_type3A_150 = arith.extui %lt3A_149 : i1 to i32
        %cond3A_151 = arith.constant 0 : i32
        %cond3A_152 = arith.cmpi ne, %convert_element_type3A_150, %cond3A_151 : i32
        scf.if %cond3A_152 {
          %add3A_207 = arith.constant 16 : i32
          %add3A_208 = arith.addi %add3A_130, %add3A_207 : i32
          %dma_wait3A = arith.constant 0 : i32
          %dma_wait3A_209 = arith.constant 0 : i32
          %dma_wait3A_210 = tpu.memref_slice %arg5[%add3A_208, %dma_wait3A, %dma_wait3A_209] : memref<2500x2x128xi32, #tpu.memory_space<hbm>> -> memref<1x2x128xi32, #tpu.memory_space<hbm>>
          %dma_wait3A_211 = tpu.memref_squeeze %dma_wait3A_210 : memref<1x2x128xi32, #tpu.memory_space<hbm>> -> memref<2x128xi32, #tpu.memory_space<hbm>>
          %dma_wait3A_212 = arith.constant 0 : i32
          %dma_wait3A_213 = arith.constant 0 : i32
          %dma_wait3A_214 = tpu.memref_slice %arg5[%add3A_208, %dma_wait3A_212, %dma_wait3A_213] : memref<2500x2x128xi32, #tpu.memory_space<hbm>> -> memref<1x2x128xi32, #tpu.memory_space<hbm>>
          %dma_wait3A_215 = tpu.memref_squeeze %dma_wait3A_214 : memref<1x2x128xi32, #tpu.memory_space<hbm>> -> memref<2x128xi32, #tpu.memory_space<hbm>>
          tpu.wait_dma2 semaphore(%arg15 : memref<!tpu.dma_semaphore, #tpu.memory_space<semaphore_mem>>) src(%dma_wait3A_215 : memref<2x128xi32, #tpu.memory_space<hbm>>) dst(%arg21 : memref<2x128xi32, #tpu.memory_space<vmem>>)
          %dma_start3A_216 = arith.constant 0 : i32
          %dma_start3A_217 = arith.constant 0 : i32
          %dma_start3A_218 = tpu.memref_slice %arg21[%dma_start3A_216, %dma_start3A_217] : memref<2x128xi32, #tpu.memory_space<vmem>> -> memref<1x128xi32, #tpu.memory_space<vmem>>
          %dma_start3A_219 = tpu.memref_squeeze %dma_start3A_218 : memref<1x128xi32, #tpu.memory_space<vmem>> -> memref<128xi32, #tpu.memory_space<vmem>>
          %dma_start3A_220 = arith.constant 0 : i32
          %dma_start3A_221 = arith.constant 0 : i32
          %dma_start3A_222 = tpu.memref_slice %arg3[%dma_start3A_220, %dma_start3A_221] : memref<10000x128xf32, #tpu.memory_space<hbm>> -> memref<10000x128xf32, #tpu.memory_space<hbm>>
          tpu.enqueue_indirect_dma source(%dma_start3A_222 : memref<10000x128xf32, #tpu.memory_space<hbm>>) target(%arg17 : memref<128x128xf32, #tpu.memory_space<vmem>>) offsets(%dma_start3A_219 : memref<128xi32, #tpu.memory_space<vmem>>) semaphore(%arg11 : memref<!tpu.dma_semaphore, #tpu.memory_space<semaphore_mem>>)
        } else {
        }
        %lt3A_153 = arith.constant 2500 : i32
        %lt3A_154 = arith.cmpi slt, %add3A_130, %lt3A_153 : i32
        %convert_element_type3A_155 = arith.extui %lt3A_154 : i1 to i32
        %cond3A_156 = arith.constant 0 : i32
        %cond3A_157 = arith.cmpi ne, %convert_element_type3A_155, %cond3A_156 : i32
        scf.if %cond3A_157 {
          %dma_start3A_207 = arith.constant 1 : i32
          %dma_start3A_208 = arith.constant 0 : i32
          %dma_start3A_209 = tpu.memref_slice %arg20[%dma_start3A_207, %dma_start3A_208] : memref<2x128xi32, #tpu.memory_space<vmem>> -> memref<1x128xi32, #tpu.memory_space<vmem>>
          %dma_start3A_210 = tpu.memref_squeeze %dma_start3A_209 : memref<1x128xi32, #tpu.memory_space<vmem>> -> memref<128xi32, #tpu.memory_space<vmem>>
          %dma_start3A_211 = arith.constant 0 : i32
          %dma_start3A_212 = arith.constant 0 : i32
          %dma_start3A_213 = tpu.memref_slice %arg9[%dma_start3A_211, %dma_start3A_212] : memref<10240x128xf32, #tpu.memory_space<vmem_shared>> -> memref<10240x128xf32, #tpu.memory_space<vmem_shared>>
          tpu.enqueue_indirect_dma source(%arg16 : memref<128x128xf32, #tpu.memory_space<vmem>>) target(%dma_start3A_213 : memref<10240x128xf32, #tpu.memory_space<vmem_shared>>) offsets(%dma_start3A_210 : memref<128xi32, #tpu.memory_space<vmem>>) semaphore(%arg22 : memref<!tpu.dma_semaphore, #tpu.memory_space<semaphore_mem>>) {add = true}
        } else {
        }
        %add3A_158 = arith.constant 48 : i32
        %add3A_159 = arith.addi %add3A_130, %add3A_158 : i32
        %lt3A_160 = arith.constant 2500 : i32
        %lt3A_161 = arith.cmpi slt, %add3A_159, %lt3A_160 : i32
        %convert_element_type3A_162 = arith.extui %lt3A_161 : i1 to i32
        %cond3A_163 = arith.constant 0 : i32
        %cond3A_164 = arith.cmpi ne, %convert_element_type3A_162, %cond3A_163 : i32
        scf.if %cond3A_164 {
          %add3A_207 = arith.constant 48 : i32
          %add3A_208 = arith.addi %add3A_130, %add3A_207 : i32
          %dma_start3A_209 = arith.constant 0 : i32
          %dma_start3A_210 = arith.constant 0 : i32
          %dma_start3A_211 = tpu.memref_slice %arg5[%add3A_208, %dma_start3A_209, %dma_start3A_210] : memref<2500x2x128xi32, #tpu.memory_space<hbm>> -> memref<1x2x128xi32, #tpu.memory_space<hbm>>
          %dma_start3A_212 = tpu.memref_squeeze %dma_start3A_211 : memref<1x2x128xi32, #tpu.memory_space<hbm>> -> memref<2x128xi32, #tpu.memory_space<hbm>>
          %dma_start3A_213 = arith.constant 0 : i32
          %dma_start3A_214 = arith.constant 0 : i32
          %dma_start3A_215 = tpu.memref_slice %arg5[%add3A_208, %dma_start3A_213, %dma_start3A_214] : memref<2500x2x128xi32, #tpu.memory_space<hbm>> -> memref<1x2x128xi32, #tpu.memory_space<hbm>>
          %dma_start3A_216 = tpu.memref_squeeze %dma_start3A_215 : memref<1x2x128xi32, #tpu.memory_space<hbm>> -> memref<2x128xi32, #tpu.memory_space<hbm>>
          tpu.enqueue_dma source(%dma_start3A_216 : memref<2x128xi32, #tpu.memory_space<hbm>>) target(%arg19 : memref<2x128xi32, #tpu.memory_space<vmem>>) target_semaphore(%arg13 : memref<!tpu.dma_semaphore, #tpu.memory_space<semaphore_mem>>)
        } else {
        }
        %mul3A_165 = arith.constant 4 : i32
        %mul3A_166 = arith.muli %mul3A_165, %scan3A_44 : i32
        %add3A_167 = arith.constant 3 : i32
        %add3A_168 = arith.addi %mul3A_166, %add3A_167 : i32
        %mul3A_169 = arith.constant 16 : i32
        %mul3A_170 = arith.muli %add3A_168, %mul3A_169 : i32
        %add3A_171 = arith.addi %mul3A_170, %arg1 : i32
        %lt3A_172 = arith.constant 2500 : i32
        %lt3A_173 = arith.cmpi slt, %add3A_171, %lt3A_172 : i32
        %convert_element_type3A_174 = arith.extui %lt3A_173 : i1 to i32
        %cond3A_175 = arith.constant 0 : i32
        %cond3A_176 = arith.cmpi ne, %convert_element_type3A_174, %cond3A_175 : i32
        scf.if %cond3A_176 {
          %dma_wait3A = arith.constant 0 : i32
          %dma_wait3A_207 = arith.constant 0 : i32
          %dma_wait3A_208 = tpu.memref_slice %arg21[%dma_wait3A, %dma_wait3A_207] : memref<2x128xi32, #tpu.memory_space<vmem>> -> memref<1x128xi32, #tpu.memory_space<vmem>>
          %dma_wait3A_209 = tpu.memref_squeeze %dma_wait3A_208 : memref<1x128xi32, #tpu.memory_space<vmem>> -> memref<128xi32, #tpu.memory_space<vmem>>
          %dma_wait3A_210 = arith.constant 0 : i32
          %dma_wait3A_211 = arith.constant 0 : i32
          %dma_wait3A_212 = tpu.memref_slice %arg3[%dma_wait3A_210, %dma_wait3A_211] : memref<10000x128xf32, #tpu.memory_space<hbm>> -> memref<10000x128xf32, #tpu.memory_space<hbm>>
          tpu.wait_indirect_dma semaphore(%arg11 : memref<!tpu.dma_semaphore, #tpu.memory_space<semaphore_mem>>) src(%dma_wait3A_212 : memref<10000x128xf32, #tpu.memory_space<hbm>>) dst(%arg17 : memref<128x128xf32, #tpu.memory_space<vmem>>)
        } else {
        }
        %ge3A_177 = arith.constant 16 : i32
        %ge3A_178 = arith.cmpi sge, %add3A_171, %ge3A_177 : i32
        %sub3A_179 = arith.constant 16 : i32
        %sub3A_180 = arith.subi %add3A_171, %sub3A_179 : i32
        %lt3A_181 = arith.constant 2500 : i32
        %lt3A_182 = arith.cmpi slt, %sub3A_180, %lt3A_181 : i32
        %and3A_183 = arith.andi %ge3A_178, %lt3A_182 : i1
        %convert_element_type3A_184 = arith.extui %and3A_183 : i1 to i32
        %cond3A_185 = arith.constant 0 : i32
        %cond3A_186 = arith.cmpi ne, %convert_element_type3A_184, %cond3A_185 : i32
        scf.if %cond3A_186 {
          %dma_wait3A = arith.constant 1 : i32
          %dma_wait3A_207 = arith.constant 0 : i32
          %dma_wait3A_208 = tpu.memref_slice %arg20[%dma_wait3A, %dma_wait3A_207] : memref<2x128xi32, #tpu.memory_space<vmem>> -> memref<1x128xi32, #tpu.memory_space<vmem>>
          %dma_wait3A_209 = tpu.memref_squeeze %dma_wait3A_208 : memref<1x128xi32, #tpu.memory_space<vmem>> -> memref<128xi32, #tpu.memory_space<vmem>>
          %dma_wait3A_210 = arith.constant 0 : i32
          %dma_wait3A_211 = arith.constant 0 : i32
          %dma_wait3A_212 = tpu.memref_slice %arg9[%dma_wait3A_210, %dma_wait3A_211] : memref<10240x128xf32, #tpu.memory_space<vmem_shared>> -> memref<10240x128xf32, #tpu.memory_space<vmem_shared>>
          tpu.wait_indirect_dma semaphore(%arg22 : memref<!tpu.dma_semaphore, #tpu.memory_space<semaphore_mem>>) src(%arg16 : memref<128x128xf32, #tpu.memory_space<vmem>>) dst(%dma_wait3A_212 : memref<10240x128xf32, #tpu.memory_space<vmem_shared>>)
        } else {
        }
        %add3A_187 = arith.constant 16 : i32
        %add3A_188 = arith.addi %add3A_171, %add3A_187 : i32
        %lt3A_189 = arith.constant 2500 : i32
        %lt3A_190 = arith.cmpi slt, %add3A_188, %lt3A_189 : i32
        %convert_element_type3A_191 = arith.extui %lt3A_190 : i1 to i32
        %cond3A_192 = arith.constant 0 : i32
        %cond3A_193 = arith.cmpi ne, %convert_element_type3A_191, %cond3A_192 : i32
        scf.if %cond3A_193 {
          %add3A_207 = arith.constant 16 : i32
          %add3A_208 = arith.addi %add3A_171, %add3A_207 : i32
          %dma_wait3A = arith.constant 0 : i32
          %dma_wait3A_209 = arith.constant 0 : i32
          %dma_wait3A_210 = tpu.memref_slice %arg5[%add3A_208, %dma_wait3A, %dma_wait3A_209] : memref<2500x2x128xi32, #tpu.memory_space<hbm>> -> memref<1x2x128xi32, #tpu.memory_space<hbm>>
          %dma_wait3A_211 = tpu.memref_squeeze %dma_wait3A_210 : memref<1x2x128xi32, #tpu.memory_space<hbm>> -> memref<2x128xi32, #tpu.memory_space<hbm>>
          %dma_wait3A_212 = arith.constant 0 : i32
          %dma_wait3A_213 = arith.constant 0 : i32
          %dma_wait3A_214 = tpu.memref_slice %arg5[%add3A_208, %dma_wait3A_212, %dma_wait3A_213] : memref<2500x2x128xi32, #tpu.memory_space<hbm>> -> memref<1x2x128xi32, #tpu.memory_space<hbm>>
          %dma_wait3A_215 = tpu.memref_squeeze %dma_wait3A_214 : memref<1x2x128xi32, #tpu.memory_space<hbm>> -> memref<2x128xi32, #tpu.memory_space<hbm>>
          tpu.wait_dma2 semaphore(%arg12 : memref<!tpu.dma_semaphore, #tpu.memory_space<semaphore_mem>>) src(%dma_wait3A_215 : memref<2x128xi32, #tpu.memory_space<hbm>>) dst(%arg18 : memref<2x128xi32, #tpu.memory_space<vmem>>)
          %dma_start3A_216 = arith.constant 0 : i32
          %dma_start3A_217 = arith.constant 0 : i32
          %dma_start3A_218 = tpu.memref_slice %arg18[%dma_start3A_216, %dma_start3A_217] : memref<2x128xi32, #tpu.memory_space<vmem>> -> memref<1x128xi32, #tpu.memory_space<vmem>>
          %dma_start3A_219 = tpu.memref_squeeze %dma_start3A_218 : memref<1x128xi32, #tpu.memory_space<vmem>> -> memref<128xi32, #tpu.memory_space<vmem>>
          %dma_start3A_220 = arith.constant 0 : i32
          %dma_start3A_221 = arith.constant 0 : i32
          %dma_start3A_222 = tpu.memref_slice %arg3[%dma_start3A_220, %dma_start3A_221] : memref<10000x128xf32, #tpu.memory_space<hbm>> -> memref<10000x128xf32, #tpu.memory_space<hbm>>
          tpu.enqueue_indirect_dma source(%dma_start3A_222 : memref<10000x128xf32, #tpu.memory_space<hbm>>) target(%arg16 : memref<128x128xf32, #tpu.memory_space<vmem>>) offsets(%dma_start3A_219 : memref<128xi32, #tpu.memory_space<vmem>>) semaphore(%arg10 : memref<!tpu.dma_semaphore, #tpu.memory_space<semaphore_mem>>)
        } else {
        }
        %lt3A_194 = arith.constant 2500 : i32
        %lt3A_195 = arith.cmpi slt, %add3A_171, %lt3A_194 : i32
        %convert_element_type3A_196 = arith.extui %lt3A_195 : i1 to i32
        %cond3A_197 = arith.constant 0 : i32
        %cond3A_198 = arith.cmpi ne, %convert_element_type3A_196, %cond3A_197 : i32
        scf.if %cond3A_198 {
          %dma_start3A_207 = arith.constant 1 : i32
          %dma_start3A_208 = arith.constant 0 : i32
          %dma_start3A_209 = tpu.memref_slice %arg21[%dma_start3A_207, %dma_start3A_208] : memref<2x128xi32, #tpu.memory_space<vmem>> -> memref<1x128xi32, #tpu.memory_space<vmem>>
          %dma_start3A_210 = tpu.memref_squeeze %dma_start3A_209 : memref<1x128xi32, #tpu.memory_space<vmem>> -> memref<128xi32, #tpu.memory_space<vmem>>
          %dma_start3A_211 = arith.constant 0 : i32
          %dma_start3A_212 = arith.constant 0 : i32
          %dma_start3A_213 = tpu.memref_slice %arg9[%dma_start3A_211, %dma_start3A_212] : memref<10240x128xf32, #tpu.memory_space<vmem_shared>> -> memref<10240x128xf32, #tpu.memory_space<vmem_shared>>
          tpu.enqueue_indirect_dma source(%arg17 : memref<128x128xf32, #tpu.memory_space<vmem>>) target(%dma_start3A_213 : memref<10240x128xf32, #tpu.memory_space<vmem_shared>>) offsets(%dma_start3A_210 : memref<128xi32, #tpu.memory_space<vmem>>) semaphore(%arg23 : memref<!tpu.dma_semaphore, #tpu.memory_space<semaphore_mem>>) {add = true}
        } else {
        }
        %add3A_199 = arith.constant 48 : i32
        %add3A_200 = arith.addi %add3A_171, %add3A_199 : i32
        %lt3A_201 = arith.constant 2500 : i32
        %lt3A_202 = arith.cmpi slt, %add3A_200, %lt3A_201 : i32
        %convert_element_type3A_203 = arith.extui %lt3A_202 : i1 to i32
        %cond3A_204 = arith.constant 0 : i32
        %cond3A_205 = arith.cmpi ne, %convert_element_type3A_203, %cond3A_204 : i32
        scf.if %cond3A_205 {
          %add3A_207 = arith.constant 48 : i32
          %add3A_208 = arith.addi %add3A_171, %add3A_207 : i32
          %dma_start3A_209 = arith.constant 0 : i32
          %dma_start3A_210 = arith.constant 0 : i32
          %dma_start3A_211 = tpu.memref_slice %arg5[%add3A_208, %dma_start3A_209, %dma_start3A_210] : memref<2500x2x128xi32, #tpu.memory_space<hbm>> -> memref<1x2x128xi32, #tpu.memory_space<hbm>>
          %dma_start3A_212 = tpu.memref_squeeze %dma_start3A_211 : memref<1x2x128xi32, #tpu.memory_space<hbm>> -> memref<2x128xi32, #tpu.memory_space<hbm>>
          %dma_start3A_213 = arith.constant 0 : i32
          %dma_start3A_214 = arith.constant 0 : i32
          %dma_start3A_215 = tpu.memref_slice %arg5[%add3A_208, %dma_start3A_213, %dma_start3A_214] : memref<2500x2x128xi32, #tpu.memory_space<hbm>> -> memref<1x2x128xi32, #tpu.memory_space<hbm>>
          %dma_start3A_216 = tpu.memref_squeeze %dma_start3A_215 : memref<1x2x128xi32, #tpu.memory_space<hbm>> -> memref<2x128xi32, #tpu.memory_space<hbm>>
          tpu.enqueue_dma source(%dma_start3A_216 : memref<2x128xi32, #tpu.memory_space<hbm>>) target(%arg20 : memref<2x128xi32, #tpu.memory_space<vmem>>) target_semaphore(%arg14 : memref<!tpu.dma_semaphore, #tpu.memory_space<semaphore_mem>>)
        } else {
        }
        %scan3A_206 = arith.constant 0 : i32
        scf.yield %scan3A_206 : i32
      }
      %scan3A_38 = arith.constant 40 : i32
      %barrier3A_39 = arith.constant 0 : index
      tpu.barrier barrier_id(%barrier3A_39)
      %mul3A_40 = arith.constant 640 : i32
      %mul3A_41 = arith.muli %arg1, %mul3A_40 : i32
      %mul3A_42 = arith.constant 640 : i32
      %mul3A_43 = arith.muli %arg1, %mul3A_42 : i32
      "tpu.region"() ({
        %run_scoped3A = tpu.sem_alloc : memref<!tpu.dma_semaphore, #tpu.memory_space<semaphore_mem>>
        %dma_start3A_44 = arith.constant 0 : i32
        %dma_start3A_45 = tpu.memref_slice %arg8[%mul3A_43, %dma_start3A_44] : memref<10240x128xf32, #tpu.memory_space<hbm>> -> memref<640x128xf32, #tpu.memory_space<hbm>>
        %dma_start3A_46 = arith.constant 0 : i32
        %dma_start3A_47 = tpu.memref_slice %arg9[%mul3A_41, %dma_start3A_46] : memref<10240x128xf32, #tpu.memory_space<vmem_shared>> -> memref<640x128xf32, #tpu.memory_space<vmem_shared>>
        tpu.enqueue_dma source(%dma_start3A_47 : memref<640x128xf32, #tpu.memory_space<vmem_shared>>) target(%dma_start3A_45 : memref<640x128xf32, #tpu.memory_space<hbm>>) target_semaphore(%run_scoped3A : memref<!tpu.dma_semaphore, #tpu.memory_space<semaphore_mem>>)
        %dma_wait3A = arith.constant 0 : i32
        %dma_wait3A_48 = tpu.memref_slice %arg8[%mul3A_43, %dma_wait3A] : memref<10240x128xf32, #tpu.memory_space<hbm>> -> memref<640x128xf32, #tpu.memory_space<hbm>>
        %dma_wait3A_49 = arith.constant 0 : i32
        %dma_wait3A_50 = tpu.memref_slice %arg9[%mul3A_41, %dma_wait3A_49] : memref<10240x128xf32, #tpu.memory_space<vmem_shared>> -> memref<640x128xf32, #tpu.memory_space<vmem_shared>>
        tpu.wait_dma2 semaphore(%run_scoped3A : memref<!tpu.dma_semaphore, #tpu.memory_space<semaphore_mem>>) src(%dma_wait3A_50 : memref<640x128xf32, #tpu.memory_space<vmem_shared>>) dst(%dma_wait3A_48 : memref<640x128xf32, #tpu.memory_space<hbm>>)
        tpu.yield
      }) : () -> ()
    } else {
    }
    return
  }
}

module attributes {stable_mosaic.version = 14 : i64} {
  func.func @_hg_body(%arg0: i32, %arg1: memref<1000x128xf32, #tpu.memory_space<vmem>>, %arg2: memref<128x128xf32, #tpu.memory_space<vmem>>, %arg3: memref<1000x1xf32, #tpu.memory_space<vmem>>, %arg4: memref<1000x128xf32, #tpu.memory_space<vmem>>, %arg5: memref<128x128xf32, #tpu.memory_space<vmem>>, %arg6: memref<1000x1xf32, #tpu.memory_space<vmem>>, %arg7: memref<1000x128xf32, #tpu.memory_space<vmem>>, %arg8: memref<1000x128xf32, #tpu.memory_space<vmem>>, %arg9: memref<1000x128xf32, #tpu.memory_space<vmem>>, %arg10: memref<1000x128xf32, #tpu.memory_space<vmem>>) attributes {dimension_semantics = [#tpu.dimension_semantics<arbitrary>], iteration_bounds = array<i64: 10>, scalar_prefetch = 0 : i64, scratch_operands = 0 : i64, tpu.core_type = #tpu.core_type<tc>, window_params = [{transform_indices = @transform_0, window_bounds = array<i64: 1000, 128>}, {pipeline_mode = #tpu.pipeline_mode<synchronous>, transform_indices = @transform_1, window_bounds = array<i64: 128, 128>}, {transform_indices = @transform_2, window_bounds = array<i64: 1000, 1>}, {transform_indices = @transform_3, window_bounds = array<i64: 1000, 128>}, {pipeline_mode = #tpu.pipeline_mode<synchronous>, transform_indices = @transform_4, window_bounds = array<i64: 128, 128>}, {transform_indices = @transform_5, window_bounds = array<i64: 1000, 1>}, {transform_indices = @transform_6, window_bounds = array<i64: 1000, 128>}, {transform_indices = @transform_7, window_bounds = array<i64: 1000, 128>}, {transform_indices = @transform_8, window_bounds = array<i64: 1000, 128>}, {transform_indices = @transform_9, window_bounds = array<i64: 1000, 128>}]} {
    %get3A = arith.constant 0 : index
    %get3A_0 = arith.constant 0 : index
    %get3A_1 = vector.load %arg1[%get3A, %get3A_0] : memref<1000x128xf32, #tpu.memory_space<vmem>>, vector<1000x128xf32>
    %get3A_2 = arith.constant 0 : index
    %get3A_3 = arith.constant 0 : index
    %get3A_4 = vector.load %arg2[%get3A_2, %get3A_3] : memref<128x128xf32, #tpu.memory_space<vmem>>, vector<128x128xf32>
    %dot_general3A = arith.constant dense<0.000000e+00> : vector<1000x128xf32>
    %dot_general3A_5 = tpu.matmul %get3A_1, %get3A_4, %dot_general3A {dimension_numbers = #tpu.dot_dimension_numbers<[1], [0], [0], [1], [0, 0, 1, 1], [], []>, transpose_lhs_hint = false} : vector<1000x128xf32>, vector<128x128xf32>, vector<1000x128xf32> -> vector<1000x128xf32>
    %get3A_6 = arith.constant 0 : index
    %get3A_7 = arith.constant 0 : index
    %get3A_8 = vector.load %arg3[%get3A_6, %get3A_7] : memref<1000x1xf32, #tpu.memory_space<vmem>>, vector<1000x1xf32>
    %add3A = arith.constant 1.000000e+00 : f32
    %add3A_9 = vector.broadcast %add3A : f32 to vector<1000x1xf32>
    %add3A_10 = arith.addf %get3A_8, %add3A_9 : vector<1000x1xf32>
    %rsqrt3A = math.rsqrt %add3A_10 : vector<1000x1xf32>
    %swap3A = arith.constant 0 : index
    %swap3A_11 = arith.constant 0 : index
    %swap3A_12 = vector.load %arg7[%swap3A, %swap3A_11] : memref<1000x128xf32, #tpu.memory_space<vmem>>, vector<1000x128xf32>
    tpu.vector_store %arg7[%swap3A, %swap3A_11], %dot_general3A_5 {strides = array<i32>} : memref<1000x128xf32, #tpu.memory_space<vmem>>, vector<1000x128xf32>,
    %mul3A = vector.broadcast %rsqrt3A : vector<1000x1xf32> to vector<1000x128xf32>
    %mul3A_13 = arith.mulf %dot_general3A_5, %mul3A : vector<1000x128xf32>
    %swap3A_14 = arith.constant 0 : index
    %swap3A_15 = arith.constant 0 : index
    %swap3A_16 = vector.load %arg8[%swap3A_14, %swap3A_15] : memref<1000x128xf32, #tpu.memory_space<vmem>>, vector<1000x128xf32>
    tpu.vector_store %arg8[%swap3A_14, %swap3A_15], %mul3A_13 {strides = array<i32>} : memref<1000x128xf32, #tpu.memory_space<vmem>>, vector<1000x128xf32>,
    %get3A_17 = arith.constant 0 : index
    %get3A_18 = arith.constant 0 : index
    %get3A_19 = vector.load %arg4[%get3A_17, %get3A_18] : memref<1000x128xf32, #tpu.memory_space<vmem>>, vector<1000x128xf32>
    %get3A_20 = arith.constant 0 : index
    %get3A_21 = arith.constant 0 : index
    %get3A_22 = vector.load %arg5[%get3A_20, %get3A_21] : memref<128x128xf32, #tpu.memory_space<vmem>>, vector<128x128xf32>
    %dot_general3A_23 = arith.constant dense<0.000000e+00> : vector<1000x128xf32>
    %dot_general3A_24 = tpu.matmul %get3A_19, %get3A_22, %dot_general3A_23 {dimension_numbers = #tpu.dot_dimension_numbers<[1], [0], [0], [1], [0, 0, 1, 1], [], []>, transpose_lhs_hint = false} : vector<1000x128xf32>, vector<128x128xf32>, vector<1000x128xf32> -> vector<1000x128xf32>
    %get3A_25 = arith.constant 0 : index
    %get3A_26 = arith.constant 0 : index
    %get3A_27 = vector.load %arg6[%get3A_25, %get3A_26] : memref<1000x1xf32, #tpu.memory_space<vmem>>, vector<1000x1xf32>
    %add3A_28 = arith.constant 1.000000e+00 : f32
    %add3A_29 = vector.broadcast %add3A_28 : f32 to vector<1000x1xf32>
    %add3A_30 = arith.addf %get3A_27, %add3A_29 : vector<1000x1xf32>
    %rsqrt3A_31 = math.rsqrt %add3A_30 : vector<1000x1xf32>
    %swap3A_32 = arith.constant 0 : index
    %swap3A_33 = arith.constant 0 : index
    %swap3A_34 = vector.load %arg9[%swap3A_32, %swap3A_33] : memref<1000x128xf32, #tpu.memory_space<vmem>>, vector<1000x128xf32>
    tpu.vector_store %arg9[%swap3A_32, %swap3A_33], %dot_general3A_24 {strides = array<i32>} : memref<1000x128xf32, #tpu.memory_space<vmem>>, vector<1000x128xf32>,
    %mul3A_35 = vector.broadcast %rsqrt3A_31 : vector<1000x1xf32> to vector<1000x128xf32>
    %mul3A_36 = arith.mulf %dot_general3A_24, %mul3A_35 : vector<1000x128xf32>
    %swap3A_37 = arith.constant 0 : index
    %swap3A_38 = arith.constant 0 : index
    %swap3A_39 = vector.load %arg10[%swap3A_37, %swap3A_38] : memref<1000x128xf32, #tpu.memory_space<vmem>>, vector<1000x128xf32>
    tpu.vector_store %arg10[%swap3A_37, %swap3A_38], %mul3A_36 {strides = array<i32>} : memref<1000x128xf32, #tpu.memory_space<vmem>>, vector<1000x128xf32>,
    return
  }
  func.func @transform_0(%arg0: i32) -> (i32, i32) {
    %c0_i32 = arith.constant 0 : i32
    %c0_i32_0 = arith.constant 0 : i32
    return %arg0, %c0_i32 : i32, i32
  }
  func.func @transform_1(%arg0: i32) -> (i32, i32) {
    %c0_i32 = arith.constant 0 : i32
    %c0_i32_0 = arith.constant 0 : i32
    %c0_i32_1 = arith.constant 0 : i32
    return %c0_i32, %c0_i32_0 : i32, i32
  }
  func.func @transform_2(%arg0: i32) -> (i32, i32) {
    %c0_i32 = arith.constant 0 : i32
    %c0_i32_0 = arith.constant 0 : i32
    return %arg0, %c0_i32 : i32, i32
  }
  func.func @transform_3(%arg0: i32) -> (i32, i32) {
    %c0_i32 = arith.constant 0 : i32
    %c0_i32_0 = arith.constant 0 : i32
    return %arg0, %c0_i32 : i32, i32
  }
  func.func @transform_4(%arg0: i32) -> (i32, i32) {
    %c0_i32 = arith.constant 0 : i32
    %c0_i32_0 = arith.constant 0 : i32
    %c0_i32_1 = arith.constant 0 : i32
    return %c0_i32, %c0_i32_0 : i32, i32
  }
  func.func @transform_5(%arg0: i32) -> (i32, i32) {
    %c0_i32 = arith.constant 0 : i32
    %c0_i32_0 = arith.constant 0 : i32
    return %arg0, %c0_i32 : i32, i32
  }
  func.func @transform_6(%arg0: i32) -> (i32, i32) {
    %c0_i32 = arith.constant 0 : i32
    %c0_i32_0 = arith.constant 0 : i32
    return %arg0, %c0_i32 : i32, i32
  }
  func.func @transform_7(%arg0: i32) -> (i32, i32) {
    %c0_i32 = arith.constant 0 : i32
    %c0_i32_0 = arith.constant 0 : i32
    return %arg0, %c0_i32 : i32, i32
  }
  func.func @transform_8(%arg0: i32) -> (i32, i32) {
    %c0_i32 = arith.constant 0 : i32
    %c0_i32_0 = arith.constant 0 : i32
    return %arg0, %c0_i32 : i32, i32
  }
  func.func @transform_9(%arg0: i32) -> (i32, i32) {
    %c0_i32 = arith.constant 0 : i32
    %c0_i32_0 = arith.constant 0 : i32
    return %arg0, %c0_i32 : i32, i32
  }
}

module attributes {stable_mosaic.version = 14 : i64} {
  func.func @_mas_body(%arg0: i32, %arg1: i32, %arg2: memref<1x1x256x80xf32, #tpu.memory_space<vmem>>, %arg3: memref<1x80x128xf32, #tpu.memory_space<vmem>>, %arg4: memref<1x1x128xf32, #tpu.memory_space<vmem>>, %arg5: memref<1x1x256x1xi32, #tpu.memory_space<vmem>>, %arg6: memref<1x1x1x128xf32, #tpu.memory_space<vmem>>) attributes {dimension_semantics = [#tpu.dimension_semantics<arbitrary>, #tpu.dimension_semantics<arbitrary>], iteration_bounds = array<i64: 4, 16>, scalar_prefetch = 0 : i64, scratch_operands = 0 : i64, tpu.core_type = #tpu.core_type<tc>, window_params = [{transform_indices = @transform_0, window_bounds = array<i64: 1, 1, 256, 80>}, {transform_indices = @transform_1, window_bounds = array<i64: 1, 80, 128>}, {transform_indices = @transform_2, window_bounds = array<i64: 1, 1, 128>}, {transform_indices = @transform_3, window_bounds = array<i64: 1, 1, 256, 1>}, {transform_indices = @transform_4, window_bounds = array<i64: 1, 1, 1, 128>}]} {
    %get3A = arith.constant 0 : index
    %get3A_0 = arith.constant 0 : index
    %get3A_1 = arith.constant 0 : index
    %get3A_2 = arith.constant 0 : index
    %get3A_3 = vector.load %arg2[%get3A, %get3A_0, %get3A_1, %get3A_2] : memref<1x1x256x80xf32, #tpu.memory_space<vmem>>, vector<1x1x256x80xf32>
    %get3A_4 = vector.shape_cast %get3A_3 : vector<1x1x256x80xf32> to vector<256x80xf32>
    %get3A_5 = arith.constant 0 : index
    %get3A_6 = arith.constant 0 : index
    %get3A_7 = arith.constant 0 : index
    %get3A_8 = vector.load %arg3[%get3A_5, %get3A_6, %get3A_7] : memref<1x80x128xf32, #tpu.memory_space<vmem>>, vector<1x80x128xf32>
    %get3A_9 = vector.shape_cast %get3A_8 : vector<1x80x128xf32> to vector<80x128xf32>
    %dot_general3A = arith.constant dense<0.000000e+00> : vector<256x128xf32>
    %dot_general3A_10 = tpu.matmul %get3A_4, %get3A_9, %dot_general3A {dimension_numbers = #tpu.dot_dimension_numbers<[1], [0], [0], [1], [0, 0, 1, 1], [], []>, transpose_lhs_hint = false} : vector<256x80xf32>, vector<80x128xf32>, vector<256x128xf32> -> vector<256x128xf32>
    %get3A_11 = arith.constant 0 : index
    %get3A_12 = arith.constant 0 : index
    %get3A_13 = arith.constant 0 : index
    %get3A_14 = vector.load %arg4[%get3A_11, %get3A_12, %get3A_13] : memref<1x1x128xf32, #tpu.memory_space<vmem>>, vector<1x1x128xf32>
    %get3A_15 = vector.shape_cast %get3A_14 : vector<1x1x128xf32> to vector<1x128xf32>
    %add3A = vector.broadcast %get3A_15 : vector<1x128xf32> to vector<256x128xf32>
    %add3A_16 = arith.addf %dot_general3A_10, %add3A : vector<256x128xf32>
    %jit3A = arith.constant 0.00999999977 : f32
    %ge3A = arith.constant 0.000000e+00 : f32
    %ge3A_17 = vector.broadcast %ge3A : f32 to vector<256x128xf32>
    %ge3A_18 = arith.cmpf oge, %add3A_16, %ge3A_17 : vector<256x128xf32>
    %mul3A = vector.broadcast %jit3A : f32 to vector<256x128xf32>
    %mul3A_19 = arith.mulf %mul3A, %add3A_16 : vector<256x128xf32>
    %select_n3A = arith.select %ge3A_18, %add3A_16, %mul3A_19 : vector<256x128xi1>, vector<256x128xf32>
    %iota3A = tpu.iota {dimensions = array<i32: 0>} : vector<256x1xi32>
    %get3A_20 = arith.constant 0 : index
    %get3A_21 = arith.constant 0 : index
    %get3A_22 = arith.constant 0 : index
    %get3A_23 = arith.constant 0 : index
    %get3A_24 = vector.load %arg5[%get3A_20, %get3A_21, %get3A_22, %get3A_23] : memref<1x1x256x1xi32, #tpu.memory_space<vmem>>, vector<1x1x256x1xi32>
    %get3A_25 = vector.shape_cast %get3A_24 : vector<1x1x256x1xi32> to vector<256x1xi32>
    %lt3A = arith.cmpi slt, %iota3A, %get3A_25 : vector<256x1xi32>
    %jit3A_26 = arith.constant -1.000000e+30 : f32
    %broadcast_in_dim3A = vector.shape_cast %lt3A : vector<256x1xi1> to vector<256x1xi1>
    %broadcast_in_dim3A_27 = vector.broadcast %broadcast_in_dim3A : vector<256x1xi1> to vector<256x128xi1>
    %broadcast_in_dim3A_28 = vector.broadcast %jit3A_26 : f32 to vector<256x128xf32>
    %select_n3A_29 = arith.select %broadcast_in_dim3A_27, %select_n3A, %broadcast_in_dim3A_28 : vector<256x128xi1>, vector<256x128xf32>
    %reduce_max3A = arith.constant dense<0xFF800000> : vector<128xf32>
    %reduce_max3A_30 = vector.multi_reduction <maximumf>, %select_n3A_29, %reduce_max3A [0] : vector<256x128xf32> to vector<128xf32>
    %broadcast_in_dim3A_31 = vector.shape_cast %reduce_max3A_30 : vector<128xf32> to vector<1x128xf32>
    %swap3A = arith.constant 0 : index
    %swap3A_32 = arith.constant 0 : index
    %swap3A_33 = arith.constant 0 : index
    %swap3A_34 = arith.constant 0 : index
    %swap3A_35 = vector.load %arg6[%swap3A, %swap3A_32, %swap3A_33, %swap3A_34] : memref<1x1x1x128xf32, #tpu.memory_space<vmem>>, vector<1x1x1x128xf32>
    %swap3A_36 = vector.shape_cast %swap3A_35 : vector<1x1x1x128xf32> to vector<1x128xf32>
    %swap3A_37 = vector.shape_cast %broadcast_in_dim3A_31 : vector<1x128xf32> to vector<1x1x1x128xf32>
    tpu.vector_store %arg6[%swap3A, %swap3A_32, %swap3A_33, %swap3A_34], %swap3A_37 {strides = array<i32>} : memref<1x1x1x128xf32, #tpu.memory_space<vmem>>, vector<1x1x1x128xf32>,
    return
  }
  func.func @transform_0(%arg0: i32, %arg1: i32) -> (i32, i32, i32, i32) {
    %c0_i32 = arith.constant 0 : i32
    %c0_i32_0 = arith.constant 0 : i32
    %c0_i32_1 = arith.constant 0 : i32
    return %arg0, %arg1, %c0_i32, %c0_i32_0 : i32, i32, i32, i32
  }
  func.func @transform_1(%arg0: i32, %arg1: i32) -> (i32, i32, i32) {
    %c0_i32 = arith.constant 0 : i32
    %c0_i32_0 = arith.constant 0 : i32
    %c0_i32_1 = arith.constant 0 : i32
    return %arg0, %c0_i32, %c0_i32_0 : i32, i32, i32
  }
  func.func @transform_2(%arg0: i32, %arg1: i32) -> (i32, i32, i32) {
    %c0_i32 = arith.constant 0 : i32
    %c0_i32_0 = arith.constant 0 : i32
    %c0_i32_1 = arith.constant 0 : i32
    return %arg0, %c0_i32, %c0_i32_0 : i32, i32, i32
  }
  func.func @transform_3(%arg0: i32, %arg1: i32) -> (i32, i32, i32, i32) {
    %c0_i32 = arith.constant 0 : i32
    %c0_i32_0 = arith.constant 0 : i32
    %c0_i32_1 = arith.constant 0 : i32
    return %arg0, %arg1, %c0_i32, %c0_i32_0 : i32, i32, i32, i32
  }
  func.func @transform_4(%arg0: i32, %arg1: i32) -> (i32, i32, i32, i32) {
    %c0_i32 = arith.constant 0 : i32
    %c0_i32_0 = arith.constant 0 : i32
    %c0_i32_1 = arith.constant 0 : i32
    return %arg0, %arg1, %c0_i32, %c0_i32_0 : i32, i32, i32, i32
  }
}

module attributes {stable_mosaic.version = 14 : i64} {
  func.func @_combine_body(%arg0: memref<10000x128xf32, #tpu.memory_space<vmem>>, %arg1: memref<10000x128xf32, #tpu.memory_space<vmem>>, %arg2: memref<10000x1xf32, #tpu.memory_space<vmem>>, %arg3: memref<1x10000xi32, #tpu.memory_space<vmem>>, %arg4: memref<1x128xf32, #tpu.memory_space<vmem>>, %arg5: memref<128x128xf32, #tpu.memory_space<vmem>>, %arg6: memref<1x128xf32, #tpu.memory_space<vmem>>, %arg7: memref<10000x128xf32, #tpu.memory_space<vmem>>, %arg8: memref<10000x128xf32, #tpu.memory_space<vmem>>, %arg9: memref<10000x1xf32, #tpu.memory_space<vmem>>, %arg10: memref<1x10000xi32, #tpu.memory_space<vmem>>, %arg11: memref<1x128xf32, #tpu.memory_space<vmem>>, %arg12: memref<128x128xf32, #tpu.memory_space<vmem>>, %arg13: memref<1x128xf32, #tpu.memory_space<vmem>>, %arg14: memref<4x16x1x128xf32, #tpu.memory_space<vmem>>, %arg15: memref<768x1xf32, #tpu.memory_space<vmem>>, %arg16: memref<1x1xf32, #tpu.memory_space<vmem>>, %arg17: memref<16x1xf32, #tpu.memory_space<vmem>>) attributes {dimension_semantics = [], scalar_prefetch = 0 : i64, scratch_operands = 0 : i64, tpu.core_type = #tpu.core_type<tc>} {
    %get3A = arith.constant 0 : index
    %get3A_0 = arith.constant 0 : index
    %get3A_1 = vector.load %arg2[%get3A, %get3A_0] : memref<10000x1xf32, #tpu.memory_space<vmem>>, vector<10000x1xf32>
    %add3A = arith.constant 1.000000e+00 : f32
    %add3A_2 = vector.broadcast %add3A : f32 to vector<10000x1xf32>
    %add3A_3 = arith.addf %get3A_1, %add3A_2 : vector<10000x1xf32>
    %rsqrt3A = math.rsqrt %add3A_3 : vector<10000x1xf32>
    %get3A_4 = arith.constant 0 : index
    %get3A_5 = arith.constant 0 : index
    %get3A_6 = vector.load %arg0[%get3A_4, %get3A_5] : memref<10000x128xf32, #tpu.memory_space<vmem>>, vector<10000x128xf32>
    %mul3A = vector.broadcast %rsqrt3A : vector<10000x1xf32> to vector<10000x128xf32>
    %mul3A_7 = arith.mulf %mul3A, %get3A_6 : vector<10000x128xf32>
    %get3A_8 = arith.constant 0 : index
    %get3A_9 = arith.constant 0 : index
    %get3A_10 = vector.load %arg1[%get3A_8, %get3A_9] : memref<10000x128xf32, #tpu.memory_space<vmem>>, vector<10000x128xf32>
    %div3A = vector.broadcast %add3A_3 : vector<10000x1xf32> to vector<10000x128xf32>
    %div3A_11 = arith.divf %get3A_10, %div3A : vector<10000x128xf32>
    %add3A_12 = arith.addf %mul3A_7, %div3A_11 : vector<10000x128xf32>
    %get3A_13 = arith.constant 0 : index
    %get3A_14 = arith.constant 0 : index
    %get3A_15 = vector.load %arg4[%get3A_13, %get3A_14] : memref<1x128xf32, #tpu.memory_space<vmem>>, vector<1x128xf32>
    %add3A_16 = vector.broadcast %get3A_15 : vector<1x128xf32> to vector<10000x128xf32>
    %add3A_17 = arith.addf %add3A_12, %add3A_16 : vector<10000x128xf32>
    %jit3A = arith.constant 0.00999999977 : f32
    %ge3A = arith.constant 0.000000e+00 : f32
    %ge3A_18 = vector.broadcast %ge3A : f32 to vector<10000x128xf32>
    %ge3A_19 = arith.cmpf oge, %add3A_17, %ge3A_18 : vector<10000x128xf32>
    %mul3A_20 = vector.broadcast %jit3A : f32 to vector<10000x128xf32>
    %mul3A_21 = arith.mulf %mul3A_20, %add3A_17 : vector<10000x128xf32>
    %select_n3A = arith.select %ge3A_19, %add3A_17, %mul3A_21 : vector<10000x128xi1>, vector<10000x128xf32>
    %iota3A = tpu.iota {dimensions = array<i32: 0>} : vector<16x10000xi32>
    %get3A_22 = arith.constant 0 : index
    %get3A_23 = arith.constant 0 : index
    %get3A_24 = vector.load %arg3[%get3A_22, %get3A_23] : memref<1x10000xi32, #tpu.memory_space<vmem>>, vector<1x10000xi32>
    %eq3A = vector.broadcast %get3A_24 : vector<1x10000xi32> to vector<16x10000xi32>
    %eq3A_25 = arith.cmpi eq, %iota3A, %eq3A : vector<16x10000xi32>
    %convert_element_type3A = arith.extui %eq3A_25 : vector<16x10000xi1> to vector<16x10000xi32>
    %convert_element_type3A_26 = arith.sitofp %convert_element_type3A : vector<16x10000xi32> to vector<16x10000xf32>
    %dot_general3A = arith.constant dense<0.000000e+00> : vector<16x128xf32>
    %dot_general3A_27 = tpu.matmul %convert_element_type3A_26, %select_n3A, %dot_general3A {dimension_numbers = #tpu.dot_dimension_numbers<[1], [0], [0], [1], [0, 0, 1, 1], [], []>, transpose_lhs_hint = false} : vector<16x10000xf32>, vector<10000x128xf32>, vector<16x128xf32> -> vector<16x128xf32>
    %reduce_sum3A = arith.constant dense<0.000000e+00> : vector<16xf32>
    %reduce_sum3A_28 = vector.multi_reduction <add>, %convert_element_type3A_26, %reduce_sum3A [1] : vector<16x10000xf32> to vector<16xf32>
    %broadcast_in_dim3A = vector.shape_cast %reduce_sum3A_28 : vector<16xf32> to vector<16x1xf32>
    %max3A = arith.constant 1.000000e+00 : f32
    %max3A_29 = vector.broadcast %max3A : f32 to vector<16x1xf32>
    %max3A_30 = arith.maximumf %broadcast_in_dim3A, %max3A_29 : vector<16x1xf32>
    %div3A_31 = vector.broadcast %max3A_30 : vector<16x1xf32> to vector<16x128xf32>
    %div3A_32 = arith.divf %dot_general3A_27, %div3A_31 : vector<16x128xf32>
    %get3A_33 = arith.constant 0 : index
    %get3A_34 = arith.constant 0 : index
    %get3A_35 = vector.load %arg5[%get3A_33, %get3A_34] : memref<128x128xf32, #tpu.memory_space<vmem>>, vector<128x128xf32>
    %dot_general3A_36 = arith.constant dense<0.000000e+00> : vector<16x128xf32>
    %dot_general3A_37 = tpu.matmul %div3A_32, %get3A_35, %dot_general3A_36 {dimension_numbers = #tpu.dot_dimension_numbers<[1], [0], [0], [1], [0, 0, 1, 1], [], []>, transpose_lhs_hint = false} : vector<16x128xf32>, vector<128x128xf32>, vector<16x128xf32> -> vector<16x128xf32>
    %get3A_38 = arith.constant 0 : index
    %get3A_39 = arith.constant 0 : index
    %get3A_40 = vector.load %arg6[%get3A_38, %get3A_39] : memref<1x128xf32, #tpu.memory_space<vmem>>, vector<1x128xf32>
    %add3A_41 = vector.broadcast %get3A_40 : vector<1x128xf32> to vector<16x128xf32>
    %add3A_42 = arith.addf %dot_general3A_37, %add3A_41 : vector<16x128xf32>
    %jit3A_43 = arith.constant 0.00999999977 : f32
    %ge3A_44 = arith.constant 0.000000e+00 : f32
    %ge3A_45 = vector.broadcast %ge3A_44 : f32 to vector<16x128xf32>
    %ge3A_46 = arith.cmpf oge, %add3A_42, %ge3A_45 : vector<16x128xf32>
    %mul3A_47 = vector.broadcast %jit3A_43 : f32 to vector<16x128xf32>
    %mul3A_48 = arith.mulf %mul3A_47, %add3A_42 : vector<16x128xf32>
    %select_n3A_49 = arith.select %ge3A_46, %add3A_42, %mul3A_48 : vector<16x128xi1>, vector<16x128xf32>
    %get3A_50 = arith.constant 0 : index
    %get3A_51 = arith.constant 0 : index
    %get3A_52 = vector.load %arg9[%get3A_50, %get3A_51] : memref<10000x1xf32, #tpu.memory_space<vmem>>, vector<10000x1xf32>
    %add3A_53 = arith.constant 1.000000e+00 : f32
    %add3A_54 = vector.broadcast %add3A_53 : f32 to vector<10000x1xf32>
    %add3A_55 = arith.addf %get3A_52, %add3A_54 : vector<10000x1xf32>
    %rsqrt3A_56 = math.rsqrt %add3A_55 : vector<10000x1xf32>
    %get3A_57 = arith.constant 0 : index
    %get3A_58 = arith.constant 0 : index
    %get3A_59 = vector.load %arg7[%get3A_57, %get3A_58] : memref<10000x128xf32, #tpu.memory_space<vmem>>, vector<10000x128xf32>
    %mul3A_60 = vector.broadcast %rsqrt3A_56 : vector<10000x1xf32> to vector<10000x128xf32>
    %mul3A_61 = arith.mulf %mul3A_60, %get3A_59 : vector<10000x128xf32>
    %get3A_62 = arith.constant 0 : index
    %get3A_63 = arith.constant 0 : index
    %get3A_64 = vector.load %arg8[%get3A_62, %get3A_63] : memref<10000x128xf32, #tpu.memory_space<vmem>>, vector<10000x128xf32>
    %div3A_65 = vector.broadcast %add3A_55 : vector<10000x1xf32> to vector<10000x128xf32>
    %div3A_66 = arith.divf %get3A_64, %div3A_65 : vector<10000x128xf32>
    %add3A_67 = arith.addf %mul3A_61, %div3A_66 : vector<10000x128xf32>
    %get3A_68 = arith.constant 0 : index
    %get3A_69 = arith.constant 0 : index
    %get3A_70 = vector.load %arg11[%get3A_68, %get3A_69] : memref<1x128xf32, #tpu.memory_space<vmem>>, vector<1x128xf32>
    %add3A_71 = vector.broadcast %get3A_70 : vector<1x128xf32> to vector<10000x128xf32>
    %add3A_72 = arith.addf %add3A_67, %add3A_71 : vector<10000x128xf32>
    %jit3A_73 = arith.constant 0.00999999977 : f32
    %ge3A_74 = arith.constant 0.000000e+00 : f32
    %ge3A_75 = vector.broadcast %ge3A_74 : f32 to vector<10000x128xf32>
    %ge3A_76 = arith.cmpf oge, %add3A_72, %ge3A_75 : vector<10000x128xf32>
    %mul3A_77 = vector.broadcast %jit3A_73 : f32 to vector<10000x128xf32>
    %mul3A_78 = arith.mulf %mul3A_77, %add3A_72 : vector<10000x128xf32>
    %select_n3A_79 = arith.select %ge3A_76, %add3A_72, %mul3A_78 : vector<10000x128xi1>, vector<10000x128xf32>
    %iota3A_80 = tpu.iota {dimensions = array<i32: 0>} : vector<16x10000xi32>
    %get3A_81 = arith.constant 0 : index
    %get3A_82 = arith.constant 0 : index
    %get3A_83 = vector.load %arg10[%get3A_81, %get3A_82] : memref<1x10000xi32, #tpu.memory_space<vmem>>, vector<1x10000xi32>
    %eq3A_84 = vector.broadcast %get3A_83 : vector<1x10000xi32> to vector<16x10000xi32>
    %eq3A_85 = arith.cmpi eq, %iota3A_80, %eq3A_84 : vector<16x10000xi32>
    %convert_element_type3A_86 = arith.extui %eq3A_85 : vector<16x10000xi1> to vector<16x10000xi32>
    %convert_element_type3A_87 = arith.sitofp %convert_element_type3A_86 : vector<16x10000xi32> to vector<16x10000xf32>
    %dot_general3A_88 = arith.constant dense<0.000000e+00> : vector<16x128xf32>
    %dot_general3A_89 = tpu.matmul %convert_element_type3A_87, %select_n3A_79, %dot_general3A_88 {dimension_numbers = #tpu.dot_dimension_numbers<[1], [0], [0], [1], [0, 0, 1, 1], [], []>, transpose_lhs_hint = false} : vector<16x10000xf32>, vector<10000x128xf32>, vector<16x128xf32> -> vector<16x128xf32>
    %reduce_sum3A_90 = arith.constant dense<0.000000e+00> : vector<16xf32>
    %reduce_sum3A_91 = vector.multi_reduction <add>, %convert_element_type3A_87, %reduce_sum3A_90 [1] : vector<16x10000xf32> to vector<16xf32>
    %broadcast_in_dim3A_92 = vector.shape_cast %reduce_sum3A_91 : vector<16xf32> to vector<16x1xf32>
    %max3A_93 = arith.constant 1.000000e+00 : f32
    %max3A_94 = vector.broadcast %max3A_93 : f32 to vector<16x1xf32>
    %max3A_95 = arith.maximumf %broadcast_in_dim3A_92, %max3A_94 : vector<16x1xf32>
    %div3A_96 = vector.broadcast %max3A_95 : vector<16x1xf32> to vector<16x128xf32>
    %div3A_97 = arith.divf %dot_general3A_89, %div3A_96 : vector<16x128xf32>
    %get3A_98 = arith.constant 0 : index
    %get3A_99 = arith.constant 0 : index
    %get3A_100 = vector.load %arg12[%get3A_98, %get3A_99] : memref<128x128xf32, #tpu.memory_space<vmem>>, vector<128x128xf32>
    %dot_general3A_101 = arith.constant dense<0.000000e+00> : vector<16x128xf32>
    %dot_general3A_102 = tpu.matmul %div3A_97, %get3A_100, %dot_general3A_101 {dimension_numbers = #tpu.dot_dimension_numbers<[1], [0], [0], [1], [0, 0, 1, 1], [], []>, transpose_lhs_hint = false} : vector<16x128xf32>, vector<128x128xf32>, vector<16x128xf32> -> vector<16x128xf32>
    %get3A_103 = arith.constant 0 : index
    %get3A_104 = arith.constant 0 : index
    %get3A_105 = vector.load %arg13[%get3A_103, %get3A_104] : memref<1x128xf32, #tpu.memory_space<vmem>>, vector<1x128xf32>
    %add3A_106 = vector.broadcast %get3A_105 : vector<1x128xf32> to vector<16x128xf32>
    %add3A_107 = arith.addf %dot_general3A_102, %add3A_106 : vector<16x128xf32>
    %jit3A_108 = arith.constant 0.00999999977 : f32
    %ge3A_109 = arith.constant 0.000000e+00 : f32
    %ge3A_110 = vector.broadcast %ge3A_109 : f32 to vector<16x128xf32>
    %ge3A_111 = arith.cmpf oge, %add3A_107, %ge3A_110 : vector<16x128xf32>
    %mul3A_112 = vector.broadcast %jit3A_108 : f32 to vector<16x128xf32>
    %mul3A_113 = arith.mulf %mul3A_112, %add3A_107 : vector<16x128xf32>
    %select_n3A_114 = arith.select %ge3A_111, %add3A_107, %mul3A_113 : vector<16x128xi1>, vector<16x128xf32>
    %get3A_115 = arith.constant 0 : index
    %get3A_116 = arith.constant 0 : index
    %get3A_117 = arith.constant 0 : index
    %get3A_118 = arith.constant 0 : index
    %get3A_119 = vector.load %arg14[%get3A_115, %get3A_116, %get3A_117, %get3A_118] : memref<4x16x1x128xf32, #tpu.memory_space<vmem>>, vector<1x16x1x128xf32>
    %get3A_120 = vector.shape_cast %get3A_119 : vector<1x16x1x128xf32> to vector<16x128xf32>
    %get3A_121 = arith.constant 1 : index
    %get3A_122 = arith.constant 0 : index
    %get3A_123 = arith.constant 0 : index
    %get3A_124 = arith.constant 0 : index
    %get3A_125 = vector.load %arg14[%get3A_121, %get3A_122, %get3A_123, %get3A_124] : memref<4x16x1x128xf32, #tpu.memory_space<vmem>>, vector<1x16x1x128xf32>
    %get3A_126 = vector.shape_cast %get3A_125 : vector<1x16x1x128xf32> to vector<16x128xf32>
    %get3A_127 = arith.constant 2 : index
    %get3A_128 = arith.constant 0 : index
    %get3A_129 = arith.constant 0 : index
    %get3A_130 = arith.constant 0 : index
    %get3A_131 = vector.load %arg14[%get3A_127, %get3A_128, %get3A_129, %get3A_130] : memref<4x16x1x128xf32, #tpu.memory_space<vmem>>, vector<1x16x1x128xf32>
    %get3A_132 = vector.shape_cast %get3A_131 : vector<1x16x1x128xf32> to vector<16x128xf32>
    %get3A_133 = arith.constant 3 : index
    %get3A_134 = arith.constant 0 : index
    %get3A_135 = arith.constant 0 : index
    %get3A_136 = arith.constant 0 : index
    %get3A_137 = vector.load %arg14[%get3A_133, %get3A_134, %get3A_135, %get3A_136] : memref<4x16x1x128xf32, #tpu.memory_space<vmem>>, vector<1x16x1x128xf32>
    %get3A_138 = vector.shape_cast %get3A_137 : vector<1x16x1x128xf32> to vector<16x128xf32>
    %concatenate3A = tpu.concatenate %select_n3A_49, %select_n3A_114, %get3A_120, %get3A_126, %get3A_132, %get3A_138 in 1 : vector<16x128xf32>, vector<16x128xf32>, vector<16x128xf32>, vector<16x128xf32>, vector<16x128xf32>, vector<16x128xf32> -> vector<16x768xf32>
    %get3A_139 = arith.constant 0 : index
    %get3A_140 = arith.constant 0 : index
    %get3A_141 = vector.load %arg15[%get3A_139, %get3A_140] : memref<768x1xf32, #tpu.memory_space<vmem>>, vector<768x1xf32>
    %dot_general3A_142 = arith.constant dense<0.000000e+00> : vector<16x1xf32>
    %dot_general3A_143 = tpu.matmul %concatenate3A, %get3A_141, %dot_general3A_142 {dimension_numbers = #tpu.dot_dimension_numbers<[1], [0], [0], [1], [0, 0, 1, 1], [], []>, transpose_lhs_hint = false} : vector<16x768xf32>, vector<768x1xf32>, vector<16x1xf32> -> vector<16x1xf32>
    %get3A_144 = arith.constant 0 : index
    %get3A_145 = arith.constant 0 : index
    %get3A_146 = vector.load %arg16[%get3A_144, %get3A_145] : memref<1x1xf32, #tpu.memory_space<vmem>>, vector<1x1xf32>
    %add3A_147 = vector.broadcast %get3A_146 : vector<1x1xf32> to vector<16x1xf32>
    %add3A_148 = arith.addf %dot_general3A_143, %add3A_147 : vector<16x1xf32>
    %swap3A = arith.constant 0 : index
    %swap3A_149 = arith.constant 0 : index
    %swap3A_150 = vector.load %arg17[%swap3A, %swap3A_149] : memref<16x1xf32, #tpu.memory_space<vmem>>, vector<16x1xf32>
    tpu.vector_store %arg17[%swap3A, %swap3A_149], %add3A_148 {strides = array<i32>} : memref<16x1xf32, #tpu.memory_space<vmem>>, vector<16x1xf32>,
    return
  }
}

</mosaic_0001>

<sc_bundles>
// kernel: kernel.10.cloned.1.call-start
scs
__scs_entry_jumppad:
0x0: {  	(pc) =	sbr.rel $0x88, $3  }
0x1: {  	(tag) =	ssettag $0x0;
	lr =	simm.s32 $0x1  }
0x2: {  	[smem:$0x3F81] =	sst lr;
	_ =	strace $0xD0000000  }
0x3: {  	_ = 	snop  }
0x4: {  	_ = 	snop  }
0x5: {  	_ = 	snop  }
0x6: {  	_ = 	snop  }
0x7: {  	_ = 	snop  }
__scs_overlays_trampoline_lowered:
0x8: {  	[smem:$0x3F90] =	sst s0  }
0x9: {  	[smem:$0x3F91] =	sst s1  }
0xa: {  	[smem:$0x3F92] =	sst s2  }
0xb: {  	[smem:$0x3F93] =	sst s3  }
0xc: {  	[smem:$0x3F94] =	sst s4  }
0xd: {  	[smem:$0x3F95] =	sst s5  }
0xe: {  	[smem:$0x3F96] =	sst s6  }
0xf: {  	[smem:$0x3F97] =	sst s7  }
0x10: {  	[smem:$0x3F98] =	sst s8  }
0x11: {  	[smem:$0x3F99] =	sst s9;
	s0 =	simm.s32 @!p0 $0x0  }
0x12: {  	s1 =	sld [smem:$0x3F7F];
	s0 =	simm.s32 @p0 $0x1  }
0x13: {  	[smem:$0x3F9A] =	sst s0;
	s0 =	simm.s32 @!p1 $0x0  }
0x14: {  	s2 =	sld [smem:$0x3F7E];
	s0 =	simm.s32 @p1 $0x1  }
0x15: {  	[smem:$0x3F9B] =	sst s0;
	s0 =	simm.s32 @!p2 $0x0  }
0x16: {  	s3 =	sld [smem:$0x3FDB];
	s0 =	simm.s32 @p2 $0x1  }
0x17: {  	s4 =	simm.s32 $0x1BF5;
	[smem:$0x3F9D] =	sst s0  }
0x18: {  	s0 =	sld [smem:$0x3F80];
	_ =	swait.ge [sflag:s4], $0x0  }
0x19: {  	s7 =	sld [smem:$0x3F81]  }
0x1a: {  	s8 =	sadd.s32 $0xFFFFE003, lr  }
0x1b: {  	s9 =	sadd.s32 $0xFFFFFEF7, lr;
	s5 =	simm.s32 $0xFFFFFFFF;
	p2 =	slt.u32 s8, $0xFFFFF086  }
0x1c: {  	p1 =	slt.u32 s9, $0xF7A;
	s5 =	simm.s32 @!p2 $0x0  }
0x1d: {  	s5 =	simm.s32 @p1 $0x1;
	p0 =	seq.s32 s7, s2  }
0x1e: {  	s7 =	smul.u32 @!p0 $0xF7A, s2;
	p2 =	seq.s32 @!p0 s5, $0x0  }
0x1f: {  	s9 =	smul.u32 $0xF7A, s1;
	s8 =	simm.s32 @!p0 $0x1BF5;
	p2 =	por !p2, p0  }
0x20: {  	[sflag:s8] =	ssyncset.s32 @!p0 $0xFFFFF086;
	s6 =	sadd.s32 @!p0 s3, s7;
	s7 =	simm.s32 @!p0 $0x108  }
0x21: {  	s3 =	sadd.s32 s3, s9;
	s6 =	sadd.s32 @!p0 $0x88, s6;
	s7 =	simm.s32 @p2 $0x1082  }
0x22: {  	[simem:s7], [sflag:s8] =	dma.local @!p0 [hbm:s6], $0xF7A  }
0x23: {  	s9 =	sor.u32 $0xD0000000, s2;
	s6 =	simm.s32 $0x108;
	_ =	swait.ge @!p0 [sflag:s8], $0x0  }
0x24: {  	s3 =	sadd.s32 $0x88, s3;
	s6 =	simm.s32 @!p1 $0x1082;
	[sflag:s4] =	ssyncset.s32 $0xFFFFF086  }
0x25: {  	[simem:s6], [sflag:s4] =	dma.local [hbm:s3], $0xF7A  }
0x26: {  	[smem:$0x3F81] =	sst s1;
	(tag) =	ssettag s2;
	_ =	strace s9  }
0x27: {  	s1 =	sld [smem:$0x3F91]  }
0x28: {  	s2 =	sld [smem:$0x3F92]  }
0x29: {  	s4 =	sld [smem:$0x3F94]  }
0x2a: {  	p0 =	seq.s32 s5, $0x0;
	s5 =	sld [smem:$0x3F95]  }
0x2b: {  	s6 =	sld [smem:$0x3F96]  }
0x2c: {  	s7 =	sld [smem:$0x3F97]  }
0x2d: {  	s3 =	simm.s32 $0x108;
	s8 =	sld [smem:$0x3F98]  }
0x2e: {  	s3 =	simm.s32 @!p0 $0x1082;
	s9 =	sld [smem:$0x3F99]  }
0x2f: {  	lr =	sadd.s32 s0, s3;
	s0 =	sld [smem:$0x3F90]  }
0x30: {  	s3 =	sld [smem:$0x3F93]  }
0x31: {  	[smem:$0x3F9C] =	sst s10  }
0x32: {  	s10 =	sld [smem:$0x3F9A];
	_ =	sdelay $0x3  }
0x33: {  	p0 =	seq.s32 s10, $0x1;
	s10 =	sld [smem:$0x3F9C];
	_ =	sdelay $0x3  }
0x34: {  	[smem:$0x3F9C] =	sst s10  }
0x35: {  	s10 =	sld [smem:$0x3F9B];
	_ =	sdelay $0x3  }
0x36: {  	p1 =	seq.s32 s10, $0x1;
	s10 =	sld [smem:$0x3F9C];
	_ =	sdelay $0x3  }
0x37: {  	[smem:$0x3F9C] =	sst s10  }
0x38: {  	s10 =	sld [smem:$0x3F9D]  }
0x39: {  	_ = 	snop;
	(pc) =	sbr.ind lr, $3  }
0x3a: {  	_ = 	snop  }
0x3b: {  	_ = 	snop  }
0x3c: {  	p2 =	seq.s32 s10, $0x1;
	s10 =	sld [smem:$0x3F9C]  }
0x3d: {  	_ =	shalt  }
0x3e: {  	_ =	shalt  }
0x3f: {  	_ =	shalt  }
0x40: {  	_ =	shalt  }
0x41: {  	_ =	shalt  }
0x42: {  	_ =	shalt  }
0x43: {  	_ =	shalt  }
0x44: {  	_ =	shalt  }
0x45: {  	_ =	shalt  }
0x46: {  	_ =	shalt  }
0x47: {  	_ =	shalt  }
0x48: {  	_ =	shalt  }
0x49: {  	_ =	shalt  }
0x4a: {  	_ =	shalt  }
0x4b: {  	_ =	shalt  }
0x4c: {  	_ =	shalt  }
0x4d: {  	_ =	shalt  }
0x4e: {  	_ =	shalt  }
0x4f: {  	_ =	shalt  }
0x50: {  	_ =	shalt  }
0x51: {  	_ =	shalt  }
0x52: {  	_ =	shalt  }
0x53: {  	_ =	shalt  }
0x54: {  	_ =	shalt  }
0x55: {  	_ =	shalt  }
0x56: {  	_ =	shalt  }
0x57: {  	_ =	shalt  }
0x58: {  	_ =	shalt  }
0x59: {  	_ =	shalt  }
0x5a: {  	_ =	shalt  }
0x5b: {  	_ =	shalt  }
0x5c: {  	_ =	shalt  }
0x5d: {  	_ =	shalt  }
0x5e: {  	_ =	shalt  }
0x5f: {  	_ =	shalt  }
0x60: {  	_ =	shalt  }
0x61: {  	_ =	shalt  }
0x62: {  	_ =	shalt  }
0x63: {  	_ =	shalt  }
0x64: {  	_ =	shalt  }
0x65: {  	_ =	shalt  }
0x66: {  	_ =	shalt  }
0x67: {  	_ =	shalt  }
0x68: {  	_ =	shalt  }
0x69: {  	_ =	shalt  }
0x6a: {  	_ =	shalt  }
0x6b: {  	_ =	shalt  }
0x6c: {  	_ =	shalt  }
0x6d: {  	_ =	shalt  }
0x6e: {  	_ =	shalt  }
0x6f: {  	_ =	shalt  }
0x70: {  	_ =	shalt  }
0x71: {  	_ =	shalt  }
0x72: {  	_ =	shalt  }
0x73: {  	_ =	shalt  }
0x74: {  	_ =	shalt  }
0x75: {  	_ =	shalt  }
0x76: {  	_ =	shalt  }
0x77: {  	_ =	shalt  }
0x78: {  	_ =	shalt  }
0x79: {  	_ =	shalt  }
0x7a: {  	_ =	shalt  }
0x7b: {  	_ =	shalt  }
0x7c: {  	_ =	shalt  }
0x7d: {  	_ =	shalt  }
0x7e: {  	_ =	shalt  }
0x7f: {  	_ =	shalt  }
0x80: {  	_ =	shalt  }
0x81: {  	_ =	shalt  }
0x82: {  	_ =	shalt  }
0x83: {  	_ =	shalt  }
0x84: {  	_ =	shalt  }
0x85: {  	_ =	shalt  }
0x86: {  	_ =	shalt  }
0x87: {  	_ =	shalt  }
.Lfunc_end0:
.L_simem_size_0:
called_computation.1_lowered:
.L_overlay_start_0:
0x88: {  	s2 =	sld [smem:$0x3FD9]  }
0x89: {  	s3 =	sld [smem:$0x3FFE];
	_ =	sdelay $0x1  }
0x8a: {  	s1 =	srdreg.scid  }
0x8b: {  	s0 =	sand.u32 $0x1, s1  }
0x8c: {  	s16 =	sshll.u32 s0, $0xA;
	s2 =	sadd.s32 s3, s2  }
0x8d: {  	s2 =	sadd.s32 s2, s16  }
0x8e: {  	[smem:$0x3FA8] =	sst s2  }
0x8f: {  	_ = 	snop  }
0x90: {  	(tm) =	ssettm $0x1  }
0x91: {  	s17 =	sld [smem:$0x3FFB];
	_ =	sdelay $0x3  }
0x92: {  	_ =	strace s17  }
0x93: {  	s2 =	sld [smem:$0x3FFC];
	_ =	sdelay $0x3  }
0x94: {  	_ =	strace s2  }
0x95: {  	s2 =	sld [smem:$0x3FFD];
	_ =	sdelay $0x3  }
0x96: {  	_ =	strace s2  }
0x97: {  	_ =	strace $0x8FFFFFFF  }
0x98: {  	s18 =	sld [smem:$0x3FDB];
	_ =	sdelay $0x1  }
0x99: {  	s19 =	simm.s32 $_scs_section_size  }
0x9a: {  	s4 =	simm.s32 $_size__tile_overlayer_lowered;
	s5 =	simm.s32 $_tile_overlayer_lowered  }
0x9b: {  	s22 =	simm.s32 $0x1BFF;
	s21 =	sshll.u32 s5, $0x1;
	s2 =	sadd.s32 s19, s18  }
0x9c: {  	s6 =	simm.s32 $0x0;
	s20 =	sshll.u32 s4, $0x1;
	s4 =	sadd.s32 s21, s2  }
0x9d: {  	[timem:s6], [sflag:s22] =	dma.local [hbm:s4], s20  }
0x9e: {  	_ =	swait.ge [sflag:s22], s20  }
0x9f: {  	s3 =	ssub.s32 $0x0, s20;
	[sflag:s22] =	ssyncset.done $0x0  }
0xa0: {  	[sflag:s22] =	ssyncadd.s32 s3;
	_ =	sdelay $0x1  }
0xa1: {  	s23 =	simm.s32 $0x1B8B  }
0xa2: {  	_ =	swait.ge [sflag:s23], $0x1  }
0xa3: {  	[sflag:s23] =	ssyncset.done $0x0  }
0xa4: {  	s25 =	simm.s32 $0x1B8E;
	s24 =	sld [smem:$0x3FFE];
	[sflag:s23] =	ssyncadd.s32 $0xFFFFFFFF  }
0xa5: {  	s26 =	simm.s32 $execute0_lowered;
	[smem:$0x3FD2] =	sst s25  }
0xa6: {  	s4 =	sshll.u32 s26, $0x1;
	_ =	strace $0x80000049;
	[dreg:$0x1] =	wrdreg $0xFFFFFFFF  }
0xa7: {  	s28 =	simm.s32 $_size_execute0_lowered;
	s2 =	sadd.s32 s2, s4;
	[dreg:$0x0] =	wrdreg $0x0  }
0xa8: {  	s4 =	sshll.u32 s28, $0x1;
	[dreg:$0x2] =	wrdreg s2  }
0xa9: {  	[dreg:$0x3] =	wrdreg s4  }
0xaa: {  	[dreg:$0x4] =	wrdreg $0xC0  }
0xab: {  	_ =	task [dreg:s6], $0x5FFFF  }
0xac: {  	[dreg:$0x1] =	wrdreg $0xFFFFFFFF  }
0xad: {  	[dreg:$0x0] =	wrdreg $0x60  }
0xae: {  	[dreg:$0x2] =	wrdreg s24  }
0xaf: {  	[dreg:$0x3] =	wrdreg $0x0  }
0xb0: {  	[dreg:$0x4] =	wrdreg $0x9  }
0xb1: {  	_ =	task.clear_ibuf [dreg:s6], $0x5FFFF;
	_ =	strace $0x90000049  }
0xb2: {  	s29 =	simm.s32 $0x9;
	_ =	strace $0x8000004B  }
0xb3: {  	_ =	swait.ge [sflag:s29], $0x1  }
0xb4: {  	[sflag:s29] =	ssyncadd.s32 $0xFFFFFFFF  }
0xb5: {  	_ =	strace $0x9000004B  }
0xb6: {  	_ =	sfence  }
0xb7: {  	s30 =	sld [smem:$0x0];
	_ =	sdelay $0x2  }
0xb8: {  	s31 =	sshll.u32 s1, $0xD;
	s1 =	sshrl.u32 s1, $0x2  }
0xb9: {  	s3 =	sand.u32 $0x4000, s31;
	s1 =	sadd.s32 s1, s30  }
0xba: {  	s0 =	sor.u32 s3, s0;
	s1 =	sshll.u32 s1, $0x11  }
0xbb: {  	s0 =	sor.u32 s1, s0  }
0xbc: {  	s0 =	sadd.s32 $0x8F2B, s0  }
0xbd: {  	[sflag:s0] =	ssyncadd.remote.s32 $0x1  }
0xbe: {  	_ =	sfence.sel $0xFFFF  }
0xbf: {  	[dreg:$0x0] =	wrdreg $0xFFFFFFFF;
	(pc) =	sbr.abs _section_cstart, $3  }
0xc0: {  	[dreg:$0x1] =	wrdreg $0xFFFFFFFF  }
0xc1: {  	_ =	task.clear_ibuf [dreg:s6], $0x2FFFF;
	_ =	strace $0x9FFFFFFF  }
0xc2: {  	(tm) =	ssettm $0x7FFFFFFF  }
0xc3: {  	_ =	shalt  }
tec
execute0_lowered:
.L_overlay_start_1:
0x0: {  	(tag) =	ssettag $0x1  }
0x1: {  	s0 =	rddreg [dreg:$0x0]  }
0x2: {  	s2 =	rddreg [dreg:$0x1]  }
0x3: {  	s3 =	simm.s32 $0x0;
	s11 =	stileid.u32;
	s6 =	srdreg.scid  }
0x4: {  	s19 =	simm.s32 $0x9;
	s28 =	simm.s32 $0x1C080;
	s29 =	simm.s32 $0x2  }
0x5: {  	s30 =	simm.s32 $0x7;
	s31 =	simm.s32 $0x5;
	s12 =	simm.s32 $0x1C280  }
0x6: {  	s15 =	simm.s32 $0x3;
	s16 =	simm.s32 $0x1C380;
	[smem:$0x7FF] =	sst s3  }
0x7: {  	s4 =	sadd.s32 $0x8F800, s0;
	s1 =	sshll.u32 s11, $0x5;
	s5 =	sadd.s32 $0xB6A00, s0  }
0x8: {  	s7 =	sadd.s32 $0x5200, s0;
	s6 =	sand.u32 $0x1, s6;
	s20 =	smul.u32 $0x50000, s11  }
0x9: {  	s8 =	sadd.s32 $0x104E00, s0;
	s9 =	sshll.u32 s11, $0x6;
	s25 =	smul.u32 $0x2800, s11  }
0xa: {  	s11 =	simm.s32 $0x1C300;
	_ =	strace $0x8000004A;
	[dreg:$0x3] =	wrdreg s7  }
0xb: {  	s1 =	sadd.s32 s1, s0;
	[dreg:$0x4] =	wrdreg s8;
	s0 =	sadd.s32 $0x12CE00, s0  }
0xc: {  	s21 =	ssub.s32 $0x2, s6;
	s9 =	sor.u32 $0x1C09, s9;
	p0 =	seq.s32 s6, $0x1  }
0xd: {  	s8 =	simm.s32 $0x6;
	[dreg:$0x5] =	wrdreg s0;
	s22 =	sshrl.u32 s21, $0x1  }
0xe: {  	s7 =	sshrl.u32 s20, $0x2;
	s10 =	sadd.s32 $0x2DA00, s1;
	[dreg:$0x9] =	wrdreg s25  }
0xf: {  	s23 =	sadd.s32 $0x2DC00, s1;
	s24 =	sadd.s32 $0x2DE00, s1;
	[dreg:$0x6] =	wrdreg s9  }
0x10: {  	s14 =	sadd.s32 $0x1A000, s1;
	s26 =	sadd.s32 $0x1A200, s1;
	[dreg:$0x7] =	wrdreg s23  }
0x11: {  	s1 =	sadd.s32 $0x1A400, s1;
	s20 =	simm.s32 $0x1C000;
	[dreg:$0x8] =	wrdreg s24  }
0x12: {  	s25 =	simm.s32 $0x4;
	s0 =	ssub.s32 s21, s22;
	[dreg:$0xa] =	wrdreg s26  }
.Ltmp0:
0x13: {  	s7 =	sadd.s32 s7, s2;
	[dreg:$0xb] =	wrdreg s1;
	(pc) =	sbr.rel .LBB2_1-.Ltmp0, $4  }
0x14: {  	s21 =	simm.s32 $0x80;
	s22 =	simm.s32 $0x14000;
	s23 =	simm.s32 $0x1C100  }
0x15: {  	s24 =	simm.s32 $0x1C200;
	s26 =	simm.s32 $0x18000;
	s0 =	smax.u32 s0, $0x1  }
0x16: {  	s1 =	simm.s32 $0x1;
	s13 =	sshrl.u32 s7, $0x3;
	[dreg:$0xc] =	wrdreg s0  }
0x17: {  	s7 =	simm.s32 $0x8;
	s0 =	simm.s32 $0x1C180;
	[dreg:$0xd] =	wrdreg s13  }
.LBB2_35:
0x18: {  	s6 =	rddreg [dreg:$0x5]  }
.LBB2_36:
0x19: {  	s9 =	rddreg [dreg:$0x9];
	[bflag:$0x0] =	sbarrier.arrive $0xFFFF  }
0x1a: {  	s6 =	sadd.s32 s6, s9;
	s9 =	rddreg [dreg:$0x6]  }
0x1b: {  	s13 =	rddreg [dreg:$0xd]  }
0x1c: {  	[hbm:s6], [sflag:s9] =	dma.local [spmem:s13], $0x2800  }
0x1d: {  	_ =	swait.ge [sflag:s19], $0x2800  }
0x1e: {  	s3 =	sadd.s32 $0x1, s3;
	s18 =	rddreg [dreg:$0xc]  }
0x1f: {  	p1 =	sne.s32 s3, s18  }
.Ltmp1:
0x20: {  	_ = 	snop;
	(pc) =	sbr.rel @!p1 .LBB2_37-.Ltmp1, $3  }
0x21: {  	_ =	sdelay $0x1  }
0x22: {  	[sflag:s19] =	ssyncset.done $0x0  }
0x23: {  	[sflag:s19] =	ssyncadd.s32 $0xFFFFD800  }
.LBB2_1:
0x24: {  	s6 =	rddreg [dreg:$0x3]  }
0x25: {  	[spmem:s13], [sflag:s9] =	dma.local [hbm:s6], $0x2800  }
.Ltmp2:
0x26: {  	_ =	swait.ge [sflag:s19], $0x2800;
	(pc) =	sbr.rel @!p0 .LBB2_2-.Ltmp2, $4  }
0x27: {  	[sflag:s19] =	ssyncset.done $0x0  }
0x28: {  	[sflag:s19] =	ssyncadd.s32 $0xFFFFD800  }
0x29: {  	[bflag:$0x0] =	sbarrier.arrive $0xFFFF  }
0x2a: {  	s6 =	simm.s32 $0x0  }
0x2b: {  	[tilespmem:s20], [sflag:$0x9] =	stream.linear.gather [hbm4b:s14+s6], $0x100, $0x38;
	[tilespmem:$0x1C400] =	vst v63  }
0x2c: {  	_ =	swait.ge [sflag:s19], $0x100  }
0x2d: {  	[sflag:s19] =	ssyncset.done $0x0  }
0x2e: {  	[sflag:s19] =	ssyncadd.s32 $0xFFFFFF00  }
0x2f: {  	[tilespmem:s22], [sflag:$0x1] =	stream.indirect.gather [hbm4b:s5+s21], $0x80, s20, s21, $0xb8;
	[tilespmem:$0x1C400] =	vst v63  }
.Ltmp3:
0x30: {  	_ = 	snop;
	(pc) =	sbr.rel .LBB2_20-.Ltmp3, $4  }
0x31: {  	s9 =	rddreg [dreg:$0xa]  }
0x32: {  	[tilespmem:s23], [sflag:$0x4] =	stream.linear.gather [hbm4b:s9+s6], $0x100, $0x38;
	[tilespmem:$0x1C400] =	vst v63  }
0x33: {  	s13 =	stileid.u32;
	s18 =	rddreg [dreg:$0xb]  }
0x34: {  	[tilespmem:s24], [sflag:$0x5] =	stream.linear.gather [hbm4b:s18+s6], $0x100, $0x38;
	[tilespmem:$0x1C400] =	vst v63  }
.LBB2_28:
0x35: {  	p1 =	slt.u32 s13, $0x9B4  }
0x36: {  	s9 =	simm.s32 @p1 $0x80;
	s17 =	simm.s32 @p1 $0x1C180;
	s18 =	simm.s32 @p1 $0x18000  }
0x37: {  	[spmem:s2] =	stream.indirect.scatter.add.f32 @p1 [tilespmem:s18], [sflag:$0x8], $0x80, s17, s9, $0xb8;
	[tilespmem:$0x1C400] =	vst v63  }
0x38: {  	s9 =	simm.s32 @p1 $0x8  }
0x39: {  	_ =	swait.ge @p1 [sflag:s9], $0x4000  }
0x3a: {  	[sflag:s9] =	ssyncset.done @p1 $0x0  }
0x3b: {  	[sflag:s9] =	ssyncadd.s32 @p1 $0xFFFFC000  }
.LBB2_34:
0x3c: {  	s6 =	sadd.s32 $0x800, s6  }
0x3d: {  	p1 =	sne.s32 s6, $0x14000  }
.Ltmp4:
0x3e: {  	_ = 	snop;
	(pc) =	sbr.rel @!p1 .LBB2_35-.Ltmp4, $2  }
0x3f: {  	_ =	sdelay $0x2  }
0x40: {  	s13 =	sadd.s32 $0x40, s13  }
.LBB2_20:
0x41: {  	p2 =	sgt.u32 s13, $0x9C3  }
0x42: {  	s9 =	simm.s32 @!p2 $0x1  }
0x43: {  	s17 =	sadd.s32 $0xFFFFFFF0, s13;
	p3 =	sgt.u32 s13, $0x9B3;
	_ =	swait.ge @!p2 [sflag:s9], $0x4000  }
.Ltmp5:
0x44: {  	p1 =	sgt.u32 s17, $0x9C3;
	[sflag:s9] =	ssyncset.done @!p2 $0x0;
	(pc) =	sbr.rel @p3 .LBB2_22-.Ltmp5, $4  }
0x45: {  	[sflag:s9] =	ssyncadd.s32 @!p2 $0xFFFFC000;
	s9 =	simm.s32 @!p1 $0x8  }
0x46: {  	_ =	swait.ge @!p1 [sflag:s9], $0x4000  }
0x47: {  	[sflag:s9] =	ssyncset.done @!p1 $0x0  }
0x48: {  	[sflag:s9] =	ssyncadd.s32 @!p1 $0xFFFFC000  }
.Ltmp6:
0x49: {  	(pc) =	sbr.rel .LBB2_23-.Ltmp6, $4  }
0x4a: {  	_ =	swait.ge [sflag:s25], $0x100  }
0x4b: {  	[sflag:s25] =	ssyncset.done $0x0  }
0x4c: {  	[sflag:s25] =	ssyncadd.s32 $0xFFFFFF00  }
0x4d: {  	[tilespmem:s26], [sflag:$0x2] =	stream.indirect.gather [hbm4b:s5+s21], $0x80, s23, s21, $0xb8;
	[tilespmem:$0x1C400] =	vst v63  }
.LBB2_22:
.Ltmp7:
0x4e: {  	(pc) =	sbr.rel @p2 .LBB2_24-.Ltmp7, $1  }
0x4f: {  	_ =	sdelay $0x3  }
.LBB2_23:
0x50: {  	[spmem:s2] =	stream.indirect.scatter.add.f32 [tilespmem:s22], [sflag:$0x7], $0x80, s28, s21, $0xb8;
	[tilespmem:$0x1C400] =	vst v63  }
.LBB2_24:
.Ltmp8:
0x51: {  	s9 =	sadd.s32 $0x30, s13;
	(pc) =	sbr.rel @p3 .LBB2_26-.Ltmp8, $4  }
0x52: {  	p1 =	sgt.u32 s9, $0x9C3  }
0x53: {  	s9 =	sadd.s32 @!p1 s6, s14  }
0x54: {  	s17 =	simm.s32 @!p1 $0x0;
	s18 =	simm.s32 @!p1 $0x1C300;
	s9 =	sadd.s32 @!p1 $0x600, s9  }
0x55: {  	[tilespmem:s18], [sflag:$0x6] =	stream.linear.gather @!p1 [hbm4b:s9+s17], $0x100, $0x38;
	[tilespmem:$0x1C400] =	vst v63  }
.Ltmp9:
0x56: {  	(pc) =	sbr.rel .LBB2_27-.Ltmp9, $4  }
0x57: {  	_ = 	snop  }
0x58: {  	_ =	swait.ge [sflag:s29], $0x4000  }
0x59: {  	[sflag:s29] =	ssyncset.done $0x0  }
0x5a: {  	[sflag:s29] =	ssyncadd.s32 $0xFFFFC000  }
.LBB2_26:
.Ltmp10:
0x5b: {  	(pc) =	sbr.rel @p2 .LBB2_34-.Ltmp10, $1  }
0x5c: {  	_ =	sdelay $0x3  }
.LBB2_27:
0x5d: {  	p2 =	slt.u32 s13, $0x9A4  }
.Ltmp11:
0x5e: {  	_ = 	snop;
	(pc) =	sbr.rel @!p2 .LBB2_28-.Ltmp11, $4  }
0x5f: {  	_ = 	snop  }
0x60: {  	_ =	swait.ge [sflag:s30], $0x4000  }
0x61: {  	[sflag:s30] =	ssyncset.done $0x0  }
0x62: {  	[sflag:s30] =	ssyncadd.s32 $0xFFFFC000  }
0x63: {  	_ =	swait.ge [sflag:s31], $0x100  }
0x64: {  	[sflag:s31] =	ssyncset.done $0x0  }
0x65: {  	p2 =	sgt.u32 s13, $0x983;
	[sflag:s31] =	ssyncadd.s32 $0xFFFFFF00  }
0x66: {  	[tilespmem:s22], [sflag:$0x1] =	stream.indirect.gather [hbm4b:s5+s21], $0x80, s24, s21, $0xb8;
	[tilespmem:$0x1C400] =	vst v63  }
0x67: {  	s9 =	sadd.s32 @!p2 s6, s14  }
0x68: {  	[spmem:s2] =	stream.indirect.scatter.add.f32 [tilespmem:s26], [sflag:$0x8], $0x80, s0, s21, $0xb8;
	[tilespmem:$0x1C400] =	vst v63  }
0x69: {  	s17 =	simm.s32 @!p2 $0x0;
	s18 =	simm.s32 @!p2 $0x1C000;
	s9 =	sadd.s32 @!p2 $0x800, s9  }
0x6a: {  	[tilespmem:s18], [sflag:$0x3] =	stream.linear.gather @!p2 [hbm4b:s9+s17], $0x100, $0x38;
	[tilespmem:$0x1C400] =	vst v63  }
0x6b: {  	_ =	swait.ge [sflag:s1], $0x4000  }
.Ltmp12:
0x6c: {  	[sflag:s1] =	ssyncset.done $0x0;
	(pc) =	sbr.rel @p1 .LBB2_31-.Ltmp12, $4  }
0x6d: {  	[sflag:s1] =	ssyncadd.s32 $0xFFFFC000  }
0x6e: {  	_ =	swait.ge [sflag:s7], $0x4000  }
0x6f: {  	[sflag:s7] =	ssyncset.done $0x0  }
0x70: {  	[sflag:s7] =	ssyncadd.s32 $0xFFFFC000  }
0x71: {  	_ =	swait.ge [sflag:s8], $0x100  }
0x72: {  	[sflag:s8] =	ssyncset.done $0x0  }
0x73: {  	p2 =	sgt.u32 s13, $0x973;
	[sflag:s8] =	ssyncadd.s32 $0xFFFFFF00  }
0x74: {  	[tilespmem:s26], [sflag:$0x2] =	stream.indirect.gather [hbm4b:s5+s21], $0x80, s11, s21, $0xb8;
	[tilespmem:$0x1C400] =	vst v63  }
0x75: {  	s9 =	sadd.s32 @!p2 s6, s14  }
0x76: {  	[spmem:s2] =	stream.indirect.scatter.add.f32 [tilespmem:s22], [sflag:$0x7], $0x80, s12, s21, $0xb8;
	[tilespmem:$0x1C400] =	vst v63  }
0x77: {  	s17 =	simm.s32 @!p2 $0x0;
	s18 =	simm.s32 @!p2 $0x1C100;
	s9 =	sadd.s32 @!p2 $0xA00, s9  }
0x78: {  	[tilespmem:s18], [sflag:$0x4] =	stream.linear.gather @!p2 [hbm4b:s9+s17], $0x100, $0x38;
	[tilespmem:$0x1C400] =	vst v63  }
0x79: {  	p2 =	slt.u32 s13, $0x984;
	_ =	swait.ge [sflag:s29], $0x4000  }
.Ltmp13:
0x7a: {  	[sflag:s29] =	ssyncset.done $0x0;
	(pc) =	sbr.rel @p2 .LBB2_32-.Ltmp13, $4  }
.Ltmp14:
0x7b: {  	[sflag:s29] =	ssyncadd.s32 $0xFFFFC000;
	(pc) =	sbr.rel @!p2 .LBB2_33-.Ltmp14, $4  }
0x7c: {  	_ =	swait.ge [sflag:s30], $0x4000  }
0x7d: {  	[sflag:s30] =	ssyncset.done $0x0  }
0x7e: {  	[sflag:s30] =	ssyncadd.s32 $0xFFFFC000  }
0x7f: {  	_ = 	snop  }
.LBB2_31:
.Ltmp15:
0x80: {  	(pc) =	sbr.rel @p2 .LBB2_34-.Ltmp15, $4  }
0x81: {  	[spmem:s2] =	stream.indirect.scatter.add.f32 [tilespmem:s22], [sflag:$0x7], $0x80, s12, s21, $0xb8;
	[tilespmem:$0x1C400] =	vst v63  }
0x82: {  	_ =	swait.ge [sflag:s30], $0x4000  }
0x83: {  	[sflag:s30] =	ssyncset.done $0x0  }
0x84: {  	[sflag:s30] =	ssyncadd.s32 $0xFFFFC000  }
.LBB2_32:
.Ltmp16:
0x85: {  	(pc) =	sbr.rel @p1 .LBB2_34-.Ltmp16, $4  }
0x86: {  	_ =	swait.ge [sflag:s15], $0x100  }
0x87: {  	[sflag:s15] =	ssyncset.done $0x0  }
0x88: {  	[sflag:s15] =	ssyncadd.s32 $0xFFFFFF00  }
0x89: {  	[tilespmem:s22], [sflag:$0x1] =	stream.indirect.gather [hbm4b:s5+s21], $0x80, s20, s21, $0xb8;
	[tilespmem:$0x1C400] =	vst v63  }
.LBB2_33:
0x8a: {  	[spmem:s2] =	stream.indirect.scatter.add.f32 [tilespmem:s26], [sflag:$0x8], $0x80, s16, s21, $0xb8;
	[tilespmem:$0x1C400] =	vst v63  }
.Ltmp17:
0x8b: {  	_ = 	snop;
	(pc) =	sbr.rel .LBB2_34-.Ltmp17, $4  }
0x8c: {  	p1 =	sgt.u32 s13, $0x963  }
0x8d: {  	s9 =	sadd.s32 @!p1 s6, s14  }
0x8e: {  	s17 =	simm.s32 @!p1 $0x0;
	s18 =	simm.s32 @!p1 $0x1C200;
	s9 =	sadd.s32 @!p1 $0xC00, s9  }
0x8f: {  	[tilespmem:s18], [sflag:$0x5] =	stream.linear.gather @!p1 [hbm4b:s9+s17], $0x100, $0x38;
	[tilespmem:$0x1C400] =	vst v63  }
.LBB2_2:
0x90: {  	[tilespmem:s20], [sflag:$0x9] =	stream.linear.gather [hbm4b:s10+s6], $0x100, $0x38;
	[tilespmem:$0x1C400] =	vst v63  }
0x91: {  	_ =	swait.ge [sflag:s19], $0x100  }
0x92: {  	[sflag:s19] =	ssyncset.done $0x0  }
0x93: {  	[sflag:s19] =	ssyncadd.s32 $0xFFFFFF00  }
0x94: {  	[tilespmem:s22], [sflag:$0x1] =	stream.indirect.gather [hbm4b:s4+s21], $0x80, s20, s21, $0xb8;
	[tilespmem:$0x1C400] =	vst v63  }
.Ltmp18:
0x95: {  	_ = 	snop;
	(pc) =	sbr.rel .LBB2_3-.Ltmp18, $4  }
0x96: {  	s9 =	rddreg [dreg:$0x7]  }
0x97: {  	[tilespmem:s23], [sflag:$0x4] =	stream.linear.gather [hbm4b:s9+s6], $0x100, $0x38;
	[tilespmem:$0x1C400] =	vst v63  }
0x98: {  	s13 =	stileid.u32;
	s18 =	rddreg [dreg:$0x8]  }
0x99: {  	[tilespmem:s24], [sflag:$0x5] =	stream.linear.gather [hbm4b:s18+s6], $0x100, $0x38;
	[tilespmem:$0x1C400] =	vst v63  }
.LBB2_11:
0x9a: {  	p1 =	slt.u32 s13, $0x9B4  }
0x9b: {  	s9 =	simm.s32 @p1 $0x80;
	s17 =	simm.s32 @p1 $0x1C180;
	s18 =	simm.s32 @p1 $0x18000  }
0x9c: {  	[spmem:s2] =	stream.indirect.scatter.add.f32 @p1 [tilespmem:s18], [sflag:$0x8], $0x80, s17, s9, $0xb8;
	[tilespmem:$0x1C400] =	vst v63  }
0x9d: {  	s9 =	simm.s32 @p1 $0x8  }
0x9e: {  	_ =	swait.ge @p1 [sflag:s9], $0x4000  }
0x9f: {  	[sflag:s9] =	ssyncset.done @p1 $0x0  }
0xa0: {  	[sflag:s9] =	ssyncadd.s32 @p1 $0xFFFFC000  }
.LBB2_17:
0xa1: {  	s6 =	sadd.s32 $0x800, s6  }
0xa2: {  	p1 =	seq.s32 s6, $0x14000  }
.Ltmp19:
0xa3: {  	_ = 	snop;
	(pc) =	sbr.rel @p1 .LBB2_18-.Ltmp19, $2  }
0xa4: {  	_ =	sdelay $0x2  }
0xa5: {  	s13 =	sadd.s32 $0x40, s13  }
.LBB2_3:
0xa6: {  	p2 =	sgt.u32 s13, $0x9C3  }
0xa7: {  	s17 =	simm.s32 @!p2 $0x1  }
0xa8: {  	s9 =	sadd.s32 $0xFFFFFFF0, s13;
	p3 =	sgt.u32 s13, $0x9B3;
	_ =	swait.ge @!p2 [sflag:s17], $0x4000  }
.Ltmp20:
0xa9: {  	p1 =	sgt.u32 s9, $0x9C3;
	[sflag:s17] =	ssyncset.done @!p2 $0x0;
	(pc) =	sbr.rel @p3 .LBB2_5-.Ltmp20, $4  }
0xaa: {  	s9 =	simm.s32 @!p1 $0x8;
	[sflag:s17] =	ssyncadd.s32 @!p2 $0xFFFFC000  }
0xab: {  	_ =	swait.ge @!p1 [sflag:s9], $0x4000  }
0xac: {  	[sflag:s9] =	ssyncset.done @!p1 $0x0  }
0xad: {  	[sflag:s9] =	ssyncadd.s32 @!p1 $0xFFFFC000  }
.Ltmp21:
0xae: {  	(pc) =	sbr.rel .LBB2_6-.Ltmp21, $4  }
0xaf: {  	_ =	swait.ge [sflag:s25], $0x100  }
0xb0: {  	[sflag:s25] =	ssyncset.done $0x0  }
0xb1: {  	[sflag:s25] =	ssyncadd.s32 $0xFFFFFF00  }
0xb2: {  	[tilespmem:s26], [sflag:$0x2] =	stream.indirect.gather [hbm4b:s4+s21], $0x80, s23, s21, $0xb8;
	[tilespmem:$0x1C400] =	vst v63  }
.LBB2_5:
.Ltmp22:
0xb3: {  	(pc) =	sbr.rel @p2 .LBB2_7-.Ltmp22, $1  }
0xb4: {  	_ =	sdelay $0x3  }
.LBB2_6:
0xb5: {  	[spmem:s2] =	stream.indirect.scatter.add.f32 [tilespmem:s22], [sflag:$0x7], $0x80, s28, s21, $0xb8;
	[tilespmem:$0x1C400] =	vst v63  }
.LBB2_7:
.Ltmp23:
0xb6: {  	s9 =	sadd.s32 $0x30, s13;
	(pc) =	sbr.rel @p3 .LBB2_9-.Ltmp23, $4  }
0xb7: {  	p1 =	sgt.u32 s9, $0x9C3  }
0xb8: {  	s9 =	sadd.s32 @!p1 s6, s10  }
0xb9: {  	s17 =	simm.s32 @!p1 $0x0;
	s18 =	simm.s32 @!p1 $0x1C300;
	s9 =	sadd.s32 @!p1 $0x600, s9  }
0xba: {  	[tilespmem:s18], [sflag:$0x6] =	stream.linear.gather @!p1 [hbm4b:s9+s17], $0x100, $0x38;
	[tilespmem:$0x1C400] =	vst v63  }
.Ltmp24:
0xbb: {  	(pc) =	sbr.rel .LBB2_10-.Ltmp24, $4  }
0xbc: {  	_ = 	snop  }
0xbd: {  	_ =	swait.ge [sflag:s29], $0x4000  }
0xbe: {  	[sflag:s29] =	ssyncset.done $0x0  }
0xbf: {  	[sflag:s29] =	ssyncadd.s32 $0xFFFFC000  }
.LBB2_9:
.Ltmp25:
0xc0: {  	(pc) =	sbr.rel @p2 .LBB2_17-.Ltmp25, $1  }
0xc1: {  	_ =	sdelay $0x3  }
.LBB2_10:
0xc2: {  	p2 =	slt.u32 s13, $0x9A4  }
.Ltmp26:
0xc3: {  	_ = 	snop;
	(pc) =	sbr.rel @!p2 .LBB2_11-.Ltmp26, $4  }
0xc4: {  	_ = 	snop  }
0xc5: {  	_ =	swait.ge [sflag:s30], $0x4000  }
0xc6: {  	[sflag:s30] =	ssyncset.done $0x0  }
0xc7: {  	[sflag:s30] =	ssyncadd.s32 $0xFFFFC000  }
0xc8: {  	_ =	swait.ge [sflag:s31], $0x100  }
0xc9: {  	[sflag:s31] =	ssyncset.done $0x0  }
0xca: {  	p2 =	sgt.u32 s13, $0x983;
	[sflag:s31] =	ssyncadd.s32 $0xFFFFFF00  }
0xcb: {  	[tilespmem:s22], [sflag:$0x1] =	stream.indirect.gather [hbm4b:s4+s21], $0x80, s24, s21, $0xb8;
	[tilespmem:$0x1C400] =	vst v63  }
0xcc: {  	s9 =	sadd.s32 @!p2 s6, s10  }
0xcd: {  	[spmem:s2] =	stream.indirect.scatter.add.f32 [tilespmem:s26], [sflag:$0x8], $0x80, s0, s21, $0xb8;
	[tilespmem:$0x1C400] =	vst v63  }
0xce: {  	s17 =	simm.s32 @!p2 $0x0;
	s18 =	simm.s32 @!p2 $0x1C000;
	s9 =	sadd.s32 @!p2 $0x800, s9  }
0xcf: {  	[tilespmem:s18], [sflag:$0x3] =	stream.linear.gather @!p2 [hbm4b:s9+s17], $0x100, $0x38;
	[tilespmem:$0x1C400] =	vst v63  }
0xd0: {  	_ =	swait.ge [sflag:s1], $0x4000  }
.Ltmp27:
0xd1: {  	[sflag:s1] =	ssyncset.done $0x0;
	(pc) =	sbr.rel @p1 .LBB2_14-.Ltmp27, $4  }
0xd2: {  	[sflag:s1] =	ssyncadd.s32 $0xFFFFC000  }
0xd3: {  	_ =	swait.ge [sflag:s7], $0x4000  }
0xd4: {  	[sflag:s7] =	ssyncset.done $0x0  }
0xd5: {  	[sflag:s7] =	ssyncadd.s32 $0xFFFFC000  }
0xd6: {  	_ =	swait.ge [sflag:s8], $0x100  }
0xd7: {  	[sflag:s8] =	ssyncset.done $0x0  }
0xd8: {  	p2 =	sgt.u32 s13, $0x973;
	[sflag:s8] =	ssyncadd.s32 $0xFFFFFF00  }
0xd9: {  	[tilespmem:s26], [sflag:$0x2] =	stream.indirect.gather [hbm4b:s4+s21], $0x80, s11, s21, $0xb8;
	[tilespmem:$0x1C400] =	vst v63  }
0xda: {  	s9 =	sadd.s32 @!p2 s6, s10  }
0xdb: {  	[spmem:s2] =	stream.indirect.scatter.add.f32 [tilespmem:s22], [sflag:$0x7], $0x80, s12, s21, $0xb8;
	[tilespmem:$0x1C400] =	vst v63  }
0xdc: {  	s17 =	simm.s32 @!p2 $0x0;
	s18 =	simm.s32 @!p2 $0x1C100;
	s9 =	sadd.s32 @!p2 $0xA00, s9  }
0xdd: {  	[tilespmem:s18], [sflag:$0x4] =	stream.linear.gather @!p2 [hbm4b:s9+s17], $0x100, $0x38;
	[tilespmem:$0x1C400] =	vst v63  }
0xde: {  	p2 =	slt.u32 s13, $0x984;
	_ =	swait.ge [sflag:s29], $0x4000  }
.Ltmp28:
0xdf: {  	[sflag:s29] =	ssyncset.done $0x0;
	(pc) =	sbr.rel @p2 .LBB2_15-.Ltmp28, $4  }
.Ltmp29:
0xe0: {  	[sflag:s29] =	ssyncadd.s32 $0xFFFFC000;
	(pc) =	sbr.rel @!p2 .LBB2_16-.Ltmp29, $4  }
0xe1: {  	_ =	swait.ge [sflag:s30], $0x4000  }
0xe2: {  	[sflag:s30] =	ssyncset.done $0x0  }
0xe3: {  	[sflag:s30] =	ssyncadd.s32 $0xFFFFC000  }
0xe4: {  	_ = 	snop  }
.LBB2_14:
.Ltmp30:
0xe5: {  	(pc) =	sbr.rel @p2 .LBB2_17-.Ltmp30, $4  }
0xe6: {  	[spmem:s2] =	stream.indirect.scatter.add.f32 [tilespmem:s22], [sflag:$0x7], $0x80, s12, s21, $0xb8;
	[tilespmem:$0x1C400] =	vst v63  }
0xe7: {  	_ =	swait.ge [sflag:s30], $0x4000  }
0xe8: {  	[sflag:s30] =	ssyncset.done $0x0  }
0xe9: {  	[sflag:s30] =	ssyncadd.s32 $0xFFFFC000  }
.LBB2_15:
.Ltmp31:
0xea: {  	(pc) =	sbr.rel @p1 .LBB2_17-.Ltmp31, $4  }
0xeb: {  	_ =	swait.ge [sflag:s15], $0x100  }
0xec: {  	[sflag:s15] =	ssyncset.done $0x0  }
0xed: {  	[sflag:s15] =	ssyncadd.s32 $0xFFFFFF00  }
0xee: {  	[tilespmem:s22], [sflag:$0x1] =	stream.indirect.gather [hbm4b:s4+s21], $0x80, s20, s21, $0xb8;
	[tilespmem:$0x1C400] =	vst v63  }
.LBB2_16:
0xef: {  	[spmem:s2] =	stream.indirect.scatter.add.f32 [tilespmem:s26], [sflag:$0x8], $0x80, s16, s21, $0xb8;
	[tilespmem:$0x1C400] =	vst v63  }
.Ltmp32:
0xf0: {  	_ = 	snop;
	(pc) =	sbr.rel .LBB2_17-.Ltmp32, $4  }
0xf1: {  	p1 =	sgt.u32 s13, $0x963  }
0xf2: {  	s9 =	sadd.s32 @!p1 s6, s10  }
0xf3: {  	s17 =	simm.s32 @!p1 $0x0;
	s18 =	simm.s32 @!p1 $0x1C200;
	s9 =	sadd.s32 @!p1 $0xC00, s9  }
0xf4: {  	[tilespmem:s18], [sflag:$0x5] =	stream.linear.gather @!p1 [hbm4b:s9+s17], $0x100, $0x38;
	[tilespmem:$0x1C400] =	vst v63  }
.LBB2_18:
.Ltmp33:
0xf5: {  	(pc) =	sbr.rel .LBB2_36-.Ltmp33, $2  }
0xf6: {  	_ =	sdelay $0x2  }
0xf7: {  	s6 =	rddreg [dreg:$0x4]  }
.LBB2_37:
0xf8: {  	_ =	sfence.sel $0x180000  }
0xf9: {  	[bflag:$0x0] =	sbarrier.arrive $0xFFFF  }
0xfa: {  	_ =	strace $0x9000004A  }
0xfb: {  	s0 =	stileid.u32;
	[bflag:$0x2] =	sbarrier.arrive $0xFFFF  }
0xfc: {  	p0 =	sne.s32 s0, $0x0;
	s0 =	rddreg [dreg:$0x2]  }
0xfd: {  	s0 =	sadd.s32 @!p0 $0x100000, s0  }
0xfe: {  	[sflag:s0] =	ssyncadd.tile.s32 @!p0 $0x1;
	_ =	shalt  }
.Lfunc_end2:
_tile_overlayer_lowered:
.L_overlay_start_2:
0xff: {  	(tag) =	ssettag $0x2  }
0x100: {  	s0 =	rddreg [dreg:$0x0];
	s2 =	stileid.u32  }
0x101: {  	s1 =	rddreg [dreg:$0x1];
	p0 =	sne.s32 s2, $0x0  }
0x102: {  	s3 =	rddreg [dreg:$0x2];
	[bflag:$0x3] =	sbarrier.arrive $0xFFFF;
	s2 =	simm.s32 @!p0 $0x1C09  }
0x103: {  	[timem:s3], [sflag:s2] =	dma.local @!p0 [hbm:s0], s1  }
0x104: {  	s0 =	simm.s32 @!p0 $0x9  }
0x105: {  	_ =	swait.ge @!p0 [sflag:s0], s1  }
0x106: {  	s1 =	ssub.s32 @!p0 $0x0, s1;
	[sflag:s0] =	ssyncset.done @!p0 $0x0  }
0x107: {  	[sflag:s0] =	ssyncadd.s32 @!p0 s1  }
0x108: {  	[bflag:$0x3] =	sbarrier.arrive $0xFFFF  }
0x109: {  	_ =	shalt  }

// kernel: kernel.7.cloned.1.call-start
scs
__scs_entry_jumppad:
0x0: {  	(pc) =	sbr.rel $0x88, $3  }
0x1: {  	(tag) =	ssettag $0x0;
	lr =	simm.s32 $0x1  }
0x2: {  	[smem:$0x3F81] =	sst lr;
	_ =	strace $0xD0000000  }
0x3: {  	_ = 	snop  }
0x4: {  	_ = 	snop  }
0x5: {  	_ = 	snop  }
0x6: {  	_ = 	snop  }
0x7: {  	_ = 	snop  }
__scs_overlays_trampoline_lowered:
0x8: {  	[smem:$0x3F90] =	sst s0  }
0x9: {  	[smem:$0x3F91] =	sst s1  }
0xa: {  	[smem:$0x3F92] =	sst s2  }
0xb: {  	[smem:$0x3F93] =	sst s3  }
0xc: {  	[smem:$0x3F94] =	sst s4  }
0xd: {  	[smem:$0x3F95] =	sst s5  }
0xe: {  	[smem:$0x3F96] =	sst s6  }
0xf: {  	[smem:$0x3F97] =	sst s7  }
0x10: {  	[smem:$0x3F98] =	sst s8  }
0x11: {  	[smem:$0x3F99] =	sst s9;
	s0 =	simm.s32 @!p0 $0x0  }
0x12: {  	s1 =	sld [smem:$0x3F7F];
	s0 =	simm.s32 @p0 $0x1  }
0x13: {  	[smem:$0x3F9A] =	sst s0;
	s0 =	simm.s32 @!p1 $0x0  }
0x14: {  	s2 =	sld [smem:$0x3F7E];
	s0 =	simm.s32 @p1 $0x1  }
0x15: {  	[smem:$0x3F9B] =	sst s0;
	s0 =	simm.s32 @!p2 $0x0  }
0x16: {  	s3 =	sld [smem:$0x3FDB];
	s0 =	simm.s32 @p2 $0x1  }
0x17: {  	s4 =	simm.s32 $0x1BF5;
	[smem:$0x3F9D] =	sst s0  }
0x18: {  	s0 =	sld [smem:$0x3F80];
	_ =	swait.ge [sflag:s4], $0x0  }
0x19: {  	s7 =	sld [smem:$0x3F81]  }
0x1a: {  	s8 =	sadd.s32 $0xFFFFE003, lr  }
0x1b: {  	s9 =	sadd.s32 $0xFFFFFEF7, lr;
	s5 =	simm.s32 $0xFFFFFFFF;
	p2 =	slt.u32 s8, $0xFFFFF086  }
0x1c: {  	p1 =	slt.u32 s9, $0xF7A;
	s5 =	simm.s32 @!p2 $0x0  }
0x1d: {  	s5 =	simm.s32 @p1 $0x1;
	p0 =	seq.s32 s7, s2  }
0x1e: {  	s7 =	smul.u32 @!p0 $0xF7A, s2;
	p2 =	seq.s32 @!p0 s5, $0x0  }
0x1f: {  	s9 =	smul.u32 $0xF7A, s1;
	s8 =	simm.s32 @!p0 $0x1BF5;
	p2 =	por !p2, p0  }
0x20: {  	[sflag:s8] =	ssyncset.s32 @!p0 $0xFFFFF086;
	s6 =	sadd.s32 @!p0 s3, s7;
	s7 =	simm.s32 @!p0 $0x108  }
0x21: {  	s3 =	sadd.s32 s3, s9;
	s6 =	sadd.s32 @!p0 $0x88, s6;
	s7 =	simm.s32 @p2 $0x1082  }
0x22: {  	[simem:s7], [sflag:s8] =	dma.local @!p0 [hbm:s6], $0xF7A  }
0x23: {  	s9 =	sor.u32 $0xD0000000, s2;
	s6 =	simm.s32 $0x108;
	_ =	swait.ge @!p0 [sflag:s8], $0x0  }
0x24: {  	s3 =	sadd.s32 $0x88, s3;
	s6 =	simm.s32 @!p1 $0x1082;
	[sflag:s4] =	ssyncset.s32 $0xFFFFF086  }
0x25: {  	[simem:s6], [sflag:s4] =	dma.local [hbm:s3], $0xF7A  }
0x26: {  	[smem:$0x3F81] =	sst s1;
	(tag) =	ssettag s2;
	_ =	strace s9  }
0x27: {  	s1 =	sld [smem:$0x3F91]  }
0x28: {  	s2 =	sld [smem:$0x3F92]  }
0x29: {  	s4 =	sld [smem:$0x3F94]  }
0x2a: {  	p0 =	seq.s32 s5, $0x0;
	s5 =	sld [smem:$0x3F95]  }
0x2b: {  	s6 =	sld [smem:$0x3F96]  }
0x2c: {  	s7 =	sld [smem:$0x3F97]  }
0x2d: {  	s3 =	simm.s32 $0x108;
	s8 =	sld [smem:$0x3F98]  }
0x2e: {  	s3 =	simm.s32 @!p0 $0x1082;
	s9 =	sld [smem:$0x3F99]  }
0x2f: {  	lr =	sadd.s32 s0, s3;
	s0 =	sld [smem:$0x3F90]  }
0x30: {  	s3 =	sld [smem:$0x3F93]  }
0x31: {  	[smem:$0x3F9C] =	sst s10  }
0x32: {  	s10 =	sld [smem:$0x3F9A];
	_ =	sdelay $0x3  }
0x33: {  	p0 =	seq.s32 s10, $0x1;
	s10 =	sld [smem:$0x3F9C];
	_ =	sdelay $0x3  }
0x34: {  	[smem:$0x3F9C] =	sst s10  }
0x35: {  	s10 =	sld [smem:$0x3F9B];
	_ =	sdelay $0x3  }
0x36: {  	p1 =	seq.s32 s10, $0x1;
	s10 =	sld [smem:$0x3F9C];
	_ =	sdelay $0x3  }
0x37: {  	[smem:$0x3F9C] =	sst s10  }
0x38: {  	s10 =	sld [smem:$0x3F9D]  }
0x39: {  	_ = 	snop;
	(pc) =	sbr.ind lr, $3  }
0x3a: {  	_ = 	snop  }
0x3b: {  	_ = 	snop  }
0x3c: {  	p2 =	seq.s32 s10, $0x1;
	s10 =	sld [smem:$0x3F9C]  }
0x3d: {  	_ =	shalt  }
0x3e: {  	_ =	shalt  }
0x3f: {  	_ =	shalt  }
0x40: {  	_ =	shalt  }
0x41: {  	_ =	shalt  }
0x42: {  	_ =	shalt  }
0x43: {  	_ =	shalt  }
0x44: {  	_ =	shalt  }
0x45: {  	_ =	shalt  }
0x46: {  	_ =	shalt  }
0x47: {  	_ =	shalt  }
0x48: {  	_ =	shalt  }
0x49: {  	_ =	shalt  }
0x4a: {  	_ =	shalt  }
0x4b: {  	_ =	shalt  }
0x4c: {  	_ =	shalt  }
0x4d: {  	_ =	shalt  }
0x4e: {  	_ =	shalt  }
0x4f: {  	_ =	shalt  }
0x50: {  	_ =	shalt  }
0x51: {  	_ =	shalt  }
0x52: {  	_ =	shalt  }
0x53: {  	_ =	shalt  }
0x54: {  	_ =	shalt  }
0x55: {  	_ =	shalt  }
0x56: {  	_ =	shalt  }
0x57: {  	_ =	shalt  }
0x58: {  	_ =	shalt  }
0x59: {  	_ =	shalt  }
0x5a: {  	_ =	shalt  }
0x5b: {  	_ =	shalt  }
0x5c: {  	_ =	shalt  }
0x5d: {  	_ =	shalt  }
0x5e: {  	_ =	shalt  }
0x5f: {  	_ =	shalt  }
0x60: {  	_ =	shalt  }
0x61: {  	_ =	shalt  }
0x62: {  	_ =	shalt  }
0x63: {  	_ =	shalt  }
0x64: {  	_ =	shalt  }
0x65: {  	_ =	shalt  }
0x66: {  	_ =	shalt  }
0x67: {  	_ =	shalt  }
0x68: {  	_ =	shalt  }
0x69: {  	_ =	shalt  }
0x6a: {  	_ =	shalt  }
0x6b: {  	_ =	shalt  }
0x6c: {  	_ =	shalt  }
0x6d: {  	_ =	shalt  }
0x6e: {  	_ =	shalt  }
0x6f: {  	_ =	shalt  }
0x70: {  	_ =	shalt  }
0x71: {  	_ =	shalt  }
0x72: {  	_ =	shalt  }
0x73: {  	_ =	shalt  }
0x74: {  	_ =	shalt  }
0x75: {  	_ =	shalt  }
0x76: {  	_ =	shalt  }
0x77: {  	_ =	shalt  }
0x78: {  	_ =	shalt  }
0x79: {  	_ =	shalt  }
0x7a: {  	_ =	shalt  }
0x7b: {  	_ =	shalt  }
0x7c: {  	_ =	shalt  }
0x7d: {  	_ =	shalt  }
0x7e: {  	_ =	shalt  }
0x7f: {  	_ =	shalt  }
0x80: {  	_ =	shalt  }
0x81: {  	_ =	shalt  }
0x82: {  	_ =	shalt  }
0x83: {  	_ =	shalt  }
0x84: {  	_ =	shalt  }
0x85: {  	_ =	shalt  }
0x86: {  	_ =	shalt  }
0x87: {  	_ =	shalt  }
.Lfunc_end0:
.L_simem_size_0:
called_computation_lowered:
.L_overlay_start_0:
0x88: {  	s2 =	sld [smem:$0x3FD9]  }
0x89: {  	s3 =	sld [smem:$0x3FFE];
	_ =	sdelay $0x1  }
0x8a: {  	s1 =	srdreg.scid  }
0x8b: {  	s0 =	sand.u32 $0x1, s1  }
0x8c: {  	s16 =	sshll.u32 s0, $0xA;
	s2 =	sadd.s32 s3, s2  }
0x8d: {  	s2 =	sadd.s32 s2, s16  }
0x8e: {  	[smem:$0x3FA8] =	sst s2  }
0x8f: {  	_ = 	snop  }
0x90: {  	(tm) =	ssettm $0x1  }
0x91: {  	s17 =	sld [smem:$0x3FFB];
	_ =	sdelay $0x3  }
0x92: {  	_ =	strace s17  }
0x93: {  	s2 =	sld [smem:$0x3FFC];
	_ =	sdelay $0x3  }
0x94: {  	_ =	strace s2  }
0x95: {  	s2 =	sld [smem:$0x3FFD];
	_ =	sdelay $0x3  }
0x96: {  	_ =	strace s2  }
0x97: {  	_ =	strace $0x8FFFFFFF  }
0x98: {  	s18 =	sld [smem:$0x3FDB];
	_ =	sdelay $0x1  }
0x99: {  	s19 =	simm.s32 $_scs_section_size  }
0x9a: {  	s4 =	simm.s32 $_size__tile_overlayer_lowered;
	s5 =	simm.s32 $_tile_overlayer_lowered  }
0x9b: {  	s22 =	simm.s32 $0x1BFF;
	s21 =	sshll.u32 s5, $0x1;
	s2 =	sadd.s32 s19, s18  }
0x9c: {  	s6 =	simm.s32 $0x0;
	s20 =	sshll.u32 s4, $0x1;
	s4 =	sadd.s32 s21, s2  }
0x9d: {  	[timem:s6], [sflag:s22] =	dma.local [hbm:s4], s20  }
0x9e: {  	_ =	swait.ge [sflag:s22], s20  }
0x9f: {  	s3 =	ssub.s32 $0x0, s20;
	[sflag:s22] =	ssyncset.done $0x0  }
0xa0: {  	[sflag:s22] =	ssyncadd.s32 s3;
	_ =	sdelay $0x1  }
0xa1: {  	s23 =	simm.s32 $0x1B8B  }
0xa2: {  	_ =	swait.ge [sflag:s23], $0x1  }
0xa3: {  	[sflag:s23] =	ssyncset.done $0x0  }
0xa4: {  	s25 =	simm.s32 $0x1B8E;
	s24 =	sld [smem:$0x3FFE];
	[sflag:s23] =	ssyncadd.s32 $0xFFFFFFFF  }
0xa5: {  	s26 =	simm.s32 $execute0_lowered;
	[smem:$0x3FD2] =	sst s25  }
0xa6: {  	s4 =	sshll.u32 s26, $0x1;
	_ =	strace $0x80000046;
	[dreg:$0x1] =	wrdreg $0xFFFFFFFF  }
0xa7: {  	s28 =	simm.s32 $_size_execute0_lowered;
	s2 =	sadd.s32 s2, s4;
	[dreg:$0x0] =	wrdreg $0x0  }
0xa8: {  	s4 =	sshll.u32 s28, $0x1;
	[dreg:$0x2] =	wrdreg s2  }
0xa9: {  	[dreg:$0x3] =	wrdreg s4  }
0xaa: {  	[dreg:$0x4] =	wrdreg $0xC0  }
0xab: {  	_ =	task [dreg:s6], $0x5FFFF  }
0xac: {  	[dreg:$0x1] =	wrdreg $0xFFFFFFFF  }
0xad: {  	[dreg:$0x0] =	wrdreg $0x60  }
0xae: {  	[dreg:$0x2] =	wrdreg s24  }
0xaf: {  	[dreg:$0x3] =	wrdreg $0x9E800  }
0xb0: {  	[dreg:$0x4] =	wrdreg $0x9  }
0xb1: {  	_ =	task.clear_ibuf [dreg:s6], $0x5FFFF;
	_ =	strace $0x90000046  }
0xb2: {  	s29 =	simm.s32 $0x9;
	_ =	strace $0x80000048  }
0xb3: {  	_ =	swait.ge [sflag:s29], $0x1  }
0xb4: {  	[sflag:s29] =	ssyncadd.s32 $0xFFFFFFFF  }
0xb5: {  	_ =	strace $0x90000048  }
0xb6: {  	_ =	sfence  }
0xb7: {  	s30 =	sld [smem:$0x0];
	_ =	sdelay $0x2  }
0xb8: {  	s31 =	sshll.u32 s1, $0xD;
	s1 =	sshrl.u32 s1, $0x2  }
0xb9: {  	s3 =	sand.u32 $0x4000, s31;
	s1 =	sadd.s32 s1, s30  }
0xba: {  	s0 =	sor.u32 s3, s0;
	s1 =	sshll.u32 s1, $0x11  }
0xbb: {  	s0 =	sor.u32 s1, s0  }
0xbc: {  	s0 =	sadd.s32 $0x8F2B, s0  }
0xbd: {  	[sflag:s0] =	ssyncadd.remote.s32 $0x1  }
0xbe: {  	_ =	sfence.sel $0xFFFF  }
0xbf: {  	[dreg:$0x0] =	wrdreg $0xFFFFFFFF;
	(pc) =	sbr.abs _section_cstart, $3  }
0xc0: {  	[dreg:$0x1] =	wrdreg $0xFFFFFFFF  }
0xc1: {  	_ =	task.clear_ibuf [dreg:s6], $0x2FFFF;
	_ =	strace $0x9FFFFFFF  }
0xc2: {  	(tm) =	ssettm $0x7FFFFFFF  }
0xc3: {  	_ =	shalt  }
tec
execute0_lowered:
.L_overlay_start_1:
0x0: {  	(tag) =	ssettag $0x1  }
0x1: {  	s0 =	rddreg [dreg:$0x0]  }
0x2: {  	s1 =	rddreg [dreg:$0x1];
	s9 =	simm.s32 $0x0;
	s8 =	stileid.u32  }
0x3: {  	s3 =	srdreg.scid;
	[smem:$0x7FF] =	sst s9  }
0x4: {  	s2 =	smul.u32 $0x9C4, s8;
	s3 =	sand.u32 $0x1, s3;
	s5 =	sadd.s32 $0x18E00, s0  }
0x5: {  	s6 =	sadd.s32 $0x19A00, s0;
	_ =	strace $0x80000047;
	[dreg:$0x3] =	wrdreg s5  }
0x6: {  	s7 =	smul.u32 $0x5000, s8;
	s25 =	ssub.s32 $0x2, s3;
	[dreg:$0x4] =	wrdreg s6  }
0x7: {  	p0 =	seq.s32 s3, $0x1;
	s6 =	sshll.u32 s8, $0x7;
	s2 =	sadd.s32 s2, s0  }
0x8: {  	s0 =	sadd.s32 $0x19400, s0;
	s7 =	sshrl.u32 s7, $0x2;
	s3 =	sand.u32 $0x380, s6  }
0x9: {  	[dreg:$0x5] =	wrdreg s0;
	s6 =	sadd.s32 s7, s1;
	s10 =	sadd.s32 $0xF000, s2  }
0xa: {  	[dreg:$0x6] =	wrdreg s10;
	s12 =	sadd.s32 $0x80, s6  }
0xb: {  	s13 =	sadd.s32 $0x100, s6;
	[dreg:$0x8] =	wrdreg s12  }
0xc: {  	s14 =	sadd.s32 $0x180, s6;
	[dreg:$0x9] =	wrdreg s13  }
0xd: {  	s15 =	sadd.s32 $0x200, s6;
	[dreg:$0xa] =	wrdreg s14  }
0xe: {  	s16 =	sadd.s32 $0x280, s6;
	[dreg:$0xb] =	wrdreg s15  }
0xf: {  	s17 =	sadd.s32 $0x300, s6;
	[dreg:$0xc] =	wrdreg s16  }
0x10: {  	s18 =	sadd.s32 $0x380, s6;
	[dreg:$0xd] =	wrdreg s17  }
0x11: {  	s19 =	sadd.s32 $0x14000, s6;
	[dreg:$0xe] =	wrdreg s18  }
0x12: {  	s20 =	sadd.s32 $0x14080, s6;
	[dreg:$0xf] =	wrdreg s19  }
0x13: {  	s21 =	sadd.s32 $0x14100, s6;
	[dreg:$0x10] =	wrdreg s20  }
0x14: {  	s22 =	sadd.s32 $0x14180, s6;
	[dreg:$0x11] =	wrdreg s21  }
0x15: {  	s23 =	sadd.s32 $0x14200, s6;
	[dreg:$0x12] =	wrdreg s22  }
0x16: {  	s26 =	sshrl.u32 s25, $0x1;
	s24 =	sadd.s32 $0x14280, s6;
	[dreg:$0x13] =	wrdreg s23  }
0x17: {  	s0 =	ssub.s32 s25, s26;
	s25 =	sadd.s32 $0x14300, s6;
	[dreg:$0x14] =	wrdreg s24  }
0x18: {  	s26 =	sadd.s32 $0x14380, s6;
	[dreg:$0x15] =	wrdreg s25  }
0x19: {  	s4 =	sshrl.u32 s8, $0x3;
	s0 =	smax.u32 s0, $0x1;
	[dreg:$0x16] =	wrdreg s26  }
0x1a: {  	s4 =	smul.u32 $0x50000, s4;
	s5 =	sadd.s32 $0x400, s6;
	[dreg:$0x18] =	wrdreg s0  }
0x1b: {  	s7 =	sadd.s32 $0x800, s6;
	[dreg:$0x1a] =	wrdreg s5  }
0x1c: {  	s4 =	sshrl.u32 s4, $0x2;
	s10 =	sadd.s32 $0x1000, s6;
	[dreg:$0x1b] =	wrdreg s7  }
0x1d: {  	s4 =	sadd.s32 s4, s1;
	s1 =	sadd.s32 $0x680, s6;
	[dreg:$0x1d] =	wrdreg s10  }
0x1e: {  	s11 =	sadd.s32 s3, s4;
	[smem:$0x7E6] =	sst s1  }
0x1f: {  	s3 =	sadd.s32 $0x5200, s2;
	[dreg:$0x7] =	wrdreg s11  }
0x20: {  	s4 =	smul.u32 $0x50, s8;
	s8 =	sadd.s32 $0xC00, s6;
	[dreg:$0x17] =	wrdreg s3  }
0x21: {  	s12 =	sadd.s32 $0x880, s6;
	[dreg:$0x1c] =	wrdreg s8  }
0x22: {  	s13 =	sadd.s32 $0xC80, s6;
	[dreg:$0x1f] =	wrdreg s12  }
0x23: {  	s14 =	sadd.s32 $0x1080, s6;
	[smem:$0x7D8] =	sst s13  }
0x24: {  	s15 =	sadd.s32 $0x500, s6;
	[smem:$0x7D9] =	sst s14  }
0x25: {  	s16 =	sadd.s32 $0x900, s6;
	[smem:$0x7DA] =	sst s15  }
0x26: {  	s17 =	sadd.s32 $0xD00, s6;
	[smem:$0x7DB] =	sst s16  }
0x27: {  	s18 =	sadd.s32 $0x1100, s6;
	[smem:$0x7DC] =	sst s17  }
0x28: {  	s19 =	sadd.s32 $0x580, s6;
	[smem:$0x7DD] =	sst s18  }
0x29: {  	s20 =	sadd.s32 $0x980, s6;
	[smem:$0x7DE] =	sst s19  }
0x2a: {  	s21 =	sadd.s32 $0xD80, s6;
	[smem:$0x7DF] =	sst s20  }
0x2b: {  	s22 =	sadd.s32 $0x1180, s6;
	[smem:$0x7E0] =	sst s21  }
0x2c: {  	s23 =	sadd.s32 $0x600, s6;
	[smem:$0x7E1] =	sst s22  }
0x2d: {  	s24 =	sadd.s32 $0xA00, s6;
	[smem:$0x7E2] =	sst s23  }
0x2e: {  	s25 =	sadd.s32 $0xE00, s6;
	[smem:$0x7E3] =	sst s24  }
0x2f: {  	s26 =	sadd.s32 $0x1200, s6;
	[smem:$0x7E4] =	sst s25  }
0x30: {  	s2 =	sadd.s32 $0xA80, s6;
	[smem:$0x7E5] =	sst s26  }
0x31: {  	s5 =	sadd.s32 $0x700, s6;
	[smem:$0x7E7] =	sst s2  }
0x32: {  	s7 =	sadd.s32 $0xB00, s6;
	[smem:$0x7EA] =	sst s5  }
0x33: {  	s10 =	sadd.s32 $0x1300, s6;
	[smem:$0x7EB] =	sst s7  }
0x34: {  	[smem:$0x7ED] =	sst s10  }
0x35: {  	s11 =	sadd.s32 $0x480, s6;
	[dreg:$0x19] =	wrdreg s4  }
0x36: {  	s3 =	sadd.s32 $0xE80, s6;
	[dreg:$0x1e] =	wrdreg s11  }
0x37: {  	s8 =	sadd.s32 $0xF00, s6;
	[smem:$0x7E8] =	sst s3  }
0x38: {  	s12 =	sadd.s32 $0xB80, s6;
	[smem:$0x7EC] =	sst s8  }
0x39: {  	s13 =	sadd.s32 $0xF80, s6;
	[smem:$0x7EF] =	sst s12  }
0x3a: {  	s14 =	sadd.s32 $0x1380, s6;
	[smem:$0x7F0] =	sst s13  }
0x3b: {  	s15 =	sadd.s32 $0x14400, s6;
	[smem:$0x7F1] =	sst s14  }
0x3c: {  	s16 =	sadd.s32 $0x14800, s6;
	[smem:$0x7F2] =	sst s15  }
0x3d: {  	s28 =	sadd.s32 $0x14780, s6;
	s17 =	sadd.s32 $0x14C00, s6;
	[smem:$0x7F3] =	sst s16  }
0x3e: {  	s29 =	sadd.s32 $0x14B80, s6;
	s18 =	sadd.s32 $0x15000, s6;
	[smem:$0x7F4] =	sst s17  }
0x3f: {  	s30 =	sadd.s32 $0x14F80, s6;
	s19 =	sadd.s32 $0x14480, s6;
	[smem:$0x7F5] =	sst s18  }
0x40: {  	s31 =	sadd.s32 $0x15380, s6;
	s20 =	sadd.s32 $0x14880, s6;
	[smem:$0x7F6] =	sst s19  }
0x41: {  	s0 =	simm.s32 $0x2800;
	s21 =	sadd.s32 $0x14C80, s6;
	[smem:$0x7F7] =	sst s20  }
0x42: {  	s1 =	simm.s32 $0x1;
	s22 =	sadd.s32 $0x15080, s6;
	[smem:$0x7F8] =	sst s21  }
0x43: {  	s23 =	sadd.s32 $0x14500, s6;
	s24 =	sadd.s32 $0x14900, s6;
	[smem:$0x7F9] =	sst s22  }
0x44: {  	s25 =	sadd.s32 $0x14D00, s6;
	s26 =	sadd.s32 $0x15100, s6;
	[smem:$0x7FA] =	sst s23  }
0x45: {  	s10 =	sadd.s32 $0x14580, s6;
	s5 =	simm.s32 $0x400;
	[smem:$0x7FB] =	sst s24  }
0x46: {  	s7 =	simm.s32 $0x0;
	s4 =	sadd.s32 $0x1280, s6;
	[smem:$0x7FC] =	sst s25  }
0x47: {  	s11 =	sadd.s32 $0x780, s6;
	[smem:$0x7FD] =	sst s26;
	s12 =	sadd.s32 $0x14D80, s6  }
0x48: {  	s13 =	sadd.s32 $0x15180, s6;
	s14 =	sadd.s32 $0x14600, s6;
	s15 =	sadd.s32 $0x14A00, s6  }
.Ltmp0:
0x49: {  	s16 =	sadd.s32 $0x14E00, s6;
	s17 =	sadd.s32 $0x15200, s6;
	(pc) =	sbr.rel .LBB2_1-.Ltmp0, $4  }
0x4a: {  	s18 =	sadd.s32 $0x14680, s6;
	s19 =	sadd.s32 $0x14A80, s6;
	s20 =	sadd.s32 $0x14E80, s6  }
0x4b: {  	s21 =	sadd.s32 $0x15280, s6;
	s22 =	sadd.s32 $0x14700, s6;
	s23 =	sadd.s32 $0x14B00, s6  }
0x4c: {  	s25 =	sadd.s32 $0x14F00, s6;
	s26 =	sadd.s32 $0x15300, s6;
	[smem:$0x7E9] =	sst s4  }
0x4d: {  	v0 =	vimm.f32 $1.000000000e+00;
	[smem:$0x7EE] =	sst s11;
	s11 =	sadd.s32 $0x14980, s6;
	s4 =	simm.s32 $0x80  }
.LBB2_11:
0x4e: {  	s2 =	sor.u32 s8, s9;
	[tilespmem:s24+$0x0] =	vst v1  }
0x4f: {  	v1 =	vld [tilespmem:s2+$0x0];
	_ =	sdelay $0x1  }
0x50: {  	v2 =	vld [tilespmem:s2+$0x80];
	_ =	sdelay $0x1  }
0x51: {  	v3 =	vld [tilespmem:s2+$0x100]  }
0x52: {  	v1 =	vadd.f32 $0.0e+00, v1  }
0x53: {  	v4 =	vld [tilespmem:s2+$0x180]  }
0x54: {  	v1 =	vadd.f32 v2, v1  }
0x55: {  	v2 =	vld [tilespmem:s2+$0x200]  }
0x56: {  	v1 =	vadd.f32 v3, v1  }
0x57: {  	v3 =	vld [tilespmem:s2+$0x280]  }
0x58: {  	v1 =	vadd.f32 v4, v1  }
0x59: {  	v60 =	vld [tilespmem:s2+$0x300]  }
0x5a: {  	v1 =	vadd.f32 v2, v1  }
0x5b: {  	v2 =	vld [tilespmem:s2+$0x380]  }
0x5c: {  	v1 =	vadd.f32 v3, v1  }
0x5d: {  	v3 =	vld [tilespmem:s2+$0x1400]  }
0x5e: {  	v1 =	vadd.f32 v60, v1  }
0x5f: {  	v61 =	vld [tilespmem:s2+$0x1480]  }
0x60: {  	v1 =	vadd.f32 v2, v1  }
0x61: {  	v2 =	vld [tilespmem:s2+$0x1500]  }
0x62: {  	v1 =	vadd.f32 v3, v1  }
0x63: {  	v3 =	vld [tilespmem:s2+$0x1580]  }
0x64: {  	v1 =	vadd.f32 v61, v1  }
0x65: {  	v62 =	vld [tilespmem:s2+$0x1600]  }
0x66: {  	v1 =	vadd.f32 v2, v1  }
0x67: {  	v2 =	vld [tilespmem:s2+$0x1680]  }
0x68: {  	v1 =	vadd.f32 v3, v1  }
0x69: {  	v3 =	vld [tilespmem:s2+$0x1700]  }
0x6a: {  	v1 =	vadd.f32 v62, v1  }
0x6b: {  	v63 =	vld [tilespmem:s2+$0x1780]  }
0x6c: {  	v1 =	vadd.f32 v2, v1;
	_ =	sdelay $0x1  }
0x6d: {  	v1 =	vadd.f32 v3, v1;
	_ =	sdelay $0x1  }
0x6e: {  	v1 =	vadd.f32 v63, v1  }
0x6f: {  	s24 =	sadd.s32 $0x10, s24  }
0x70: {  	s2 =	rddreg [dreg:$0x5];
	[tilespmem:s24+$0x0] =	vst v1  }
.LBB2_12:
0x71: {  	s3 =	rddreg [dreg:$0x19]  }
0x72: {  	s9 =	simm.s32 $0x0;
	s8 =	simm.s32 $0xC680;
	s2 =	sadd.s32 s2, s3  }
0x73: {  	[hbm4b:s2+s9] =	stream.linear.scatter [tilespmem:s8], [sflag:$0x1], $0x280, $0x38;
	[tilespmem:$0xC900] =	vst v63  }
0x74: {  	_ =	swait.ge [sflag:s1], $0x280  }
0x75: {  	s7 =	sadd.s32 $0x1, s7;
	s24 =	rddreg [dreg:$0x18]  }
0x76: {  	p1 =	sne.s32 s7, s24  }
.Ltmp1:
0x77: {  	_ = 	snop;
	(pc) =	sbr.rel @!p1 .LBB2_13-.Ltmp1, $3  }
0x78: {  	_ =	sdelay $0x1  }
0x79: {  	[sflag:s1] =	ssyncset.done $0x0  }
0x7a: {  	[sflag:s1] =	ssyncadd.s32 $0xFFFFFD80  }
.LBB2_1:
.Ltmp2:
0x7b: {  	s2 =	rddreg [dreg:$0x3];
	(pc) =	sbr.rel @!p0 .LBB2_2-.Ltmp2, $4  }
0x7c: {  	[tilespmem:s0], [sflag:$0x1] =	stream.linear.gather [hbm4b:s2+s9], $0x2800, $0x38;
	[tilespmem:$0xC900] =	vst v63  }
0x7d: {  	_ =	swait.ge [sflag:s1], $0x2800  }
0x7e: {  	[sflag:s1] =	ssyncset.done $0x0  }
0x7f: {  	s2 =	simm.s32 $0x0;
	[sflag:s1] =	ssyncadd.s32 $0xFFFFD800  }
0x80: {  	s3 =	rddreg [dreg:$0x17];
	s8 =	simm.s32 $0x5000  }
0x81: {  	[tilespmem:s8], [sflag:$0x1] =	stream.linear.gather [hbm4b:s3+s2], $0x4E20, $0x38;
	[tilespmem:$0xC900] =	vst v63  }
0x82: {  	_ =	swait.ge [sflag:s1], $0x4E20  }
0x83: {  	[sflag:s1] =	ssyncset.done $0x0  }
0x84: {  	s3 =	simm.s32 $0x0;
	s2 =	simm.s32 $0x40;
	[sflag:s1] =	ssyncadd.s32 $0xFFFFB1E0  }
.LBB2_8:
0x85: {  	p1 =	sne.s32 s2, $0x13840;
	v1 =	vld [tilespmem:s3+$0x5000];
	_ =	sdelay $0x3  }
.Ltmp3:
0x86: {  	(pc) =	sbr.rel @p1 .LBB2_8-.Ltmp3, $2  }
0x87: {  	_ =	sdelay $0x2  }
0x88: {  	s3 =	sshra.s32 s2, $0x2;
	s2 =	sadd.s32 $0x40, s2;
	[tilespmem:v1+s0+$0x0] =	vst.idx.add.f32.msk $0xffff, v0  }
0x89: {  	v1 =	vld [tilespmem:s3+$0x5000];
	_ =	sdelay $0x7  }
0x8a: {  	s2 =	rddreg [dreg:$0x7];
	[tilespmem:v1+s0+$0x0] =	vst.idx.add.f32.msk $0xffff, v0  }
0x8b: {  	[spmem:s2] =	stream.strided.scatter [tilespmem:s0], [sflag:$0x1], $0x2800, s5, s4, $0x38;
	[tilespmem:$0xC900] =	vst v63  }
0x8c: {  	_ =	swait.ge [sflag:s1], $0x2800  }
0x8d: {  	[sflag:s1] =	ssyncset.done $0x0  }
0x8e: {  	[sflag:s1] =	ssyncadd.s32 $0xFFFFD800  }
0x8f: {  	s24 =	simm.s32 $0x0;
	[bflag:$0x0] =	sbarrier.arrive $0xFFFF  }
0x90: {  	[tilespmem:s24], [sflag:$0x1] =	stream.linear.gather [spmem:s6], $0x80, $0x38;
	[tilespmem:$0xC900] =	vst v63  }
0x91: {  	s3 =	rddreg [dreg:$0x1a]  }
0x92: {  	[tilespmem:s5], [sflag:$0x1] =	stream.linear.gather [spmem:s3], $0x80, $0x38;
	[tilespmem:$0xC900] =	vst v63  }
0x93: {  	s9 =	simm.s32 $0x800;
	s8 =	rddreg [dreg:$0x1b]  }
0x94: {  	[tilespmem:s9], [sflag:$0x1] =	stream.linear.gather [spmem:s8], $0x80, $0x38;
	[tilespmem:$0xC900] =	vst v63  }
0x95: {  	s8 =	rddreg [dreg:$0x1c];
	s9 =	simm.s32 $0xC00  }
0x96: {  	[tilespmem:s9], [sflag:$0x1] =	stream.linear.gather [spmem:s8], $0x80, $0x38;
	[tilespmem:$0xC900] =	vst v63  }
0x97: {  	s8 =	rddreg [dreg:$0x1d];
	s9 =	simm.s32 $0x1000  }
0x98: {  	[tilespmem:s9], [sflag:$0x1] =	stream.linear.gather [spmem:s8], $0x80, $0x38;
	[tilespmem:$0xC900] =	vst v63  }
0x99: {  	_ =	swait.ge [sflag:s1], $0x280  }
0x9a: {  	[sflag:s1] =	ssyncset.done $0x0  }
0x9b: {  	s3 =	rddreg [dreg:$0x8];
	[sflag:s1] =	ssyncadd.s32 $0xFFFFFD80  }
0x9c: {  	[tilespmem:s4], [sflag:$0x1] =	stream.linear.gather [spmem:s3], $0x80, $0x38;
	[tilespmem:$0xC900] =	vst v63  }
0x9d: {  	s9 =	simm.s32 $0x480;
	s8 =	rddreg [dreg:$0x1e]  }
0x9e: {  	[tilespmem:s9], [sflag:$0x1] =	stream.linear.gather [spmem:s8], $0x80, $0x38;
	[tilespmem:$0xC900] =	vst v63  }
0x9f: {  	s8 =	rddreg [dreg:$0x1f];
	s9 =	simm.s32 $0x880  }
0xa0: {  	[tilespmem:s9], [sflag:$0x1] =	stream.linear.gather [spmem:s8], $0x80, $0x38;
	[tilespmem:$0xC900] =	vst v63  }
0xa1: {  	s8 =	sld [smem:$0x7D8];
	_ =	sdelay $0x1  }
0xa2: {  	s9 =	simm.s32 $0xC80  }
0xa3: {  	[tilespmem:s9], [sflag:$0x1] =	stream.linear.gather [spmem:s8], $0x80, $0x38;
	[tilespmem:$0xC900] =	vst v63  }
0xa4: {  	s8 =	sld [smem:$0x7D9];
	_ =	sdelay $0x1  }
0xa5: {  	s9 =	simm.s32 $0x1080  }
0xa6: {  	[tilespmem:s9], [sflag:$0x1] =	stream.linear.gather [spmem:s8], $0x80, $0x38;
	[tilespmem:$0xC900] =	vst v63  }
0xa7: {  	_ =	swait.ge [sflag:s1], $0x280  }
0xa8: {  	[sflag:s1] =	ssyncset.done $0x0  }
0xa9: {  	s9 =	simm.s32 $0x100;
	s8 =	rddreg [dreg:$0x9];
	[sflag:s1] =	ssyncadd.s32 $0xFFFFFD80  }
0xaa: {  	[tilespmem:s9], [sflag:$0x1] =	stream.linear.gather [spmem:s8], $0x80, $0x38;
	[tilespmem:$0xC900] =	vst v63  }
0xab: {  	s8 =	sld [smem:$0x7DA];
	_ =	sdelay $0x1  }
0xac: {  	s9 =	simm.s32 $0x500  }
0xad: {  	[tilespmem:s9], [sflag:$0x1] =	stream.linear.gather [spmem:s8], $0x80, $0x38;
	[tilespmem:$0xC900] =	vst v63  }
0xae: {  	s8 =	sld [smem:$0x7DB];
	_ =	sdelay $0x1  }
0xaf: {  	s9 =	simm.s32 $0x900  }
0xb0: {  	[tilespmem:s9], [sflag:$0x1] =	stream.linear.gather [spmem:s8], $0x80, $0x38;
	[tilespmem:$0xC900] =	vst v63  }
0xb1: {  	s8 =	sld [smem:$0x7DC];
	_ =	sdelay $0x1  }
0xb2: {  	s9 =	simm.s32 $0xD00  }
0xb3: {  	[tilespmem:s9], [sflag:$0x1] =	stream.linear.gather [spmem:s8], $0x80, $0x38;
	[tilespmem:$0xC900] =	vst v63  }
0xb4: {  	s8 =	sld [smem:$0x7DD];
	_ =	sdelay $0x1  }
0xb5: {  	s9 =	simm.s32 $0x1100  }
0xb6: {  	[tilespmem:s9], [sflag:$0x1] =	stream.linear.gather [spmem:s8], $0x80, $0x38;
	[tilespmem:$0xC900] =	vst v63  }
0xb7: {  	_ =	swait.ge [sflag:s1], $0x280  }
0xb8: {  	[sflag:s1] =	ssyncset.done $0x0  }
0xb9: {  	s9 =	simm.s32 $0x180;
	s8 =	rddreg [dreg:$0xa];
	[sflag:s1] =	ssyncadd.s32 $0xFFFFFD80  }
0xba: {  	[tilespmem:s9], [sflag:$0x1] =	stream.linear.gather [spmem:s8], $0x80, $0x38;
	[tilespmem:$0xC900] =	vst v63  }
0xbb: {  	s8 =	sld [smem:$0x7DE];
	_ =	sdelay $0x1  }
0xbc: {  	s9 =	simm.s32 $0x580  }
0xbd: {  	[tilespmem:s9], [sflag:$0x1] =	stream.linear.gather [spmem:s8], $0x80, $0x38;
	[tilespmem:$0xC900] =	vst v63  }
0xbe: {  	s8 =	sld [smem:$0x7DF];
	_ =	sdelay $0x1  }
0xbf: {  	s9 =	simm.s32 $0x980  }
0xc0: {  	[tilespmem:s9], [sflag:$0x1] =	stream.linear.gather [spmem:s8], $0x80, $0x38;
	[tilespmem:$0xC900] =	vst v63  }
0xc1: {  	s8 =	sld [smem:$0x7E0];
	_ =	sdelay $0x1  }
0xc2: {  	s9 =	simm.s32 $0xD80  }
0xc3: {  	[tilespmem:s9], [sflag:$0x1] =	stream.linear.gather [spmem:s8], $0x80, $0x38;
	[tilespmem:$0xC900] =	vst v63  }
0xc4: {  	s8 =	sld [smem:$0x7E1];
	_ =	sdelay $0x1  }
0xc5: {  	s9 =	simm.s32 $0x1180  }
0xc6: {  	[tilespmem:s9], [sflag:$0x1] =	stream.linear.gather [spmem:s8], $0x80, $0x38;
	[tilespmem:$0xC900] =	vst v63  }
0xc7: {  	_ =	swait.ge [sflag:s1], $0x280  }
0xc8: {  	[sflag:s1] =	ssyncset.done $0x0  }
0xc9: {  	s9 =	simm.s32 $0x200;
	s8 =	rddreg [dreg:$0xb];
	[sflag:s1] =	ssyncadd.s32 $0xFFFFFD80  }
0xca: {  	[tilespmem:s9], [sflag:$0x1] =	stream.linear.gather [spmem:s8], $0x80, $0x38;
	[tilespmem:$0xC900] =	vst v63  }
0xcb: {  	s8 =	sld [smem:$0x7E2];
	_ =	sdelay $0x1  }
0xcc: {  	s9 =	simm.s32 $0x600  }
0xcd: {  	[tilespmem:s9], [sflag:$0x1] =	stream.linear.gather [spmem:s8], $0x80, $0x38;
	[tilespmem:$0xC900] =	vst v63  }
0xce: {  	s8 =	sld [smem:$0x7E3];
	_ =	sdelay $0x1  }
0xcf: {  	s9 =	simm.s32 $0xA00  }
0xd0: {  	[tilespmem:s9], [sflag:$0x1] =	stream.linear.gather [spmem:s8], $0x80, $0x38;
	[tilespmem:$0xC900] =	vst v63  }
0xd1: {  	s8 =	sld [smem:$0x7E4];
	_ =	sdelay $0x1  }
0xd2: {  	s9 =	simm.s32 $0xE00  }
0xd3: {  	[tilespmem:s9], [sflag:$0x1] =	stream.linear.gather [spmem:s8], $0x80, $0x38;
	[tilespmem:$0xC900] =	vst v63  }
0xd4: {  	s8 =	sld [smem:$0x7E5];
	_ =	sdelay $0x1  }
0xd5: {  	s9 =	simm.s32 $0x1200  }
0xd6: {  	[tilespmem:s9], [sflag:$0x1] =	stream.linear.gather [spmem:s8], $0x80, $0x38;
	[tilespmem:$0xC900] =	vst v63  }
0xd7: {  	_ =	swait.ge [sflag:s1], $0x280  }
0xd8: {  	[sflag:s1] =	ssyncset.done $0x0  }
0xd9: {  	s9 =	simm.s32 $0x280;
	s8 =	rddreg [dreg:$0xc];
	[sflag:s1] =	ssyncadd.s32 $0xFFFFFD80  }
0xda: {  	[tilespmem:s9], [sflag:$0x1] =	stream.linear.gather [spmem:s8], $0x80, $0x38;
	[tilespmem:$0xC900] =	vst v63  }
0xdb: {  	s8 =	sld [smem:$0x7E6];
	_ =	sdelay $0x1  }
0xdc: {  	s9 =	simm.s32 $0x680  }
0xdd: {  	[tilespmem:s9], [sflag:$0x1] =	stream.linear.gather [spmem:s8], $0x80, $0x38;
	[tilespmem:$0xC900] =	vst v63  }
0xde: {  	s8 =	sld [smem:$0x7E7];
	_ =	sdelay $0x1  }
0xdf: {  	s9 =	simm.s32 $0xA80  }
0xe0: {  	[tilespmem:s9], [sflag:$0x1] =	stream.linear.gather [spmem:s8], $0x80, $0x38;
	[tilespmem:$0xC900] =	vst v63  }
0xe1: {  	s8 =	sld [smem:$0x7E8];
	_ =	sdelay $0x1  }
0xe2: {  	s9 =	simm.s32 $0xE80  }
0xe3: {  	[tilespmem:s9], [sflag:$0x1] =	stream.linear.gather [spmem:s8], $0x80, $0x38;
	[tilespmem:$0xC900] =	vst v63  }
0xe4: {  	s8 =	sld [smem:$0x7E9];
	_ =	sdelay $0x1  }
0xe5: {  	s9 =	simm.s32 $0x1280  }
0xe6: {  	[tilespmem:s9], [sflag:$0x1] =	stream.linear.gather [spmem:s8], $0x80, $0x38;
	[tilespmem:$0xC900] =	vst v63  }
0xe7: {  	_ =	swait.ge [sflag:s1], $0x280  }
0xe8: {  	[sflag:s1] =	ssyncset.done $0x0  }
0xe9: {  	s9 =	simm.s32 $0x300;
	s8 =	rddreg [dreg:$0xd];
	[sflag:s1] =	ssyncadd.s32 $0xFFFFFD80  }
0xea: {  	[tilespmem:s9], [sflag:$0x1] =	stream.linear.gather [spmem:s8], $0x80, $0x38;
	[tilespmem:$0xC900] =	vst v63  }
0xeb: {  	s8 =	sld [smem:$0x7EA];
	_ =	sdelay $0x1  }
0xec: {  	s9 =	simm.s32 $0x700  }
0xed: {  	[tilespmem:s9], [sflag:$0x1] =	stream.linear.gather [spmem:s8], $0x80, $0x38;
	[tilespmem:$0xC900] =	vst v63  }
0xee: {  	s8 =	sld [smem:$0x7EB];
	_ =	sdelay $0x1  }
0xef: {  	s9 =	simm.s32 $0xB00  }
0xf0: {  	[tilespmem:s9], [sflag:$0x1] =	stream.linear.gather [spmem:s8], $0x80, $0x38;
	[tilespmem:$0xC900] =	vst v63  }
0xf1: {  	s8 =	sld [smem:$0x7EC];
	_ =	sdelay $0x1  }
0xf2: {  	s9 =	simm.s32 $0xF00  }
0xf3: {  	[tilespmem:s9], [sflag:$0x1] =	stream.linear.gather [spmem:s8], $0x80, $0x38;
	[tilespmem:$0xC900] =	vst v63  }
0xf4: {  	s8 =	sld [smem:$0x7ED];
	_ =	sdelay $0x1  }
0xf5: {  	s9 =	simm.s32 $0x1300  }
0xf6: {  	[tilespmem:s9], [sflag:$0x1] =	stream.linear.gather [spmem:s8], $0x80, $0x38;
	[tilespmem:$0xC900] =	vst v63  }
0xf7: {  	_ =	swait.ge [sflag:s1], $0x280  }
0xf8: {  	[sflag:s1] =	ssyncset.done $0x0  }
0xf9: {  	s9 =	simm.s32 $0x380;
	s8 =	rddreg [dreg:$0xe];
	[sflag:s1] =	ssyncadd.s32 $0xFFFFFD80  }
0xfa: {  	[tilespmem:s9], [sflag:$0x1] =	stream.linear.gather [spmem:s8], $0x80, $0x38;
	[tilespmem:$0xC900] =	vst v63  }
0xfb: {  	s8 =	sld [smem:$0x7EE];
	_ =	sdelay $0x1  }
0xfc: {  	s9 =	simm.s32 $0x780  }
0xfd: {  	[tilespmem:s9], [sflag:$0x1] =	stream.linear.gather [spmem:s8], $0x80, $0x38;
	[tilespmem:$0xC900] =	vst v63  }
0xfe: {  	s8 =	sld [smem:$0x7EF];
	_ =	sdelay $0x1  }
0xff: {  	s9 =	simm.s32 $0xB80  }
0x100: {  	[tilespmem:s9], [sflag:$0x1] =	stream.linear.gather [spmem:s8], $0x80, $0x38;
	[tilespmem:$0xC900] =	vst v63  }
0x101: {  	s8 =	sld [smem:$0x7F0];
	_ =	sdelay $0x1  }
0x102: {  	s9 =	simm.s32 $0xF80  }
0x103: {  	[tilespmem:s9], [sflag:$0x1] =	stream.linear.gather [spmem:s8], $0x80, $0x38;
	[tilespmem:$0xC900] =	vst v63  }
0x104: {  	s8 =	sld [smem:$0x7F1];
	_ =	sdelay $0x1  }
0x105: {  	s9 =	simm.s32 $0x1380  }
0x106: {  	[tilespmem:s9], [sflag:$0x1] =	stream.linear.gather [spmem:s8], $0x80, $0x38;
	[tilespmem:$0xC900] =	vst v63  }
0x107: {  	_ =	swait.ge [sflag:s1], $0x280  }
0x108: {  	[sflag:s1] =	ssyncset.done $0x0  }
0x109: {  	s9 =	simm.s32 $0x1400;
	s8 =	rddreg [dreg:$0xf];
	[sflag:s1] =	ssyncadd.s32 $0xFFFFFD80  }
0x10a: {  	[tilespmem:s9], [sflag:$0x1] =	stream.linear.gather [spmem:s8], $0x80, $0x38;
	[tilespmem:$0xC900] =	vst v63  }
0x10b: {  	s8 =	sld [smem:$0x7F2];
	_ =	sdelay $0x1  }
0x10c: {  	s9 =	simm.s32 $0x1800  }
0x10d: {  	[tilespmem:s9], [sflag:$0x1] =	stream.linear.gather [spmem:s8], $0x80, $0x38;
	[tilespmem:$0xC900] =	vst v63  }
0x10e: {  	s8 =	sld [smem:$0x7F3];
	_ =	sdelay $0x1  }
0x10f: {  	s9 =	simm.s32 $0x1C00  }
0x110: {  	[tilespmem:s9], [sflag:$0x1] =	stream.linear.gather [spmem:s8], $0x80, $0x38;
	[tilespmem:$0xC900] =	vst v63  }
0x111: {  	s8 =	sld [smem:$0x7F4];
	_ =	sdelay $0x1  }
0x112: {  	s9 =	simm.s32 $0x2000  }
0x113: {  	[tilespmem:s9], [sflag:$0x1] =	stream.linear.gather [spmem:s8], $0x80, $0x38;
	[tilespmem:$0xC900] =	vst v63  }
0x114: {  	s8 =	sld [smem:$0x7F5];
	_ =	sdelay $0x1  }
0x115: {  	s9 =	simm.s32 $0x2400  }
0x116: {  	[tilespmem:s9], [sflag:$0x1] =	stream.linear.gather [spmem:s8], $0x80, $0x38;
	[tilespmem:$0xC900] =	vst v63  }
0x117: {  	_ =	swait.ge [sflag:s1], $0x280  }
0x118: {  	[sflag:s1] =	ssyncset.done $0x0  }
0x119: {  	s9 =	simm.s32 $0x1480;
	s8 =	rddreg [dreg:$0x10];
	[sflag:s1] =	ssyncadd.s32 $0xFFFFFD80  }
0x11a: {  	[tilespmem:s9], [sflag:$0x1] =	stream.linear.gather [spmem:s8], $0x80, $0x38;
	[tilespmem:$0xC900] =	vst v63  }
0x11b: {  	s8 =	sld [smem:$0x7F6];
	_ =	sdelay $0x1  }
0x11c: {  	s9 =	simm.s32 $0x1880  }
0x11d: {  	[tilespmem:s9], [sflag:$0x1] =	stream.linear.gather [spmem:s8], $0x80, $0x38;
	[tilespmem:$0xC900] =	vst v63  }
0x11e: {  	s8 =	sld [smem:$0x7F7];
	_ =	sdelay $0x1  }
0x11f: {  	s9 =	simm.s32 $0x1C80  }
0x120: {  	[tilespmem:s9], [sflag:$0x1] =	stream.linear.gather [spmem:s8], $0x80, $0x38;
	[tilespmem:$0xC900] =	vst v63  }
0x121: {  	s8 =	sld [smem:$0x7F8];
	_ =	sdelay $0x1  }
0x122: {  	s9 =	simm.s32 $0x2080  }
0x123: {  	[tilespmem:s9], [sflag:$0x1] =	stream.linear.gather [spmem:s8], $0x80, $0x38;
	[tilespmem:$0xC900] =	vst v63  }
0x124: {  	s8 =	sld [smem:$0x7F9];
	_ =	sdelay $0x1  }
0x125: {  	s9 =	simm.s32 $0x2480  }
0x126: {  	[tilespmem:s9], [sflag:$0x1] =	stream.linear.gather [spmem:s8], $0x80, $0x38;
	[tilespmem:$0xC900] =	vst v63  }
0x127: {  	_ =	swait.ge [sflag:s1], $0x280  }
0x128: {  	[sflag:s1] =	ssyncset.done $0x0  }
0x129: {  	s9 =	simm.s32 $0x1500;
	s8 =	rddreg [dreg:$0x11];
	[sflag:s1] =	ssyncadd.s32 $0xFFFFFD80  }
0x12a: {  	[tilespmem:s9], [sflag:$0x1] =	stream.linear.gather [spmem:s8], $0x80, $0x38;
	[tilespmem:$0xC900] =	vst v63  }
0x12b: {  	s8 =	sld [smem:$0x7FA];
	_ =	sdelay $0x1  }
0x12c: {  	s9 =	simm.s32 $0x1900  }
0x12d: {  	[tilespmem:s9], [sflag:$0x1] =	stream.linear.gather [spmem:s8], $0x80, $0x38;
	[tilespmem:$0xC900] =	vst v63  }
0x12e: {  	s8 =	sld [smem:$0x7FB];
	_ =	sdelay $0x1  }
0x12f: {  	s9 =	simm.s32 $0x1D00  }
0x130: {  	[tilespmem:s9], [sflag:$0x1] =	stream.linear.gather [spmem:s8], $0x80, $0x38;
	[tilespmem:$0xC900] =	vst v63  }
0x131: {  	s8 =	sld [smem:$0x7FC];
	_ =	sdelay $0x1  }
0x132: {  	s9 =	simm.s32 $0x2100  }
0x133: {  	[tilespmem:s9], [sflag:$0x1] =	stream.linear.gather [spmem:s8], $0x80, $0x38;
	[tilespmem:$0xC900] =	vst v63  }
0x134: {  	s8 =	sld [smem:$0x7FD];
	_ =	sdelay $0x1  }
0x135: {  	s9 =	simm.s32 $0x2500  }
0x136: {  	[tilespmem:s9], [sflag:$0x1] =	stream.linear.gather [spmem:s8], $0x80, $0x38;
	[tilespmem:$0xC900] =	vst v63  }
0x137: {  	_ =	swait.ge [sflag:s1], $0x280  }
0x138: {  	[sflag:s1] =	ssyncset.done $0x0  }
0x139: {  	s8 =	simm.s32 $0x1580;
	s3 =	rddreg [dreg:$0x12];
	[sflag:s1] =	ssyncadd.s32 $0xFFFFFD80  }
0x13a: {  	[tilespmem:s8], [sflag:$0x1] =	stream.linear.gather [spmem:s3], $0x80, $0x38;
	[tilespmem:$0xC900] =	vst v63  }
0x13b: {  	s9 =	simm.s32 $0x1980  }
0x13c: {  	[tilespmem:s9], [sflag:$0x1] =	stream.linear.gather [spmem:s10], $0x80, $0x38;
	[tilespmem:$0xC900] =	vst v63  }
0x13d: {  	s3 =	simm.s32 $0x1D80  }
0x13e: {  	[tilespmem:s3], [sflag:$0x1] =	stream.linear.gather [spmem:s11], $0x80, $0x38;
	[tilespmem:$0xC900] =	vst v63  }
0x13f: {  	s8 =	simm.s32 $0x2180  }
0x140: {  	[tilespmem:s8], [sflag:$0x1] =	stream.linear.gather [spmem:s12], $0x80, $0x38;
	[tilespmem:$0xC900] =	vst v63  }
0x141: {  	s9 =	simm.s32 $0x2580  }
0x142: {  	[tilespmem:s9], [sflag:$0x1] =	stream.linear.gather [spmem:s13], $0x80, $0x38;
	[tilespmem:$0xC900] =	vst v63  }
0x143: {  	_ =	swait.ge [sflag:s1], $0x280  }
0x144: {  	[sflag:s1] =	ssyncset.done $0x0  }
0x145: {  	s8 =	simm.s32 $0x1600;
	s3 =	rddreg [dreg:$0x13];
	[sflag:s1] =	ssyncadd.s32 $0xFFFFFD80  }
0x146: {  	[tilespmem:s8], [sflag:$0x1] =	stream.linear.gather [spmem:s3], $0x80, $0x38;
	[tilespmem:$0xC900] =	vst v63  }
0x147: {  	s9 =	simm.s32 $0x1A00  }
0x148: {  	[tilespmem:s9], [sflag:$0x1] =	stream.linear.gather [spmem:s14], $0x80, $0x38;
	[tilespmem:$0xC900] =	vst v63  }
0x149: {  	s3 =	simm.s32 $0x1E00  }
0x14a: {  	[tilespmem:s3], [sflag:$0x1] =	stream.linear.gather [spmem:s15], $0x80, $0x38;
	[tilespmem:$0xC900] =	vst v63  }
0x14b: {  	s8 =	simm.s32 $0x2200  }
0x14c: {  	[tilespmem:s8], [sflag:$0x1] =	stream.linear.gather [spmem:s16], $0x80, $0x38;
	[tilespmem:$0xC900] =	vst v63  }
0x14d: {  	s9 =	simm.s32 $0x2600  }
0x14e: {  	[tilespmem:s9], [sflag:$0x1] =	stream.linear.gather [spmem:s17], $0x80, $0x38;
	[tilespmem:$0xC900] =	vst v63  }
0x14f: {  	_ =	swait.ge [sflag:s1], $0x280  }
0x150: {  	[sflag:s1] =	ssyncset.done $0x0  }
0x151: {  	s8 =	simm.s32 $0x1680;
	s3 =	rddreg [dreg:$0x14];
	[sflag:s1] =	ssyncadd.s32 $0xFFFFFD80  }
0x152: {  	[tilespmem:s8], [sflag:$0x1] =	stream.linear.gather [spmem:s3], $0x80, $0x38;
	[tilespmem:$0xC900] =	vst v63  }
0x153: {  	s9 =	simm.s32 $0x1A80  }
0x154: {  	[tilespmem:s9], [sflag:$0x1] =	stream.linear.gather [spmem:s18], $0x80, $0x38;
	[tilespmem:$0xC900] =	vst v63  }
0x155: {  	s3 =	simm.s32 $0x1E80  }
0x156: {  	[tilespmem:s3], [sflag:$0x1] =	stream.linear.gather [spmem:s19], $0x80, $0x38;
	[tilespmem:$0xC900] =	vst v63  }
0x157: {  	s8 =	simm.s32 $0x2280  }
0x158: {  	[tilespmem:s8], [sflag:$0x1] =	stream.linear.gather [spmem:s20], $0x80, $0x38;
	[tilespmem:$0xC900] =	vst v63  }
0x159: {  	s9 =	simm.s32 $0x2680  }
0x15a: {  	[tilespmem:s9], [sflag:$0x1] =	stream.linear.gather [spmem:s21], $0x80, $0x38;
	[tilespmem:$0xC900] =	vst v63  }
0x15b: {  	_ =	swait.ge [sflag:s1], $0x280  }
0x15c: {  	[sflag:s1] =	ssyncset.done $0x0  }
0x15d: {  	s8 =	simm.s32 $0x1700;
	s3 =	rddreg [dreg:$0x15];
	[sflag:s1] =	ssyncadd.s32 $0xFFFFFD80  }
0x15e: {  	[tilespmem:s8], [sflag:$0x1] =	stream.linear.gather [spmem:s3], $0x80, $0x38;
	[tilespmem:$0xC900] =	vst v63  }
0x15f: {  	s9 =	simm.s32 $0x1B00  }
0x160: {  	[tilespmem:s9], [sflag:$0x1] =	stream.linear.gather [spmem:s22], $0x80, $0x38;
	[tilespmem:$0xC900] =	vst v63  }
0x161: {  	s3 =	simm.s32 $0x1F00  }
0x162: {  	[tilespmem:s3], [sflag:$0x1] =	stream.linear.gather [spmem:s23], $0x80, $0x38;
	[tilespmem:$0xC900] =	vst v63  }
0x163: {  	s8 =	simm.s32 $0x2300  }
0x164: {  	[tilespmem:s8], [sflag:$0x1] =	stream.linear.gather [spmem:s25], $0x80, $0x38;
	[tilespmem:$0xC900] =	vst v63  }
0x165: {  	s9 =	simm.s32 $0x2700  }
0x166: {  	[tilespmem:s9], [sflag:$0x1] =	stream.linear.gather [spmem:s26], $0x80, $0x38;
	[tilespmem:$0xC900] =	vst v63  }
0x167: {  	_ =	swait.ge [sflag:s1], $0x280  }
0x168: {  	[sflag:s1] =	ssyncset.done $0x0  }
0x169: {  	s8 =	simm.s32 $0x1780;
	s3 =	rddreg [dreg:$0x16];
	[sflag:s1] =	ssyncadd.s32 $0xFFFFFD80  }
0x16a: {  	[tilespmem:s8], [sflag:$0x1] =	stream.linear.gather [spmem:s3], $0x80, $0x38;
	[tilespmem:$0xC900] =	vst v63  }
0x16b: {  	s9 =	simm.s32 $0x1B80  }
0x16c: {  	[tilespmem:s9], [sflag:$0x1] =	stream.linear.gather [spmem:s28], $0x80, $0x38;
	[tilespmem:$0xC900] =	vst v63  }
0x16d: {  	s3 =	simm.s32 $0x1F80  }
0x16e: {  	[tilespmem:s3], [sflag:$0x1] =	stream.linear.gather [spmem:s29], $0x80, $0x38;
	[tilespmem:$0xC900] =	vst v63  }
0x16f: {  	s8 =	simm.s32 $0x2380  }
0x170: {  	[tilespmem:s8], [sflag:$0x1] =	stream.linear.gather [spmem:s30], $0x80, $0x38;
	[tilespmem:$0xC900] =	vst v63  }
0x171: {  	s9 =	simm.s32 $0x2780  }
0x172: {  	[tilespmem:s9], [sflag:$0x1] =	stream.linear.gather [spmem:s31], $0x80, $0x38;
	[tilespmem:$0xC900] =	vst v63  }
0x173: {  	_ =	swait.ge [sflag:s1], $0x280  }
0x174: {  	s3 =	sand.u32 $0x70, s24;
	s8 =	sand.u32 $0x1C00, s24;
	[sflag:s1] =	ssyncset.done $0x0  }
0x175: {  	s2 =	sor.u32 s3, s8;
	[sflag:s1] =	ssyncadd.s32 $0xFFFFFD80  }
0x176: {  	v1 =	vld [tilespmem:s2+$0x0];
	_ =	sdelay $0x1  }
0x177: {  	v2 =	vld [tilespmem:s2+$0x80];
	_ =	sdelay $0x1  }
0x178: {  	v3 =	vld [tilespmem:s2+$0x100]  }
0x179: {  	v1 =	vadd.f32 $0.0e+00, v1  }
0x17a: {  	v4 =	vld [tilespmem:s2+$0x180]  }
0x17b: {  	v1 =	vadd.f32 v2, v1  }
0x17c: {  	v2 =	vld [tilespmem:s2+$0x200]  }
0x17d: {  	v1 =	vadd.f32 v3, v1  }
0x17e: {  	v3 =	vld [tilespmem:s2+$0x280]  }
0x17f: {  	v1 =	vadd.f32 v4, v1  }
0x180: {  	v60 =	vld [tilespmem:s2+$0x300]  }
0x181: {  	v1 =	vadd.f32 v2, v1  }
0x182: {  	v2 =	vld [tilespmem:s2+$0x380]  }
0x183: {  	v1 =	vadd.f32 v3, v1  }
0x184: {  	v3 =	vld [tilespmem:s2+$0x1400]  }
0x185: {  	v1 =	vadd.f32 v60, v1  }
0x186: {  	v61 =	vld [tilespmem:s2+$0x1480]  }
0x187: {  	v1 =	vadd.f32 v2, v1  }
0x188: {  	v2 =	vld [tilespmem:s2+$0x1500]  }
0x189: {  	v1 =	vadd.f32 v3, v1  }
0x18a: {  	v3 =	vld [tilespmem:s2+$0x1580]  }
0x18b: {  	v1 =	vadd.f32 v61, v1  }
0x18c: {  	v62 =	vld [tilespmem:s2+$0x1600]  }
0x18d: {  	v1 =	vadd.f32 v2, v1  }
0x18e: {  	v2 =	vld [tilespmem:s2+$0x1680]  }
0x18f: {  	v1 =	vadd.f32 v3, v1  }
0x190: {  	v3 =	vld [tilespmem:s2+$0x1700]  }
0x191: {  	v1 =	vadd.f32 v62, v1  }
0x192: {  	v63 =	vld [tilespmem:s2+$0x1780]  }
0x193: {  	v1 =	vadd.f32 v2, v1;
	_ =	sdelay $0x1  }
0x194: {  	v1 =	vadd.f32 v3, v1;
	_ =	sdelay $0x1  }
0x195: {  	s24 =	simm.s32 $0xC680;
	s9 =	simm.s32 $0x10;
	s2 =	simm.s32 $0x80;
	v1 =	vadd.f32 v63, v1  }
0x196: {  	s3 =	simm.s32 $0x20;
	s8 =	sand.u32 $0x70, s9;
	s9 =	sand.u32 $0x1C00, s2  }
.LBB2_10:
0x197: {  	p1 =	sne.s32 s3, $0x270;
	s8 =	sor.u32 s8, s9;
	[tilespmem:s24+$0x0] =	vst v1  }
0x198: {  	v1 =	vld [tilespmem:s8+$0x0];
	_ =	sdelay $0x1  }
0x199: {  	v2 =	vld [tilespmem:s8+$0x80];
	_ =	sdelay $0x1  }
0x19a: {  	v3 =	vld [tilespmem:s8+$0x100]  }
0x19b: {  	v1 =	vadd.f32 $0.0e+00, v1  }
0x19c: {  	v4 =	vld [tilespmem:s8+$0x180]  }
0x19d: {  	v1 =	vadd.f32 v2, v1  }
0x19e: {  	v2 =	vld [tilespmem:s8+$0x200]  }
0x19f: {  	v1 =	vadd.f32 v3, v1  }
0x1a0: {  	v3 =	vld [tilespmem:s8+$0x280]  }
0x1a1: {  	v1 =	vadd.f32 v4, v1  }
0x1a2: {  	v4 =	vld [tilespmem:s8+$0x300]  }
0x1a3: {  	v1 =	vadd.f32 v2, v1  }
0x1a4: {  	v2 =	vld [tilespmem:s8+$0x380]  }
0x1a5: {  	v1 =	vadd.f32 v3, v1  }
0x1a6: {  	v3 =	vld [tilespmem:s8+$0x1400]  }
0x1a7: {  	v1 =	vadd.f32 v4, v1  }
0x1a8: {  	v4 =	vld [tilespmem:s8+$0x1480]  }
0x1a9: {  	v1 =	vadd.f32 v2, v1  }
0x1aa: {  	v2 =	vld [tilespmem:s8+$0x1500]  }
0x1ab: {  	v1 =	vadd.f32 v3, v1  }
0x1ac: {  	v3 =	vld [tilespmem:s8+$0x1580]  }
0x1ad: {  	v1 =	vadd.f32 v4, v1  }
0x1ae: {  	v4 =	vld [tilespmem:s8+$0x1600]  }
0x1af: {  	v1 =	vadd.f32 v2, v1  }
0x1b0: {  	v2 =	vld [tilespmem:s8+$0x1680]  }
0x1b1: {  	v1 =	vadd.f32 v3, v1  }
0x1b2: {  	v3 =	vld [tilespmem:s8+$0x1700]  }
0x1b3: {  	v1 =	vadd.f32 v4, v1  }
0x1b4: {  	v4 =	vld [tilespmem:s8+$0x1780]  }
0x1b5: {  	v1 =	vadd.f32 v2, v1  }
.Ltmp4:
0x1b6: {  	(pc) =	sbr.rel @p1 .LBB2_10-.Ltmp4, $3  }
0x1b7: {  	v1 =	vadd.f32 v3, v1;
	_ =	sdelay $0x1  }
0x1b8: {  	s2 =	sadd.s32 $0x80, s2;
	s24 =	sadd.s32 $0x10, s24;
	v1 =	vadd.f32 v4, v1  }
0x1b9: {  	s9 =	sand.u32 $0x1C00, s2;
	s8 =	sand.u32 $0x70, s3;
	s3 =	sadd.s32 $0x10, s3  }
.Ltmp5:
0x1ba: {  	_ = 	snop;
	(pc) =	sbr.rel .LBB2_11-.Ltmp5, $1  }
0x1bb: {  	_ =	sdelay $0x3  }
.LBB2_2:
0x1bc: {  	s3 =	rddreg [dreg:$0x6];
	s8 =	simm.s32 $0x5000  }
0x1bd: {  	[tilespmem:s8], [sflag:$0x1] =	stream.linear.gather [hbm4b:s3+s2], $0x4E20, $0x38;
	[tilespmem:$0xC900] =	vst v63  }
0x1be: {  	_ =	swait.ge [sflag:s1], $0x4E20  }
0x1bf: {  	[sflag:s1] =	ssyncset.done $0x0  }
0x1c0: {  	s3 =	simm.s32 $0x0;
	s2 =	simm.s32 $0x40;
	[sflag:s1] =	ssyncadd.s32 $0xFFFFB1E0  }
.LBB2_3:
0x1c1: {  	p1 =	sne.s32 s2, $0x13840;
	v1 =	vld [tilespmem:s3+$0x5000];
	_ =	sdelay $0x3  }
.Ltmp6:
0x1c2: {  	(pc) =	sbr.rel @p1 .LBB2_3-.Ltmp6, $2  }
0x1c3: {  	_ =	sdelay $0x2  }
0x1c4: {  	s3 =	sshra.s32 s2, $0x2;
	s2 =	sadd.s32 $0x40, s2;
	[tilespmem:v1+s0+$0x0] =	vst.idx.add.f32.msk $0xffff, v0  }
0x1c5: {  	v1 =	vld [tilespmem:s3+$0x5000];
	_ =	sdelay $0x7  }
0x1c6: {  	s2 =	rddreg [dreg:$0x7];
	[tilespmem:v1+s0+$0x0] =	vst.idx.add.f32.msk $0xffff, v0  }
0x1c7: {  	[spmem:s2] =	stream.strided.scatter [tilespmem:s0], [sflag:$0x1], $0x2800, s5, s4, $0x38;
	[tilespmem:$0xC900] =	vst v63  }
0x1c8: {  	_ =	swait.ge [sflag:s1], $0x2800  }
0x1c9: {  	[sflag:s1] =	ssyncset.done $0x0  }
0x1ca: {  	[sflag:s1] =	ssyncadd.s32 $0xFFFFD800  }
0x1cb: {  	s24 =	simm.s32 $0x0;
	[bflag:$0x0] =	sbarrier.arrive $0xFFFF  }
0x1cc: {  	[tilespmem:s24], [sflag:$0x1] =	stream.linear.gather [spmem:s6], $0x80, $0x38;
	[tilespmem:$0xC900] =	vst v63  }
0x1cd: {  	s3 =	rddreg [dreg:$0x1a]  }
0x1ce: {  	[tilespmem:s5], [sflag:$0x1] =	stream.linear.gather [spmem:s3], $0x80, $0x38;
	[tilespmem:$0xC900] =	vst v63  }
0x1cf: {  	s9 =	simm.s32 $0x800;
	s8 =	rddreg [dreg:$0x1b]  }
0x1d0: {  	[tilespmem:s9], [sflag:$0x1] =	stream.linear.gather [spmem:s8], $0x80, $0x38;
	[tilespmem:$0xC900] =	vst v63  }
0x1d1: {  	s8 =	rddreg [dreg:$0x1c];
	s9 =	simm.s32 $0xC00  }
0x1d2: {  	[tilespmem:s9], [sflag:$0x1] =	stream.linear.gather [spmem:s8], $0x80, $0x38;
	[tilespmem:$0xC900] =	vst v63  }
0x1d3: {  	s8 =	rddreg [dreg:$0x1d];
	s9 =	simm.s32 $0x1000  }
0x1d4: {  	[tilespmem:s9], [sflag:$0x1] =	stream.linear.gather [spmem:s8], $0x80, $0x38;
	[tilespmem:$0xC900] =	vst v63  }
0x1d5: {  	_ =	swait.ge [sflag:s1], $0x280  }
0x1d6: {  	[sflag:s1] =	ssyncset.done $0x0  }
0x1d7: {  	s3 =	rddreg [dreg:$0x8];
	[sflag:s1] =	ssyncadd.s32 $0xFFFFFD80  }
0x1d8: {  	[tilespmem:s4], [sflag:$0x1] =	stream.linear.gather [spmem:s3], $0x80, $0x38;
	[tilespmem:$0xC900] =	vst v63  }
0x1d9: {  	s9 =	simm.s32 $0x480;
	s8 =	rddreg [dreg:$0x1e]  }
0x1da: {  	[tilespmem:s9], [sflag:$0x1] =	stream.linear.gather [spmem:s8], $0x80, $0x38;
	[tilespmem:$0xC900] =	vst v63  }
0x1db: {  	s8 =	rddreg [dreg:$0x1f];
	s9 =	simm.s32 $0x880  }
0x1dc: {  	[tilespmem:s9], [sflag:$0x1] =	stream.linear.gather [spmem:s8], $0x80, $0x38;
	[tilespmem:$0xC900] =	vst v63  }
0x1dd: {  	s8 =	sld [smem:$0x7D8];
	_ =	sdelay $0x1  }
0x1de: {  	s9 =	simm.s32 $0xC80  }
0x1df: {  	[tilespmem:s9], [sflag:$0x1] =	stream.linear.gather [spmem:s8], $0x80, $0x38;
	[tilespmem:$0xC900] =	vst v63  }
0x1e0: {  	s8 =	sld [smem:$0x7D9];
	_ =	sdelay $0x1  }
0x1e1: {  	s9 =	simm.s32 $0x1080  }
0x1e2: {  	[tilespmem:s9], [sflag:$0x1] =	stream.linear.gather [spmem:s8], $0x80, $0x38;
	[tilespmem:$0xC900] =	vst v63  }
0x1e3: {  	_ =	swait.ge [sflag:s1], $0x280  }
0x1e4: {  	[sflag:s1] =	ssyncset.done $0x0  }
0x1e5: {  	s9 =	simm.s32 $0x100;
	s8 =	rddreg [dreg:$0x9];
	[sflag:s1] =	ssyncadd.s32 $0xFFFFFD80  }
0x1e6: {  	[tilespmem:s9], [sflag:$0x1] =	stream.linear.gather [spmem:s8], $0x80, $0x38;
	[tilespmem:$0xC900] =	vst v63  }
0x1e7: {  	s8 =	sld [smem:$0x7DA];
	_ =	sdelay $0x1  }
0x1e8: {  	s9 =	simm.s32 $0x500  }
0x1e9: {  	[tilespmem:s9], [sflag:$0x1] =	stream.linear.gather [spmem:s8], $0x80, $0x38;
	[tilespmem:$0xC900] =	vst v63  }
0x1ea: {  	s8 =	sld [smem:$0x7DB];
	_ =	sdelay $0x1  }
0x1eb: {  	s9 =	simm.s32 $0x900  }
0x1ec: {  	[tilespmem:s9], [sflag:$0x1] =	stream.linear.gather [spmem:s8], $0x80, $0x38;
	[tilespmem:$0xC900] =	vst v63  }
0x1ed: {  	s8 =	sld [smem:$0x7DC];
	_ =	sdelay $0x1  }
0x1ee: {  	s9 =	simm.s32 $0xD00  }
0x1ef: {  	[tilespmem:s9], [sflag:$0x1] =	stream.linear.gather [spmem:s8], $0x80, $0x38;
	[tilespmem:$0xC900] =	vst v63  }
0x1f0: {  	s8 =	sld [smem:$0x7DD];
	_ =	sdelay $0x1  }
0x1f1: {  	s9 =	simm.s32 $0x1100  }
0x1f2: {  	[tilespmem:s9], [sflag:$0x1] =	stream.linear.gather [spmem:s8], $0x80, $0x38;
	[tilespmem:$0xC900] =	vst v63  }
0x1f3: {  	_ =	swait.ge [sflag:s1], $0x280  }
0x1f4: {  	[sflag:s1] =	ssyncset.done $0x0  }
0x1f5: {  	s9 =	simm.s32 $0x180;
	s8 =	rddreg [dreg:$0xa];
	[sflag:s1] =	ssyncadd.s32 $0xFFFFFD80  }
0x1f6: {  	[tilespmem:s9], [sflag:$0x1] =	stream.linear.gather [spmem:s8], $0x80, $0x38;
	[tilespmem:$0xC900] =	vst v63  }
0x1f7: {  	s8 =	sld [smem:$0x7DE];
	_ =	sdelay $0x1  }
0x1f8: {  	s9 =	simm.s32 $0x580  }
0x1f9: {  	[tilespmem:s9], [sflag:$0x1] =	stream.linear.gather [spmem:s8], $0x80, $0x38;
	[tilespmem:$0xC900] =	vst v63  }
0x1fa: {  	s8 =	sld [smem:$0x7DF];
	_ =	sdelay $0x1  }
0x1fb: {  	s9 =	simm.s32 $0x980  }
0x1fc: {  	[tilespmem:s9], [sflag:$0x1] =	stream.linear.gather [spmem:s8], $0x80, $0x38;
	[tilespmem:$0xC900] =	vst v63  }
0x1fd: {  	s8 =	sld [smem:$0x7E0];
	_ =	sdelay $0x1  }
0x1fe: {  	s9 =	simm.s32 $0xD80  }
0x1ff: {  	[tilespmem:s9], [sflag:$0x1] =	stream.linear.gather [spmem:s8], $0x80, $0x38;
	[tilespmem:$0xC900] =	vst v63  }
0x200: {  	s8 =	sld [smem:$0x7E1];
	_ =	sdelay $0x1  }
0x201: {  	s9 =	simm.s32 $0x1180  }
0x202: {  	[tilespmem:s9], [sflag:$0x1] =	stream.linear.gather [spmem:s8], $0x80, $0x38;
	[tilespmem:$0xC900] =	vst v63  }
0x203: {  	_ =	swait.ge [sflag:s1], $0x280  }
0x204: {  	[sflag:s1] =	ssyncset.done $0x0  }
0x205: {  	s9 =	simm.s32 $0x200;
	s8 =	rddreg [dreg:$0xb];
	[sflag:s1] =	ssyncadd.s32 $0xFFFFFD80  }
0x206: {  	[tilespmem:s9], [sflag:$0x1] =	stream.linear.gather [spmem:s8], $0x80, $0x38;
	[tilespmem:$0xC900] =	vst v63  }
0x207: {  	s8 =	sld [smem:$0x7E2];
	_ =	sdelay $0x1  }
0x208: {  	s9 =	simm.s32 $0x600  }
0x209: {  	[tilespmem:s9], [sflag:$0x1] =	stream.linear.gather [spmem:s8], $0x80, $0x38;
	[tilespmem:$0xC900] =	vst v63  }
0x20a: {  	s8 =	sld [smem:$0x7E3];
	_ =	sdelay $0x1  }
0x20b: {  	s9 =	simm.s32 $0xA00  }
0x20c: {  	[tilespmem:s9], [sflag:$0x1] =	stream.linear.gather [spmem:s8], $0x80, $0x38;
	[tilespmem:$0xC900] =	vst v63  }
0x20d: {  	s8 =	sld [smem:$0x7E4];
	_ =	sdelay $0x1  }
0x20e: {  	s9 =	simm.s32 $0xE00  }
0x20f: {  	[tilespmem:s9], [sflag:$0x1] =	stream.linear.gather [spmem:s8], $0x80, $0x38;
	[tilespmem:$0xC900] =	vst v63  }
0x210: {  	s8 =	sld [smem:$0x7E5];
	_ =	sdelay $0x1  }
0x211: {  	s9 =	simm.s32 $0x1200  }
0x212: {  	[tilespmem:s9], [sflag:$0x1] =	stream.linear.gather [spmem:s8], $0x80, $0x38;
	[tilespmem:$0xC900] =	vst v63  }
0x213: {  	_ =	swait.ge [sflag:s1], $0x280  }
0x214: {  	[sflag:s1] =	ssyncset.done $0x0  }
0x215: {  	s9 =	simm.s32 $0x280;
	s8 =	rddreg [dreg:$0xc];
	[sflag:s1] =	ssyncadd.s32 $0xFFFFFD80  }
0x216: {  	[tilespmem:s9], [sflag:$0x1] =	stream.linear.gather [spmem:s8], $0x80, $0x38;
	[tilespmem:$0xC900] =	vst v63  }
0x217: {  	s8 =	sld [smem:$0x7E6];
	_ =	sdelay $0x1  }
0x218: {  	s9 =	simm.s32 $0x680  }
0x219: {  	[tilespmem:s9], [sflag:$0x1] =	stream.linear.gather [spmem:s8], $0x80, $0x38;
	[tilespmem:$0xC900] =	vst v63  }
0x21a: {  	s8 =	sld [smem:$0x7E7];
	_ =	sdelay $0x1  }
0x21b: {  	s9 =	simm.s32 $0xA80  }
0x21c: {  	[tilespmem:s9], [sflag:$0x1] =	stream.linear.gather [spmem:s8], $0x80, $0x38;
	[tilespmem:$0xC900] =	vst v63  }
0x21d: {  	s8 =	sld [smem:$0x7E8];
	_ =	sdelay $0x1  }
0x21e: {  	s9 =	simm.s32 $0xE80  }
0x21f: {  	[tilespmem:s9], [sflag:$0x1] =	stream.linear.gather [spmem:s8], $0x80, $0x38;
	[tilespmem:$0xC900] =	vst v63  }
0x220: {  	s8 =	sld [smem:$0x7E9];
	_ =	sdelay $0x1  }
0x221: {  	s9 =	simm.s32 $0x1280  }
0x222: {  	[tilespmem:s9], [sflag:$0x1] =	stream.linear.gather [spmem:s8], $0x80, $0x38;
	[tilespmem:$0xC900] =	vst v63  }
0x223: {  	_ =	swait.ge [sflag:s1], $0x280  }
0x224: {  	[sflag:s1] =	ssyncset.done $0x0  }
0x225: {  	s9 =	simm.s32 $0x300;
	s8 =	rddreg [dreg:$0xd];
	[sflag:s1] =	ssyncadd.s32 $0xFFFFFD80  }
0x226: {  	[tilespmem:s9], [sflag:$0x1] =	stream.linear.gather [spmem:s8], $0x80, $0x38;
	[tilespmem:$0xC900] =	vst v63  }
0x227: {  	s8 =	sld [smem:$0x7EA];
	_ =	sdelay $0x1  }
0x228: {  	s9 =	simm.s32 $0x700  }
0x229: {  	[tilespmem:s9], [sflag:$0x1] =	stream.linear.gather [spmem:s8], $0x80, $0x38;
	[tilespmem:$0xC900] =	vst v63  }
0x22a: {  	s8 =	sld [smem:$0x7EB];
	_ =	sdelay $0x1  }
0x22b: {  	s9 =	simm.s32 $0xB00  }
0x22c: {  	[tilespmem:s9], [sflag:$0x1] =	stream.linear.gather [spmem:s8], $0x80, $0x38;
	[tilespmem:$0xC900] =	vst v63  }
0x22d: {  	s8 =	sld [smem:$0x7EC];
	_ =	sdelay $0x1  }
0x22e: {  	s9 =	simm.s32 $0xF00  }
0x22f: {  	[tilespmem:s9], [sflag:$0x1] =	stream.linear.gather [spmem:s8], $0x80, $0x38;
	[tilespmem:$0xC900] =	vst v63  }
0x230: {  	s8 =	sld [smem:$0x7ED];
	_ =	sdelay $0x1  }
0x231: {  	s9 =	simm.s32 $0x1300  }
0x232: {  	[tilespmem:s9], [sflag:$0x1] =	stream.linear.gather [spmem:s8], $0x80, $0x38;
	[tilespmem:$0xC900] =	vst v63  }
0x233: {  	_ =	swait.ge [sflag:s1], $0x280  }
0x234: {  	[sflag:s1] =	ssyncset.done $0x0  }
0x235: {  	s9 =	simm.s32 $0x380;
	s8 =	rddreg [dreg:$0xe];
	[sflag:s1] =	ssyncadd.s32 $0xFFFFFD80  }
0x236: {  	[tilespmem:s9], [sflag:$0x1] =	stream.linear.gather [spmem:s8], $0x80, $0x38;
	[tilespmem:$0xC900] =	vst v63  }
0x237: {  	s8 =	sld [smem:$0x7EE];
	_ =	sdelay $0x1  }
0x238: {  	s9 =	simm.s32 $0x780  }
0x239: {  	[tilespmem:s9], [sflag:$0x1] =	stream.linear.gather [spmem:s8], $0x80, $0x38;
	[tilespmem:$0xC900] =	vst v63  }
0x23a: {  	s8 =	sld [smem:$0x7EF];
	_ =	sdelay $0x1  }
0x23b: {  	s9 =	simm.s32 $0xB80  }
0x23c: {  	[tilespmem:s9], [sflag:$0x1] =	stream.linear.gather [spmem:s8], $0x80, $0x38;
	[tilespmem:$0xC900] =	vst v63  }
0x23d: {  	s8 =	sld [smem:$0x7F0];
	_ =	sdelay $0x1  }
0x23e: {  	s9 =	simm.s32 $0xF80  }
0x23f: {  	[tilespmem:s9], [sflag:$0x1] =	stream.linear.gather [spmem:s8], $0x80, $0x38;
	[tilespmem:$0xC900] =	vst v63  }
0x240: {  	s8 =	sld [smem:$0x7F1];
	_ =	sdelay $0x1  }
0x241: {  	s9 =	simm.s32 $0x1380  }
0x242: {  	[tilespmem:s9], [sflag:$0x1] =	stream.linear.gather [spmem:s8], $0x80, $0x38;
	[tilespmem:$0xC900] =	vst v63  }
0x243: {  	_ =	swait.ge [sflag:s1], $0x280  }
0x244: {  	[sflag:s1] =	ssyncset.done $0x0  }
0x245: {  	s9 =	simm.s32 $0x1400;
	s8 =	rddreg [dreg:$0xf];
	[sflag:s1] =	ssyncadd.s32 $0xFFFFFD80  }
0x246: {  	[tilespmem:s9], [sflag:$0x1] =	stream.linear.gather [spmem:s8], $0x80, $0x38;
	[tilespmem:$0xC900] =	vst v63  }
0x247: {  	s8 =	sld [smem:$0x7F2];
	_ =	sdelay $0x1  }
0x248: {  	s9 =	simm.s32 $0x1800  }
0x249: {  	[tilespmem:s9], [sflag:$0x1] =	stream.linear.gather [spmem:s8], $0x80, $0x38;
	[tilespmem:$0xC900] =	vst v63  }
0x24a: {  	s8 =	sld [smem:$0x7F3];
	_ =	sdelay $0x1  }
0x24b: {  	s9 =	simm.s32 $0x1C00  }
0x24c: {  	[tilespmem:s9], [sflag:$0x1] =	stream.linear.gather [spmem:s8], $0x80, $0x38;
	[tilespmem:$0xC900] =	vst v63  }
0x24d: {  	s8 =	sld [smem:$0x7F4];
	_ =	sdelay $0x1  }
0x24e: {  	s9 =	simm.s32 $0x2000  }
0x24f: {  	[tilespmem:s9], [sflag:$0x1] =	stream.linear.gather [spmem:s8], $0x80, $0x38;
	[tilespmem:$0xC900] =	vst v63  }
0x250: {  	s8 =	sld [smem:$0x7F5];
	_ =	sdelay $0x1  }
0x251: {  	s9 =	simm.s32 $0x2400  }
0x252: {  	[tilespmem:s9], [sflag:$0x1] =	stream.linear.gather [spmem:s8], $0x80, $0x38;
	[tilespmem:$0xC900] =	vst v63  }
0x253: {  	_ =	swait.ge [sflag:s1], $0x280  }
0x254: {  	[sflag:s1] =	ssyncset.done $0x0  }
0x255: {  	s9 =	simm.s32 $0x1480;
	s8 =	rddreg [dreg:$0x10];
	[sflag:s1] =	ssyncadd.s32 $0xFFFFFD80  }
0x256: {  	[tilespmem:s9], [sflag:$0x1] =	stream.linear.gather [spmem:s8], $0x80, $0x38;
	[tilespmem:$0xC900] =	vst v63  }
0x257: {  	s8 =	sld [smem:$0x7F6];
	_ =	sdelay $0x1  }
0x258: {  	s9 =	simm.s32 $0x1880  }
0x259: {  	[tilespmem:s9], [sflag:$0x1] =	stream.linear.gather [spmem:s8], $0x80, $0x38;
	[tilespmem:$0xC900] =	vst v63  }
0x25a: {  	s8 =	sld [smem:$0x7F7];
	_ =	sdelay $0x1  }
0x25b: {  	s9 =	simm.s32 $0x1C80  }
0x25c: {  	[tilespmem:s9], [sflag:$0x1] =	stream.linear.gather [spmem:s8], $0x80, $0x38;
	[tilespmem:$0xC900] =	vst v63  }
0x25d: {  	s8 =	sld [smem:$0x7F8];
	_ =	sdelay $0x1  }
0x25e: {  	s9 =	simm.s32 $0x2080  }
0x25f: {  	[tilespmem:s9], [sflag:$0x1] =	stream.linear.gather [spmem:s8], $0x80, $0x38;
	[tilespmem:$0xC900] =	vst v63  }
0x260: {  	s8 =	sld [smem:$0x7F9];
	_ =	sdelay $0x1  }
0x261: {  	s9 =	simm.s32 $0x2480  }
0x262: {  	[tilespmem:s9], [sflag:$0x1] =	stream.linear.gather [spmem:s8], $0x80, $0x38;
	[tilespmem:$0xC900] =	vst v63  }
0x263: {  	_ =	swait.ge [sflag:s1], $0x280  }
0x264: {  	[sflag:s1] =	ssyncset.done $0x0  }
0x265: {  	s9 =	simm.s32 $0x1500;
	s8 =	rddreg [dreg:$0x11];
	[sflag:s1] =	ssyncadd.s32 $0xFFFFFD80  }
0x266: {  	[tilespmem:s9], [sflag:$0x1] =	stream.linear.gather [spmem:s8], $0x80, $0x38;
	[tilespmem:$0xC900] =	vst v63  }
0x267: {  	s8 =	sld [smem:$0x7FA];
	_ =	sdelay $0x1  }
0x268: {  	s9 =	simm.s32 $0x1900  }
0x269: {  	[tilespmem:s9], [sflag:$0x1] =	stream.linear.gather [spmem:s8], $0x80, $0x38;
	[tilespmem:$0xC900] =	vst v63  }
0x26a: {  	s8 =	sld [smem:$0x7FB];
	_ =	sdelay $0x1  }
0x26b: {  	s9 =	simm.s32 $0x1D00  }
0x26c: {  	[tilespmem:s9], [sflag:$0x1] =	stream.linear.gather [spmem:s8], $0x80, $0x38;
	[tilespmem:$0xC900] =	vst v63  }
0x26d: {  	s8 =	sld [smem:$0x7FC];
	_ =	sdelay $0x1  }
0x26e: {  	s9 =	simm.s32 $0x2100  }
0x26f: {  	[tilespmem:s9], [sflag:$0x1] =	stream.linear.gather [spmem:s8], $0x80, $0x38;
	[tilespmem:$0xC900] =	vst v63  }
0x270: {  	s8 =	sld [smem:$0x7FD];
	_ =	sdelay $0x1  }
0x271: {  	s9 =	simm.s32 $0x2500  }
0x272: {  	[tilespmem:s9], [sflag:$0x1] =	stream.linear.gather [spmem:s8], $0x80, $0x38;
	[tilespmem:$0xC900] =	vst v63  }
0x273: {  	_ =	swait.ge [sflag:s1], $0x280  }
0x274: {  	[sflag:s1] =	ssyncset.done $0x0  }
0x275: {  	s8 =	simm.s32 $0x1580;
	s3 =	rddreg [dreg:$0x12];
	[sflag:s1] =	ssyncadd.s32 $0xFFFFFD80  }
0x276: {  	[tilespmem:s8], [sflag:$0x1] =	stream.linear.gather [spmem:s3], $0x80, $0x38;
	[tilespmem:$0xC900] =	vst v63  }
0x277: {  	s9 =	simm.s32 $0x1980  }
0x278: {  	[tilespmem:s9], [sflag:$0x1] =	stream.linear.gather [spmem:s10], $0x80, $0x38;
	[tilespmem:$0xC900] =	vst v63  }
0x279: {  	s3 =	simm.s32 $0x1D80  }
0x27a: {  	[tilespmem:s3], [sflag:$0x1] =	stream.linear.gather [spmem:s11], $0x80, $0x38;
	[tilespmem:$0xC900] =	vst v63  }
0x27b: {  	s8 =	simm.s32 $0x2180  }
0x27c: {  	[tilespmem:s8], [sflag:$0x1] =	stream.linear.gather [spmem:s12], $0x80, $0x38;
	[tilespmem:$0xC900] =	vst v63  }
0x27d: {  	s9 =	simm.s32 $0x2580  }
0x27e: {  	[tilespmem:s9], [sflag:$0x1] =	stream.linear.gather [spmem:s13], $0x80, $0x38;
	[tilespmem:$0xC900] =	vst v63  }
0x27f: {  	_ =	swait.ge [sflag:s1], $0x280  }
0x280: {  	[sflag:s1] =	ssyncset.done $0x0  }
0x281: {  	s8 =	simm.s32 $0x1600;
	s3 =	rddreg [dreg:$0x13];
	[sflag:s1] =	ssyncadd.s32 $0xFFFFFD80  }
0x282: {  	[tilespmem:s8], [sflag:$0x1] =	stream.linear.gather [spmem:s3], $0x80, $0x38;
	[tilespmem:$0xC900] =	vst v63  }
0x283: {  	s9 =	simm.s32 $0x1A00  }
0x284: {  	[tilespmem:s9], [sflag:$0x1] =	stream.linear.gather [spmem:s14], $0x80, $0x38;
	[tilespmem:$0xC900] =	vst v63  }
0x285: {  	s3 =	simm.s32 $0x1E00  }
0x286: {  	[tilespmem:s3], [sflag:$0x1] =	stream.linear.gather [spmem:s15], $0x80, $0x38;
	[tilespmem:$0xC900] =	vst v63  }
0x287: {  	s8 =	simm.s32 $0x2200  }
0x288: {  	[tilespmem:s8], [sflag:$0x1] =	stream.linear.gather [spmem:s16], $0x80, $0x38;
	[tilespmem:$0xC900] =	vst v63  }
0x289: {  	s9 =	simm.s32 $0x2600  }
0x28a: {  	[tilespmem:s9], [sflag:$0x1] =	stream.linear.gather [spmem:s17], $0x80, $0x38;
	[tilespmem:$0xC900] =	vst v63  }
0x28b: {  	_ =	swait.ge [sflag:s1], $0x280  }
0x28c: {  	[sflag:s1] =	ssyncset.done $0x0  }
0x28d: {  	s8 =	simm.s32 $0x1680;
	s3 =	rddreg [dreg:$0x14];
	[sflag:s1] =	ssyncadd.s32 $0xFFFFFD80  }
0x28e: {  	[tilespmem:s8], [sflag:$0x1] =	stream.linear.gather [spmem:s3], $0x80, $0x38;
	[tilespmem:$0xC900] =	vst v63  }
0x28f: {  	s9 =	simm.s32 $0x1A80  }
0x290: {  	[tilespmem:s9], [sflag:$0x1] =	stream.linear.gather [spmem:s18], $0x80, $0x38;
	[tilespmem:$0xC900] =	vst v63  }
0x291: {  	s3 =	simm.s32 $0x1E80  }
0x292: {  	[tilespmem:s3], [sflag:$0x1] =	stream.linear.gather [spmem:s19], $0x80, $0x38;
	[tilespmem:$0xC900] =	vst v63  }
0x293: {  	s8 =	simm.s32 $0x2280  }
0x294: {  	[tilespmem:s8], [sflag:$0x1] =	stream.linear.gather [spmem:s20], $0x80, $0x38;
	[tilespmem:$0xC900] =	vst v63  }
0x295: {  	s9 =	simm.s32 $0x2680  }
0x296: {  	[tilespmem:s9], [sflag:$0x1] =	stream.linear.gather [spmem:s21], $0x80, $0x38;
	[tilespmem:$0xC900] =	vst v63  }
0x297: {  	_ =	swait.ge [sflag:s1], $0x280  }
0x298: {  	[sflag:s1] =	ssyncset.done $0x0  }
0x299: {  	s8 =	simm.s32 $0x1700;
	s3 =	rddreg [dreg:$0x15];
	[sflag:s1] =	ssyncadd.s32 $0xFFFFFD80  }
0x29a: {  	[tilespmem:s8], [sflag:$0x1] =	stream.linear.gather [spmem:s3], $0x80, $0x38;
	[tilespmem:$0xC900] =	vst v63  }
0x29b: {  	s9 =	simm.s32 $0x1B00  }
0x29c: {  	[tilespmem:s9], [sflag:$0x1] =	stream.linear.gather [spmem:s22], $0x80, $0x38;
	[tilespmem:$0xC900] =	vst v63  }
0x29d: {  	s3 =	simm.s32 $0x1F00  }
0x29e: {  	[tilespmem:s3], [sflag:$0x1] =	stream.linear.gather [spmem:s23], $0x80, $0x38;
	[tilespmem:$0xC900] =	vst v63  }
0x29f: {  	s8 =	simm.s32 $0x2300  }
0x2a0: {  	[tilespmem:s8], [sflag:$0x1] =	stream.linear.gather [spmem:s25], $0x80, $0x38;
	[tilespmem:$0xC900] =	vst v63  }
0x2a1: {  	s9 =	simm.s32 $0x2700  }
0x2a2: {  	[tilespmem:s9], [sflag:$0x1] =	stream.linear.gather [spmem:s26], $0x80, $0x38;
	[tilespmem:$0xC900] =	vst v63  }
0x2a3: {  	_ =	swait.ge [sflag:s1], $0x280  }
0x2a4: {  	[sflag:s1] =	ssyncset.done $0x0  }
0x2a5: {  	s8 =	simm.s32 $0x1780;
	s3 =	rddreg [dreg:$0x16];
	[sflag:s1] =	ssyncadd.s32 $0xFFFFFD80  }
0x2a6: {  	[tilespmem:s8], [sflag:$0x1] =	stream.linear.gather [spmem:s3], $0x80, $0x38;
	[tilespmem:$0xC900] =	vst v63  }
0x2a7: {  	s9 =	simm.s32 $0x1B80  }
0x2a8: {  	[tilespmem:s9], [sflag:$0x1] =	stream.linear.gather [spmem:s28], $0x80, $0x38;
	[tilespmem:$0xC900] =	vst v63  }
0x2a9: {  	s3 =	simm.s32 $0x1F80  }
0x2aa: {  	[tilespmem:s3], [sflag:$0x1] =	stream.linear.gather [spmem:s29], $0x80, $0x38;
	[tilespmem:$0xC900] =	vst v63  }
0x2ab: {  	s8 =	simm.s32 $0x2380  }
0x2ac: {  	[tilespmem:s8], [sflag:$0x1] =	stream.linear.gather [spmem:s30], $0x80, $0x38;
	[tilespmem:$0xC900] =	vst v63  }
0x2ad: {  	s9 =	simm.s32 $0x2780  }
0x2ae: {  	[tilespmem:s9], [sflag:$0x1] =	stream.linear.gather [spmem:s31], $0x80, $0x38;
	[tilespmem:$0xC900] =	vst v63  }
0x2af: {  	_ =	swait.ge [sflag:s1], $0x280  }
0x2b0: {  	s3 =	sand.u32 $0x70, s24;
	s8 =	sand.u32 $0x1C00, s24;
	[sflag:s1] =	ssyncset.done $0x0  }
0x2b1: {  	s2 =	sor.u32 s3, s8;
	[sflag:s1] =	ssyncadd.s32 $0xFFFFFD80  }
0x2b2: {  	v1 =	vld [tilespmem:s2+$0x0];
	_ =	sdelay $0x1  }
0x2b3: {  	v2 =	vld [tilespmem:s2+$0x80];
	_ =	sdelay $0x1  }
0x2b4: {  	v3 =	vld [tilespmem:s2+$0x100]  }
0x2b5: {  	v1 =	vadd.f32 $0.0e+00, v1  }
0x2b6: {  	v4 =	vld [tilespmem:s2+$0x180]  }
0x2b7: {  	v1 =	vadd.f32 v2, v1  }
0x2b8: {  	v2 =	vld [tilespmem:s2+$0x200]  }
0x2b9: {  	v1 =	vadd.f32 v3, v1  }
0x2ba: {  	v3 =	vld [tilespmem:s2+$0x280]  }
0x2bb: {  	v1 =	vadd.f32 v4, v1  }
0x2bc: {  	v60 =	vld [tilespmem:s2+$0x300]  }
0x2bd: {  	v1 =	vadd.f32 v2, v1  }
0x2be: {  	v2 =	vld [tilespmem:s2+$0x380]  }
0x2bf: {  	v1 =	vadd.f32 v3, v1  }
0x2c0: {  	v3 =	vld [tilespmem:s2+$0x1400]  }
0x2c1: {  	v1 =	vadd.f32 v60, v1  }
0x2c2: {  	v61 =	vld [tilespmem:s2+$0x1480]  }
0x2c3: {  	v1 =	vadd.f32 v2, v1  }
0x2c4: {  	v2 =	vld [tilespmem:s2+$0x1500]  }
0x2c5: {  	v1 =	vadd.f32 v3, v1  }
0x2c6: {  	v3 =	vld [tilespmem:s2+$0x1580]  }
0x2c7: {  	v1 =	vadd.f32 v61, v1  }
0x2c8: {  	v62 =	vld [tilespmem:s2+$0x1600]  }
0x2c9: {  	v1 =	vadd.f32 v2, v1  }
0x2ca: {  	v2 =	vld [tilespmem:s2+$0x1680]  }
0x2cb: {  	v1 =	vadd.f32 v3, v1  }
0x2cc: {  	v3 =	vld [tilespmem:s2+$0x1700]  }
0x2cd: {  	v1 =	vadd.f32 v62, v1  }
0x2ce: {  	v63 =	vld [tilespmem:s2+$0x1780]  }
0x2cf: {  	v1 =	vadd.f32 v2, v1;
	_ =	sdelay $0x1  }
0x2d0: {  	v1 =	vadd.f32 v3, v1;
	_ =	sdelay $0x1  }
0x2d1: {  	s24 =	simm.s32 $0xC680;
	s9 =	simm.s32 $0x10;
	s2 =	simm.s32 $0x80;
	v1 =	vadd.f32 v63, v1  }
0x2d2: {  	s3 =	simm.s32 $0x20;
	s8 =	sand.u32 $0x70, s9;
	s9 =	sand.u32 $0x1C00, s2  }
.LBB2_5:
0x2d3: {  	p1 =	seq.s32 s3, $0x270;
	s8 =	sor.u32 s8, s9;
	[tilespmem:s24+$0x0] =	vst v1  }
0x2d4: {  	v1 =	vld [tilespmem:s8+$0x0];
	_ =	sdelay $0x1  }
0x2d5: {  	v2 =	vld [tilespmem:s8+$0x80];
	_ =	sdelay $0x1  }
0x2d6: {  	v3 =	vld [tilespmem:s8+$0x100]  }
0x2d7: {  	v1 =	vadd.f32 $0.0e+00, v1  }
0x2d8: {  	v4 =	vld [tilespmem:s8+$0x180]  }
0x2d9: {  	v1 =	vadd.f32 v2, v1  }
0x2da: {  	v2 =	vld [tilespmem:s8+$0x200]  }
0x2db: {  	v1 =	vadd.f32 v3, v1  }
0x2dc: {  	v3 =	vld [tilespmem:s8+$0x280]  }
0x2dd: {  	v1 =	vadd.f32 v4, v1  }
0x2de: {  	v4 =	vld [tilespmem:s8+$0x300]  }
0x2df: {  	v1 =	vadd.f32 v2, v1  }
0x2e0: {  	v2 =	vld [tilespmem:s8+$0x380]  }
0x2e1: {  	v1 =	vadd.f32 v3, v1  }
0x2e2: {  	v3 =	vld [tilespmem:s8+$0x1400]  }
0x2e3: {  	v1 =	vadd.f32 v4, v1  }
0x2e4: {  	v4 =	vld [tilespmem:s8+$0x1480]  }
0x2e5: {  	v1 =	vadd.f32 v2, v1  }
0x2e6: {  	v2 =	vld [tilespmem:s8+$0x1500]  }
0x2e7: {  	v1 =	vadd.f32 v3, v1  }
0x2e8: {  	v3 =	vld [tilespmem:s8+$0x1580]  }
0x2e9: {  	v1 =	vadd.f32 v4, v1  }
0x2ea: {  	v4 =	vld [tilespmem:s8+$0x1600]  }
0x2eb: {  	v1 =	vadd.f32 v2, v1  }
0x2ec: {  	v2 =	vld [tilespmem:s8+$0x1680]  }
0x2ed: {  	v1 =	vadd.f32 v3, v1  }
0x2ee: {  	v3 =	vld [tilespmem:s8+$0x1700]  }
0x2ef: {  	v1 =	vadd.f32 v4, v1  }
0x2f0: {  	v4 =	vld [tilespmem:s8+$0x1780]  }
0x2f1: {  	v1 =	vadd.f32 v2, v1  }
.Ltmp7:
0x2f2: {  	(pc) =	sbr.rel @!p1 .LBB2_5-.Ltmp7, $3  }
0x2f3: {  	v1 =	vadd.f32 v3, v1;
	_ =	sdelay $0x1  }
0x2f4: {  	s2 =	sadd.s32 $0x80, s2;
	s24 =	sadd.s32 $0x10, s24;
	v1 =	vadd.f32 v4, v1  }
0x2f5: {  	s9 =	sand.u32 $0x1C00, s2;
	s8 =	sand.u32 $0x70, s3;
	s3 =	sadd.s32 $0x10, s3  }
0x2f6: {  	s2 =	sor.u32 s8, s9;
	[tilespmem:s24+$0x0] =	vst v1  }
0x2f7: {  	v1 =	vld [tilespmem:s2+$0x0];
	_ =	sdelay $0x1  }
0x2f8: {  	v2 =	vld [tilespmem:s2+$0x80];
	_ =	sdelay $0x1  }
0x2f9: {  	v3 =	vld [tilespmem:s2+$0x100]  }
0x2fa: {  	v1 =	vadd.f32 $0.0e+00, v1  }
0x2fb: {  	v4 =	vld [tilespmem:s2+$0x180]  }
0x2fc: {  	v1 =	vadd.f32 v2, v1  }
0x2fd: {  	v2 =	vld [tilespmem:s2+$0x200]  }
0x2fe: {  	v1 =	vadd.f32 v3, v1  }
0x2ff: {  	v3 =	vld [tilespmem:s2+$0x280]  }
0x300: {  	v1 =	vadd.f32 v4, v1  }
0x301: {  	v60 =	vld [tilespmem:s2+$0x300]  }
0x302: {  	v1 =	vadd.f32 v2, v1  }
0x303: {  	v2 =	vld [tilespmem:s2+$0x380]  }
0x304: {  	v1 =	vadd.f32 v3, v1  }
0x305: {  	v3 =	vld [tilespmem:s2+$0x1400]  }
0x306: {  	v1 =	vadd.f32 v60, v1  }
0x307: {  	v61 =	vld [tilespmem:s2+$0x1480]  }
0x308: {  	v1 =	vadd.f32 v2, v1  }
0x309: {  	v2 =	vld [tilespmem:s2+$0x1500]  }
0x30a: {  	v1 =	vadd.f32 v3, v1  }
0x30b: {  	v3 =	vld [tilespmem:s2+$0x1580]  }
0x30c: {  	v1 =	vadd.f32 v61, v1  }
0x30d: {  	v62 =	vld [tilespmem:s2+$0x1600]  }
0x30e: {  	v1 =	vadd.f32 v2, v1  }
0x30f: {  	v2 =	vld [tilespmem:s2+$0x1680]  }
0x310: {  	v1 =	vadd.f32 v3, v1  }
0x311: {  	v3 =	vld [tilespmem:s2+$0x1700]  }
0x312: {  	v1 =	vadd.f32 v62, v1  }
0x313: {  	v63 =	vld [tilespmem:s2+$0x1780]  }
0x314: {  	v1 =	vadd.f32 v2, v1;
	_ =	sdelay $0x1  }
.Ltmp8:
0x315: {  	v1 =	vadd.f32 v3, v1;
	(pc) =	sbr.rel .LBB2_12-.Ltmp8, $4  }
0x316: {  	_ = 	snop  }
0x317: {  	v1 =	vadd.f32 v63, v1  }
0x318: {  	s24 =	sadd.s32 $0x10, s24  }
0x319: {  	s2 =	rddreg [dreg:$0x4];
	[tilespmem:s24+$0x0] =	vst v1  }
.LBB2_13:
0x31a: {  	_ =	sfence.sel $0x180000  }
0x31b: {  	[bflag:$0x0] =	sbarrier.arrive $0xFFFF  }
0x31c: {  	_ =	strace $0x90000047  }
0x31d: {  	s0 =	stileid.u32;
	[bflag:$0x2] =	sbarrier.arrive $0xFFFF  }
0x31e: {  	p0 =	sne.s32 s0, $0x0;
	s0 =	rddreg [dreg:$0x2]  }
0x31f: {  	s0 =	sadd.s32 @!p0 $0x100000, s0  }
0x320: {  	[sflag:s0] =	ssyncadd.tile.s32 @!p0 $0x1;
	_ =	shalt  }
.Lfunc_end2:
_tile_overlayer_lowered:
.L_overlay_start_2:
0x321: {  	(tag) =	ssettag $0x2  }
0x322: {  	s0 =	rddreg [dreg:$0x0];
	s2 =	stileid.u32  }
0x323: {  	s1 =	rddreg [dreg:$0x1];
	p0 =	sne.s32 s2, $0x0  }
0x324: {  	s3 =	rddreg [dreg:$0x2];
	[bflag:$0x3] =	sbarrier.arrive $0xFFFF;
	s2 =	simm.s32 @!p0 $0x1C01  }
0x325: {  	[timem:s3], [sflag:s2] =	dma.local @!p0 [hbm:s0], s1  }
0x326: {  	s0 =	simm.s32 @!p0 $0x1  }
0x327: {  	_ =	swait.ge @!p0 [sflag:s0], s1  }
0x328: {  	s1 =	ssub.s32 @!p0 $0x0, s1;
	[sflag:s0] =	ssyncset.done @!p0 $0x0  }
0x329: {  	[sflag:s0] =	ssyncadd.s32 @!p0 s1  }
0x32a: {  	[bflag:$0x3] =	sbarrier.arrive $0xFFFF  }
0x32b: {  	_ =	shalt  }

</sc_bundles>
